<compile_context>
chip_gen: v7x
topology: tpu7x:2x2x1
jax: 0.10.2.dev20260603
libtpu: 0.0.44.dev20260713+nightly
codegen_flags: <defaults>
</compile_context>

<pallas_src>
import functools

import jax
import jax.numpy as jnp
from jax import lax
from jax.experimental import pallas as pl
from jax.experimental.pallas import tpu as pltpu
from jax.experimental.pallas import tpu_sc as plsc

EPS = 1e-06

NC = 2
NS = 16
L = 16
NW = NC * NS
BLK = 128


@functools.lru_cache(maxsize=None)
def _build(B: int, T: int):
    nblk = B // BLK
    assert B % (NW * BLK) == 0
    bpw = nblk // NW
    cb = 16
    nchunk = bpw // cb
    assert nchunk % 2 == 0 and nchunk >= 4

    mesh = plsc.VectorSubcoreMesh(
        core_axis_name="c", subcore_axis_name="s", num_cores=NC, num_subcores=NS
    )

    buf = lambda shape, dt: pltpu.VMEM(shape, dt)

    @functools.partial(
        pl.kernel,
        out_type=(
            jax.ShapeDtypeStruct((nblk, 2, BLK), jnp.float32),
            jax.ShapeDtypeStruct((B,), jnp.float32),
        ),
        mesh=mesh,
        compiler_params=pltpu.CompilerParams(needs_layout_passes=False),
        scratch_types=[
            pltpu.VMEM((T * 9,), jnp.float32),
            buf((cb * BLK,), jnp.int32), buf((cb * BLK,), jnp.int32),
            buf((cb, 2, BLK), jnp.float32), buf((cb, 2, BLK), jnp.float32),
            buf((cb, 2, BLK), jnp.float32), buf((cb, 2, BLK), jnp.float32),
            buf((cb * BLK,), jnp.float32), buf((cb * BLK,), jnp.float32),
            pltpu.SemaphoreType.DMA, pltpu.SemaphoreType.DMA,
            pltpu.SemaphoreType.DMA, pltpu.SemaphoreType.DMA,
        ],
    )
    def homog(h_hbm, xy_hbm, t_hbm, oxy_hbm, ow_hbm, h_v,
              t_v0, t_v1, xy_v0, xy_v1, oxy_v0, oxy_v1, ow_v0, ow_v1,
              in_sem0, in_sem1, out_sem0, out_sem1):
        t_v = (t_v0, t_v1)
        xy_v = (xy_v0, xy_v1)
        oxy_v = (oxy_v0, oxy_v1)
        ow_v = (ow_v0, ow_v1)
        in_sem = (in_sem0, in_sem1)
        out_sem = (out_sem0, out_sem1)

        wid = lax.axis_index("s") * NC + lax.axis_index("c")
        base = wid * bpw

        def start_in(ci, p):
            cbase = base + ci * cb
            pltpu.async_copy(t_hbm.at[pl.ds(cbase * BLK, cb * BLK)], t_v[p], in_sem[p])
            pltpu.async_copy(xy_hbm.at[pl.ds(cbase, cb)], xy_v[p], in_sem[p])

        def wait_in(ci, p):
            cbase = base + ci * cb
            pltpu.make_async_copy(t_hbm.at[pl.ds(cbase * BLK, cb * BLK)], t_v[p], in_sem[p]).wait()
            pltpu.make_async_copy(xy_hbm.at[pl.ds(cbase, cb)], xy_v[p], in_sem[p]).wait()

        def start_out(ci, p):
            cbase = base + ci * cb
            pltpu.async_copy(oxy_v[p], oxy_hbm.at[pl.ds(cbase, cb)], out_sem[p])
            pltpu.async_copy(ow_v[p], ow_hbm.at[pl.ds(cbase * BLK, cb * BLK)], out_sem[p])

        def wait_out(ci, p):
            cbase = base + ci * cb
            pltpu.make_async_copy(oxy_v[p], oxy_hbm.at[pl.ds(cbase, cb)], out_sem[p]).wait()
            pltpu.make_async_copy(ow_v[p], ow_hbm.at[pl.ds(cbase * BLK, cb * BLK)], out_sem[p]).wait()

        h_plane = [h_v.at[pl.ds(k * T, T)] for k in range(9)]

        def compute(p):
            @plsc.parallel_loop(0, cb, step=1, unroll=1)
            def blk_body(b):
                for s in range(BLK // L):
                    x = xy_v[p][b, 0, pl.ds(s * L, L)]
                    y = xy_v[p][b, 1, pl.ds(s * L, L)]
                    tvec = t_v[p][pl.ds(b * BLK + s * L, L)]
                    h00 = plsc.load_gather(h_plane[0], [tvec])
                    h01 = plsc.load_gather(h_plane[1], [tvec])
                    h02 = plsc.load_gather(h_plane[2], [tvec])
                    h10 = plsc.load_gather(h_plane[3], [tvec])
                    h11 = plsc.load_gather(h_plane[4], [tvec])
                    h12 = plsc.load_gather(h_plane[5], [tvec])
                    h20 = plsc.load_gather(h_plane[6], [tvec])
                    h21 = plsc.load_gather(h_plane[7], [tvec])
                    h22 = plsc.load_gather(h_plane[8], [tvec])
                    o0 = x * h00 + y * h01 + h02
                    o1 = x * h10 + y * h11 + h12
                    w = x * h20 + y * h21 + h22
                    wb = plsc.bitcast(w, jnp.int32)
                    mag = plsc.bitcast(jnp.maximum(jnp.abs(w), EPS), jnp.int32)
                    db = (wb & jnp.int32(-2147483648)) | mag
                    den = jnp.where(w == 0.0, 0.0, plsc.bitcast(db, jnp.float32))
                    oxy_v[p][b, 0, pl.ds(s * L, L)] = o0 / den
                    oxy_v[p][b, 1, pl.ds(s * L, L)] = o1 / den
                    ow_v[p][pl.ds(b * BLK + s * L, L)] = w

        start_in(0, 0)
        pltpu.sync_copy(h_hbm, h_v)

        np_ = nchunk // 2

        def pair_body(i, carry):
            for p in (0, 1):
                ci = 2 * i + p
                nxt = ci + 1

                @pl.when(nxt < nchunk)
                def _():
                    start_in(nxt, 1 - p)

                wait_in(ci, p)

                @pl.when(ci >= 2)
                def _():
                    wait_out(ci - 2, p)

                compute(p)
                start_out(ci, p)
            return carry

        lax.fori_loop(0, np_, pair_body, 0)
        wait_out(nchunk - 2, 0)
        wait_out(nchunk - 1, 1)

    return homog


def kernel(xy, t, H):
    B = xy.shape[0]
    T = H.shape[0]
    homog = _build(B, T)
    h_planes = H.transpose(1, 2, 0).reshape(-1)
    xy_b = xy.reshape(B // BLK, BLK, 2).transpose(0, 2, 1)
    oxy, ow = homog(h_planes, xy_b, t)
    xy_t = oxy.transpose(0, 2, 1).reshape(B, 2)
    return xy_t, ow.reshape(B, 1)

# --- scband reference (transcript-rebuilt; emitter-appended) ---
"""Pipeline reference for scband-learnable-homography-71073118814305 (READ-ONLY COPY).

The authoritative reference and input builder live on the scoring server;
editing this copy changes nothing except your own understanding.
"""

import jax, jax.numpy as jnp
import numpy as np

T = 10000
B = 1048576
EPS = 1e-06

def setup_inputs(seed: int = 0) -> dict:
    key = jax.random.key(seed)
    k1, k2, k3 = jax.random.split(key, 3)
    xy = jax.random.normal(k1, (B, 2), dtype=jnp.float32)
    t = jax.random.randint(k2, (B,), 0, T, dtype=jnp.int32)
    # Learned parameter: per-timestep homography, initialized near identity
    H = jnp.eye(3, dtype=jnp.float32)[None, :, :] + 0.01 * jax.random.normal(k3, (T, 3, 3), dtype=jnp.float32)
    return {"xy": xy, "t": t, "H": H}

def reference(xy, t, H):
    # _get_Ht: clamp + index_select (embedding lookup of 3x3 matrices)
    tt = jnp.clip(t, 0, T - 1)
    Ht = jnp.take(H, tt, axis=0)  # (B, 3, 3)
    ones = jnp.ones((xy.shape[0], 1), dtype=xy.dtype)
    homo = jnp.concatenate([xy, ones], axis=-1)  # (B, 3)
    # bmm(homo.unsqueeze(1), Ht.transpose(1,2)).squeeze(1)
    out = jnp.einsum('bk,bjk->bj', homo, Ht)  # (B, 3)
    w = out[:, 2:3]
    den = jnp.sign(w) * jnp.clip(jnp.abs(w), EPS, None)
    xy_t = out[:, :2] / den
    return (xy_t, w)

if __name__ == "__main__":
    import jax
    _d = setup_inputs()
    print(jax.jit(kernel)(*tuple(_d.values())))

</pallas_src>

<mosaic_0001>
#map = affine_map<(d0, d1) -> (0)>
#map1 = affine_map<(d0, d1) -> (0, 0, 0)>
module attributes {stable_mosaic.version = 14 : i64} {
  func.func @homog(%arg0: i32, %arg1: i32, %arg2: memref<90000xf32, #tpu.memory_space<hbm>>, %arg3: memref<8192x2x128xf32, #tpu.memory_space<hbm>>, %arg4: memref<1048576xi32, #tpu.memory_space<hbm>>, %arg5: memref<8192x2x128xf32, #tpu.memory_space<hbm>>, %arg6: memref<1048576xf32, #tpu.memory_space<hbm>>, %arg7: memref<90000xf32, #tpu.memory_space<vmem>>, %arg8: memref<2048xi32, #tpu.memory_space<vmem>>, %arg9: memref<2048xi32, #tpu.memory_space<vmem>>, %arg10: memref<16x2x128xf32, #tpu.memory_space<vmem>>, %arg11: memref<16x2x128xf32, #tpu.memory_space<vmem>>, %arg12: memref<16x2x128xf32, #tpu.memory_space<vmem>>, %arg13: memref<16x2x128xf32, #tpu.memory_space<vmem>>, %arg14: memref<2048xf32, #tpu.memory_space<vmem>>, %arg15: memref<2048xf32, #tpu.memory_space<vmem>>, %arg16: memref<!tpu.dma_semaphore, #tpu.memory_space<semaphore_mem>>, %arg17: memref<!tpu.dma_semaphore, #tpu.memory_space<semaphore_mem>>, %arg18: memref<!tpu.dma_semaphore, #tpu.memory_space<semaphore_mem>>, %arg19: memref<!tpu.dma_semaphore, #tpu.memory_space<semaphore_mem>>) attributes {dimension_semantics = [#tpu.dimension_semantics<core_parallel>, #tpu.dimension_semantics<subcore_parallel>], iteration_bounds = array<i64: 2, 16>, scalar_prefetch = 0 : i64, scratch_operands = 13 : i64, tpu.core_type = #tpu.core_type<sc_vector_subcore>, window_params = [{transform_indices = #map}, {transform_indices = #map1}, {transform_indices = #map}, {transform_indices = #map1}, {transform_indices = #map}]} {
    %mul3A = arith.constant 2 : i32
    %mul3A_0 = arith.muli %arg1, %mul3A : i32
    %add3A = arith.addi %mul3A_0, %arg0 : i32
    %mul3A_1 = arith.constant 256 : i32
    %mul3A_2 = arith.muli %add3A, %mul3A_1 : i32
    %add3A_3 = arith.constant 0 : i32
    %add3A_4 = arith.addi %mul3A_2, %add3A_3 : i32
    %mul3A_5 = arith.constant 128 : i32
    %mul3A_6 = arith.muli %add3A_4, %mul3A_5 : i32
    %dma_start3A = tpu.memref_slice %arg4[%mul3A_6] : memref<1048576xi32, #tpu.memory_space<hbm>> -> memref<2048xi32, #tpu.memory_space<hbm>>
    %dma_start3A_7 = tpu.memref_slice %arg4[%mul3A_6] : memref<1048576xi32, #tpu.memory_space<hbm>> -> memref<2048xi32, #tpu.memory_space<hbm>>
    tpu.enqueue_dma source(%dma_start3A_7 : memref<2048xi32, #tpu.memory_space<hbm>>) target(%arg8 : memref<2048xi32, #tpu.memory_space<vmem>>) target_semaphore(%arg16 : memref<!tpu.dma_semaphore, #tpu.memory_space<semaphore_mem>>)
    %dma_start3A_8 = arith.constant 0 : i32
    %dma_start3A_9 = arith.constant 0 : i32
    %dma_start3A_10 = tpu.memref_slice %arg3[%add3A_4, %dma_start3A_8, %dma_start3A_9] : memref<8192x2x128xf32, #tpu.memory_space<hbm>> -> memref<16x2x128xf32, #tpu.memory_space<hbm>>
    %dma_start3A_11 = arith.constant 0 : i32
    %dma_start3A_12 = arith.constant 0 : i32
    %dma_start3A_13 = tpu.memref_slice %arg3[%add3A_4, %dma_start3A_11, %dma_start3A_12] : memref<8192x2x128xf32, #tpu.memory_space<hbm>> -> memref<16x2x128xf32, #tpu.memory_space<hbm>>
    tpu.enqueue_dma source(%dma_start3A_13 : memref<16x2x128xf32, #tpu.memory_space<hbm>>) target(%arg10 : memref<16x2x128xf32, #tpu.memory_space<vmem>>) target_semaphore(%arg16 : memref<!tpu.dma_semaphore, #tpu.memory_space<semaphore_mem>>)
    "tpu.region"() ({
      %run_scoped3A = tpu.sem_alloc : memref<!tpu.dma_semaphore, #tpu.memory_space<semaphore_mem>>
      tpu.enqueue_dma source(%arg2 : memref<90000xf32, #tpu.memory_space<hbm>>) target(%arg7 : memref<90000xf32, #tpu.memory_space<vmem>>) target_semaphore(%run_scoped3A : memref<!tpu.dma_semaphore, #tpu.memory_space<semaphore_mem>>)
      tpu.wait_dma2 semaphore(%run_scoped3A : memref<!tpu.dma_semaphore, #tpu.memory_space<semaphore_mem>>) src(%arg2 : memref<90000xf32, #tpu.memory_space<hbm>>) dst(%arg7 : memref<90000xf32, #tpu.memory_space<vmem>>)
      tpu.yield
    }) : () -> ()
    %scan3A = arith.constant 0 : i32
    %scan3A_14 = arith.constant 0 : i32
    %scan3A_15 = arith.constant 8 : i32
    %scan3A_16 = arith.addi %scan3A_14, %scan3A_15 : i32
    %scan3A_17 = arith.constant 1 : i32
    scf.for %scan3A_42 = %scan3A_14 to %scan3A_16 step %scan3A_17  : i32 {
      %mul3A_43 = arith.constant 2 : i32
      %mul3A_44 = arith.muli %mul3A_43, %scan3A_42 : i32
      %add3A_45 = arith.constant 0 : i32
      %add3A_46 = arith.addi %mul3A_44, %add3A_45 : i32
      %add3A_47 = arith.constant 1 : i32
      %add3A_48 = arith.addi %add3A_46, %add3A_47 : i32
      %lt3A = arith.constant 16 : i32
      %lt3A_49 = arith.cmpi slt, %add3A_48, %lt3A : i32
      %convert_element_type3A = arith.extui %lt3A_49 : i1 to i32
      %cond3A = arith.constant 0 : i32
      %cond3A_50 = arith.cmpi ne, %convert_element_type3A, %cond3A : i32
      scf.if %cond3A_50 {
        %mul3A_128 = arith.constant 16 : i32
        %mul3A_129 = arith.muli %add3A_48, %mul3A_128 : i32
        %add3A_130 = arith.addi %mul3A_2, %mul3A_129 : i32
        %mul3A_131 = arith.constant 128 : i32
        %mul3A_132 = arith.muli %add3A_130, %mul3A_131 : i32
        %dma_start3A_133 = tpu.memref_slice %arg4[%mul3A_132] : memref<1048576xi32, #tpu.memory_space<hbm>> -> memref<2048xi32, #tpu.memory_space<hbm>>
        %dma_start3A_134 = tpu.memref_slice %arg4[%mul3A_132] : memref<1048576xi32, #tpu.memory_space<hbm>> -> memref<2048xi32, #tpu.memory_space<hbm>>
        tpu.enqueue_dma source(%dma_start3A_134 : memref<2048xi32, #tpu.memory_space<hbm>>) target(%arg9 : memref<2048xi32, #tpu.memory_space<vmem>>) target_semaphore(%arg17 : memref<!tpu.dma_semaphore, #tpu.memory_space<semaphore_mem>>)
        %dma_start3A_135 = arith.constant 0 : i32
        %dma_start3A_136 = arith.constant 0 : i32
        %dma_start3A_137 = tpu.memref_slice %arg3[%add3A_130, %dma_start3A_135, %dma_start3A_136] : memref<8192x2x128xf32, #tpu.memory_space<hbm>> -> memref<16x2x128xf32, #tpu.memory_space<hbm>>
        %dma_start3A_138 = arith.constant 0 : i32
        %dma_start3A_139 = arith.constant 0 : i32
        %dma_start3A_140 = tpu.memref_slice %arg3[%add3A_130, %dma_start3A_138, %dma_start3A_139] : memref<8192x2x128xf32, #tpu.memory_space<hbm>> -> memref<16x2x128xf32, #tpu.memory_space<hbm>>
        tpu.enqueue_dma source(%dma_start3A_140 : memref<16x2x128xf32, #tpu.memory_space<hbm>>) target(%arg11 : memref<16x2x128xf32, #tpu.memory_space<vmem>>) target_semaphore(%arg17 : memref<!tpu.dma_semaphore, #tpu.memory_space<semaphore_mem>>)
      } else {
      }
      %mul3A_51 = arith.constant 16 : i32
      %mul3A_52 = arith.muli %add3A_46, %mul3A_51 : i32
      %add3A_53 = arith.addi %mul3A_2, %mul3A_52 : i32
      %mul3A_54 = arith.constant 128 : i32
      %mul3A_55 = arith.muli %add3A_53, %mul3A_54 : i32
      %dma_wait3A_56 = tpu.memref_slice %arg4[%mul3A_55] : memref<1048576xi32, #tpu.memory_space<hbm>> -> memref<2048xi32, #tpu.memory_space<hbm>>
      %dma_wait3A_57 = tpu.memref_slice %arg4[%mul3A_55] : memref<1048576xi32, #tpu.memory_space<hbm>> -> memref<2048xi32, #tpu.memory_space<hbm>>
      tpu.wait_dma2 semaphore(%arg16 : memref<!tpu.dma_semaphore, #tpu.memory_space<semaphore_mem>>) src(%dma_wait3A_57 : memref<2048xi32, #tpu.memory_space<hbm>>) dst(%arg8 : memref<2048xi32, #tpu.memory_space<vmem>>)
      %dma_wait3A_58 = arith.constant 0 : i32
      %dma_wait3A_59 = arith.constant 0 : i32
      %dma_wait3A_60 = tpu.memref_slice %arg3[%add3A_53, %dma_wait3A_58, %dma_wait3A_59] : memref<8192x2x128xf32, #tpu.memory_space<hbm>> -> memref<16x2x128xf32, #tpu.memory_space<hbm>>
      %dma_wait3A_61 = arith.constant 0 : i32
      %dma_wait3A_62 = arith.constant 0 : i32
      %dma_wait3A_63 = tpu.memref_slice %arg3[%add3A_53, %dma_wait3A_61, %dma_wait3A_62] : memref<8192x2x128xf32, #tpu.memory_space<hbm>> -> memref<16x2x128xf32, #tpu.memory_space<hbm>>
      tpu.wait_dma2 semaphore(%arg16 : memref<!tpu.dma_semaphore, #tpu.memory_space<semaphore_mem>>) src(%dma_wait3A_63 : memref<16x2x128xf32, #tpu.memory_space<hbm>>) dst(%arg10 : memref<16x2x128xf32, #tpu.memory_space<vmem>>)
      %ge3A = arith.constant 2 : i32
      %ge3A_64 = arith.cmpi sge, %add3A_46, %ge3A : i32
      %convert_element_type3A_65 = arith.extui %ge3A_64 : i1 to i32
      %cond3A_66 = arith.constant 0 : i32
      %cond3A_67 = arith.cmpi ne, %convert_element_type3A_65, %cond3A_66 : i32
      scf.if %cond3A_67 {
        %sub3A = arith.constant 2 : i32
        %sub3A_128 = arith.subi %add3A_46, %sub3A : i32
        %mul3A_129 = arith.constant 16 : i32
        %mul3A_130 = arith.muli %sub3A_128, %mul3A_129 : i32
        %add3A_131 = arith.addi %mul3A_2, %mul3A_130 : i32
        %dma_wait3A_132 = arith.constant 0 : i32
        %dma_wait3A_133 = arith.constant 0 : i32
        %dma_wait3A_134 = tpu.memref_slice %arg5[%add3A_131, %dma_wait3A_132, %dma_wait3A_133] : memref<8192x2x128xf32, #tpu.memory_space<hbm>> -> memref<16x2x128xf32, #tpu.memory_space<hbm>>
        %dma_wait3A_135 = arith.constant 0 : i32
        %dma_wait3A_136 = arith.constant 0 : i32
        %dma_wait3A_137 = tpu.memref_slice %arg5[%add3A_131, %dma_wait3A_135, %dma_wait3A_136] : memref<8192x2x128xf32, #tpu.memory_space<hbm>> -> memref<16x2x128xf32, #tpu.memory_space<hbm>>
        tpu.wait_dma2 semaphore(%arg18 : memref<!tpu.dma_semaphore, #tpu.memory_space<semaphore_mem>>) src(%arg12 : memref<16x2x128xf32, #tpu.memory_space<vmem>>) dst(%dma_wait3A_137 : memref<16x2x128xf32, #tpu.memory_space<hbm>>)
        %mul3A_138 = arith.constant 128 : i32
        %mul3A_139 = arith.muli %add3A_131, %mul3A_138 : i32
        %dma_wait3A_140 = tpu.memref_slice %arg6[%mul3A_139] : memref<1048576xf32, #tpu.memory_space<hbm>> -> memref<2048xf32, #tpu.memory_space<hbm>>
        %dma_wait3A_141 = tpu.memref_slice %arg6[%mul3A_139] : memref<1048576xf32, #tpu.memory_space<hbm>> -> memref<2048xf32, #tpu.memory_space<hbm>>
        tpu.wait_dma2 semaphore(%arg18 : memref<!tpu.dma_semaphore, #tpu.memory_space<semaphore_mem>>) src(%arg14 : memref<2048xf32, #tpu.memory_space<vmem>>) dst(%dma_wait3A_141 : memref<2048xf32, #tpu.memory_space<hbm>>)
      } else {
      }
      %parallel_loop3A = arith.constant 0 : i32
      %parallel_loop3A_68 = arith.constant 16 : i32
      %parallel_loop3A_69 = arith.constant 1 : i32
      scf.for %parallel_loop3A_128 = %parallel_loop3A to %parallel_loop3A_68 step %parallel_loop3A_69  : i32 {
        %parallel_loop3A_129 = arith.constant 0 : i32
        %parallel_loop3A_130 = arith.index_cast %parallel_loop3A_128 : i32 to index
        %parallel_loop3A_131 = arith.index_cast %parallel_loop3A_129 : i32 to index
        %parallel_loop3A_132 = arith.constant 0 : index
        %parallel_loop3A_133 = tpu.vector_load %arg10[%parallel_loop3A_130, %parallel_loop3A_131, %parallel_loop3A_132] {strides = array<i32>} : memref<16x2x128xf32, #tpu.memory_space<vmem>>, vector<16xf32>,
        %parallel_loop3A_134 = arith.constant 1 : i32
        %parallel_loop3A_135 = arith.index_cast %parallel_loop3A_128 : i32 to index
        %parallel_loop3A_136 = arith.index_cast %parallel_loop3A_134 : i32 to index
        %parallel_loop3A_137 = arith.constant 0 : index
        %parallel_loop3A_138 = tpu.vector_load %arg10[%parallel_loop3A_135, %parallel_loop3A_136, %parallel_loop3A_137] {strides = array<i32>} : memref<16x2x128xf32, #tpu.memory_space<vmem>>, vector<16xf32>,
        %parallel_loop3A_139 = arith.constant 128 : i32
        %parallel_loop3A_140 = arith.muli %parallel_loop3A_128, %parallel_loop3A_139 : i32
        %parallel_loop3A_141 = arith.constant 0 : i32
        %parallel_loop3A_142 = arith.addi %parallel_loop3A_140, %parallel_loop3A_141 : i32
        %parallel_loop3A_143 = arith.index_cast %parallel_loop3A_142 : i32 to index
        %parallel_loop3A_144 = tpu.vector_load %arg8[%parallel_loop3A_143] {strides = array<i32>} : memref<2048xi32, #tpu.memory_space<vmem>>, vector<16xi32>,
        %parallel_loop3A_145 = arith.constant 0 : i32
        %parallel_loop3A_146 = tpu.memref_slice %arg7[%parallel_loop3A_145] : memref<90000xf32, #tpu.memory_space<vmem>> -> memref<10000xf32, #tpu.memory_space<vmem>>
        %parallel_loop3A_147 = tpu.vector_load_idx %parallel_loop3A_146[%parallel_loop3A_144] : memref<10000xf32, #tpu.memory_space<vmem>>[vector<16xi32>], vector<16xf32>,
        %parallel_loop3A_148 = arith.constant 10000 : i32
        %parallel_loop3A_149 = tpu.memref_slice %arg7[%parallel_loop3A_148] : memref<90000xf32, #tpu.memory_space<vmem>> -> memref<10000xf32, #tpu.memory_space<vmem>>
        %parallel_loop3A_150 = tpu.vector_load_idx %parallel_loop3A_149[%parallel_loop3A_144] : memref<10000xf32, #tpu.memory_space<vmem>>[vector<16xi32>], vector<16xf32>,
        %parallel_loop3A_151 = arith.constant 20000 : i32
        %parallel_loop3A_152 = tpu.memref_slice %arg7[%parallel_loop3A_151] : memref<90000xf32, #tpu.memory_space<vmem>> -> memref<10000xf32, #tpu.memory_space<vmem>>
        %parallel_loop3A_153 = tpu.vector_load_idx %parallel_loop3A_152[%parallel_loop3A_144] : memref<10000xf32, #tpu.memory_space<vmem>>[vector<16xi32>], vector<16xf32>,
        %parallel_loop3A_154 = arith.constant 30000 : i32
        %parallel_loop3A_155 = tpu.memref_slice %arg7[%parallel_loop3A_154] : memref<90000xf32, #tpu.memory_space<vmem>> -> memref<10000xf32, #tpu.memory_space<vmem>>
        %parallel_loop3A_156 = tpu.vector_load_idx %parallel_loop3A_155[%parallel_loop3A_144] : memref<10000xf32, #tpu.memory_space<vmem>>[vector<16xi32>], vector<16xf32>,
        %parallel_loop3A_157 = arith.constant 40000 : i32
        %parallel_loop3A_158 = tpu.memref_slice %arg7[%parallel_loop3A_157] : memref<90000xf32, #tpu.memory_space<vmem>> -> memref<10000xf32, #tpu.memory_space<vmem>>
        %parallel_loop3A_159 = tpu.vector_load_idx %parallel_loop3A_158[%parallel_loop3A_144] : memref<10000xf32, #tpu.memory_space<vmem>>[vector<16xi32>], vector<16xf32>,
        %parallel_loop3A_160 = arith.constant 50000 : i32
        %parallel_loop3A_161 = tpu.memref_slice %arg7[%parallel_loop3A_160] : memref<90000xf32, #tpu.memory_space<vmem>> -> memref<10000xf32, #tpu.memory_space<vmem>>
        %parallel_loop3A_162 = tpu.vector_load_idx %parallel_loop3A_161[%parallel_loop3A_144] : memref<10000xf32, #tpu.memory_space<vmem>>[vector<16xi32>], vector<16xf32>,
        %parallel_loop3A_163 = arith.constant 60000 : i32
        %parallel_loop3A_164 = tpu.memref_slice %arg7[%parallel_loop3A_163] : memref<90000xf32, #tpu.memory_space<vmem>> -> memref<10000xf32, #tpu.memory_space<vmem>>
        %parallel_loop3A_165 = tpu.vector_load_idx %parallel_loop3A_164[%parallel_loop3A_144] : memref<10000xf32, #tpu.memory_space<vmem>>[vector<16xi32>], vector<16xf32>,
        %parallel_loop3A_166 = arith.constant 70000 : i32
        %parallel_loop3A_167 = tpu.memref_slice %arg7[%parallel_loop3A_166] : memref<90000xf32, #tpu.memory_space<vmem>> -> memref<10000xf32, #tpu.memory_space<vmem>>
        %parallel_loop3A_168 = tpu.vector_load_idx %parallel_loop3A_167[%parallel_loop3A_144] : memref<10000xf32, #tpu.memory_space<vmem>>[vector<16xi32>], vector<16xf32>,
        %parallel_loop3A_169 = arith.constant 80000 : i32
        %parallel_loop3A_170 = tpu.memref_slice %arg7[%parallel_loop3A_169] : memref<90000xf32, #tpu.memory_space<vmem>> -> memref<10000xf32, #tpu.memory_space<vmem>>
        %parallel_loop3A_171 = tpu.vector_load_idx %parallel_loop3A_170[%parallel_loop3A_144] : memref<10000xf32, #tpu.memory_space<vmem>>[vector<16xi32>], vector<16xf32>,
        %parallel_loop3A_172 = arith.mulf %parallel_loop3A_133, %parallel_loop3A_147 : vector<16xf32>
        %parallel_loop3A_173 = arith.mulf %parallel_loop3A_138, %parallel_loop3A_150 : vector<16xf32>
        %parallel_loop3A_174 = arith.addf %parallel_loop3A_172, %parallel_loop3A_173 : vector<16xf32>
        %parallel_loop3A_175 = arith.addf %parallel_loop3A_174, %parallel_loop3A_153 : vector<16xf32>
        %parallel_loop3A_176 = arith.mulf %parallel_loop3A_133, %parallel_loop3A_156 : vector<16xf32>
        %parallel_loop3A_177 = arith.mulf %parallel_loop3A_138, %parallel_loop3A_159 : vector<16xf32>
        %parallel_loop3A_178 = arith.addf %parallel_loop3A_176, %parallel_loop3A_177 : vector<16xf32>
        %parallel_loop3A_179 = arith.addf %parallel_loop3A_178, %parallel_loop3A_162 : vector<16xf32>
        %parallel_loop3A_180 = arith.mulf %parallel_loop3A_133, %parallel_loop3A_165 : vector<16xf32>
        %parallel_loop3A_181 = arith.mulf %parallel_loop3A_138, %parallel_loop3A_168 : vector<16xf32>
        %parallel_loop3A_182 = arith.addf %parallel_loop3A_180, %parallel_loop3A_181 : vector<16xf32>
        %parallel_loop3A_183 = arith.addf %parallel_loop3A_182, %parallel_loop3A_171 : vector<16xf32>
        %parallel_loop3A_184 = vector.bitcast %parallel_loop3A_183 : vector<16xf32> to vector<16xi32>
        %parallel_loop3A_185 = math.absf %parallel_loop3A_183 : vector<16xf32>
        %parallel_loop3A_186 = arith.constant 9.99999997E-7 : f32
        %parallel_loop3A_187 = vector.broadcast %parallel_loop3A_186 : f32 to vector<16xf32>
        %parallel_loop3A_188 = arith.maximumf %parallel_loop3A_185, %parallel_loop3A_187 : vector<16xf32>
        %parallel_loop3A_189 = vector.bitcast %parallel_loop3A_188 : vector<16xf32> to vector<16xi32>
        %parallel_loop3A_190 = arith.constant -2147483648 : i32
        %parallel_loop3A_191 = vector.broadcast %parallel_loop3A_190 : i32 to vector<16xi32>
        %parallel_loop3A_192 = arith.andi %parallel_loop3A_184, %parallel_loop3A_191 : vector<16xi32>
        %parallel_loop3A_193 = arith.ori %parallel_loop3A_192, %parallel_loop3A_189 : vector<16xi32>
        %parallel_loop3A_194 = arith.constant 0.000000e+00 : f32
        %parallel_loop3A_195 = vector.broadcast %parallel_loop3A_194 : f32 to vector<16xf32>
        %parallel_loop3A_196 = arith.cmpf oeq, %parallel_loop3A_183, %parallel_loop3A_195 : vector<16xf32>
        %parallel_loop3A_197 = vector.bitcast %parallel_loop3A_193 : vector<16xi32> to vector<16xf32>
        %parallel_loop3A_198 = arith.constant 0.000000e+00 : f32
        %parallel_loop3A_199 = vector.broadcast %parallel_loop3A_198 : f32 to vector<16xf32>
        %parallel_loop3A_200 = arith.select %parallel_loop3A_196, %parallel_loop3A_199, %parallel_loop3A_197 : vector<16xi1>, vector<16xf32>
        %parallel_loop3A_201 = arith.divf %parallel_loop3A_175, %parallel_loop3A_200 : vector<16xf32>
        %parallel_loop3A_202 = arith.constant 0 : i32
        %parallel_loop3A_203 = arith.index_cast %parallel_loop3A_128 : i32 to index
        %parallel_loop3A_204 = arith.index_cast %parallel_loop3A_202 : i32 to index
        %parallel_loop3A_205 = arith.constant 0 : index
        %parallel_loop3A_206 = tpu.vector_load %arg12[%parallel_loop3A_203, %parallel_loop3A_204, %parallel_loop3A_205] {strides = array<i32>} : memref<16x2x128xf32, #tpu.memory_space<vmem>>, vector<16xf32>,
        tpu.vector_store %arg12[%parallel_loop3A_203, %parallel_loop3A_204, %parallel_loop3A_205], %parallel_loop3A_201 {strides = array<i32>} : memref<16x2x128xf32, #tpu.memory_space<vmem>>, vector<16xf32>,
        %parallel_loop3A_207 = arith.divf %parallel_loop3A_179, %parallel_loop3A_200 : vector<16xf32>
        %parallel_loop3A_208 = arith.constant 1 : i32
        %parallel_loop3A_209 = arith.index_cast %parallel_loop3A_128 : i32 to index
        %parallel_loop3A_210 = arith.index_cast %parallel_loop3A_208 : i32 to index
        %parallel_loop3A_211 = arith.constant 0 : index
        %parallel_loop3A_212 = tpu.vector_load %arg12[%parallel_loop3A_209, %parallel_loop3A_210, %parallel_loop3A_211] {strides = array<i32>} : memref<16x2x128xf32, #tpu.memory_space<vmem>>, vector<16xf32>,
        tpu.vector_store %arg12[%parallel_loop3A_209, %parallel_loop3A_210, %parallel_loop3A_211], %parallel_loop3A_207 {strides = array<i32>} : memref<16x2x128xf32, #tpu.memory_space<vmem>>, vector<16xf32>,
        %parallel_loop3A_213 = arith.constant 128 : i32
        %parallel_loop3A_214 = arith.muli %parallel_loop3A_128, %parallel_loop3A_213 : i32
        %parallel_loop3A_215 = arith.constant 0 : i32
        %parallel_loop3A_216 = arith.addi %parallel_loop3A_214, %parallel_loop3A_215 : i32
        %parallel_loop3A_217 = arith.index_cast %parallel_loop3A_216 : i32 to index
        %parallel_loop3A_218 = tpu.vector_load %arg14[%parallel_loop3A_217] {strides = array<i32>} : memref<2048xf32, #tpu.memory_space<vmem>>, vector<16xf32>,
        tpu.vector_store %arg14[%parallel_loop3A_217], %parallel_loop3A_183 {strides = array<i32>} : memref<2048xf32, #tpu.memory_space<vmem>>, vector<16xf32>,
        %parallel_loop3A_219 = arith.constant 0 : i32
        %parallel_loop3A_220 = arith.index_cast %parallel_loop3A_128 : i32 to index
        %parallel_loop3A_221 = arith.index_cast %parallel_loop3A_219 : i32 to index
        %parallel_loop3A_222 = arith.constant 16 : index
        %parallel_loop3A_223 = tpu.vector_load %arg10[%parallel_loop3A_220, %parallel_loop3A_221, %parallel_loop3A_222] {strides = array<i32>} : memref<16x2x128xf32, #tpu.memory_space<vmem>>, vector<16xf32>,
        %parallel_loop3A_224 = arith.constant 1 : i32
        %parallel_loop3A_225 = arith.index_cast %parallel_loop3A_128 : i32 to index
        %parallel_loop3A_226 = arith.index_cast %parallel_loop3A_224 : i32 to index
        %parallel_loop3A_227 = arith.constant 16 : index
        %parallel_loop3A_228 = tpu.vector_load %arg10[%parallel_loop3A_225, %parallel_loop3A_226, %parallel_loop3A_227] {strides = array<i32>} : memref<16x2x128xf32, #tpu.memory_space<vmem>>, vector<16xf32>,
        %parallel_loop3A_229 = arith.constant 128 : i32
        %parallel_loop3A_230 = arith.muli %parallel_loop3A_128, %parallel_loop3A_229 : i32
        %parallel_loop3A_231 = arith.constant 16 : i32
        %parallel_loop3A_232 = arith.addi %parallel_loop3A_230, %parallel_loop3A_231 : i32
        %parallel_loop3A_233 = arith.index_cast %parallel_loop3A_232 : i32 to index
        %parallel_loop3A_234 = tpu.vector_load %arg8[%parallel_loop3A_233] {strides = array<i32>} : memref<2048xi32, #tpu.memory_space<vmem>>, vector<16xi32>,
        %parallel_loop3A_235 = arith.constant 0 : i32
        %parallel_loop3A_236 = tpu.memref_slice %arg7[%parallel_loop3A_235] : memref<90000xf32, #tpu.memory_space<vmem>> -> memref<10000xf32, #tpu.memory_space<vmem>>
        %parallel_loop3A_237 = tpu.vector_load_idx %parallel_loop3A_236[%parallel_loop3A_234] : memref<10000xf32, #tpu.memory_space<vmem>>[vector<16xi32>], vector<16xf32>,
        %parallel_loop3A_238 = arith.constant 10000 : i32
        %parallel_loop3A_239 = tpu.memref_slice %arg7[%parallel_loop3A_238] : memref<90000xf32, #tpu.memory_space<vmem>> -> memref<10000xf32, #tpu.memory_space<vmem>>
        %parallel_loop3A_240 = tpu.vector_load_idx %parallel_loop3A_239[%parallel_loop3A_234] : memref<10000xf32, #tpu.memory_space<vmem>>[vector<16xi32>], vector<16xf32>,
        %parallel_loop3A_241 = arith.constant 20000 : i32
        %parallel_loop3A_242 = tpu.memref_slice %arg7[%parallel_loop3A_241] : memref<90000xf32, #tpu.memory_space<vmem>> -> memref<10000xf32, #tpu.memory_space<vmem>>
        %parallel_loop3A_243 = tpu.vector_load_idx %parallel_loop3A_242[%parallel_loop3A_234] : memref<10000xf32, #tpu.memory_space<vmem>>[vector<16xi32>], vector<16xf32>,
        %parallel_loop3A_244 = arith.constant 30000 : i32
        %parallel_loop3A_245 = tpu.memref_slice %arg7[%parallel_loop3A_244] : memref<90000xf32, #tpu.memory_space<vmem>> -> memref<10000xf32, #tpu.memory_space<vmem>>
        %parallel_loop3A_246 = tpu.vector_load_idx %parallel_loop3A_245[%parallel_loop3A_234] : memref<10000xf32, #tpu.memory_space<vmem>>[vector<16xi32>], vector<16xf32>,
        %parallel_loop3A_247 = arith.constant 40000 : i32
        %parallel_loop3A_248 = tpu.memref_slice %arg7[%parallel_loop3A_247] : memref<90000xf32, #tpu.memory_space<vmem>> -> memref<10000xf32, #tpu.memory_space<vmem>>
        %parallel_loop3A_249 = tpu.vector_load_idx %parallel_loop3A_248[%parallel_loop3A_234] : memref<10000xf32, #tpu.memory_space<vmem>>[vector<16xi32>], vector<16xf32>,
        %parallel_loop3A_250 = arith.constant 50000 : i32
        %parallel_loop3A_251 = tpu.memref_slice %arg7[%parallel_loop3A_250] : memref<90000xf32, #tpu.memory_space<vmem>> -> memref<10000xf32, #tpu.memory_space<vmem>>
        %parallel_loop3A_252 = tpu.vector_load_idx %parallel_loop3A_251[%parallel_loop3A_234] : memref<10000xf32, #tpu.memory_space<vmem>>[vector<16xi32>], vector<16xf32>,
        %parallel_loop3A_253 = arith.constant 60000 : i32
        %parallel_loop3A_254 = tpu.memref_slice %arg7[%parallel_loop3A_253] : memref<90000xf32, #tpu.memory_space<vmem>> -> memref<10000xf32, #tpu.memory_space<vmem>>
        %parallel_loop3A_255 = tpu.vector_load_idx %parallel_loop3A_254[%parallel_loop3A_234] : memref<10000xf32, #tpu.memory_space<vmem>>[vector<16xi32>], vector<16xf32>,
        %parallel_loop3A_256 = arith.constant 70000 : i32
        %parallel_loop3A_257 = tpu.memref_slice %arg7[%parallel_loop3A_256] : memref<90000xf32, #tpu.memory_space<vmem>> -> memref<10000xf32, #tpu.memory_space<vmem>>
        %parallel_loop3A_258 = tpu.vector_load_idx %parallel_loop3A_257[%parallel_loop3A_234] : memref<10000xf32, #tpu.memory_space<vmem>>[vector<16xi32>], vector<16xf32>,
        %parallel_loop3A_259 = arith.constant 80000 : i32
        %parallel_loop3A_260 = tpu.memref_slice %arg7[%parallel_loop3A_259] : memref<90000xf32, #tpu.memory_space<vmem>> -> memref<10000xf32, #tpu.memory_space<vmem>>
        %parallel_loop3A_261 = tpu.vector_load_idx %parallel_loop3A_260[%parallel_loop3A_234] : memref<10000xf32, #tpu.memory_space<vmem>>[vector<16xi32>], vector<16xf32>,
        %parallel_loop3A_262 = arith.mulf %parallel_loop3A_223, %parallel_loop3A_237 : vector<16xf32>
        %parallel_loop3A_263 = arith.mulf %parallel_loop3A_228, %parallel_loop3A_240 : vector<16xf32>
        %parallel_loop3A_264 = arith.addf %parallel_loop3A_262, %parallel_loop3A_263 : vector<16xf32>
        %parallel_loop3A_265 = arith.addf %parallel_loop3A_264, %parallel_loop3A_243 : vector<16xf32>
        %parallel_loop3A_266 = arith.mulf %parallel_loop3A_223, %parallel_loop3A_246 : vector<16xf32>
        %parallel_loop3A_267 = arith.mulf %parallel_loop3A_228, %parallel_loop3A_249 : vector<16xf32>
        %parallel_loop3A_268 = arith.addf %parallel_loop3A_266, %parallel_loop3A_267 : vector<16xf32>
        %parallel_loop3A_269 = arith.addf %parallel_loop3A_268, %parallel_loop3A_252 : vector<16xf32>
        %parallel_loop3A_270 = arith.mulf %parallel_loop3A_223, %parallel_loop3A_255 : vector<16xf32>
        %parallel_loop3A_271 = arith.mulf %parallel_loop3A_228, %parallel_loop3A_258 : vector<16xf32>
        %parallel_loop3A_272 = arith.addf %parallel_loop3A_270, %parallel_loop3A_271 : vector<16xf32>
        %parallel_loop3A_273 = arith.addf %parallel_loop3A_272, %parallel_loop3A_261 : vector<16xf32>
        %parallel_loop3A_274 = vector.bitcast %parallel_loop3A_273 : vector<16xf32> to vector<16xi32>
        %parallel_loop3A_275 = math.absf %parallel_loop3A_273 : vector<16xf32>
        %parallel_loop3A_276 = arith.constant 9.99999997E-7 : f32
        %parallel_loop3A_277 = vector.broadcast %parallel_loop3A_276 : f32 to vector<16xf32>
        %parallel_loop3A_278 = arith.maximumf %parallel_loop3A_275, %parallel_loop3A_277 : vector<16xf32>
        %parallel_loop3A_279 = vector.bitcast %parallel_loop3A_278 : vector<16xf32> to vector<16xi32>
        %parallel_loop3A_280 = arith.constant -2147483648 : i32
        %parallel_loop3A_281 = vector.broadcast %parallel_loop3A_280 : i32 to vector<16xi32>
        %parallel_loop3A_282 = arith.andi %parallel_loop3A_274, %parallel_loop3A_281 : vector<16xi32>
        %parallel_loop3A_283 = arith.ori %parallel_loop3A_282, %parallel_loop3A_279 : vector<16xi32>
        %parallel_loop3A_284 = arith.constant 0.000000e+00 : f32
        %parallel_loop3A_285 = vector.broadcast %parallel_loop3A_284 : f32 to vector<16xf32>
        %parallel_loop3A_286 = arith.cmpf oeq, %parallel_loop3A_273, %parallel_loop3A_285 : vector<16xf32>
        %parallel_loop3A_287 = vector.bitcast %parallel_loop3A_283 : vector<16xi32> to vector<16xf32>
        %parallel_loop3A_288 = arith.constant 0.000000e+00 : f32
        %parallel_loop3A_289 = vector.broadcast %parallel_loop3A_288 : f32 to vector<16xf32>
        %parallel_loop3A_290 = arith.select %parallel_loop3A_286, %parallel_loop3A_289, %parallel_loop3A_287 : vector<16xi1>, vector<16xf32>
        %parallel_loop3A_291 = arith.divf %parallel_loop3A_265, %parallel_loop3A_290 : vector<16xf32>
        %parallel_loop3A_292 = arith.constant 0 : i32
        %parallel_loop3A_293 = arith.index_cast %parallel_loop3A_128 : i32 to index
        %parallel_loop3A_294 = arith.index_cast %parallel_loop3A_292 : i32 to index
        %parallel_loop3A_295 = arith.constant 16 : index
        %parallel_loop3A_296 = tpu.vector_load %arg12[%parallel_loop3A_293, %parallel_loop3A_294, %parallel_loop3A_295] {strides = array<i32>} : memref<16x2x128xf32, #tpu.memory_space<vmem>>, vector<16xf32>,
        tpu.vector_store %arg12[%parallel_loop3A_293, %parallel_loop3A_294, %parallel_loop3A_295], %parallel_loop3A_291 {strides = array<i32>} : memref<16x2x128xf32, #tpu.memory_space<vmem>>, vector<16xf32>,
        %parallel_loop3A_297 = arith.divf %parallel_loop3A_269, %parallel_loop3A_290 : vector<16xf32>
        %parallel_loop3A_298 = arith.constant 1 : i32
        %parallel_loop3A_299 = arith.index_cast %parallel_loop3A_128 : i32 to index
        %parallel_loop3A_300 = arith.index_cast %parallel_loop3A_298 : i32 to index
        %parallel_loop3A_301 = arith.constant 16 : index
        %parallel_loop3A_302 = tpu.vector_load %arg12[%parallel_loop3A_299, %parallel_loop3A_300, %parallel_loop3A_301] {strides = array<i32>} : memref<16x2x128xf32, #tpu.memory_space<vmem>>, vector<16xf32>,
        tpu.vector_store %arg12[%parallel_loop3A_299, %parallel_loop3A_300, %parallel_loop3A_301], %parallel_loop3A_297 {strides = array<i32>} : memref<16x2x128xf32, #tpu.memory_space<vmem>>, vector<16xf32>,
        %parallel_loop3A_303 = arith.constant 128 : i32
        %parallel_loop3A_304 = arith.muli %parallel_loop3A_128, %parallel_loop3A_303 : i32
        %parallel_loop3A_305 = arith.constant 16 : i32
        %parallel_loop3A_306 = arith.addi %parallel_loop3A_304, %parallel_loop3A_305 : i32
        %parallel_loop3A_307 = arith.index_cast %parallel_loop3A_306 : i32 to index
        %parallel_loop3A_308 = tpu.vector_load %arg14[%parallel_loop3A_307] {strides = array<i32>} : memref<2048xf32, #tpu.memory_space<vmem>>, vector<16xf32>,
        tpu.vector_store %arg14[%parallel_loop3A_307], %parallel_loop3A_273 {strides = array<i32>} : memref<2048xf32, #tpu.memory_space<vmem>>, vector<16xf32>,
        %parallel_loop3A_309 = arith.constant 0 : i32
        %parallel_loop3A_310 = arith.index_cast %parallel_loop3A_128 : i32 to index
        %parallel_loop3A_311 = arith.index_cast %parallel_loop3A_309 : i32 to index
        %parallel_loop3A_312 = arith.constant 32 : index
        %parallel_loop3A_313 = tpu.vector_load %arg10[%parallel_loop3A_310, %parallel_loop3A_311, %parallel_loop3A_312] {strides = array<i32>} : memref<16x2x128xf32, #tpu.memory_space<vmem>>, vector<16xf32>,
        %parallel_loop3A_314 = arith.constant 1 : i32
        %parallel_loop3A_315 = arith.index_cast %parallel_loop3A_128 : i32 to index
        %parallel_loop3A_316 = arith.index_cast %parallel_loop3A_314 : i32 to index
        %parallel_loop3A_317 = arith.constant 32 : index
        %parallel_loop3A_318 = tpu.vector_load %arg10[%parallel_loop3A_315, %parallel_loop3A_316, %parallel_loop3A_317] {strides = array<i32>} : memref<16x2x128xf32, #tpu.memory_space<vmem>>, vector<16xf32>,
        %parallel_loop3A_319 = arith.constant 128 : i32
        %parallel_loop3A_320 = arith.muli %parallel_loop3A_128, %parallel_loop3A_319 : i32
        %parallel_loop3A_321 = arith.constant 32 : i32
        %parallel_loop3A_322 = arith.addi %parallel_loop3A_320, %parallel_loop3A_321 : i32
        %parallel_loop3A_323 = arith.index_cast %parallel_loop3A_322 : i32 to index
        %parallel_loop3A_324 = tpu.vector_load %arg8[%parallel_loop3A_323] {strides = array<i32>} : memref<2048xi32, #tpu.memory_space<vmem>>, vector<16xi32>,
        %parallel_loop3A_325 = arith.constant 0 : i32
        %parallel_loop3A_326 = tpu.memref_slice %arg7[%parallel_loop3A_325] : memref<90000xf32, #tpu.memory_space<vmem>> -> memref<10000xf32, #tpu.memory_space<vmem>>
        %parallel_loop3A_327 = tpu.vector_load_idx %parallel_loop3A_326[%parallel_loop3A_324] : memref<10000xf32, #tpu.memory_space<vmem>>[vector<16xi32>], vector<16xf32>,
        %parallel_loop3A_328 = arith.constant 10000 : i32
        %parallel_loop3A_329 = tpu.memref_slice %arg7[%parallel_loop3A_328] : memref<90000xf32, #tpu.memory_space<vmem>> -> memref<10000xf32, #tpu.memory_space<vmem>>
        %parallel_loop3A_330 = tpu.vector_load_idx %parallel_loop3A_329[%parallel_loop3A_324] : memref<10000xf32, #tpu.memory_space<vmem>>[vector<16xi32>], vector<16xf32>,
        %parallel_loop3A_331 = arith.constant 20000 : i32
        %parallel_loop3A_332 = tpu.memref_slice %arg7[%parallel_loop3A_331] : memref<90000xf32, #tpu.memory_space<vmem>> -> memref<10000xf32, #tpu.memory_space<vmem>>
        %parallel_loop3A_333 = tpu.vector_load_idx %parallel_loop3A_332[%parallel_loop3A_324] : memref<10000xf32, #tpu.memory_space<vmem>>[vector<16xi32>], vector<16xf32>,
        %parallel_loop3A_334 = arith.constant 30000 : i32
        %parallel_loop3A_335 = tpu.memref_slice %arg7[%parallel_loop3A_334] : memref<90000xf32, #tpu.memory_space<vmem>> -> memref<10000xf32, #tpu.memory_space<vmem>>
        %parallel_loop3A_336 = tpu.vector_load_idx %parallel_loop3A_335[%parallel_loop3A_324] : memref<10000xf32, #tpu.memory_space<vmem>>[vector<16xi32>], vector<16xf32>,
        %parallel_loop3A_337 = arith.constant 40000 : i32
        %parallel_loop3A_338 = tpu.memref_slice %arg7[%parallel_loop3A_337] : memref<90000xf32, #tpu.memory_space<vmem>> -> memref<10000xf32, #tpu.memory_space<vmem>>
        %parallel_loop3A_339 = tpu.vector_load_idx %parallel_loop3A_338[%parallel_loop3A_324] : memref<10000xf32, #tpu.memory_space<vmem>>[vector<16xi32>], vector<16xf32>,
        %parallel_loop3A_340 = arith.constant 50000 : i32
        %parallel_loop3A_341 = tpu.memref_slice %arg7[%parallel_loop3A_340] : memref<90000xf32, #tpu.memory_space<vmem>> -> memref<10000xf32, #tpu.memory_space<vmem>>
        %parallel_loop3A_342 = tpu.vector_load_idx %parallel_loop3A_341[%parallel_loop3A_324] : memref<10000xf32, #tpu.memory_space<vmem>>[vector<16xi32>], vector<16xf32>,
        %parallel_loop3A_343 = arith.constant 60000 : i32
        %parallel_loop3A_344 = tpu.memref_slice %arg7[%parallel_loop3A_343] : memref<90000xf32, #tpu.memory_space<vmem>> -> memref<10000xf32, #tpu.memory_space<vmem>>
        %parallel_loop3A_345 = tpu.vector_load_idx %parallel_loop3A_344[%parallel_loop3A_324] : memref<10000xf32, #tpu.memory_space<vmem>>[vector<16xi32>], vector<16xf32>,
        %parallel_loop3A_346 = arith.constant 70000 : i32
        %parallel_loop3A_347 = tpu.memref_slice %arg7[%parallel_loop3A_346] : memref<90000xf32, #tpu.memory_space<vmem>> -> memref<10000xf32, #tpu.memory_space<vmem>>
        %parallel_loop3A_348 = tpu.vector_load_idx %parallel_loop3A_347[%parallel_loop3A_324] : memref<10000xf32, #tpu.memory_space<vmem>>[vector<16xi32>], vector<16xf32>,
        %parallel_loop3A_349 = arith.constant 80000 : i32
        %parallel_loop3A_350 = tpu.memref_slice %arg7[%parallel_loop3A_349] : memref<90000xf32, #tpu.memory_space<vmem>> -> memref<10000xf32, #tpu.memory_space<vmem>>
        %parallel_loop3A_351 = tpu.vector_load_idx %parallel_loop3A_350[%parallel_loop3A_324] : memref<10000xf32, #tpu.memory_space<vmem>>[vector<16xi32>], vector<16xf32>,
        %parallel_loop3A_352 = arith.mulf %parallel_loop3A_313, %parallel_loop3A_327 : vector<16xf32>
        %parallel_loop3A_353 = arith.mulf %parallel_loop3A_318, %parallel_loop3A_330 : vector<16xf32>
        %parallel_loop3A_354 = arith.addf %parallel_loop3A_352, %parallel_loop3A_353 : vector<16xf32>
        %parallel_loop3A_355 = arith.addf %parallel_loop3A_354, %parallel_loop3A_333 : vector<16xf32>
        %parallel_loop3A_356 = arith.mulf %parallel_loop3A_313, %parallel_loop3A_336 : vector<16xf32>
        %parallel_loop3A_357 = arith.mulf %parallel_loop3A_318, %parallel_loop3A_339 : vector<16xf32>
        %parallel_loop3A_358 = arith.addf %parallel_loop3A_356, %parallel_loop3A_357 : vector<16xf32>
        %parallel_loop3A_359 = arith.addf %parallel_loop3A_358, %parallel_loop3A_342 : vector<16xf32>
        %parallel_loop3A_360 = arith.mulf %parallel_loop3A_313, %parallel_loop3A_345 : vector<16xf32>
        %parallel_loop3A_361 = arith.mulf %parallel_loop3A_318, %parallel_loop3A_348 : vector<16xf32>
        %parallel_loop3A_362 = arith.addf %parallel_loop3A_360, %parallel_loop3A_361 : vector<16xf32>
        %parallel_loop3A_363 = arith.addf %parallel_loop3A_362, %parallel_loop3A_351 : vector<16xf32>
        %parallel_loop3A_364 = vector.bitcast %parallel_loop3A_363 : vector<16xf32> to vector<16xi32>
        %parallel_loop3A_365 = math.absf %parallel_loop3A_363 : vector<16xf32>
        %parallel_loop3A_366 = arith.constant 9.99999997E-7 : f32
        %parallel_loop3A_367 = vector.broadcast %parallel_loop3A_366 : f32 to vector<16xf32>
        %parallel_loop3A_368 = arith.maximumf %parallel_loop3A_365, %parallel_loop3A_367 : vector<16xf32>
        %parallel_loop3A_369 = vector.bitcast %parallel_loop3A_368 : vector<16xf32> to vector<16xi32>
        %parallel_loop3A_370 = arith.constant -2147483648 : i32
        %parallel_loop3A_371 = vector.broadcast %parallel_loop3A_370 : i32 to vector<16xi32>
        %parallel_loop3A_372 = arith.andi %parallel_loop3A_364, %parallel_loop3A_371 : vector<16xi32>
        %parallel_loop3A_373 = arith.ori %parallel_loop3A_372, %parallel_loop3A_369 : vector<16xi32>
        %parallel_loop3A_374 = arith.constant 0.000000e+00 : f32
        %parallel_loop3A_375 = vector.broadcast %parallel_loop3A_374 : f32 to vector<16xf32>
        %parallel_loop3A_376 = arith.cmpf oeq, %parallel_loop3A_363, %parallel_loop3A_375 : vector<16xf32>
        %parallel_loop3A_377 = vector.bitcast %parallel_loop3A_373 : vector<16xi32> to vector<16xf32>
        %parallel_loop3A_378 = arith.constant 0.000000e+00 : f32
        %parallel_loop3A_379 = vector.broadcast %parallel_loop3A_378 : f32 to vector<16xf32>
        %parallel_loop3A_380 = arith.select %parallel_loop3A_376, %parallel_loop3A_379, %parallel_loop3A_377 : vector<16xi1>, vector<16xf32>
        %parallel_loop3A_381 = arith.divf %parallel_loop3A_355, %parallel_loop3A_380 : vector<16xf32>
        %parallel_loop3A_382 = arith.constant 0 : i32
        %parallel_loop3A_383 = arith.index_cast %parallel_loop3A_128 : i32 to index
        %parallel_loop3A_384 = arith.index_cast %parallel_loop3A_382 : i32 to index
        %parallel_loop3A_385 = arith.constant 32 : index
        %parallel_loop3A_386 = tpu.vector_load %arg12[%parallel_loop3A_383, %parallel_loop3A_384, %parallel_loop3A_385] {strides = array<i32>} : memref<16x2x128xf32, #tpu.memory_space<vmem>>, vector<16xf32>,
        tpu.vector_store %arg12[%parallel_loop3A_383, %parallel_loop3A_384, %parallel_loop3A_385], %parallel_loop3A_381 {strides = array<i32>} : memref<16x2x128xf32, #tpu.memory_space<vmem>>, vector<16xf32>,
        %parallel_loop3A_387 = arith.divf %parallel_loop3A_359, %parallel_loop3A_380 : vector<16xf32>
        %parallel_loop3A_388 = arith.constant 1 : i32
        %parallel_loop3A_389 = arith.index_cast %parallel_loop3A_128 : i32 to index
        %parallel_loop3A_390 = arith.index_cast %parallel_loop3A_388 : i32 to index
        %parallel_loop3A_391 = arith.constant 32 : index
        %parallel_loop3A_392 = tpu.vector_load %arg12[%parallel_loop3A_389, %parallel_loop3A_390, %parallel_loop3A_391] {strides = array<i32>} : memref<16x2x128xf32, #tpu.memory_space<vmem>>, vector<16xf32>,
        tpu.vector_store %arg12[%parallel_loop3A_389, %parallel_loop3A_390, %parallel_loop3A_391], %parallel_loop3A_387 {strides = array<i32>} : memref<16x2x128xf32, #tpu.memory_space<vmem>>, vector<16xf32>,
        %parallel_loop3A_393 = arith.constant 128 : i32
        %parallel_loop3A_394 = arith.muli %parallel_loop3A_128, %parallel_loop3A_393 : i32
        %parallel_loop3A_395 = arith.constant 32 : i32
        %parallel_loop3A_396 = arith.addi %parallel_loop3A_394, %parallel_loop3A_395 : i32
        %parallel_loop3A_397 = arith.index_cast %parallel_loop3A_396 : i32 to index
        %parallel_loop3A_398 = tpu.vector_load %arg14[%parallel_loop3A_397] {strides = array<i32>} : memref<2048xf32, #tpu.memory_space<vmem>>, vector<16xf32>,
        tpu.vector_store %arg14[%parallel_loop3A_397], %parallel_loop3A_363 {strides = array<i32>} : memref<2048xf32, #tpu.memory_space<vmem>>, vector<16xf32>,
        %parallel_loop3A_399 = arith.constant 0 : i32
        %parallel_loop3A_400 = arith.index_cast %parallel_loop3A_128 : i32 to index
        %parallel_loop3A_401 = arith.index_cast %parallel_loop3A_399 : i32 to index
        %parallel_loop3A_402 = arith.constant 48 : index
        %parallel_loop3A_403 = tpu.vector_load %arg10[%parallel_loop3A_400, %parallel_loop3A_401, %parallel_loop3A_402] {strides = array<i32>} : memref<16x2x128xf32, #tpu.memory_space<vmem>>, vector<16xf32>,
        %parallel_loop3A_404 = arith.constant 1 : i32
        %parallel_loop3A_405 = arith.index_cast %parallel_loop3A_128 : i32 to index
        %parallel_loop3A_406 = arith.index_cast %parallel_loop3A_404 : i32 to index
        %parallel_loop3A_407 = arith.constant 48 : index
        %parallel_loop3A_408 = tpu.vector_load %arg10[%parallel_loop3A_405, %parallel_loop3A_406, %parallel_loop3A_407] {strides = array<i32>} : memref<16x2x128xf32, #tpu.memory_space<vmem>>, vector<16xf32>,
        %parallel_loop3A_409 = arith.constant 128 : i32
        %parallel_loop3A_410 = arith.muli %parallel_loop3A_128, %parallel_loop3A_409 : i32
        %parallel_loop3A_411 = arith.constant 48 : i32
        %parallel_loop3A_412 = arith.addi %parallel_loop3A_410, %parallel_loop3A_411 : i32
        %parallel_loop3A_413 = arith.index_cast %parallel_loop3A_412 : i32 to index
        %parallel_loop3A_414 = tpu.vector_load %arg8[%parallel_loop3A_413] {strides = array<i32>} : memref<2048xi32, #tpu.memory_space<vmem>>, vector<16xi32>,
        %parallel_loop3A_415 = arith.constant 0 : i32
        %parallel_loop3A_416 = tpu.memref_slice %arg7[%parallel_loop3A_415] : memref<90000xf32, #tpu.memory_space<vmem>> -> memref<10000xf32, #tpu.memory_space<vmem>>
        %parallel_loop3A_417 = tpu.vector_load_idx %parallel_loop3A_416[%parallel_loop3A_414] : memref<10000xf32, #tpu.memory_space<vmem>>[vector<16xi32>], vector<16xf32>,
        %parallel_loop3A_418 = arith.constant 10000 : i32
        %parallel_loop3A_419 = tpu.memref_slice %arg7[%parallel_loop3A_418] : memref<90000xf32, #tpu.memory_space<vmem>> -> memref<10000xf32, #tpu.memory_space<vmem>>
        %parallel_loop3A_420 = tpu.vector_load_idx %parallel_loop3A_419[%parallel_loop3A_414] : memref<10000xf32, #tpu.memory_space<vmem>>[vector<16xi32>], vector<16xf32>,
        %parallel_loop3A_421 = arith.constant 20000 : i32
        %parallel_loop3A_422 = tpu.memref_slice %arg7[%parallel_loop3A_421] : memref<90000xf32, #tpu.memory_space<vmem>> -> memref<10000xf32, #tpu.memory_space<vmem>>
        %parallel_loop3A_423 = tpu.vector_load_idx %parallel_loop3A_422[%parallel_loop3A_414] : memref<10000xf32, #tpu.memory_space<vmem>>[vector<16xi32>], vector<16xf32>,
        %parallel_loop3A_424 = arith.constant 30000 : i32
        %parallel_loop3A_425 = tpu.memref_slice %arg7[%parallel_loop3A_424] : memref<90000xf32, #tpu.memory_space<vmem>> -> memref<10000xf32, #tpu.memory_space<vmem>>
        %parallel_loop3A_426 = tpu.vector_load_idx %parallel_loop3A_425[%parallel_loop3A_414] : memref<10000xf32, #tpu.memory_space<vmem>>[vector<16xi32>], vector<16xf32>,
        %parallel_loop3A_427 = arith.constant 40000 : i32
        %parallel_loop3A_428 = tpu.memref_slice %arg7[%parallel_loop3A_427] : memref<90000xf32, #tpu.memory_space<vmem>> -> memref<10000xf32, #tpu.memory_space<vmem>>
        %parallel_loop3A_429 = tpu.vector_load_idx %parallel_loop3A_428[%parallel_loop3A_414] : memref<10000xf32, #tpu.memory_space<vmem>>[vector<16xi32>], vector<16xf32>,
        %parallel_loop3A_430 = arith.constant 50000 : i32
        %parallel_loop3A_431 = tpu.memref_slice %arg7[%parallel_loop3A_430] : memref<90000xf32, #tpu.memory_space<vmem>> -> memref<10000xf32, #tpu.memory_space<vmem>>
        %parallel_loop3A_432 = tpu.vector_load_idx %parallel_loop3A_431[%parallel_loop3A_414] : memref<10000xf32, #tpu.memory_space<vmem>>[vector<16xi32>], vector<16xf32>,
        %parallel_loop3A_433 = arith.constant 60000 : i32
        %parallel_loop3A_434 = tpu.memref_slice %arg7[%parallel_loop3A_433] : memref<90000xf32, #tpu.memory_space<vmem>> -> memref<10000xf32, #tpu.memory_space<vmem>>
        %parallel_loop3A_435 = tpu.vector_load_idx %parallel_loop3A_434[%parallel_loop3A_414] : memref<10000xf32, #tpu.memory_space<vmem>>[vector<16xi32>], vector<16xf32>,
        %parallel_loop3A_436 = arith.constant 70000 : i32
        %parallel_loop3A_437 = tpu.memref_slice %arg7[%parallel_loop3A_436] : memref<90000xf32, #tpu.memory_space<vmem>> -> memref<10000xf32, #tpu.memory_space<vmem>>
        %parallel_loop3A_438 = tpu.vector_load_idx %parallel_loop3A_437[%parallel_loop3A_414] : memref<10000xf32, #tpu.memory_space<vmem>>[vector<16xi32>], vector<16xf32>,
        %parallel_loop3A_439 = arith.constant 80000 : i32
        %parallel_loop3A_440 = tpu.memref_slice %arg7[%parallel_loop3A_439] : memref<90000xf32, #tpu.memory_space<vmem>> -> memref<10000xf32, #tpu.memory_space<vmem>>
        %parallel_loop3A_441 = tpu.vector_load_idx %parallel_loop3A_440[%parallel_loop3A_414] : memref<10000xf32, #tpu.memory_space<vmem>>[vector<16xi32>], vector<16xf32>,
        %parallel_loop3A_442 = arith.mulf %parallel_loop3A_403, %parallel_loop3A_417 : vector<16xf32>
        %parallel_loop3A_443 = arith.mulf %parallel_loop3A_408, %parallel_loop3A_420 : vector<16xf32>
        %parallel_loop3A_444 = arith.addf %parallel_loop3A_442, %parallel_loop3A_443 : vector<16xf32>
        %parallel_loop3A_445 = arith.addf %parallel_loop3A_444, %parallel_loop3A_423 : vector<16xf32>
        %parallel_loop3A_446 = arith.mulf %parallel_loop3A_403, %parallel_loop3A_426 : vector<16xf32>
        %parallel_loop3A_447 = arith.mulf %parallel_loop3A_408, %parallel_loop3A_429 : vector<16xf32>
        %parallel_loop3A_448 = arith.addf %parallel_loop3A_446, %parallel_loop3A_447 : vector<16xf32>
        %parallel_loop3A_449 = arith.addf %parallel_loop3A_448, %parallel_loop3A_432 : vector<16xf32>
        %parallel_loop3A_450 = arith.mulf %parallel_loop3A_403, %parallel_loop3A_435 : vector<16xf32>
        %parallel_loop3A_451 = arith.mulf %parallel_loop3A_408, %parallel_loop3A_438 : vector<16xf32>
        %parallel_loop3A_452 = arith.addf %parallel_loop3A_450, %parallel_loop3A_451 : vector<16xf32>
        %parallel_loop3A_453 = arith.addf %parallel_loop3A_452, %parallel_loop3A_441 : vector<16xf32>
        %parallel_loop3A_454 = vector.bitcast %parallel_loop3A_453 : vector<16xf32> to vector<16xi32>
        %parallel_loop3A_455 = math.absf %parallel_loop3A_453 : vector<16xf32>
        %parallel_loop3A_456 = arith.constant 9.99999997E-7 : f32
        %parallel_loop3A_457 = vector.broadcast %parallel_loop3A_456 : f32 to vector<16xf32>
        %parallel_loop3A_458 = arith.maximumf %parallel_loop3A_455, %parallel_loop3A_457 : vector<16xf32>
        %parallel_loop3A_459 = vector.bitcast %parallel_loop3A_458 : vector<16xf32> to vector<16xi32>
        %parallel_loop3A_460 = arith.constant -2147483648 : i32
        %parallel_loop3A_461 = vector.broadcast %parallel_loop3A_460 : i32 to vector<16xi32>
        %parallel_loop3A_462 = arith.andi %parallel_loop3A_454, %parallel_loop3A_461 : vector<16xi32>
        %parallel_loop3A_463 = arith.ori %parallel_loop3A_462, %parallel_loop3A_459 : vector<16xi32>
        %parallel_loop3A_464 = arith.constant 0.000000e+00 : f32
        %parallel_loop3A_465 = vector.broadcast %parallel_loop3A_464 : f32 to vector<16xf32>
        %parallel_loop3A_466 = arith.cmpf oeq, %parallel_loop3A_453, %parallel_loop3A_465 : vector<16xf32>
        %parallel_loop3A_467 = vector.bitcast %parallel_loop3A_463 : vector<16xi32> to vector<16xf32>
        %parallel_loop3A_468 = arith.constant 0.000000e+00 : f32
        %parallel_loop3A_469 = vector.broadcast %parallel_loop3A_468 : f32 to vector<16xf32>
        %parallel_loop3A_470 = arith.select %parallel_loop3A_466, %parallel_loop3A_469, %parallel_loop3A_467 : vector<16xi1>, vector<16xf32>
        %parallel_loop3A_471 = arith.divf %parallel_loop3A_445, %parallel_loop3A_470 : vector<16xf32>
        %parallel_loop3A_472 = arith.constant 0 : i32
        %parallel_loop3A_473 = arith.index_cast %parallel_loop3A_128 : i32 to index
        %parallel_loop3A_474 = arith.index_cast %parallel_loop3A_472 : i32 to index
        %parallel_loop3A_475 = arith.constant 48 : index
        %parallel_loop3A_476 = tpu.vector_load %arg12[%parallel_loop3A_473, %parallel_loop3A_474, %parallel_loop3A_475] {strides = array<i32>} : memref<16x2x128xf32, #tpu.memory_space<vmem>>, vector<16xf32>,
        tpu.vector_store %arg12[%parallel_loop3A_473, %parallel_loop3A_474, %parallel_loop3A_475], %parallel_loop3A_471 {strides = array<i32>} : memref<16x2x128xf32, #tpu.memory_space<vmem>>, vector<16xf32>,
        %parallel_loop3A_477 = arith.divf %parallel_loop3A_449, %parallel_loop3A_470 : vector<16xf32>
        %parallel_loop3A_478 = arith.constant 1 : i32
        %parallel_loop3A_479 = arith.index_cast %parallel_loop3A_128 : i32 to index
        %parallel_loop3A_480 = arith.index_cast %parallel_loop3A_478 : i32 to index
        %parallel_loop3A_481 = arith.constant 48 : index
        %parallel_loop3A_482 = tpu.vector_load %arg12[%parallel_loop3A_479, %parallel_loop3A_480, %parallel_loop3A_481] {strides = array<i32>} : memref<16x2x128xf32, #tpu.memory_space<vmem>>, vector<16xf32>,
        tpu.vector_store %arg12[%parallel_loop3A_479, %parallel_loop3A_480, %parallel_loop3A_481], %parallel_loop3A_477 {strides = array<i32>} : memref<16x2x128xf32, #tpu.memory_space<vmem>>, vector<16xf32>,
        %parallel_loop3A_483 = arith.constant 128 : i32
        %parallel_loop3A_484 = arith.muli %parallel_loop3A_128, %parallel_loop3A_483 : i32
        %parallel_loop3A_485 = arith.constant 48 : i32
        %parallel_loop3A_486 = arith.addi %parallel_loop3A_484, %parallel_loop3A_485 : i32
        %parallel_loop3A_487 = arith.index_cast %parallel_loop3A_486 : i32 to index
        %parallel_loop3A_488 = tpu.vector_load %arg14[%parallel_loop3A_487] {strides = array<i32>} : memref<2048xf32, #tpu.memory_space<vmem>>, vector<16xf32>,
        tpu.vector_store %arg14[%parallel_loop3A_487], %parallel_loop3A_453 {strides = array<i32>} : memref<2048xf32, #tpu.memory_space<vmem>>, vector<16xf32>,
        %parallel_loop3A_489 = arith.constant 0 : i32
        %parallel_loop3A_490 = arith.index_cast %parallel_loop3A_128 : i32 to index
        %parallel_loop3A_491 = arith.index_cast %parallel_loop3A_489 : i32 to index
        %parallel_loop3A_492 = arith.constant 64 : index
        %parallel_loop3A_493 = tpu.vector_load %arg10[%parallel_loop3A_490, %parallel_loop3A_491, %parallel_loop3A_492] {strides = array<i32>} : memref<16x2x128xf32, #tpu.memory_space<vmem>>, vector<16xf32>,
        %parallel_loop3A_494 = arith.constant 1 : i32
        %parallel_loop3A_495 = arith.index_cast %parallel_loop3A_128 : i32 to index
        %parallel_loop3A_496 = arith.index_cast %parallel_loop3A_494 : i32 to index
        %parallel_loop3A_497 = arith.constant 64 : index
        %parallel_loop3A_498 = tpu.vector_load %arg10[%parallel_loop3A_495, %parallel_loop3A_496, %parallel_loop3A_497] {strides = array<i32>} : memref<16x2x128xf32, #tpu.memory_space<vmem>>, vector<16xf32>,
        %parallel_loop3A_499 = arith.constant 128 : i32
        %parallel_loop3A_500 = arith.muli %parallel_loop3A_128, %parallel_loop3A_499 : i32
        %parallel_loop3A_501 = arith.constant 64 : i32
        %parallel_loop3A_502 = arith.addi %parallel_loop3A_500, %parallel_loop3A_501 : i32
        %parallel_loop3A_503 = arith.index_cast %parallel_loop3A_502 : i32 to index
        %parallel_loop3A_504 = tpu.vector_load %arg8[%parallel_loop3A_503] {strides = array<i32>} : memref<2048xi32, #tpu.memory_space<vmem>>, vector<16xi32>,
        %parallel_loop3A_505 = arith.constant 0 : i32
        %parallel_loop3A_506 = tpu.memref_slice %arg7[%parallel_loop3A_505] : memref<90000xf32, #tpu.memory_space<vmem>> -> memref<10000xf32, #tpu.memory_space<vmem>>
        %parallel_loop3A_507 = tpu.vector_load_idx %parallel_loop3A_506[%parallel_loop3A_504] : memref<10000xf32, #tpu.memory_space<vmem>>[vector<16xi32>], vector<16xf32>,
        %parallel_loop3A_508 = arith.constant 10000 : i32
        %parallel_loop3A_509 = tpu.memref_slice %arg7[%parallel_loop3A_508] : memref<90000xf32, #tpu.memory_space<vmem>> -> memref<10000xf32, #tpu.memory_space<vmem>>
        %parallel_loop3A_510 = tpu.vector_load_idx %parallel_loop3A_509[%parallel_loop3A_504] : memref<10000xf32, #tpu.memory_space<vmem>>[vector<16xi32>], vector<16xf32>,
        %parallel_loop3A_511 = arith.constant 20000 : i32
        %parallel_loop3A_512 = tpu.memref_slice %arg7[%parallel_loop3A_511] : memref<90000xf32, #tpu.memory_space<vmem>> -> memref<10000xf32, #tpu.memory_space<vmem>>
        %parallel_loop3A_513 = tpu.vector_load_idx %parallel_loop3A_512[%parallel_loop3A_504] : memref<10000xf32, #tpu.memory_space<vmem>>[vector<16xi32>], vector<16xf32>,
        %parallel_loop3A_514 = arith.constant 30000 : i32
        %parallel_loop3A_515 = tpu.memref_slice %arg7[%parallel_loop3A_514] : memref<90000xf32, #tpu.memory_space<vmem>> -> memref<10000xf32, #tpu.memory_space<vmem>>
        %parallel_loop3A_516 = tpu.vector_load_idx %parallel_loop3A_515[%parallel_loop3A_504] : memref<10000xf32, #tpu.memory_space<vmem>>[vector<16xi32>], vector<16xf32>,
        %parallel_loop3A_517 = arith.constant 40000 : i32
        %parallel_loop3A_518 = tpu.memref_slice %arg7[%parallel_loop3A_517] : memref<90000xf32, #tpu.memory_space<vmem>> -> memref<10000xf32, #tpu.memory_space<vmem>>
        %parallel_loop3A_519 = tpu.vector_load_idx %parallel_loop3A_518[%parallel_loop3A_504] : memref<10000xf32, #tpu.memory_space<vmem>>[vector<16xi32>], vector<16xf32>,
        %parallel_loop3A_520 = arith.constant 50000 : i32
        %parallel_loop3A_521 = tpu.memref_slice %arg7[%parallel_loop3A_520] : memref<90000xf32, #tpu.memory_space<vmem>> -> memref<10000xf32, #tpu.memory_space<vmem>>
        %parallel_loop3A_522 = tpu.vector_load_idx %parallel_loop3A_521[%parallel_loop3A_504] : memref<10000xf32, #tpu.memory_space<vmem>>[vector<16xi32>], vector<16xf32>,
        %parallel_loop3A_523 = arith.constant 60000 : i32
        %parallel_loop3A_524 = tpu.memref_slice %arg7[%parallel_loop3A_523] : memref<90000xf32, #tpu.memory_space<vmem>> -> memref<10000xf32, #tpu.memory_space<vmem>>
        %parallel_loop3A_525 = tpu.vector_load_idx %parallel_loop3A_524[%parallel_loop3A_504] : memref<10000xf32, #tpu.memory_space<vmem>>[vector<16xi32>], vector<16xf32>,
        %parallel_loop3A_526 = arith.constant 70000 : i32
        %parallel_loop3A_527 = tpu.memref_slice %arg7[%parallel_loop3A_526] : memref<90000xf32, #tpu.memory_space<vmem>> -> memref<10000xf32, #tpu.memory_space<vmem>>
        %parallel_loop3A_528 = tpu.vector_load_idx %parallel_loop3A_527[%parallel_loop3A_504] : memref<10000xf32, #tpu.memory_space<vmem>>[vector<16xi32>], vector<16xf32>,
        %parallel_loop3A_529 = arith.constant 80000 : i32
        %parallel_loop3A_530 = tpu.memref_slice %arg7[%parallel_loop3A_529] : memref<90000xf32, #tpu.memory_space<vmem>> -> memref<10000xf32, #tpu.memory_space<vmem>>
        %parallel_loop3A_531 = tpu.vector_load_idx %parallel_loop3A_530[%parallel_loop3A_504] : memref<10000xf32, #tpu.memory_space<vmem>>[vector<16xi32>], vector<16xf32>,
        %parallel_loop3A_532 = arith.mulf %parallel_loop3A_493, %parallel_loop3A_507 : vector<16xf32>
        %parallel_loop3A_533 = arith.mulf %parallel_loop3A_498, %parallel_loop3A_510 : vector<16xf32>
        %parallel_loop3A_534 = arith.addf %parallel_loop3A_532, %parallel_loop3A_533 : vector<16xf32>
        %parallel_loop3A_535 = arith.addf %parallel_loop3A_534, %parallel_loop3A_513 : vector<16xf32>
        %parallel_loop3A_536 = arith.mulf %parallel_loop3A_493, %parallel_loop3A_516 : vector<16xf32>
        %parallel_loop3A_537 = arith.mulf %parallel_loop3A_498, %parallel_loop3A_519 : vector<16xf32>
        %parallel_loop3A_538 = arith.addf %parallel_loop3A_536, %parallel_loop3A_537 : vector<16xf32>
        %parallel_loop3A_539 = arith.addf %parallel_loop3A_538, %parallel_loop3A_522 : vector<16xf32>
        %parallel_loop3A_540 = arith.mulf %parallel_loop3A_493, %parallel_loop3A_525 : vector<16xf32>
        %parallel_loop3A_541 = arith.mulf %parallel_loop3A_498, %parallel_loop3A_528 : vector<16xf32>
        %parallel_loop3A_542 = arith.addf %parallel_loop3A_540, %parallel_loop3A_541 : vector<16xf32>
        %parallel_loop3A_543 = arith.addf %parallel_loop3A_542, %parallel_loop3A_531 : vector<16xf32>
        %parallel_loop3A_544 = vector.bitcast %parallel_loop3A_543 : vector<16xf32> to vector<16xi32>
        %parallel_loop3A_545 = math.absf %parallel_loop3A_543 : vector<16xf32>
        %parallel_loop3A_546 = arith.constant 9.99999997E-7 : f32
        %parallel_loop3A_547 = vector.broadcast %parallel_loop3A_546 : f32 to vector<16xf32>
        %parallel_loop3A_548 = arith.maximumf %parallel_loop3A_545, %parallel_loop3A_547 : vector<16xf32>
        %parallel_loop3A_549 = vector.bitcast %parallel_loop3A_548 : vector<16xf32> to vector<16xi32>
        %parallel_loop3A_550 = arith.constant -2147483648 : i32
        %parallel_loop3A_551 = vector.broadcast %parallel_loop3A_550 : i32 to vector<16xi32>
        %parallel_loop3A_552 = arith.andi %parallel_loop3A_544, %parallel_loop3A_551 : vector<16xi32>
        %parallel_loop3A_553 = arith.ori %parallel_loop3A_552, %parallel_loop3A_549 : vector<16xi32>
        %parallel_loop3A_554 = arith.constant 0.000000e+00 : f32
        %parallel_loop3A_555 = vector.broadcast %parallel_loop3A_554 : f32 to vector<16xf32>
        %parallel_loop3A_556 = arith.cmpf oeq, %parallel_loop3A_543, %parallel_loop3A_555 : vector<16xf32>
        %parallel_loop3A_557 = vector.bitcast %parallel_loop3A_553 : vector<16xi32> to vector<16xf32>
        %parallel_loop3A_558 = arith.constant 0.000000e+00 : f32
        %parallel_loop3A_559 = vector.broadcast %parallel_loop3A_558 : f32 to vector<16xf32>
        %parallel_loop3A_560 = arith.select %parallel_loop3A_556, %parallel_loop3A_559, %parallel_loop3A_557 : vector<16xi1>, vector<16xf32>
        %parallel_loop3A_561 = arith.divf %parallel_loop3A_535, %parallel_loop3A_560 : vector<16xf32>
        %parallel_loop3A_562 = arith.constant 0 : i32
        %parallel_loop3A_563 = arith.index_cast %parallel_loop3A_128 : i32 to index
        %parallel_loop3A_564 = arith.index_cast %parallel_loop3A_562 : i32 to index
        %parallel_loop3A_565 = arith.constant 64 : index
        %parallel_loop3A_566 = tpu.vector_load %arg12[%parallel_loop3A_563, %parallel_loop3A_564, %parallel_loop3A_565] {strides = array<i32>} : memref<16x2x128xf32, #tpu.memory_space<vmem>>, vector<16xf32>,
        tpu.vector_store %arg12[%parallel_loop3A_563, %parallel_loop3A_564, %parallel_loop3A_565], %parallel_loop3A_561 {strides = array<i32>} : memref<16x2x128xf32, #tpu.memory_space<vmem>>, vector<16xf32>,
        %parallel_loop3A_567 = arith.divf %parallel_loop3A_539, %parallel_loop3A_560 : vector<16xf32>
        %parallel_loop3A_568 = arith.constant 1 : i32
        %parallel_loop3A_569 = arith.index_cast %parallel_loop3A_128 : i32 to index
        %parallel_loop3A_570 = arith.index_cast %parallel_loop3A_568 : i32 to index
        %parallel_loop3A_571 = arith.constant 64 : index
        %parallel_loop3A_572 = tpu.vector_load %arg12[%parallel_loop3A_569, %parallel_loop3A_570, %parallel_loop3A_571] {strides = array<i32>} : memref<16x2x128xf32, #tpu.memory_space<vmem>>, vector<16xf32>,
        tpu.vector_store %arg12[%parallel_loop3A_569, %parallel_loop3A_570, %parallel_loop3A_571], %parallel_loop3A_567 {strides = array<i32>} : memref<16x2x128xf32, #tpu.memory_space<vmem>>, vector<16xf32>,
        %parallel_loop3A_573 = arith.constant 128 : i32
        %parallel_loop3A_574 = arith.muli %parallel_loop3A_128, %parallel_loop3A_573 : i32
        %parallel_loop3A_575 = arith.constant 64 : i32
        %parallel_loop3A_576 = arith.addi %parallel_loop3A_574, %parallel_loop3A_575 : i32
        %parallel_loop3A_577 = arith.index_cast %parallel_loop3A_576 : i32 to index
        %parallel_loop3A_578 = tpu.vector_load %arg14[%parallel_loop3A_577] {strides = array<i32>} : memref<2048xf32, #tpu.memory_space<vmem>>, vector<16xf32>,
        tpu.vector_store %arg14[%parallel_loop3A_577], %parallel_loop3A_543 {strides = array<i32>} : memref<2048xf32, #tpu.memory_space<vmem>>, vector<16xf32>,
        %parallel_loop3A_579 = arith.constant 0 : i32
        %parallel_loop3A_580 = arith.index_cast %parallel_loop3A_128 : i32 to index
        %parallel_loop3A_581 = arith.index_cast %parallel_loop3A_579 : i32 to index
        %parallel_loop3A_582 = arith.constant 80 : index
        %parallel_loop3A_583 = tpu.vector_load %arg10[%parallel_loop3A_580, %parallel_loop3A_581, %parallel_loop3A_582] {strides = array<i32>} : memref<16x2x128xf32, #tpu.memory_space<vmem>>, vector<16xf32>,
        %parallel_loop3A_584 = arith.constant 1 : i32
        %parallel_loop3A_585 = arith.index_cast %parallel_loop3A_128 : i32 to index
        %parallel_loop3A_586 = arith.index_cast %parallel_loop3A_584 : i32 to index
        %parallel_loop3A_587 = arith.constant 80 : index
        %parallel_loop3A_588 = tpu.vector_load %arg10[%parallel_loop3A_585, %parallel_loop3A_586, %parallel_loop3A_587] {strides = array<i32>} : memref<16x2x128xf32, #tpu.memory_space<vmem>>, vector<16xf32>,
        %parallel_loop3A_589 = arith.constant 128 : i32
        %parallel_loop3A_590 = arith.muli %parallel_loop3A_128, %parallel_loop3A_589 : i32
        %parallel_loop3A_591 = arith.constant 80 : i32
        %parallel_loop3A_592 = arith.addi %parallel_loop3A_590, %parallel_loop3A_591 : i32
        %parallel_loop3A_593 = arith.index_cast %parallel_loop3A_592 : i32 to index
        %parallel_loop3A_594 = tpu.vector_load %arg8[%parallel_loop3A_593] {strides = array<i32>} : memref<2048xi32, #tpu.memory_space<vmem>>, vector<16xi32>,
        %parallel_loop3A_595 = arith.constant 0 : i32
        %parallel_loop3A_596 = tpu.memref_slice %arg7[%parallel_loop3A_595] : memref<90000xf32, #tpu.memory_space<vmem>> -> memref<10000xf32, #tpu.memory_space<vmem>>
        %parallel_loop3A_597 = tpu.vector_load_idx %parallel_loop3A_596[%parallel_loop3A_594] : memref<10000xf32, #tpu.memory_space<vmem>>[vector<16xi32>], vector<16xf32>,
        %parallel_loop3A_598 = arith.constant 10000 : i32
        %parallel_loop3A_599 = tpu.memref_slice %arg7[%parallel_loop3A_598] : memref<90000xf32, #tpu.memory_space<vmem>> -> memref<10000xf32, #tpu.memory_space<vmem>>
        %parallel_loop3A_600 = tpu.vector_load_idx %parallel_loop3A_599[%parallel_loop3A_594] : memref<10000xf32, #tpu.memory_space<vmem>>[vector<16xi32>], vector<16xf32>,
        %parallel_loop3A_601 = arith.constant 20000 : i32
        %parallel_loop3A_602 = tpu.memref_slice %arg7[%parallel_loop3A_601] : memref<90000xf32, #tpu.memory_space<vmem>> -> memref<10000xf32, #tpu.memory_space<vmem>>
        %parallel_loop3A_603 = tpu.vector_load_idx %parallel_loop3A_602[%parallel_loop3A_594] : memref<10000xf32, #tpu.memory_space<vmem>>[vector<16xi32>], vector<16xf32>,
        %parallel_loop3A_604 = arith.constant 30000 : i32
        %parallel_loop3A_605 = tpu.memref_slice %arg7[%parallel_loop3A_604] : memref<90000xf32, #tpu.memory_space<vmem>> -> memref<10000xf32, #tpu.memory_space<vmem>>
        %parallel_loop3A_606 = tpu.vector_load_idx %parallel_loop3A_605[%parallel_loop3A_594] : memref<10000xf32, #tpu.memory_space<vmem>>[vector<16xi32>], vector<16xf32>,
        %parallel_loop3A_607 = arith.constant 40000 : i32
        %parallel_loop3A_608 = tpu.memref_slice %arg7[%parallel_loop3A_607] : memref<90000xf32, #tpu.memory_space<vmem>> -> memref<10000xf32, #tpu.memory_space<vmem>>
        %parallel_loop3A_609 = tpu.vector_load_idx %parallel_loop3A_608[%parallel_loop3A_594] : memref<10000xf32, #tpu.memory_space<vmem>>[vector<16xi32>], vector<16xf32>,
        %parallel_loop3A_610 = arith.constant 50000 : i32
        %parallel_loop3A_611 = tpu.memref_slice %arg7[%parallel_loop3A_610] : memref<90000xf32, #tpu.memory_space<vmem>> -> memref<10000xf32, #tpu.memory_space<vmem>>
        %parallel_loop3A_612 = tpu.vector_load_idx %parallel_loop3A_611[%parallel_loop3A_594] : memref<10000xf32, #tpu.memory_space<vmem>>[vector<16xi32>], vector<16xf32>,
        %parallel_loop3A_613 = arith.constant 60000 : i32
        %parallel_loop3A_614 = tpu.memref_slice %arg7[%parallel_loop3A_613] : memref<90000xf32, #tpu.memory_space<vmem>> -> memref<10000xf32, #tpu.memory_space<vmem>>
        %parallel_loop3A_615 = tpu.vector_load_idx %parallel_loop3A_614[%parallel_loop3A_594] : memref<10000xf32, #tpu.memory_space<vmem>>[vector<16xi32>], vector<16xf32>,
        %parallel_loop3A_616 = arith.constant 70000 : i32
        %parallel_loop3A_617 = tpu.memref_slice %arg7[%parallel_loop3A_616] : memref<90000xf32, #tpu.memory_space<vmem>> -> memref<10000xf32, #tpu.memory_space<vmem>>
        %parallel_loop3A_618 = tpu.vector_load_idx %parallel_loop3A_617[%parallel_loop3A_594] : memref<10000xf32, #tpu.memory_space<vmem>>[vector<16xi32>], vector<16xf32>,
        %parallel_loop3A_619 = arith.constant 80000 : i32
        %parallel_loop3A_620 = tpu.memref_slice %arg7[%parallel_loop3A_619] : memref<90000xf32, #tpu.memory_space<vmem>> -> memref<10000xf32, #tpu.memory_space<vmem>>
        %parallel_loop3A_621 = tpu.vector_load_idx %parallel_loop3A_620[%parallel_loop3A_594] : memref<10000xf32, #tpu.memory_space<vmem>>[vector<16xi32>], vector<16xf32>,
        %parallel_loop3A_622 = arith.mulf %parallel_loop3A_583, %parallel_loop3A_597 : vector<16xf32>
        %parallel_loop3A_623 = arith.mulf %parallel_loop3A_588, %parallel_loop3A_600 : vector<16xf32>
        %parallel_loop3A_624 = arith.addf %parallel_loop3A_622, %parallel_loop3A_623 : vector<16xf32>
        %parallel_loop3A_625 = arith.addf %parallel_loop3A_624, %parallel_loop3A_603 : vector<16xf32>
        %parallel_loop3A_626 = arith.mulf %parallel_loop3A_583, %parallel_loop3A_606 : vector<16xf32>
        %parallel_loop3A_627 = arith.mulf %parallel_loop3A_588, %parallel_loop3A_609 : vector<16xf32>
        %parallel_loop3A_628 = arith.addf %parallel_loop3A_626, %parallel_loop3A_627 : vector<16xf32>
        %parallel_loop3A_629 = arith.addf %parallel_loop3A_628, %parallel_loop3A_612 : vector<16xf32>
        %parallel_loop3A_630 = arith.mulf %parallel_loop3A_583, %parallel_loop3A_615 : vector<16xf32>
        %parallel_loop3A_631 = arith.mulf %parallel_loop3A_588, %parallel_loop3A_618 : vector<16xf32>
        %parallel_loop3A_632 = arith.addf %parallel_loop3A_630, %parallel_loop3A_631 : vector<16xf32>
        %parallel_loop3A_633 = arith.addf %parallel_loop3A_632, %parallel_loop3A_621 : vector<16xf32>
        %parallel_loop3A_634 = vector.bitcast %parallel_loop3A_633 : vector<16xf32> to vector<16xi32>
        %parallel_loop3A_635 = math.absf %parallel_loop3A_633 : vector<16xf32>
        %parallel_loop3A_636 = arith.constant 9.99999997E-7 : f32
        %parallel_loop3A_637 = vector.broadcast %parallel_loop3A_636 : f32 to vector<16xf32>
        %parallel_loop3A_638 = arith.maximumf %parallel_loop3A_635, %parallel_loop3A_637 : vector<16xf32>
        %parallel_loop3A_639 = vector.bitcast %parallel_loop3A_638 : vector<16xf32> to vector<16xi32>
        %parallel_loop3A_640 = arith.constant -2147483648 : i32
        %parallel_loop3A_641 = vector.broadcast %parallel_loop3A_640 : i32 to vector<16xi32>
        %parallel_loop3A_642 = arith.andi %parallel_loop3A_634, %parallel_loop3A_641 : vector<16xi32>
        %parallel_loop3A_643 = arith.ori %parallel_loop3A_642, %parallel_loop3A_639 : vector<16xi32>
        %parallel_loop3A_644 = arith.constant 0.000000e+00 : f32
        %parallel_loop3A_645 = vector.broadcast %parallel_loop3A_644 : f32 to vector<16xf32>
        %parallel_loop3A_646 = arith.cmpf oeq, %parallel_loop3A_633, %parallel_loop3A_645 : vector<16xf32>
        %parallel_loop3A_647 = vector.bitcast %parallel_loop3A_643 : vector<16xi32> to vector<16xf32>
        %parallel_loop3A_648 = arith.constant 0.000000e+00 : f32
        %parallel_loop3A_649 = vector.broadcast %parallel_loop3A_648 : f32 to vector<16xf32>
        %parallel_loop3A_650 = arith.select %parallel_loop3A_646, %parallel_loop3A_649, %parallel_loop3A_647 : vector<16xi1>, vector<16xf32>
        %parallel_loop3A_651 = arith.divf %parallel_loop3A_625, %parallel_loop3A_650 : vector<16xf32>
        %parallel_loop3A_652 = arith.constant 0 : i32
        %parallel_loop3A_653 = arith.index_cast %parallel_loop3A_128 : i32 to index
        %parallel_loop3A_654 = arith.index_cast %parallel_loop3A_652 : i32 to index
        %parallel_loop3A_655 = arith.constant 80 : index
        %parallel_loop3A_656 = tpu.vector_load %arg12[%parallel_loop3A_653, %parallel_loop3A_654, %parallel_loop3A_655] {strides = array<i32>} : memref<16x2x128xf32, #tpu.memory_space<vmem>>, vector<16xf32>,
        tpu.vector_store %arg12[%parallel_loop3A_653, %parallel_loop3A_654, %parallel_loop3A_655], %parallel_loop3A_651 {strides = array<i32>} : memref<16x2x128xf32, #tpu.memory_space<vmem>>, vector<16xf32>,
        %parallel_loop3A_657 = arith.divf %parallel_loop3A_629, %parallel_loop3A_650 : vector<16xf32>
        %parallel_loop3A_658 = arith.constant 1 : i32
        %parallel_loop3A_659 = arith.index_cast %parallel_loop3A_128 : i32 to index
        %parallel_loop3A_660 = arith.index_cast %parallel_loop3A_658 : i32 to index
        %parallel_loop3A_661 = arith.constant 80 : index
        %parallel_loop3A_662 = tpu.vector_load %arg12[%parallel_loop3A_659, %parallel_loop3A_660, %parallel_loop3A_661] {strides = array<i32>} : memref<16x2x128xf32, #tpu.memory_space<vmem>>, vector<16xf32>,
        tpu.vector_store %arg12[%parallel_loop3A_659, %parallel_loop3A_660, %parallel_loop3A_661], %parallel_loop3A_657 {strides = array<i32>} : memref<16x2x128xf32, #tpu.memory_space<vmem>>, vector<16xf32>,
        %parallel_loop3A_663 = arith.constant 128 : i32
        %parallel_loop3A_664 = arith.muli %parallel_loop3A_128, %parallel_loop3A_663 : i32
        %parallel_loop3A_665 = arith.constant 80 : i32
        %parallel_loop3A_666 = arith.addi %parallel_loop3A_664, %parallel_loop3A_665 : i32
        %parallel_loop3A_667 = arith.index_cast %parallel_loop3A_666 : i32 to index
        %parallel_loop3A_668 = tpu.vector_load %arg14[%parallel_loop3A_667] {strides = array<i32>} : memref<2048xf32, #tpu.memory_space<vmem>>, vector<16xf32>,
        tpu.vector_store %arg14[%parallel_loop3A_667], %parallel_loop3A_633 {strides = array<i32>} : memref<2048xf32, #tpu.memory_space<vmem>>, vector<16xf32>,
        %parallel_loop3A_669 = arith.constant 0 : i32
        %parallel_loop3A_670 = arith.index_cast %parallel_loop3A_128 : i32 to index
        %parallel_loop3A_671 = arith.index_cast %parallel_loop3A_669 : i32 to index
        %parallel_loop3A_672 = arith.constant 96 : index
        %parallel_loop3A_673 = tpu.vector_load %arg10[%parallel_loop3A_670, %parallel_loop3A_671, %parallel_loop3A_672] {strides = array<i32>} : memref<16x2x128xf32, #tpu.memory_space<vmem>>, vector<16xf32>,
        %parallel_loop3A_674 = arith.constant 1 : i32
        %parallel_loop3A_675 = arith.index_cast %parallel_loop3A_128 : i32 to index
        %parallel_loop3A_676 = arith.index_cast %parallel_loop3A_674 : i32 to index
        %parallel_loop3A_677 = arith.constant 96 : index
        %parallel_loop3A_678 = tpu.vector_load %arg10[%parallel_loop3A_675, %parallel_loop3A_676, %parallel_loop3A_677] {strides = array<i32>} : memref<16x2x128xf32, #tpu.memory_space<vmem>>, vector<16xf32>,
        %parallel_loop3A_679 = arith.constant 128 : i32
        %parallel_loop3A_680 = arith.muli %parallel_loop3A_128, %parallel_loop3A_679 : i32
        %parallel_loop3A_681 = arith.constant 96 : i32
        %parallel_loop3A_682 = arith.addi %parallel_loop3A_680, %parallel_loop3A_681 : i32
        %parallel_loop3A_683 = arith.index_cast %parallel_loop3A_682 : i32 to index
        %parallel_loop3A_684 = tpu.vector_load %arg8[%parallel_loop3A_683] {strides = array<i32>} : memref<2048xi32, #tpu.memory_space<vmem>>, vector<16xi32>,
        %parallel_loop3A_685 = arith.constant 0 : i32
        %parallel_loop3A_686 = tpu.memref_slice %arg7[%parallel_loop3A_685] : memref<90000xf32, #tpu.memory_space<vmem>> -> memref<10000xf32, #tpu.memory_space<vmem>>
        %parallel_loop3A_687 = tpu.vector_load_idx %parallel_loop3A_686[%parallel_loop3A_684] : memref<10000xf32, #tpu.memory_space<vmem>>[vector<16xi32>], vector<16xf32>,
        %parallel_loop3A_688 = arith.constant 10000 : i32
        %parallel_loop3A_689 = tpu.memref_slice %arg7[%parallel_loop3A_688] : memref<90000xf32, #tpu.memory_space<vmem>> -> memref<10000xf32, #tpu.memory_space<vmem>>
        %parallel_loop3A_690 = tpu.vector_load_idx %parallel_loop3A_689[%parallel_loop3A_684] : memref<10000xf32, #tpu.memory_space<vmem>>[vector<16xi32>], vector<16xf32>,
        %parallel_loop3A_691 = arith.constant 20000 : i32
        %parallel_loop3A_692 = tpu.memref_slice %arg7[%parallel_loop3A_691] : memref<90000xf32, #tpu.memory_space<vmem>> -> memref<10000xf32, #tpu.memory_space<vmem>>
        %parallel_loop3A_693 = tpu.vector_load_idx %parallel_loop3A_692[%parallel_loop3A_684] : memref<10000xf32, #tpu.memory_space<vmem>>[vector<16xi32>], vector<16xf32>,
        %parallel_loop3A_694 = arith.constant 30000 : i32
        %parallel_loop3A_695 = tpu.memref_slice %arg7[%parallel_loop3A_694] : memref<90000xf32, #tpu.memory_space<vmem>> -> memref<10000xf32, #tpu.memory_space<vmem>>
        %parallel_loop3A_696 = tpu.vector_load_idx %parallel_loop3A_695[%parallel_loop3A_684] : memref<10000xf32, #tpu.memory_space<vmem>>[vector<16xi32>], vector<16xf32>,
        %parallel_loop3A_697 = arith.constant 40000 : i32
        %parallel_loop3A_698 = tpu.memref_slice %arg7[%parallel_loop3A_697] : memref<90000xf32, #tpu.memory_space<vmem>> -> memref<10000xf32, #tpu.memory_space<vmem>>
        %parallel_loop3A_699 = tpu.vector_load_idx %parallel_loop3A_698[%parallel_loop3A_684] : memref<10000xf32, #tpu.memory_space<vmem>>[vector<16xi32>], vector<16xf32>,
        %parallel_loop3A_700 = arith.constant 50000 : i32
        %parallel_loop3A_701 = tpu.memref_slice %arg7[%parallel_loop3A_700] : memref<90000xf32, #tpu.memory_space<vmem>> -> memref<10000xf32, #tpu.memory_space<vmem>>
        %parallel_loop3A_702 = tpu.vector_load_idx %parallel_loop3A_701[%parallel_loop3A_684] : memref<10000xf32, #tpu.memory_space<vmem>>[vector<16xi32>], vector<16xf32>,
        %parallel_loop3A_703 = arith.constant 60000 : i32
        %parallel_loop3A_704 = tpu.memref_slice %arg7[%parallel_loop3A_703] : memref<90000xf32, #tpu.memory_space<vmem>> -> memref<10000xf32, #tpu.memory_space<vmem>>
        %parallel_loop3A_705 = tpu.vector_load_idx %parallel_loop3A_704[%parallel_loop3A_684] : memref<10000xf32, #tpu.memory_space<vmem>>[vector<16xi32>], vector<16xf32>,
        %parallel_loop3A_706 = arith.constant 70000 : i32
        %parallel_loop3A_707 = tpu.memref_slice %arg7[%parallel_loop3A_706] : memref<90000xf32, #tpu.memory_space<vmem>> -> memref<10000xf32, #tpu.memory_space<vmem>>
        %parallel_loop3A_708 = tpu.vector_load_idx %parallel_loop3A_707[%parallel_loop3A_684] : memref<10000xf32, #tpu.memory_space<vmem>>[vector<16xi32>], vector<16xf32>,
        %parallel_loop3A_709 = arith.constant 80000 : i32
        %parallel_loop3A_710 = tpu.memref_slice %arg7[%parallel_loop3A_709] : memref<90000xf32, #tpu.memory_space<vmem>> -> memref<10000xf32, #tpu.memory_space<vmem>>
        %parallel_loop3A_711 = tpu.vector_load_idx %parallel_loop3A_710[%parallel_loop3A_684] : memref<10000xf32, #tpu.memory_space<vmem>>[vector<16xi32>], vector<16xf32>,
        %parallel_loop3A_712 = arith.mulf %parallel_loop3A_673, %parallel_loop3A_687 : vector<16xf32>
        %parallel_loop3A_713 = arith.mulf %parallel_loop3A_678, %parallel_loop3A_690 : vector<16xf32>
        %parallel_loop3A_714 = arith.addf %parallel_loop3A_712, %parallel_loop3A_713 : vector<16xf32>
        %parallel_loop3A_715 = arith.addf %parallel_loop3A_714, %parallel_loop3A_693 : vector<16xf32>
        %parallel_loop3A_716 = arith.mulf %parallel_loop3A_673, %parallel_loop3A_696 : vector<16xf32>
        %parallel_loop3A_717 = arith.mulf %parallel_loop3A_678, %parallel_loop3A_699 : vector<16xf32>
        %parallel_loop3A_718 = arith.addf %parallel_loop3A_716, %parallel_loop3A_717 : vector<16xf32>
        %parallel_loop3A_719 = arith.addf %parallel_loop3A_718, %parallel_loop3A_702 : vector<16xf32>
        %parallel_loop3A_720 = arith.mulf %parallel_loop3A_673, %parallel_loop3A_705 : vector<16xf32>
        %parallel_loop3A_721 = arith.mulf %parallel_loop3A_678, %parallel_loop3A_708 : vector<16xf32>
        %parallel_loop3A_722 = arith.addf %parallel_loop3A_720, %parallel_loop3A_721 : vector<16xf32>
        %parallel_loop3A_723 = arith.addf %parallel_loop3A_722, %parallel_loop3A_711 : vector<16xf32>
        %parallel_loop3A_724 = vector.bitcast %parallel_loop3A_723 : vector<16xf32> to vector<16xi32>
        %parallel_loop3A_725 = math.absf %parallel_loop3A_723 : vector<16xf32>
        %parallel_loop3A_726 = arith.constant 9.99999997E-7 : f32
        %parallel_loop3A_727 = vector.broadcast %parallel_loop3A_726 : f32 to vector<16xf32>
        %parallel_loop3A_728 = arith.maximumf %parallel_loop3A_725, %parallel_loop3A_727 : vector<16xf32>
        %parallel_loop3A_729 = vector.bitcast %parallel_loop3A_728 : vector<16xf32> to vector<16xi32>
        %parallel_loop3A_730 = arith.constant -2147483648 : i32
        %parallel_loop3A_731 = vector.broadcast %parallel_loop3A_730 : i32 to vector<16xi32>
        %parallel_loop3A_732 = arith.andi %parallel_loop3A_724, %parallel_loop3A_731 : vector<16xi32>
        %parallel_loop3A_733 = arith.ori %parallel_loop3A_732, %parallel_loop3A_729 : vector<16xi32>
        %parallel_loop3A_734 = arith.constant 0.000000e+00 : f32
        %parallel_loop3A_735 = vector.broadcast %parallel_loop3A_734 : f32 to vector<16xf32>
        %parallel_loop3A_736 = arith.cmpf oeq, %parallel_loop3A_723, %parallel_loop3A_735 : vector<16xf32>
        %parallel_loop3A_737 = vector.bitcast %parallel_loop3A_733 : vector<16xi32> to vector<16xf32>
        %parallel_loop3A_738 = arith.constant 0.000000e+00 : f32
        %parallel_loop3A_739 = vector.broadcast %parallel_loop3A_738 : f32 to vector<16xf32>
        %parallel_loop3A_740 = arith.select %parallel_loop3A_736, %parallel_loop3A_739, %parallel_loop3A_737 : vector<16xi1>, vector<16xf32>
        %parallel_loop3A_741 = arith.divf %parallel_loop3A_715, %parallel_loop3A_740 : vector<16xf32>
        %parallel_loop3A_742 = arith.constant 0 : i32
        %parallel_loop3A_743 = arith.index_cast %parallel_loop3A_128 : i32 to index
        %parallel_loop3A_744 = arith.index_cast %parallel_loop3A_742 : i32 to index
        %parallel_loop3A_745 = arith.constant 96 : index
        %parallel_loop3A_746 = tpu.vector_load %arg12[%parallel_loop3A_743, %parallel_loop3A_744, %parallel_loop3A_745] {strides = array<i32>} : memref<16x2x128xf32, #tpu.memory_space<vmem>>, vector<16xf32>,
        tpu.vector_store %arg12[%parallel_loop3A_743, %parallel_loop3A_744, %parallel_loop3A_745], %parallel_loop3A_741 {strides = array<i32>} : memref<16x2x128xf32, #tpu.memory_space<vmem>>, vector<16xf32>,
        %parallel_loop3A_747 = arith.divf %parallel_loop3A_719, %parallel_loop3A_740 : vector<16xf32>
        %parallel_loop3A_748 = arith.constant 1 : i32
        %parallel_loop3A_749 = arith.index_cast %parallel_loop3A_128 : i32 to index
        %parallel_loop3A_750 = arith.index_cast %parallel_loop3A_748 : i32 to index
        %parallel_loop3A_751 = arith.constant 96 : index
        %parallel_loop3A_752 = tpu.vector_load %arg12[%parallel_loop3A_749, %parallel_loop3A_750, %parallel_loop3A_751] {strides = array<i32>} : memref<16x2x128xf32, #tpu.memory_space<vmem>>, vector<16xf32>,
        tpu.vector_store %arg12[%parallel_loop3A_749, %parallel_loop3A_750, %parallel_loop3A_751], %parallel_loop3A_747 {strides = array<i32>} : memref<16x2x128xf32, #tpu.memory_space<vmem>>, vector<16xf32>,
        %parallel_loop3A_753 = arith.constant 128 : i32
        %parallel_loop3A_754 = arith.muli %parallel_loop3A_128, %parallel_loop3A_753 : i32
        %parallel_loop3A_755 = arith.constant 96 : i32
        %parallel_loop3A_756 = arith.addi %parallel_loop3A_754, %parallel_loop3A_755 : i32
        %parallel_loop3A_757 = arith.index_cast %parallel_loop3A_756 : i32 to index
        %parallel_loop3A_758 = tpu.vector_load %arg14[%parallel_loop3A_757] {strides = array<i32>} : memref<2048xf32, #tpu.memory_space<vmem>>, vector<16xf32>,
        tpu.vector_store %arg14[%parallel_loop3A_757], %parallel_loop3A_723 {strides = array<i32>} : memref<2048xf32, #tpu.memory_space<vmem>>, vector<16xf32>,
        %parallel_loop3A_759 = arith.constant 0 : i32
        %parallel_loop3A_760 = arith.index_cast %parallel_loop3A_128 : i32 to index
        %parallel_loop3A_761 = arith.index_cast %parallel_loop3A_759 : i32 to index
        %parallel_loop3A_762 = arith.constant 112 : index
        %parallel_loop3A_763 = tpu.vector_load %arg10[%parallel_loop3A_760, %parallel_loop3A_761, %parallel_loop3A_762] {strides = array<i32>} : memref<16x2x128xf32, #tpu.memory_space<vmem>>, vector<16xf32>,
        %parallel_loop3A_764 = arith.constant 1 : i32
        %parallel_loop3A_765 = arith.index_cast %parallel_loop3A_128 : i32 to index
        %parallel_loop3A_766 = arith.index_cast %parallel_loop3A_764 : i32 to index
        %parallel_loop3A_767 = arith.constant 112 : index
        %parallel_loop3A_768 = tpu.vector_load %arg10[%parallel_loop3A_765, %parallel_loop3A_766, %parallel_loop3A_767] {strides = array<i32>} : memref<16x2x128xf32, #tpu.memory_space<vmem>>, vector<16xf32>,
        %parallel_loop3A_769 = arith.constant 128 : i32
        %parallel_loop3A_770 = arith.muli %parallel_loop3A_128, %parallel_loop3A_769 : i32
        %parallel_loop3A_771 = arith.constant 112 : i32
        %parallel_loop3A_772 = arith.addi %parallel_loop3A_770, %parallel_loop3A_771 : i32
        %parallel_loop3A_773 = arith.index_cast %parallel_loop3A_772 : i32 to index
        %parallel_loop3A_774 = tpu.vector_load %arg8[%parallel_loop3A_773] {strides = array<i32>} : memref<2048xi32, #tpu.memory_space<vmem>>, vector<16xi32>,
        %parallel_loop3A_775 = arith.constant 0 : i32
        %parallel_loop3A_776 = tpu.memref_slice %arg7[%parallel_loop3A_775] : memref<90000xf32, #tpu.memory_space<vmem>> -> memref<10000xf32, #tpu.memory_space<vmem>>
        %parallel_loop3A_777 = tpu.vector_load_idx %parallel_loop3A_776[%parallel_loop3A_774] : memref<10000xf32, #tpu.memory_space<vmem>>[vector<16xi32>], vector<16xf32>,
        %parallel_loop3A_778 = arith.constant 10000 : i32
        %parallel_loop3A_779 = tpu.memref_slice %arg7[%parallel_loop3A_778] : memref<90000xf32, #tpu.memory_space<vmem>> -> memref<10000xf32, #tpu.memory_space<vmem>>
        %parallel_loop3A_780 = tpu.vector_load_idx %parallel_loop3A_779[%parallel_loop3A_774] : memref<10000xf32, #tpu.memory_space<vmem>>[vector<16xi32>], vector<16xf32>,
        %parallel_loop3A_781 = arith.constant 20000 : i32
        %parallel_loop3A_782 = tpu.memref_slice %arg7[%parallel_loop3A_781] : memref<90000xf32, #tpu.memory_space<vmem>> -> memref<10000xf32, #tpu.memory_space<vmem>>
        %parallel_loop3A_783 = tpu.vector_load_idx %parallel_loop3A_782[%parallel_loop3A_774] : memref<10000xf32, #tpu.memory_space<vmem>>[vector<16xi32>], vector<16xf32>,
        %parallel_loop3A_784 = arith.constant 30000 : i32
        %parallel_loop3A_785 = tpu.memref_slice %arg7[%parallel_loop3A_784] : memref<90000xf32, #tpu.memory_space<vmem>> -> memref<10000xf32, #tpu.memory_space<vmem>>
        %parallel_loop3A_786 = tpu.vector_load_idx %parallel_loop3A_785[%parallel_loop3A_774] : memref<10000xf32, #tpu.memory_space<vmem>>[vector<16xi32>], vector<16xf32>,
        %parallel_loop3A_787 = arith.constant 40000 : i32
        %parallel_loop3A_788 = tpu.memref_slice %arg7[%parallel_loop3A_787] : memref<90000xf32, #tpu.memory_space<vmem>> -> memref<10000xf32, #tpu.memory_space<vmem>>
        %parallel_loop3A_789 = tpu.vector_load_idx %parallel_loop3A_788[%parallel_loop3A_774] : memref<10000xf32, #tpu.memory_space<vmem>>[vector<16xi32>], vector<16xf32>,
        %parallel_loop3A_790 = arith.constant 50000 : i32
        %parallel_loop3A_791 = tpu.memref_slice %arg7[%parallel_loop3A_790] : memref<90000xf32, #tpu.memory_space<vmem>> -> memref<10000xf32, #tpu.memory_space<vmem>>
        %parallel_loop3A_792 = tpu.vector_load_idx %parallel_loop3A_791[%parallel_loop3A_774] : memref<10000xf32, #tpu.memory_space<vmem>>[vector<16xi32>], vector<16xf32>,
        %parallel_loop3A_793 = arith.constant 60000 : i32
        %parallel_loop3A_794 = tpu.memref_slice %arg7[%parallel_loop3A_793] : memref<90000xf32, #tpu.memory_space<vmem>> -> memref<10000xf32, #tpu.memory_space<vmem>>
        %parallel_loop3A_795 = tpu.vector_load_idx %parallel_loop3A_794[%parallel_loop3A_774] : memref<10000xf32, #tpu.memory_space<vmem>>[vector<16xi32>], vector<16xf32>,
        %parallel_loop3A_796 = arith.constant 70000 : i32
        %parallel_loop3A_797 = tpu.memref_slice %arg7[%parallel_loop3A_796] : memref<90000xf32, #tpu.memory_space<vmem>> -> memref<10000xf32, #tpu.memory_space<vmem>>
        %parallel_loop3A_798 = tpu.vector_load_idx %parallel_loop3A_797[%parallel_loop3A_774] : memref<10000xf32, #tpu.memory_space<vmem>>[vector<16xi32>], vector<16xf32>,
        %parallel_loop3A_799 = arith.constant 80000 : i32
        %parallel_loop3A_800 = tpu.memref_slice %arg7[%parallel_loop3A_799] : memref<90000xf32, #tpu.memory_space<vmem>> -> memref<10000xf32, #tpu.memory_space<vmem>>
        %parallel_loop3A_801 = tpu.vector_load_idx %parallel_loop3A_800[%parallel_loop3A_774] : memref<10000xf32, #tpu.memory_space<vmem>>[vector<16xi32>], vector<16xf32>,
        %parallel_loop3A_802 = arith.mulf %parallel_loop3A_763, %parallel_loop3A_777 : vector<16xf32>
        %parallel_loop3A_803 = arith.mulf %parallel_loop3A_768, %parallel_loop3A_780 : vector<16xf32>
        %parallel_loop3A_804 = arith.addf %parallel_loop3A_802, %parallel_loop3A_803 : vector<16xf32>
        %parallel_loop3A_805 = arith.addf %parallel_loop3A_804, %parallel_loop3A_783 : vector<16xf32>
        %parallel_loop3A_806 = arith.mulf %parallel_loop3A_763, %parallel_loop3A_786 : vector<16xf32>
        %parallel_loop3A_807 = arith.mulf %parallel_loop3A_768, %parallel_loop3A_789 : vector<16xf32>
        %parallel_loop3A_808 = arith.addf %parallel_loop3A_806, %parallel_loop3A_807 : vector<16xf32>
        %parallel_loop3A_809 = arith.addf %parallel_loop3A_808, %parallel_loop3A_792 : vector<16xf32>
        %parallel_loop3A_810 = arith.mulf %parallel_loop3A_763, %parallel_loop3A_795 : vector<16xf32>
        %parallel_loop3A_811 = arith.mulf %parallel_loop3A_768, %parallel_loop3A_798 : vector<16xf32>
        %parallel_loop3A_812 = arith.addf %parallel_loop3A_810, %parallel_loop3A_811 : vector<16xf32>
        %parallel_loop3A_813 = arith.addf %parallel_loop3A_812, %parallel_loop3A_801 : vector<16xf32>
        %parallel_loop3A_814 = vector.bitcast %parallel_loop3A_813 : vector<16xf32> to vector<16xi32>
        %parallel_loop3A_815 = math.absf %parallel_loop3A_813 : vector<16xf32>
        %parallel_loop3A_816 = arith.constant 9.99999997E-7 : f32
        %parallel_loop3A_817 = vector.broadcast %parallel_loop3A_816 : f32 to vector<16xf32>
        %parallel_loop3A_818 = arith.maximumf %parallel_loop3A_815, %parallel_loop3A_817 : vector<16xf32>
        %parallel_loop3A_819 = vector.bitcast %parallel_loop3A_818 : vector<16xf32> to vector<16xi32>
        %parallel_loop3A_820 = arith.constant -2147483648 : i32
        %parallel_loop3A_821 = vector.broadcast %parallel_loop3A_820 : i32 to vector<16xi32>
        %parallel_loop3A_822 = arith.andi %parallel_loop3A_814, %parallel_loop3A_821 : vector<16xi32>
        %parallel_loop3A_823 = arith.ori %parallel_loop3A_822, %parallel_loop3A_819 : vector<16xi32>
        %parallel_loop3A_824 = arith.constant 0.000000e+00 : f32
        %parallel_loop3A_825 = vector.broadcast %parallel_loop3A_824 : f32 to vector<16xf32>
        %parallel_loop3A_826 = arith.cmpf oeq, %parallel_loop3A_813, %parallel_loop3A_825 : vector<16xf32>
        %parallel_loop3A_827 = vector.bitcast %parallel_loop3A_823 : vector<16xi32> to vector<16xf32>
        %parallel_loop3A_828 = arith.constant 0.000000e+00 : f32
        %parallel_loop3A_829 = vector.broadcast %parallel_loop3A_828 : f32 to vector<16xf32>
        %parallel_loop3A_830 = arith.select %parallel_loop3A_826, %parallel_loop3A_829, %parallel_loop3A_827 : vector<16xi1>, vector<16xf32>
        %parallel_loop3A_831 = arith.divf %parallel_loop3A_805, %parallel_loop3A_830 : vector<16xf32>
        %parallel_loop3A_832 = arith.constant 0 : i32
        %parallel_loop3A_833 = arith.index_cast %parallel_loop3A_128 : i32 to index
        %parallel_loop3A_834 = arith.index_cast %parallel_loop3A_832 : i32 to index
        %parallel_loop3A_835 = arith.constant 112 : index
        %parallel_loop3A_836 = tpu.vector_load %arg12[%parallel_loop3A_833, %parallel_loop3A_834, %parallel_loop3A_835] {strides = array<i32>} : memref<16x2x128xf32, #tpu.memory_space<vmem>>, vector<16xf32>,
        tpu.vector_store %arg12[%parallel_loop3A_833, %parallel_loop3A_834, %parallel_loop3A_835], %parallel_loop3A_831 {strides = array<i32>} : memref<16x2x128xf32, #tpu.memory_space<vmem>>, vector<16xf32>,
        %parallel_loop3A_837 = arith.divf %parallel_loop3A_809, %parallel_loop3A_830 : vector<16xf32>
        %parallel_loop3A_838 = arith.constant 1 : i32
        %parallel_loop3A_839 = arith.index_cast %parallel_loop3A_128 : i32 to index
        %parallel_loop3A_840 = arith.index_cast %parallel_loop3A_838 : i32 to index
        %parallel_loop3A_841 = arith.constant 112 : index
        %parallel_loop3A_842 = tpu.vector_load %arg12[%parallel_loop3A_839, %parallel_loop3A_840, %parallel_loop3A_841] {strides = array<i32>} : memref<16x2x128xf32, #tpu.memory_space<vmem>>, vector<16xf32>,
        tpu.vector_store %arg12[%parallel_loop3A_839, %parallel_loop3A_840, %parallel_loop3A_841], %parallel_loop3A_837 {strides = array<i32>} : memref<16x2x128xf32, #tpu.memory_space<vmem>>, vector<16xf32>,
        %parallel_loop3A_843 = arith.constant 128 : i32
        %parallel_loop3A_844 = arith.muli %parallel_loop3A_128, %parallel_loop3A_843 : i32
        %parallel_loop3A_845 = arith.constant 112 : i32
        %parallel_loop3A_846 = arith.addi %parallel_loop3A_844, %parallel_loop3A_845 : i32
        %parallel_loop3A_847 = arith.index_cast %parallel_loop3A_846 : i32 to index
        %parallel_loop3A_848 = tpu.vector_load %arg14[%parallel_loop3A_847] {strides = array<i32>} : memref<2048xf32, #tpu.memory_space<vmem>>, vector<16xf32>,
        tpu.vector_store %arg14[%parallel_loop3A_847], %parallel_loop3A_813 {strides = array<i32>} : memref<2048xf32, #tpu.memory_space<vmem>>, vector<16xf32>,
      } {sc.loop_unroll_factor = 1 : i64, sc.parallel_access}
      %mul3A_70 = arith.constant 16 : i32
      %mul3A_71 = arith.muli %add3A_46, %mul3A_70 : i32
      %add3A_72 = arith.addi %mul3A_2, %mul3A_71 : i32
      %dma_start3A_73 = arith.constant 0 : i32
      %dma_start3A_74 = arith.constant 0 : i32
      %dma_start3A_75 = tpu.memref_slice %arg5[%add3A_72, %dma_start3A_73, %dma_start3A_74] : memref<8192x2x128xf32, #tpu.memory_space<hbm>> -> memref<16x2x128xf32, #tpu.memory_space<hbm>>
      %dma_start3A_76 = arith.constant 0 : i32
      %dma_start3A_77 = arith.constant 0 : i32
      %dma_start3A_78 = tpu.memref_slice %arg5[%add3A_72, %dma_start3A_76, %dma_start3A_77] : memref<8192x2x128xf32, #tpu.memory_space<hbm>> -> memref<16x2x128xf32, #tpu.memory_space<hbm>>
      tpu.enqueue_dma source(%arg12 : memref<16x2x128xf32, #tpu.memory_space<vmem>>) target(%dma_start3A_78 : memref<16x2x128xf32, #tpu.memory_space<hbm>>) target_semaphore(%arg18 : memref<!tpu.dma_semaphore, #tpu.memory_space<semaphore_mem>>)
      %mul3A_79 = arith.constant 128 : i32
      %mul3A_80 = arith.muli %add3A_72, %mul3A_79 : i32
      %dma_start3A_81 = tpu.memref_slice %arg6[%mul3A_80] : memref<1048576xf32, #tpu.memory_space<hbm>> -> memref<2048xf32, #tpu.memory_space<hbm>>
      %dma_start3A_82 = tpu.memref_slice %arg6[%mul3A_80] : memref<1048576xf32, #tpu.memory_space<hbm>> -> memref<2048xf32, #tpu.memory_space<hbm>>
      tpu.enqueue_dma source(%arg14 : memref<2048xf32, #tpu.memory_space<vmem>>) target(%dma_start3A_82 : memref<2048xf32, #tpu.memory_space<hbm>>) target_semaphore(%arg18 : memref<!tpu.dma_semaphore, #tpu.memory_space<semaphore_mem>>)
      %mul3A_83 = arith.constant 2 : i32
      %mul3A_84 = arith.muli %mul3A_83, %scan3A_42 : i32
      %add3A_85 = arith.constant 1 : i32
      %add3A_86 = arith.addi %mul3A_84, %add3A_85 : i32
      %add3A_87 = arith.constant 1 : i32
      %add3A_88 = arith.addi %add3A_86, %add3A_87 : i32
      %lt3A_89 = arith.constant 16 : i32
      %lt3A_90 = arith.cmpi slt, %add3A_88, %lt3A_89 : i32
      %convert_element_type3A_91 = arith.extui %lt3A_90 : i1 to i32
      %cond3A_92 = arith.constant 0 : i32
      %cond3A_93 = arith.cmpi ne, %convert_element_type3A_91, %cond3A_92 : i32
      scf.if %cond3A_93 {
        %mul3A_128 = arith.constant 16 : i32
        %mul3A_129 = arith.muli %add3A_88, %mul3A_128 : i32
        %add3A_130 = arith.addi %mul3A_2, %mul3A_129 : i32
        %mul3A_131 = arith.constant 128 : i32
        %mul3A_132 = arith.muli %add3A_130, %mul3A_131 : i32
        %dma_start3A_133 = tpu.memref_slice %arg4[%mul3A_132] : memref<1048576xi32, #tpu.memory_space<hbm>> -> memref<2048xi32, #tpu.memory_space<hbm>>
        %dma_start3A_134 = tpu.memref_slice %arg4[%mul3A_132] : memref<1048576xi32, #tpu.memory_space<hbm>> -> memref<2048xi32, #tpu.memory_space<hbm>>
        tpu.enqueue_dma source(%dma_start3A_134 : memref<2048xi32, #tpu.memory_space<hbm>>) target(%arg8 : memref<2048xi32, #tpu.memory_space<vmem>>) target_semaphore(%arg16 : memref<!tpu.dma_semaphore, #tpu.memory_space<semaphore_mem>>)
        %dma_start3A_135 = arith.constant 0 : i32
        %dma_start3A_136 = arith.constant 0 : i32
        %dma_start3A_137 = tpu.memref_slice %arg3[%add3A_130, %dma_start3A_135, %dma_start3A_136] : memref<8192x2x128xf32, #tpu.memory_space<hbm>> -> memref<16x2x128xf32, #tpu.memory_space<hbm>>
        %dma_start3A_138 = arith.constant 0 : i32
        %dma_start3A_139 = arith.constant 0 : i32
        %dma_start3A_140 = tpu.memref_slice %arg3[%add3A_130, %dma_start3A_138, %dma_start3A_139] : memref<8192x2x128xf32, #tpu.memory_space<hbm>> -> memref<16x2x128xf32, #tpu.memory_space<hbm>>
        tpu.enqueue_dma source(%dma_start3A_140 : memref<16x2x128xf32, #tpu.memory_space<hbm>>) target(%arg10 : memref<16x2x128xf32, #tpu.memory_space<vmem>>) target_semaphore(%arg16 : memref<!tpu.dma_semaphore, #tpu.memory_space<semaphore_mem>>)
      } else {
      }
      %mul3A_94 = arith.constant 16 : i32
      %mul3A_95 = arith.muli %add3A_86, %mul3A_94 : i32
      %add3A_96 = arith.addi %mul3A_2, %mul3A_95 : i32
      %mul3A_97 = arith.constant 128 : i32
      %mul3A_98 = arith.muli %add3A_96, %mul3A_97 : i32
      %dma_wait3A_99 = tpu.memref_slice %arg4[%mul3A_98] : memref<1048576xi32, #tpu.memory_space<hbm>> -> memref<2048xi32, #tpu.memory_space<hbm>>
      %dma_wait3A_100 = tpu.memref_slice %arg4[%mul3A_98] : memref<1048576xi32, #tpu.memory_space<hbm>> -> memref<2048xi32, #tpu.memory_space<hbm>>
      tpu.wait_dma2 semaphore(%arg17 : memref<!tpu.dma_semaphore, #tpu.memory_space<semaphore_mem>>) src(%dma_wait3A_100 : memref<2048xi32, #tpu.memory_space<hbm>>) dst(%arg9 : memref<2048xi32, #tpu.memory_space<vmem>>)
      %dma_wait3A_101 = arith.constant 0 : i32
      %dma_wait3A_102 = arith.constant 0 : i32
      %dma_wait3A_103 = tpu.memref_slice %arg3[%add3A_96, %dma_wait3A_101, %dma_wait3A_102] : memref<8192x2x128xf32, #tpu.memory_space<hbm>> -> memref<16x2x128xf32, #tpu.memory_space<hbm>>
      %dma_wait3A_104 = arith.constant 0 : i32
      %dma_wait3A_105 = arith.constant 0 : i32
      %dma_wait3A_106 = tpu.memref_slice %arg3[%add3A_96, %dma_wait3A_104, %dma_wait3A_105] : memref<8192x2x128xf32, #tpu.memory_space<hbm>> -> memref<16x2x128xf32, #tpu.memory_space<hbm>>
      tpu.wait_dma2 semaphore(%arg17 : memref<!tpu.dma_semaphore, #tpu.memory_space<semaphore_mem>>) src(%dma_wait3A_106 : memref<16x2x128xf32, #tpu.memory_space<hbm>>) dst(%arg11 : memref<16x2x128xf32, #tpu.memory_space<vmem>>)
      %ge3A_107 = arith.constant 2 : i32
      %ge3A_108 = arith.cmpi sge, %add3A_86, %ge3A_107 : i32
      %convert_element_type3A_109 = arith.extui %ge3A_108 : i1 to i32
      %cond3A_110 = arith.constant 0 : i32
      %cond3A_111 = arith.cmpi ne, %convert_element_type3A_109, %cond3A_110 : i32
      scf.if %cond3A_111 {
        %sub3A = arith.constant 2 : i32
        %sub3A_128 = arith.subi %add3A_86, %sub3A : i32
        %mul3A_129 = arith.constant 16 : i32
        %mul3A_130 = arith.muli %sub3A_128, %mul3A_129 : i32
        %add3A_131 = arith.addi %mul3A_2, %mul3A_130 : i32
        %dma_wait3A_132 = arith.constant 0 : i32
        %dma_wait3A_133 = arith.constant 0 : i32
        %dma_wait3A_134 = tpu.memref_slice %arg5[%add3A_131, %dma_wait3A_132, %dma_wait3A_133] : memref<8192x2x128xf32, #tpu.memory_space<hbm>> -> memref<16x2x128xf32, #tpu.memory_space<hbm>>
        %dma_wait3A_135 = arith.constant 0 : i32
        %dma_wait3A_136 = arith.constant 0 : i32
        %dma_wait3A_137 = tpu.memref_slice %arg5[%add3A_131, %dma_wait3A_135, %dma_wait3A_136] : memref<8192x2x128xf32, #tpu.memory_space<hbm>> -> memref<16x2x128xf32, #tpu.memory_space<hbm>>
        tpu.wait_dma2 semaphore(%arg19 : memref<!tpu.dma_semaphore, #tpu.memory_space<semaphore_mem>>) src(%arg13 : memref<16x2x128xf32, #tpu.memory_space<vmem>>) dst(%dma_wait3A_137 : memref<16x2x128xf32, #tpu.memory_space<hbm>>)
        %mul3A_138 = arith.constant 128 : i32
        %mul3A_139 = arith.muli %add3A_131, %mul3A_138 : i32
        %dma_wait3A_140 = tpu.memref_slice %arg6[%mul3A_139] : memref<1048576xf32, #tpu.memory_space<hbm>> -> memref<2048xf32, #tpu.memory_space<hbm>>
        %dma_wait3A_141 = tpu.memref_slice %arg6[%mul3A_139] : memref<1048576xf32, #tpu.memory_space<hbm>> -> memref<2048xf32, #tpu.memory_space<hbm>>
        tpu.wait_dma2 semaphore(%arg19 : memref<!tpu.dma_semaphore, #tpu.memory_space<semaphore_mem>>) src(%arg15 : memref<2048xf32, #tpu.memory_space<vmem>>) dst(%dma_wait3A_141 : memref<2048xf32, #tpu.memory_space<hbm>>)
      } else {
      }
      %parallel_loop3A_112 = arith.constant 0 : i32
      %parallel_loop3A_113 = arith.constant 16 : i32
      %parallel_loop3A_114 = arith.constant 1 : i32
      scf.for %parallel_loop3A_128 = %parallel_loop3A_112 to %parallel_loop3A_113 step %parallel_loop3A_114  : i32 {
        %parallel_loop3A_129 = arith.constant 0 : i32
        %parallel_loop3A_130 = arith.index_cast %parallel_loop3A_128 : i32 to index
        %parallel_loop3A_131 = arith.index_cast %parallel_loop3A_129 : i32 to index
        %parallel_loop3A_132 = arith.constant 0 : index
        %parallel_loop3A_133 = tpu.vector_load %arg11[%parallel_loop3A_130, %parallel_loop3A_131, %parallel_loop3A_132] {strides = array<i32>} : memref<16x2x128xf32, #tpu.memory_space<vmem>>, vector<16xf32>,
        %parallel_loop3A_134 = arith.constant 1 : i32
        %parallel_loop3A_135 = arith.index_cast %parallel_loop3A_128 : i32 to index
        %parallel_loop3A_136 = arith.index_cast %parallel_loop3A_134 : i32 to index
        %parallel_loop3A_137 = arith.constant 0 : index
        %parallel_loop3A_138 = tpu.vector_load %arg11[%parallel_loop3A_135, %parallel_loop3A_136, %parallel_loop3A_137] {strides = array<i32>} : memref<16x2x128xf32, #tpu.memory_space<vmem>>, vector<16xf32>,
        %parallel_loop3A_139 = arith.constant 128 : i32
        %parallel_loop3A_140 = arith.muli %parallel_loop3A_128, %parallel_loop3A_139 : i32
        %parallel_loop3A_141 = arith.constant 0 : i32
        %parallel_loop3A_142 = arith.addi %parallel_loop3A_140, %parallel_loop3A_141 : i32
        %parallel_loop3A_143 = arith.index_cast %parallel_loop3A_142 : i32 to index
        %parallel_loop3A_144 = tpu.vector_load %arg9[%parallel_loop3A_143] {strides = array<i32>} : memref<2048xi32, #tpu.memory_space<vmem>>, vector<16xi32>,
        %parallel_loop3A_145 = arith.constant 0 : i32
        %parallel_loop3A_146 = tpu.memref_slice %arg7[%parallel_loop3A_145] : memref<90000xf32, #tpu.memory_space<vmem>> -> memref<10000xf32, #tpu.memory_space<vmem>>
        %parallel_loop3A_147 = tpu.vector_load_idx %parallel_loop3A_146[%parallel_loop3A_144] : memref<10000xf32, #tpu.memory_space<vmem>>[vector<16xi32>], vector<16xf32>,
        %parallel_loop3A_148 = arith.constant 10000 : i32
        %parallel_loop3A_149 = tpu.memref_slice %arg7[%parallel_loop3A_148] : memref<90000xf32, #tpu.memory_space<vmem>> -> memref<10000xf32, #tpu.memory_space<vmem>>
        %parallel_loop3A_150 = tpu.vector_load_idx %parallel_loop3A_149[%parallel_loop3A_144] : memref<10000xf32, #tpu.memory_space<vmem>>[vector<16xi32>], vector<16xf32>,
        %parallel_loop3A_151 = arith.constant 20000 : i32
        %parallel_loop3A_152 = tpu.memref_slice %arg7[%parallel_loop3A_151] : memref<90000xf32, #tpu.memory_space<vmem>> -> memref<10000xf32, #tpu.memory_space<vmem>>
        %parallel_loop3A_153 = tpu.vector_load_idx %parallel_loop3A_152[%parallel_loop3A_144] : memref<10000xf32, #tpu.memory_space<vmem>>[vector<16xi32>], vector<16xf32>,
        %parallel_loop3A_154 = arith.constant 30000 : i32
        %parallel_loop3A_155 = tpu.memref_slice %arg7[%parallel_loop3A_154] : memref<90000xf32, #tpu.memory_space<vmem>> -> memref<10000xf32, #tpu.memory_space<vmem>>
        %parallel_loop3A_156 = tpu.vector_load_idx %parallel_loop3A_155[%parallel_loop3A_144] : memref<10000xf32, #tpu.memory_space<vmem>>[vector<16xi32>], vector<16xf32>,
        %parallel_loop3A_157 = arith.constant 40000 : i32
        %parallel_loop3A_158 = tpu.memref_slice %arg7[%parallel_loop3A_157] : memref<90000xf32, #tpu.memory_space<vmem>> -> memref<10000xf32, #tpu.memory_space<vmem>>
        %parallel_loop3A_159 = tpu.vector_load_idx %parallel_loop3A_158[%parallel_loop3A_144] : memref<10000xf32, #tpu.memory_space<vmem>>[vector<16xi32>], vector<16xf32>,
        %parallel_loop3A_160 = arith.constant 50000 : i32
        %parallel_loop3A_161 = tpu.memref_slice %arg7[%parallel_loop3A_160] : memref<90000xf32, #tpu.memory_space<vmem>> -> memref<10000xf32, #tpu.memory_space<vmem>>
        %parallel_loop3A_162 = tpu.vector_load_idx %parallel_loop3A_161[%parallel_loop3A_144] : memref<10000xf32, #tpu.memory_space<vmem>>[vector<16xi32>], vector<16xf32>,
        %parallel_loop3A_163 = arith.constant 60000 : i32
        %parallel_loop3A_164 = tpu.memref_slice %arg7[%parallel_loop3A_163] : memref<90000xf32, #tpu.memory_space<vmem>> -> memref<10000xf32, #tpu.memory_space<vmem>>
        %parallel_loop3A_165 = tpu.vector_load_idx %parallel_loop3A_164[%parallel_loop3A_144] : memref<10000xf32, #tpu.memory_space<vmem>>[vector<16xi32>], vector<16xf32>,
        %parallel_loop3A_166 = arith.constant 70000 : i32
        %parallel_loop3A_167 = tpu.memref_slice %arg7[%parallel_loop3A_166] : memref<90000xf32, #tpu.memory_space<vmem>> -> memref<10000xf32, #tpu.memory_space<vmem>>
        %parallel_loop3A_168 = tpu.vector_load_idx %parallel_loop3A_167[%parallel_loop3A_144] : memref<10000xf32, #tpu.memory_space<vmem>>[vector<16xi32>], vector<16xf32>,
        %parallel_loop3A_169 = arith.constant 80000 : i32
        %parallel_loop3A_170 = tpu.memref_slice %arg7[%parallel_loop3A_169] : memref<90000xf32, #tpu.memory_space<vmem>> -> memref<10000xf32, #tpu.memory_space<vmem>>
        %parallel_loop3A_171 = tpu.vector_load_idx %parallel_loop3A_170[%parallel_loop3A_144] : memref<10000xf32, #tpu.memory_space<vmem>>[vector<16xi32>], vector<16xf32>,
        %parallel_loop3A_172 = arith.mulf %parallel_loop3A_133, %parallel_loop3A_147 : vector<16xf32>
        %parallel_loop3A_173 = arith.mulf %parallel_loop3A_138, %parallel_loop3A_150 : vector<16xf32>
        %parallel_loop3A_174 = arith.addf %parallel_loop3A_172, %parallel_loop3A_173 : vector<16xf32>
        %parallel_loop3A_175 = arith.addf %parallel_loop3A_174, %parallel_loop3A_153 : vector<16xf32>
        %parallel_loop3A_176 = arith.mulf %parallel_loop3A_133, %parallel_loop3A_156 : vector<16xf32>
        %parallel_loop3A_177 = arith.mulf %parallel_loop3A_138, %parallel_loop3A_159 : vector<16xf32>
        %parallel_loop3A_178 = arith.addf %parallel_loop3A_176, %parallel_loop3A_177 : vector<16xf32>
        %parallel_loop3A_179 = arith.addf %parallel_loop3A_178, %parallel_loop3A_162 : vector<16xf32>
        %parallel_loop3A_180 = arith.mulf %parallel_loop3A_133, %parallel_loop3A_165 : vector<16xf32>
        %parallel_loop3A_181 = arith.mulf %parallel_loop3A_138, %parallel_loop3A_168 : vector<16xf32>
        %parallel_loop3A_182 = arith.addf %parallel_loop3A_180, %parallel_loop3A_181 : vector<16xf32>
        %parallel_loop3A_183 = arith.addf %parallel_loop3A_182, %parallel_loop3A_171 : vector<16xf32>
        %parallel_loop3A_184 = vector.bitcast %parallel_loop3A_183 : vector<16xf32> to vector<16xi32>
        %parallel_loop3A_185 = math.absf %parallel_loop3A_183 : vector<16xf32>
        %parallel_loop3A_186 = arith.constant 9.99999997E-7 : f32
        %parallel_loop3A_187 = vector.broadcast %parallel_loop3A_186 : f32 to vector<16xf32>
        %parallel_loop3A_188 = arith.maximumf %parallel_loop3A_185, %parallel_loop3A_187 : vector<16xf32>
        %parallel_loop3A_189 = vector.bitcast %parallel_loop3A_188 : vector<16xf32> to vector<16xi32>
        %parallel_loop3A_190 = arith.constant -2147483648 : i32
        %parallel_loop3A_191 = vector.broadcast %parallel_loop3A_190 : i32 to vector<16xi32>
        %parallel_loop3A_192 = arith.andi %parallel_loop3A_184, %parallel_loop3A_191 : vector<16xi32>
        %parallel_loop3A_193 = arith.ori %parallel_loop3A_192, %parallel_loop3A_189 : vector<16xi32>
        %parallel_loop3A_194 = arith.constant 0.000000e+00 : f32
        %parallel_loop3A_195 = vector.broadcast %parallel_loop3A_194 : f32 to vector<16xf32>
        %parallel_loop3A_196 = arith.cmpf oeq, %parallel_loop3A_183, %parallel_loop3A_195 : vector<16xf32>
        %parallel_loop3A_197 = vector.bitcast %parallel_loop3A_193 : vector<16xi32> to vector<16xf32>
        %parallel_loop3A_198 = arith.constant 0.000000e+00 : f32
        %parallel_loop3A_199 = vector.broadcast %parallel_loop3A_198 : f32 to vector<16xf32>
        %parallel_loop3A_200 = arith.select %parallel_loop3A_196, %parallel_loop3A_199, %parallel_loop3A_197 : vector<16xi1>, vector<16xf32>
        %parallel_loop3A_201 = arith.divf %parallel_loop3A_175, %parallel_loop3A_200 : vector<16xf32>
        %parallel_loop3A_202 = arith.constant 0 : i32
        %parallel_loop3A_203 = arith.index_cast %parallel_loop3A_128 : i32 to index
        %parallel_loop3A_204 = arith.index_cast %parallel_loop3A_202 : i32 to index
        %parallel_loop3A_205 = arith.constant 0 : index
        %parallel_loop3A_206 = tpu.vector_load %arg13[%parallel_loop3A_203, %parallel_loop3A_204, %parallel_loop3A_205] {strides = array<i32>} : memref<16x2x128xf32, #tpu.memory_space<vmem>>, vector<16xf32>,
        tpu.vector_store %arg13[%parallel_loop3A_203, %parallel_loop3A_204, %parallel_loop3A_205], %parallel_loop3A_201 {strides = array<i32>} : memref<16x2x128xf32, #tpu.memory_space<vmem>>, vector<16xf32>,
        %parallel_loop3A_207 = arith.divf %parallel_loop3A_179, %parallel_loop3A_200 : vector<16xf32>
        %parallel_loop3A_208 = arith.constant 1 : i32
        %parallel_loop3A_209 = arith.index_cast %parallel_loop3A_128 : i32 to index
        %parallel_loop3A_210 = arith.index_cast %parallel_loop3A_208 : i32 to index
        %parallel_loop3A_211 = arith.constant 0 : index
        %parallel_loop3A_212 = tpu.vector_load %arg13[%parallel_loop3A_209, %parallel_loop3A_210, %parallel_loop3A_211] {strides = array<i32>} : memref<16x2x128xf32, #tpu.memory_space<vmem>>, vector<16xf32>,
        tpu.vector_store %arg13[%parallel_loop3A_209, %parallel_loop3A_210, %parallel_loop3A_211], %parallel_loop3A_207 {strides = array<i32>} : memref<16x2x128xf32, #tpu.memory_space<vmem>>, vector<16xf32>,
        %parallel_loop3A_213 = arith.constant 128 : i32
        %parallel_loop3A_214 = arith.muli %parallel_loop3A_128, %parallel_loop3A_213 : i32
        %parallel_loop3A_215 = arith.constant 0 : i32
        %parallel_loop3A_216 = arith.addi %parallel_loop3A_214, %parallel_loop3A_215 : i32
        %parallel_loop3A_217 = arith.index_cast %parallel_loop3A_216 : i32 to index
        %parallel_loop3A_218 = tpu.vector_load %arg15[%parallel_loop3A_217] {strides = array<i32>} : memref<2048xf32, #tpu.memory_space<vmem>>, vector<16xf32>,
        tpu.vector_store %arg15[%parallel_loop3A_217], %parallel_loop3A_183 {strides = array<i32>} : memref<2048xf32, #tpu.memory_space<vmem>>, vector<16xf32>,
        %parallel_loop3A_219 = arith.constant 0 : i32
        %parallel_loop3A_220 = arith.index_cast %parallel_loop3A_128 : i32 to index
        %parallel_loop3A_221 = arith.index_cast %parallel_loop3A_219 : i32 to index
        %parallel_loop3A_222 = arith.constant 16 : index
        %parallel_loop3A_223 = tpu.vector_load %arg11[%parallel_loop3A_220, %parallel_loop3A_221, %parallel_loop3A_222] {strides = array<i32>} : memref<16x2x128xf32, #tpu.memory_space<vmem>>, vector<16xf32>,
        %parallel_loop3A_224 = arith.constant 1 : i32
        %parallel_loop3A_225 = arith.index_cast %parallel_loop3A_128 : i32 to index
        %parallel_loop3A_226 = arith.index_cast %parallel_loop3A_224 : i32 to index
        %parallel_loop3A_227 = arith.constant 16 : index
        %parallel_loop3A_228 = tpu.vector_load %arg11[%parallel_loop3A_225, %parallel_loop3A_226, %parallel_loop3A_227] {strides = array<i32>} : memref<16x2x128xf32, #tpu.memory_space<vmem>>, vector<16xf32>,
        %parallel_loop3A_229 = arith.constant 128 : i32
        %parallel_loop3A_230 = arith.muli %parallel_loop3A_128, %parallel_loop3A_229 : i32
        %parallel_loop3A_231 = arith.constant 16 : i32
        %parallel_loop3A_232 = arith.addi %parallel_loop3A_230, %parallel_loop3A_231 : i32
        %parallel_loop3A_233 = arith.index_cast %parallel_loop3A_232 : i32 to index
        %parallel_loop3A_234 = tpu.vector_load %arg9[%parallel_loop3A_233] {strides = array<i32>} : memref<2048xi32, #tpu.memory_space<vmem>>, vector<16xi32>,
        %parallel_loop3A_235 = arith.constant 0 : i32
        %parallel_loop3A_236 = tpu.memref_slice %arg7[%parallel_loop3A_235] : memref<90000xf32, #tpu.memory_space<vmem>> -> memref<10000xf32, #tpu.memory_space<vmem>>
        %parallel_loop3A_237 = tpu.vector_load_idx %parallel_loop3A_236[%parallel_loop3A_234] : memref<10000xf32, #tpu.memory_space<vmem>>[vector<16xi32>], vector<16xf32>,
        %parallel_loop3A_238 = arith.constant 10000 : i32
        %parallel_loop3A_239 = tpu.memref_slice %arg7[%parallel_loop3A_238] : memref<90000xf32, #tpu.memory_space<vmem>> -> memref<10000xf32, #tpu.memory_space<vmem>>
        %parallel_loop3A_240 = tpu.vector_load_idx %parallel_loop3A_239[%parallel_loop3A_234] : memref<10000xf32, #tpu.memory_space<vmem>>[vector<16xi32>], vector<16xf32>,
        %parallel_loop3A_241 = arith.constant 20000 : i32
        %parallel_loop3A_242 = tpu.memref_slice %arg7[%parallel_loop3A_241] : memref<90000xf32, #tpu.memory_space<vmem>> -> memref<10000xf32, #tpu.memory_space<vmem>>
        %parallel_loop3A_243 = tpu.vector_load_idx %parallel_loop3A_242[%parallel_loop3A_234] : memref<10000xf32, #tpu.memory_space<vmem>>[vector<16xi32>], vector<16xf32>,
        %parallel_loop3A_244 = arith.constant 30000 : i32
        %parallel_loop3A_245 = tpu.memref_slice %arg7[%parallel_loop3A_244] : memref<90000xf32, #tpu.memory_space<vmem>> -> memref<10000xf32, #tpu.memory_space<vmem>>
        %parallel_loop3A_246 = tpu.vector_load_idx %parallel_loop3A_245[%parallel_loop3A_234] : memref<10000xf32, #tpu.memory_space<vmem>>[vector<16xi32>], vector<16xf32>,
        %parallel_loop3A_247 = arith.constant 40000 : i32
        %parallel_loop3A_248 = tpu.memref_slice %arg7[%parallel_loop3A_247] : memref<90000xf32, #tpu.memory_space<vmem>> -> memref<10000xf32, #tpu.memory_space<vmem>>
        %parallel_loop3A_249 = tpu.vector_load_idx %parallel_loop3A_248[%parallel_loop3A_234] : memref<10000xf32, #tpu.memory_space<vmem>>[vector<16xi32>], vector<16xf32>,
        %parallel_loop3A_250 = arith.constant 50000 : i32
        %parallel_loop3A_251 = tpu.memref_slice %arg7[%parallel_loop3A_250] : memref<90000xf32, #tpu.memory_space<vmem>> -> memref<10000xf32, #tpu.memory_space<vmem>>
        %parallel_loop3A_252 = tpu.vector_load_idx %parallel_loop3A_251[%parallel_loop3A_234] : memref<10000xf32, #tpu.memory_space<vmem>>[vector<16xi32>], vector<16xf32>,
        %parallel_loop3A_253 = arith.constant 60000 : i32
        %parallel_loop3A_254 = tpu.memref_slice %arg7[%parallel_loop3A_253] : memref<90000xf32, #tpu.memory_space<vmem>> -> memref<10000xf32, #tpu.memory_space<vmem>>
        %parallel_loop3A_255 = tpu.vector_load_idx %parallel_loop3A_254[%parallel_loop3A_234] : memref<10000xf32, #tpu.memory_space<vmem>>[vector<16xi32>], vector<16xf32>,
        %parallel_loop3A_256 = arith.constant 70000 : i32
        %parallel_loop3A_257 = tpu.memref_slice %arg7[%parallel_loop3A_256] : memref<90000xf32, #tpu.memory_space<vmem>> -> memref<10000xf32, #tpu.memory_space<vmem>>
        %parallel_loop3A_258 = tpu.vector_load_idx %parallel_loop3A_257[%parallel_loop3A_234] : memref<10000xf32, #tpu.memory_space<vmem>>[vector<16xi32>], vector<16xf32>,
        %parallel_loop3A_259 = arith.constant 80000 : i32
        %parallel_loop3A_260 = tpu.memref_slice %arg7[%parallel_loop3A_259] : memref<90000xf32, #tpu.memory_space<vmem>> -> memref<10000xf32, #tpu.memory_space<vmem>>
        %parallel_loop3A_261 = tpu.vector_load_idx %parallel_loop3A_260[%parallel_loop3A_234] : memref<10000xf32, #tpu.memory_space<vmem>>[vector<16xi32>], vector<16xf32>,
        %parallel_loop3A_262 = arith.mulf %parallel_loop3A_223, %parallel_loop3A_237 : vector<16xf32>
        %parallel_loop3A_263 = arith.mulf %parallel_loop3A_228, %parallel_loop3A_240 : vector<16xf32>
        %parallel_loop3A_264 = arith.addf %parallel_loop3A_262, %parallel_loop3A_263 : vector<16xf32>
        %parallel_loop3A_265 = arith.addf %parallel_loop3A_264, %parallel_loop3A_243 : vector<16xf32>
        %parallel_loop3A_266 = arith.mulf %parallel_loop3A_223, %parallel_loop3A_246 : vector<16xf32>
        %parallel_loop3A_267 = arith.mulf %parallel_loop3A_228, %parallel_loop3A_249 : vector<16xf32>
        %parallel_loop3A_268 = arith.addf %parallel_loop3A_266, %parallel_loop3A_267 : vector<16xf32>
        %parallel_loop3A_269 = arith.addf %parallel_loop3A_268, %parallel_loop3A_252 : vector<16xf32>
        %parallel_loop3A_270 = arith.mulf %parallel_loop3A_223, %parallel_loop3A_255 : vector<16xf32>
        %parallel_loop3A_271 = arith.mulf %parallel_loop3A_228, %parallel_loop3A_258 : vector<16xf32>
        %parallel_loop3A_272 = arith.addf %parallel_loop3A_270, %parallel_loop3A_271 : vector<16xf32>
        %parallel_loop3A_273 = arith.addf %parallel_loop3A_272, %parallel_loop3A_261 : vector<16xf32>
        %parallel_loop3A_274 = vector.bitcast %parallel_loop3A_273 : vector<16xf32> to vector<16xi32>
        %parallel_loop3A_275 = math.absf %parallel_loop3A_273 : vector<16xf32>
        %parallel_loop3A_276 = arith.constant 9.99999997E-7 : f32
        %parallel_loop3A_277 = vector.broadcast %parallel_loop3A_276 : f32 to vector<16xf32>
        %parallel_loop3A_278 = arith.maximumf %parallel_loop3A_275, %parallel_loop3A_277 : vector<16xf32>
        %parallel_loop3A_279 = vector.bitcast %parallel_loop3A_278 : vector<16xf32> to vector<16xi32>
        %parallel_loop3A_280 = arith.constant -2147483648 : i32
        %parallel_loop3A_281 = vector.broadcast %parallel_loop3A_280 : i32 to vector<16xi32>
        %parallel_loop3A_282 = arith.andi %parallel_loop3A_274, %parallel_loop3A_281 : vector<16xi32>
        %parallel_loop3A_283 = arith.ori %parallel_loop3A_282, %parallel_loop3A_279 : vector<16xi32>
        %parallel_loop3A_284 = arith.constant 0.000000e+00 : f32
        %parallel_loop3A_285 = vector.broadcast %parallel_loop3A_284 : f32 to vector<16xf32>
        %parallel_loop3A_286 = arith.cmpf oeq, %parallel_loop3A_273, %parallel_loop3A_285 : vector<16xf32>
        %parallel_loop3A_287 = vector.bitcast %parallel_loop3A_283 : vector<16xi32> to vector<16xf32>
        %parallel_loop3A_288 = arith.constant 0.000000e+00 : f32
        %parallel_loop3A_289 = vector.broadcast %parallel_loop3A_288 : f32 to vector<16xf32>
        %parallel_loop3A_290 = arith.select %parallel_loop3A_286, %parallel_loop3A_289, %parallel_loop3A_287 : vector<16xi1>, vector<16xf32>
        %parallel_loop3A_291 = arith.divf %parallel_loop3A_265, %parallel_loop3A_290 : vector<16xf32>
        %parallel_loop3A_292 = arith.constant 0 : i32
        %parallel_loop3A_293 = arith.index_cast %parallel_loop3A_128 : i32 to index
        %parallel_loop3A_294 = arith.index_cast %parallel_loop3A_292 : i32 to index
        %parallel_loop3A_295 = arith.constant 16 : index
        %parallel_loop3A_296 = tpu.vector_load %arg13[%parallel_loop3A_293, %parallel_loop3A_294, %parallel_loop3A_295] {strides = array<i32>} : memref<16x2x128xf32, #tpu.memory_space<vmem>>, vector<16xf32>,
        tpu.vector_store %arg13[%parallel_loop3A_293, %parallel_loop3A_294, %parallel_loop3A_295], %parallel_loop3A_291 {strides = array<i32>} : memref<16x2x128xf32, #tpu.memory_space<vmem>>, vector<16xf32>,
        %parallel_loop3A_297 = arith.divf %parallel_loop3A_269, %parallel_loop3A_290 : vector<16xf32>
        %parallel_loop3A_298 = arith.constant 1 : i32
        %parallel_loop3A_299 = arith.index_cast %parallel_loop3A_128 : i32 to index
        %parallel_loop3A_300 = arith.index_cast %parallel_loop3A_298 : i32 to index
        %parallel_loop3A_301 = arith.constant 16 : index
        %parallel_loop3A_302 = tpu.vector_load %arg13[%parallel_loop3A_299, %parallel_loop3A_300, %parallel_loop3A_301] {strides = array<i32>} : memref<16x2x128xf32, #tpu.memory_space<vmem>>, vector<16xf32>,
        tpu.vector_store %arg13[%parallel_loop3A_299, %parallel_loop3A_300, %parallel_loop3A_301], %parallel_loop3A_297 {strides = array<i32>} : memref<16x2x128xf32, #tpu.memory_space<vmem>>, vector<16xf32>,
        %parallel_loop3A_303 = arith.constant 128 : i32
        %parallel_loop3A_304 = arith.muli %parallel_loop3A_128, %parallel_loop3A_303 : i32
        %parallel_loop3A_305 = arith.constant 16 : i32
        %parallel_loop3A_306 = arith.addi %parallel_loop3A_304, %parallel_loop3A_305 : i32
        %parallel_loop3A_307 = arith.index_cast %parallel_loop3A_306 : i32 to index
        %parallel_loop3A_308 = tpu.vector_load %arg15[%parallel_loop3A_307] {strides = array<i32>} : memref<2048xf32, #tpu.memory_space<vmem>>, vector<16xf32>,
        tpu.vector_store %arg15[%parallel_loop3A_307], %parallel_loop3A_273 {strides = array<i32>} : memref<2048xf32, #tpu.memory_space<vmem>>, vector<16xf32>,
        %parallel_loop3A_309 = arith.constant 0 : i32
        %parallel_loop3A_310 = arith.index_cast %parallel_loop3A_128 : i32 to index
        %parallel_loop3A_311 = arith.index_cast %parallel_loop3A_309 : i32 to index
        %parallel_loop3A_312 = arith.constant 32 : index
        %parallel_loop3A_313 = tpu.vector_load %arg11[%parallel_loop3A_310, %parallel_loop3A_311, %parallel_loop3A_312] {strides = array<i32>} : memref<16x2x128xf32, #tpu.memory_space<vmem>>, vector<16xf32>,
        %parallel_loop3A_314 = arith.constant 1 : i32
        %parallel_loop3A_315 = arith.index_cast %parallel_loop3A_128 : i32 to index
        %parallel_loop3A_316 = arith.index_cast %parallel_loop3A_314 : i32 to index
        %parallel_loop3A_317 = arith.constant 32 : index
        %parallel_loop3A_318 = tpu.vector_load %arg11[%parallel_loop3A_315, %parallel_loop3A_316, %parallel_loop3A_317] {strides = array<i32>} : memref<16x2x128xf32, #tpu.memory_space<vmem>>, vector<16xf32>,
        %parallel_loop3A_319 = arith.constant 128 : i32
        %parallel_loop3A_320 = arith.muli %parallel_loop3A_128, %parallel_loop3A_319 : i32
        %parallel_loop3A_321 = arith.constant 32 : i32
        %parallel_loop3A_322 = arith.addi %parallel_loop3A_320, %parallel_loop3A_321 : i32
        %parallel_loop3A_323 = arith.index_cast %parallel_loop3A_322 : i32 to index
        %parallel_loop3A_324 = tpu.vector_load %arg9[%parallel_loop3A_323] {strides = array<i32>} : memref<2048xi32, #tpu.memory_space<vmem>>, vector<16xi32>,
        %parallel_loop3A_325 = arith.constant 0 : i32
        %parallel_loop3A_326 = tpu.memref_slice %arg7[%parallel_loop3A_325] : memref<90000xf32, #tpu.memory_space<vmem>> -> memref<10000xf32, #tpu.memory_space<vmem>>
        %parallel_loop3A_327 = tpu.vector_load_idx %parallel_loop3A_326[%parallel_loop3A_324] : memref<10000xf32, #tpu.memory_space<vmem>>[vector<16xi32>], vector<16xf32>,
        %parallel_loop3A_328 = arith.constant 10000 : i32
        %parallel_loop3A_329 = tpu.memref_slice %arg7[%parallel_loop3A_328] : memref<90000xf32, #tpu.memory_space<vmem>> -> memref<10000xf32, #tpu.memory_space<vmem>>
        %parallel_loop3A_330 = tpu.vector_load_idx %parallel_loop3A_329[%parallel_loop3A_324] : memref<10000xf32, #tpu.memory_space<vmem>>[vector<16xi32>], vector<16xf32>,
        %parallel_loop3A_331 = arith.constant 20000 : i32
        %parallel_loop3A_332 = tpu.memref_slice %arg7[%parallel_loop3A_331] : memref<90000xf32, #tpu.memory_space<vmem>> -> memref<10000xf32, #tpu.memory_space<vmem>>
        %parallel_loop3A_333 = tpu.vector_load_idx %parallel_loop3A_332[%parallel_loop3A_324] : memref<10000xf32, #tpu.memory_space<vmem>>[vector<16xi32>], vector<16xf32>,
        %parallel_loop3A_334 = arith.constant 30000 : i32
        %parallel_loop3A_335 = tpu.memref_slice %arg7[%parallel_loop3A_334] : memref<90000xf32, #tpu.memory_space<vmem>> -> memref<10000xf32, #tpu.memory_space<vmem>>
        %parallel_loop3A_336 = tpu.vector_load_idx %parallel_loop3A_335[%parallel_loop3A_324] : memref<10000xf32, #tpu.memory_space<vmem>>[vector<16xi32>], vector<16xf32>,
        %parallel_loop3A_337 = arith.constant 40000 : i32
        %parallel_loop3A_338 = tpu.memref_slice %arg7[%parallel_loop3A_337] : memref<90000xf32, #tpu.memory_space<vmem>> -> memref<10000xf32, #tpu.memory_space<vmem>>
        %parallel_loop3A_339 = tpu.vector_load_idx %parallel_loop3A_338[%parallel_loop3A_324] : memref<10000xf32, #tpu.memory_space<vmem>>[vector<16xi32>], vector<16xf32>,
        %parallel_loop3A_340 = arith.constant 50000 : i32
        %parallel_loop3A_341 = tpu.memref_slice %arg7[%parallel_loop3A_340] : memref<90000xf32, #tpu.memory_space<vmem>> -> memref<10000xf32, #tpu.memory_space<vmem>>
        %parallel_loop3A_342 = tpu.vector_load_idx %parallel_loop3A_341[%parallel_loop3A_324] : memref<10000xf32, #tpu.memory_space<vmem>>[vector<16xi32>], vector<16xf32>,
        %parallel_loop3A_343 = arith.constant 60000 : i32
        %parallel_loop3A_344 = tpu.memref_slice %arg7[%parallel_loop3A_343] : memref<90000xf32, #tpu.memory_space<vmem>> -> memref<10000xf32, #tpu.memory_space<vmem>>
        %parallel_loop3A_345 = tpu.vector_load_idx %parallel_loop3A_344[%parallel_loop3A_324] : memref<10000xf32, #tpu.memory_space<vmem>>[vector<16xi32>], vector<16xf32>,
        %parallel_loop3A_346 = arith.constant 70000 : i32
        %parallel_loop3A_347 = tpu.memref_slice %arg7[%parallel_loop3A_346] : memref<90000xf32, #tpu.memory_space<vmem>> -> memref<10000xf32, #tpu.memory_space<vmem>>
        %parallel_loop3A_348 = tpu.vector_load_idx %parallel_loop3A_347[%parallel_loop3A_324] : memref<10000xf32, #tpu.memory_space<vmem>>[vector<16xi32>], vector<16xf32>,
        %parallel_loop3A_349 = arith.constant 80000 : i32
        %parallel_loop3A_350 = tpu.memref_slice %arg7[%parallel_loop3A_349] : memref<90000xf32, #tpu.memory_space<vmem>> -> memref<10000xf32, #tpu.memory_space<vmem>>
        %parallel_loop3A_351 = tpu.vector_load_idx %parallel_loop3A_350[%parallel_loop3A_324] : memref<10000xf32, #tpu.memory_space<vmem>>[vector<16xi32>], vector<16xf32>,
        %parallel_loop3A_352 = arith.mulf %parallel_loop3A_313, %parallel_loop3A_327 : vector<16xf32>
        %parallel_loop3A_353 = arith.mulf %parallel_loop3A_318, %parallel_loop3A_330 : vector<16xf32>
        %parallel_loop3A_354 = arith.addf %parallel_loop3A_352, %parallel_loop3A_353 : vector<16xf32>
        %parallel_loop3A_355 = arith.addf %parallel_loop3A_354, %parallel_loop3A_333 : vector<16xf32>
        %parallel_loop3A_356 = arith.mulf %parallel_loop3A_313, %parallel_loop3A_336 : vector<16xf32>
        %parallel_loop3A_357 = arith.mulf %parallel_loop3A_318, %parallel_loop3A_339 : vector<16xf32>
        %parallel_loop3A_358 = arith.addf %parallel_loop3A_356, %parallel_loop3A_357 : vector<16xf32>
        %parallel_loop3A_359 = arith.addf %parallel_loop3A_358, %parallel_loop3A_342 : vector<16xf32>
        %parallel_loop3A_360 = arith.mulf %parallel_loop3A_313, %parallel_loop3A_345 : vector<16xf32>
        %parallel_loop3A_361 = arith.mulf %parallel_loop3A_318, %parallel_loop3A_348 : vector<16xf32>
        %parallel_loop3A_362 = arith.addf %parallel_loop3A_360, %parallel_loop3A_361 : vector<16xf32>
        %parallel_loop3A_363 = arith.addf %parallel_loop3A_362, %parallel_loop3A_351 : vector<16xf32>
        %parallel_loop3A_364 = vector.bitcast %parallel_loop3A_363 : vector<16xf32> to vector<16xi32>
        %parallel_loop3A_365 = math.absf %parallel_loop3A_363 : vector<16xf32>
        %parallel_loop3A_366 = arith.constant 9.99999997E-7 : f32
        %parallel_loop3A_367 = vector.broadcast %parallel_loop3A_366 : f32 to vector<16xf32>
        %parallel_loop3A_368 = arith.maximumf %parallel_loop3A_365, %parallel_loop3A_367 : vector<16xf32>
        %parallel_loop3A_369 = vector.bitcast %parallel_loop3A_368 : vector<16xf32> to vector<16xi32>
        %parallel_loop3A_370 = arith.constant -2147483648 : i32
        %parallel_loop3A_371 = vector.broadcast %parallel_loop3A_370 : i32 to vector<16xi32>
        %parallel_loop3A_372 = arith.andi %parallel_loop3A_364, %parallel_loop3A_371 : vector<16xi32>
        %parallel_loop3A_373 = arith.ori %parallel_loop3A_372, %parallel_loop3A_369 : vector<16xi32>
        %parallel_loop3A_374 = arith.constant 0.000000e+00 : f32
        %parallel_loop3A_375 = vector.broadcast %parallel_loop3A_374 : f32 to vector<16xf32>
        %parallel_loop3A_376 = arith.cmpf oeq, %parallel_loop3A_363, %parallel_loop3A_375 : vector<16xf32>
        %parallel_loop3A_377 = vector.bitcast %parallel_loop3A_373 : vector<16xi32> to vector<16xf32>
        %parallel_loop3A_378 = arith.constant 0.000000e+00 : f32
        %parallel_loop3A_379 = vector.broadcast %parallel_loop3A_378 : f32 to vector<16xf32>
        %parallel_loop3A_380 = arith.select %parallel_loop3A_376, %parallel_loop3A_379, %parallel_loop3A_377 : vector<16xi1>, vector<16xf32>
        %parallel_loop3A_381 = arith.divf %parallel_loop3A_355, %parallel_loop3A_380 : vector<16xf32>
        %parallel_loop3A_382 = arith.constant 0 : i32
        %parallel_loop3A_383 = arith.index_cast %parallel_loop3A_128 : i32 to index
        %parallel_loop3A_384 = arith.index_cast %parallel_loop3A_382 : i32 to index
        %parallel_loop3A_385 = arith.constant 32 : index
        %parallel_loop3A_386 = tpu.vector_load %arg13[%parallel_loop3A_383, %parallel_loop3A_384, %parallel_loop3A_385] {strides = array<i32>} : memref<16x2x128xf32, #tpu.memory_space<vmem>>, vector<16xf32>,
        tpu.vector_store %arg13[%parallel_loop3A_383, %parallel_loop3A_384, %parallel_loop3A_385], %parallel_loop3A_381 {strides = array<i32>} : memref<16x2x128xf32, #tpu.memory_space<vmem>>, vector<16xf32>,
        %parallel_loop3A_387 = arith.divf %parallel_loop3A_359, %parallel_loop3A_380 : vector<16xf32>
        %parallel_loop3A_388 = arith.constant 1 : i32
        %parallel_loop3A_389 = arith.index_cast %parallel_loop3A_128 : i32 to index
        %parallel_loop3A_390 = arith.index_cast %parallel_loop3A_388 : i32 to index
        %parallel_loop3A_391 = arith.constant 32 : index
        %parallel_loop3A_392 = tpu.vector_load %arg13[%parallel_loop3A_389, %parallel_loop3A_390, %parallel_loop3A_391] {strides = array<i32>} : memref<16x2x128xf32, #tpu.memory_space<vmem>>, vector<16xf32>,
        tpu.vector_store %arg13[%parallel_loop3A_389, %parallel_loop3A_390, %parallel_loop3A_391], %parallel_loop3A_387 {strides = array<i32>} : memref<16x2x128xf32, #tpu.memory_space<vmem>>, vector<16xf32>,
        %parallel_loop3A_393 = arith.constant 128 : i32
        %parallel_loop3A_394 = arith.muli %parallel_loop3A_128, %parallel_loop3A_393 : i32
        %parallel_loop3A_395 = arith.constant 32 : i32
        %parallel_loop3A_396 = arith.addi %parallel_loop3A_394, %parallel_loop3A_395 : i32
        %parallel_loop3A_397 = arith.index_cast %parallel_loop3A_396 : i32 to index
        %parallel_loop3A_398 = tpu.vector_load %arg15[%parallel_loop3A_397] {strides = array<i32>} : memref<2048xf32, #tpu.memory_space<vmem>>, vector<16xf32>,
        tpu.vector_store %arg15[%parallel_loop3A_397], %parallel_loop3A_363 {strides = array<i32>} : memref<2048xf32, #tpu.memory_space<vmem>>, vector<16xf32>,
        %parallel_loop3A_399 = arith.constant 0 : i32
        %parallel_loop3A_400 = arith.index_cast %parallel_loop3A_128 : i32 to index
        %parallel_loop3A_401 = arith.index_cast %parallel_loop3A_399 : i32 to index
        %parallel_loop3A_402 = arith.constant 48 : index
        %parallel_loop3A_403 = tpu.vector_load %arg11[%parallel_loop3A_400, %parallel_loop3A_401, %parallel_loop3A_402] {strides = array<i32>} : memref<16x2x128xf32, #tpu.memory_space<vmem>>, vector<16xf32>,
        %parallel_loop3A_404 = arith.constant 1 : i32
        %parallel_loop3A_405 = arith.index_cast %parallel_loop3A_128 : i32 to index
        %parallel_loop3A_406 = arith.index_cast %parallel_loop3A_404 : i32 to index
        %parallel_loop3A_407 = arith.constant 48 : index
        %parallel_loop3A_408 = tpu.vector_load %arg11[%parallel_loop3A_405, %parallel_loop3A_406, %parallel_loop3A_407] {strides = array<i32>} : memref<16x2x128xf32, #tpu.memory_space<vmem>>, vector<16xf32>,
        %parallel_loop3A_409 = arith.constant 128 : i32
        %parallel_loop3A_410 = arith.muli %parallel_loop3A_128, %parallel_loop3A_409 : i32
        %parallel_loop3A_411 = arith.constant 48 : i32
        %parallel_loop3A_412 = arith.addi %parallel_loop3A_410, %parallel_loop3A_411 : i32
        %parallel_loop3A_413 = arith.index_cast %parallel_loop3A_412 : i32 to index
        %parallel_loop3A_414 = tpu.vector_load %arg9[%parallel_loop3A_413] {strides = array<i32>} : memref<2048xi32, #tpu.memory_space<vmem>>, vector<16xi32>,
        %parallel_loop3A_415 = arith.constant 0 : i32
        %parallel_loop3A_416 = tpu.memref_slice %arg7[%parallel_loop3A_415] : memref<90000xf32, #tpu.memory_space<vmem>> -> memref<10000xf32, #tpu.memory_space<vmem>>
        %parallel_loop3A_417 = tpu.vector_load_idx %parallel_loop3A_416[%parallel_loop3A_414] : memref<10000xf32, #tpu.memory_space<vmem>>[vector<16xi32>], vector<16xf32>,
        %parallel_loop3A_418 = arith.constant 10000 : i32
        %parallel_loop3A_419 = tpu.memref_slice %arg7[%parallel_loop3A_418] : memref<90000xf32, #tpu.memory_space<vmem>> -> memref<10000xf32, #tpu.memory_space<vmem>>
        %parallel_loop3A_420 = tpu.vector_load_idx %parallel_loop3A_419[%parallel_loop3A_414] : memref<10000xf32, #tpu.memory_space<vmem>>[vector<16xi32>], vector<16xf32>,
        %parallel_loop3A_421 = arith.constant 20000 : i32
        %parallel_loop3A_422 = tpu.memref_slice %arg7[%parallel_loop3A_421] : memref<90000xf32, #tpu.memory_space<vmem>> -> memref<10000xf32, #tpu.memory_space<vmem>>
        %parallel_loop3A_423 = tpu.vector_load_idx %parallel_loop3A_422[%parallel_loop3A_414] : memref<10000xf32, #tpu.memory_space<vmem>>[vector<16xi32>], vector<16xf32>,
        %parallel_loop3A_424 = arith.constant 30000 : i32
        %parallel_loop3A_425 = tpu.memref_slice %arg7[%parallel_loop3A_424] : memref<90000xf32, #tpu.memory_space<vmem>> -> memref<10000xf32, #tpu.memory_space<vmem>>
        %parallel_loop3A_426 = tpu.vector_load_idx %parallel_loop3A_425[%parallel_loop3A_414] : memref<10000xf32, #tpu.memory_space<vmem>>[vector<16xi32>], vector<16xf32>,
        %parallel_loop3A_427 = arith.constant 40000 : i32
        %parallel_loop3A_428 = tpu.memref_slice %arg7[%parallel_loop3A_427] : memref<90000xf32, #tpu.memory_space<vmem>> -> memref<10000xf32, #tpu.memory_space<vmem>>
        %parallel_loop3A_429 = tpu.vector_load_idx %parallel_loop3A_428[%parallel_loop3A_414] : memref<10000xf32, #tpu.memory_space<vmem>>[vector<16xi32>], vector<16xf32>,
        %parallel_loop3A_430 = arith.constant 50000 : i32
        %parallel_loop3A_431 = tpu.memref_slice %arg7[%parallel_loop3A_430] : memref<90000xf32, #tpu.memory_space<vmem>> -> memref<10000xf32, #tpu.memory_space<vmem>>
        %parallel_loop3A_432 = tpu.vector_load_idx %parallel_loop3A_431[%parallel_loop3A_414] : memref<10000xf32, #tpu.memory_space<vmem>>[vector<16xi32>], vector<16xf32>,
        %parallel_loop3A_433 = arith.constant 60000 : i32
        %parallel_loop3A_434 = tpu.memref_slice %arg7[%parallel_loop3A_433] : memref<90000xf32, #tpu.memory_space<vmem>> -> memref<10000xf32, #tpu.memory_space<vmem>>
        %parallel_loop3A_435 = tpu.vector_load_idx %parallel_loop3A_434[%parallel_loop3A_414] : memref<10000xf32, #tpu.memory_space<vmem>>[vector<16xi32>], vector<16xf32>,
        %parallel_loop3A_436 = arith.constant 70000 : i32
        %parallel_loop3A_437 = tpu.memref_slice %arg7[%parallel_loop3A_436] : memref<90000xf32, #tpu.memory_space<vmem>> -> memref<10000xf32, #tpu.memory_space<vmem>>
        %parallel_loop3A_438 = tpu.vector_load_idx %parallel_loop3A_437[%parallel_loop3A_414] : memref<10000xf32, #tpu.memory_space<vmem>>[vector<16xi32>], vector<16xf32>,
        %parallel_loop3A_439 = arith.constant 80000 : i32
        %parallel_loop3A_440 = tpu.memref_slice %arg7[%parallel_loop3A_439] : memref<90000xf32, #tpu.memory_space<vmem>> -> memref<10000xf32, #tpu.memory_space<vmem>>
        %parallel_loop3A_441 = tpu.vector_load_idx %parallel_loop3A_440[%parallel_loop3A_414] : memref<10000xf32, #tpu.memory_space<vmem>>[vector<16xi32>], vector<16xf32>,
        %parallel_loop3A_442 = arith.mulf %parallel_loop3A_403, %parallel_loop3A_417 : vector<16xf32>
        %parallel_loop3A_443 = arith.mulf %parallel_loop3A_408, %parallel_loop3A_420 : vector<16xf32>
        %parallel_loop3A_444 = arith.addf %parallel_loop3A_442, %parallel_loop3A_443 : vector<16xf32>
        %parallel_loop3A_445 = arith.addf %parallel_loop3A_444, %parallel_loop3A_423 : vector<16xf32>
        %parallel_loop3A_446 = arith.mulf %parallel_loop3A_403, %parallel_loop3A_426 : vector<16xf32>
        %parallel_loop3A_447 = arith.mulf %parallel_loop3A_408, %parallel_loop3A_429 : vector<16xf32>
        %parallel_loop3A_448 = arith.addf %parallel_loop3A_446, %parallel_loop3A_447 : vector<16xf32>
        %parallel_loop3A_449 = arith.addf %parallel_loop3A_448, %parallel_loop3A_432 : vector<16xf32>
        %parallel_loop3A_450 = arith.mulf %parallel_loop3A_403, %parallel_loop3A_435 : vector<16xf32>
        %parallel_loop3A_451 = arith.mulf %parallel_loop3A_408, %parallel_loop3A_438 : vector<16xf32>
        %parallel_loop3A_452 = arith.addf %parallel_loop3A_450, %parallel_loop3A_451 : vector<16xf32>
        %parallel_loop3A_453 = arith.addf %parallel_loop3A_452, %parallel_loop3A_441 : vector<16xf32>
        %parallel_loop3A_454 = vector.bitcast %parallel_loop3A_453 : vector<16xf32> to vector<16xi32>
        %parallel_loop3A_455 = math.absf %parallel_loop3A_453 : vector<16xf32>
        %parallel_loop3A_456 = arith.constant 9.99999997E-7 : f32
        %parallel_loop3A_457 = vector.broadcast %parallel_loop3A_456 : f32 to vector<16xf32>
        %parallel_loop3A_458 = arith.maximumf %parallel_loop3A_455, %parallel_loop3A_457 : vector<16xf32>
        %parallel_loop3A_459 = vector.bitcast %parallel_loop3A_458 : vector<16xf32> to vector<16xi32>
        %parallel_loop3A_460 = arith.constant -2147483648 : i32
        %parallel_loop3A_461 = vector.broadcast %parallel_loop3A_460 : i32 to vector<16xi32>
        %parallel_loop3A_462 = arith.andi %parallel_loop3A_454, %parallel_loop3A_461 : vector<16xi32>
        %parallel_loop3A_463 = arith.ori %parallel_loop3A_462, %parallel_loop3A_459 : vector<16xi32>
        %parallel_loop3A_464 = arith.constant 0.000000e+00 : f32
        %parallel_loop3A_465 = vector.broadcast %parallel_loop3A_464 : f32 to vector<16xf32>
        %parallel_loop3A_466 = arith.cmpf oeq, %parallel_loop3A_453, %parallel_loop3A_465 : vector<16xf32>
        %parallel_loop3A_467 = vector.bitcast %parallel_loop3A_463 : vector<16xi32> to vector<16xf32>
        %parallel_loop3A_468 = arith.constant 0.000000e+00 : f32
        %parallel_loop3A_469 = vector.broadcast %parallel_loop3A_468 : f32 to vector<16xf32>
        %parallel_loop3A_470 = arith.select %parallel_loop3A_466, %parallel_loop3A_469, %parallel_loop3A_467 : vector<16xi1>, vector<16xf32>
        %parallel_loop3A_471 = arith.divf %parallel_loop3A_445, %parallel_loop3A_470 : vector<16xf32>
        %parallel_loop3A_472 = arith.constant 0 : i32
        %parallel_loop3A_473 = arith.index_cast %parallel_loop3A_128 : i32 to index
        %parallel_loop3A_474 = arith.index_cast %parallel_loop3A_472 : i32 to index
        %parallel_loop3A_475 = arith.constant 48 : index
        %parallel_loop3A_476 = tpu.vector_load %arg13[%parallel_loop3A_473, %parallel_loop3A_474, %parallel_loop3A_475] {strides = array<i32>} : memref<16x2x128xf32, #tpu.memory_space<vmem>>, vector<16xf32>,
        tpu.vector_store %arg13[%parallel_loop3A_473, %parallel_loop3A_474, %parallel_loop3A_475], %parallel_loop3A_471 {strides = array<i32>} : memref<16x2x128xf32, #tpu.memory_space<vmem>>, vector<16xf32>,
        %parallel_loop3A_477 = arith.divf %parallel_loop3A_449, %parallel_loop3A_470 : vector<16xf32>
        %parallel_loop3A_478 = arith.constant 1 : i32
        %parallel_loop3A_479 = arith.index_cast %parallel_loop3A_128 : i32 to index
        %parallel_loop3A_480 = arith.index_cast %parallel_loop3A_478 : i32 to index
        %parallel_loop3A_481 = arith.constant 48 : index
        %parallel_loop3A_482 = tpu.vector_load %arg13[%parallel_loop3A_479, %parallel_loop3A_480, %parallel_loop3A_481] {strides = array<i32>} : memref<16x2x128xf32, #tpu.memory_space<vmem>>, vector<16xf32>,
        tpu.vector_store %arg13[%parallel_loop3A_479, %parallel_loop3A_480, %parallel_loop3A_481], %parallel_loop3A_477 {strides = array<i32>} : memref<16x2x128xf32, #tpu.memory_space<vmem>>, vector<16xf32>,
        %parallel_loop3A_483 = arith.constant 128 : i32
        %parallel_loop3A_484 = arith.muli %parallel_loop3A_128, %parallel_loop3A_483 : i32
        %parallel_loop3A_485 = arith.constant 48 : i32
        %parallel_loop3A_486 = arith.addi %parallel_loop3A_484, %parallel_loop3A_485 : i32
        %parallel_loop3A_487 = arith.index_cast %parallel_loop3A_486 : i32 to index
        %parallel_loop3A_488 = tpu.vector_load %arg15[%parallel_loop3A_487] {strides = array<i32>} : memref<2048xf32, #tpu.memory_space<vmem>>, vector<16xf32>,
        tpu.vector_store %arg15[%parallel_loop3A_487], %parallel_loop3A_453 {strides = array<i32>} : memref<2048xf32, #tpu.memory_space<vmem>>, vector<16xf32>,
        %parallel_loop3A_489 = arith.constant 0 : i32
        %parallel_loop3A_490 = arith.index_cast %parallel_loop3A_128 : i32 to index
        %parallel_loop3A_491 = arith.index_cast %parallel_loop3A_489 : i32 to index
        %parallel_loop3A_492 = arith.constant 64 : index
        %parallel_loop3A_493 = tpu.vector_load %arg11[%parallel_loop3A_490, %parallel_loop3A_491, %parallel_loop3A_492] {strides = array<i32>} : memref<16x2x128xf32, #tpu.memory_space<vmem>>, vector<16xf32>,
        %parallel_loop3A_494 = arith.constant 1 : i32
        %parallel_loop3A_495 = arith.index_cast %parallel_loop3A_128 : i32 to index
        %parallel_loop3A_496 = arith.index_cast %parallel_loop3A_494 : i32 to index
        %parallel_loop3A_497 = arith.constant 64 : index
        %parallel_loop3A_498 = tpu.vector_load %arg11[%parallel_loop3A_495, %parallel_loop3A_496, %parallel_loop3A_497] {strides = array<i32>} : memref<16x2x128xf32, #tpu.memory_space<vmem>>, vector<16xf32>,
        %parallel_loop3A_499 = arith.constant 128 : i32
        %parallel_loop3A_500 = arith.muli %parallel_loop3A_128, %parallel_loop3A_499 : i32
        %parallel_loop3A_501 = arith.constant 64 : i32
        %parallel_loop3A_502 = arith.addi %parallel_loop3A_500, %parallel_loop3A_501 : i32
        %parallel_loop3A_503 = arith.index_cast %parallel_loop3A_502 : i32 to index
        %parallel_loop3A_504 = tpu.vector_load %arg9[%parallel_loop3A_503] {strides = array<i32>} : memref<2048xi32, #tpu.memory_space<vmem>>, vector<16xi32>,
        %parallel_loop3A_505 = arith.constant 0 : i32
        %parallel_loop3A_506 = tpu.memref_slice %arg7[%parallel_loop3A_505] : memref<90000xf32, #tpu.memory_space<vmem>> -> memref<10000xf32, #tpu.memory_space<vmem>>
        %parallel_loop3A_507 = tpu.vector_load_idx %parallel_loop3A_506[%parallel_loop3A_504] : memref<10000xf32, #tpu.memory_space<vmem>>[vector<16xi32>], vector<16xf32>,
        %parallel_loop3A_508 = arith.constant 10000 : i32
        %parallel_loop3A_509 = tpu.memref_slice %arg7[%parallel_loop3A_508] : memref<90000xf32, #tpu.memory_space<vmem>> -> memref<10000xf32, #tpu.memory_space<vmem>>
        %parallel_loop3A_510 = tpu.vector_load_idx %parallel_loop3A_509[%parallel_loop3A_504] : memref<10000xf32, #tpu.memory_space<vmem>>[vector<16xi32>], vector<16xf32>,
        %parallel_loop3A_511 = arith.constant 20000 : i32
        %parallel_loop3A_512 = tpu.memref_slice %arg7[%parallel_loop3A_511] : memref<90000xf32, #tpu.memory_space<vmem>> -> memref<10000xf32, #tpu.memory_space<vmem>>
        %parallel_loop3A_513 = tpu.vector_load_idx %parallel_loop3A_512[%parallel_loop3A_504] : memref<10000xf32, #tpu.memory_space<vmem>>[vector<16xi32>], vector<16xf32>,
        %parallel_loop3A_514 = arith.constant 30000 : i32
        %parallel_loop3A_515 = tpu.memref_slice %arg7[%parallel_loop3A_514] : memref<90000xf32, #tpu.memory_space<vmem>> -> memref<10000xf32, #tpu.memory_space<vmem>>
        %parallel_loop3A_516 = tpu.vector_load_idx %parallel_loop3A_515[%parallel_loop3A_504] : memref<10000xf32, #tpu.memory_space<vmem>>[vector<16xi32>], vector<16xf32>,
        %parallel_loop3A_517 = arith.constant 40000 : i32
        %parallel_loop3A_518 = tpu.memref_slice %arg7[%parallel_loop3A_517] : memref<90000xf32, #tpu.memory_space<vmem>> -> memref<10000xf32, #tpu.memory_space<vmem>>
        %parallel_loop3A_519 = tpu.vector_load_idx %parallel_loop3A_518[%parallel_loop3A_504] : memref<10000xf32, #tpu.memory_space<vmem>>[vector<16xi32>], vector<16xf32>,
        %parallel_loop3A_520 = arith.constant 50000 : i32
        %parallel_loop3A_521 = tpu.memref_slice %arg7[%parallel_loop3A_520] : memref<90000xf32, #tpu.memory_space<vmem>> -> memref<10000xf32, #tpu.memory_space<vmem>>
        %parallel_loop3A_522 = tpu.vector_load_idx %parallel_loop3A_521[%parallel_loop3A_504] : memref<10000xf32, #tpu.memory_space<vmem>>[vector<16xi32>], vector<16xf32>,
        %parallel_loop3A_523 = arith.constant 60000 : i32
        %parallel_loop3A_524 = tpu.memref_slice %arg7[%parallel_loop3A_523] : memref<90000xf32, #tpu.memory_space<vmem>> -> memref<10000xf32, #tpu.memory_space<vmem>>
        %parallel_loop3A_525 = tpu.vector_load_idx %parallel_loop3A_524[%parallel_loop3A_504] : memref<10000xf32, #tpu.memory_space<vmem>>[vector<16xi32>], vector<16xf32>,
        %parallel_loop3A_526 = arith.constant 70000 : i32
        %parallel_loop3A_527 = tpu.memref_slice %arg7[%parallel_loop3A_526] : memref<90000xf32, #tpu.memory_space<vmem>> -> memref<10000xf32, #tpu.memory_space<vmem>>
        %parallel_loop3A_528 = tpu.vector_load_idx %parallel_loop3A_527[%parallel_loop3A_504] : memref<10000xf32, #tpu.memory_space<vmem>>[vector<16xi32>], vector<16xf32>,
        %parallel_loop3A_529 = arith.constant 80000 : i32
        %parallel_loop3A_530 = tpu.memref_slice %arg7[%parallel_loop3A_529] : memref<90000xf32, #tpu.memory_space<vmem>> -> memref<10000xf32, #tpu.memory_space<vmem>>
        %parallel_loop3A_531 = tpu.vector_load_idx %parallel_loop3A_530[%parallel_loop3A_504] : memref<10000xf32, #tpu.memory_space<vmem>>[vector<16xi32>], vector<16xf32>,
        %parallel_loop3A_532 = arith.mulf %parallel_loop3A_493, %parallel_loop3A_507 : vector<16xf32>
        %parallel_loop3A_533 = arith.mulf %parallel_loop3A_498, %parallel_loop3A_510 : vector<16xf32>
        %parallel_loop3A_534 = arith.addf %parallel_loop3A_532, %parallel_loop3A_533 : vector<16xf32>
        %parallel_loop3A_535 = arith.addf %parallel_loop3A_534, %parallel_loop3A_513 : vector<16xf32>
        %parallel_loop3A_536 = arith.mulf %parallel_loop3A_493, %parallel_loop3A_516 : vector<16xf32>
        %parallel_loop3A_537 = arith.mulf %parallel_loop3A_498, %parallel_loop3A_519 : vector<16xf32>
        %parallel_loop3A_538 = arith.addf %parallel_loop3A_536, %parallel_loop3A_537 : vector<16xf32>
        %parallel_loop3A_539 = arith.addf %parallel_loop3A_538, %parallel_loop3A_522 : vector<16xf32>
        %parallel_loop3A_540 = arith.mulf %parallel_loop3A_493, %parallel_loop3A_525 : vector<16xf32>
        %parallel_loop3A_541 = arith.mulf %parallel_loop3A_498, %parallel_loop3A_528 : vector<16xf32>
        %parallel_loop3A_542 = arith.addf %parallel_loop3A_540, %parallel_loop3A_541 : vector<16xf32>
        %parallel_loop3A_543 = arith.addf %parallel_loop3A_542, %parallel_loop3A_531 : vector<16xf32>
        %parallel_loop3A_544 = vector.bitcast %parallel_loop3A_543 : vector<16xf32> to vector<16xi32>
        %parallel_loop3A_545 = math.absf %parallel_loop3A_543 : vector<16xf32>
        %parallel_loop3A_546 = arith.constant 9.99999997E-7 : f32
        %parallel_loop3A_547 = vector.broadcast %parallel_loop3A_546 : f32 to vector<16xf32>
        %parallel_loop3A_548 = arith.maximumf %parallel_loop3A_545, %parallel_loop3A_547 : vector<16xf32>
        %parallel_loop3A_549 = vector.bitcast %parallel_loop3A_548 : vector<16xf32> to vector<16xi32>
        %parallel_loop3A_550 = arith.constant -2147483648 : i32
        %parallel_loop3A_551 = vector.broadcast %parallel_loop3A_550 : i32 to vector<16xi32>
        %parallel_loop3A_552 = arith.andi %parallel_loop3A_544, %parallel_loop3A_551 : vector<16xi32>
        %parallel_loop3A_553 = arith.ori %parallel_loop3A_552, %parallel_loop3A_549 : vector<16xi32>
        %parallel_loop3A_554 = arith.constant 0.000000e+00 : f32
        %parallel_loop3A_555 = vector.broadcast %parallel_loop3A_554 : f32 to vector<16xf32>
        %parallel_loop3A_556 = arith.cmpf oeq, %parallel_loop3A_543, %parallel_loop3A_555 : vector<16xf32>
        %parallel_loop3A_557 = vector.bitcast %parallel_loop3A_553 : vector<16xi32> to vector<16xf32>
        %parallel_loop3A_558 = arith.constant 0.000000e+00 : f32
        %parallel_loop3A_559 = vector.broadcast %parallel_loop3A_558 : f32 to vector<16xf32>
        %parallel_loop3A_560 = arith.select %parallel_loop3A_556, %parallel_loop3A_559, %parallel_loop3A_557 : vector<16xi1>, vector<16xf32>
        %parallel_loop3A_561 = arith.divf %parallel_loop3A_535, %parallel_loop3A_560 : vector<16xf32>
        %parallel_loop3A_562 = arith.constant 0 : i32
        %parallel_loop3A_563 = arith.index_cast %parallel_loop3A_128 : i32 to index
        %parallel_loop3A_564 = arith.index_cast %parallel_loop3A_562 : i32 to index
        %parallel_loop3A_565 = arith.constant 64 : index
        %parallel_loop3A_566 = tpu.vector_load %arg13[%parallel_loop3A_563, %parallel_loop3A_564, %parallel_loop3A_565] {strides = array<i32>} : memref<16x2x128xf32, #tpu.memory_space<vmem>>, vector<16xf32>,
        tpu.vector_store %arg13[%parallel_loop3A_563, %parallel_loop3A_564, %parallel_loop3A_565], %parallel_loop3A_561 {strides = array<i32>} : memref<16x2x128xf32, #tpu.memory_space<vmem>>, vector<16xf32>,
        %parallel_loop3A_567 = arith.divf %parallel_loop3A_539, %parallel_loop3A_560 : vector<16xf32>
        %parallel_loop3A_568 = arith.constant 1 : i32
        %parallel_loop3A_569 = arith.index_cast %parallel_loop3A_128 : i32 to index
        %parallel_loop3A_570 = arith.index_cast %parallel_loop3A_568 : i32 to index
        %parallel_loop3A_571 = arith.constant 64 : index
        %parallel_loop3A_572 = tpu.vector_load %arg13[%parallel_loop3A_569, %parallel_loop3A_570, %parallel_loop3A_571] {strides = array<i32>} : memref<16x2x128xf32, #tpu.memory_space<vmem>>, vector<16xf32>,
        tpu.vector_store %arg13[%parallel_loop3A_569, %parallel_loop3A_570, %parallel_loop3A_571], %parallel_loop3A_567 {strides = array<i32>} : memref<16x2x128xf32, #tpu.memory_space<vmem>>, vector<16xf32>,
        %parallel_loop3A_573 = arith.constant 128 : i32
        %parallel_loop3A_574 = arith.muli %parallel_loop3A_128, %parallel_loop3A_573 : i32
        %parallel_loop3A_575 = arith.constant 64 : i32
        %parallel_loop3A_576 = arith.addi %parallel_loop3A_574, %parallel_loop3A_575 : i32
        %parallel_loop3A_577 = arith.index_cast %parallel_loop3A_576 : i32 to index
        %parallel_loop3A_578 = tpu.vector_load %arg15[%parallel_loop3A_577] {strides = array<i32>} : memref<2048xf32, #tpu.memory_space<vmem>>, vector<16xf32>,
        tpu.vector_store %arg15[%parallel_loop3A_577], %parallel_loop3A_543 {strides = array<i32>} : memref<2048xf32, #tpu.memory_space<vmem>>, vector<16xf32>,
        %parallel_loop3A_579 = arith.constant 0 : i32
        %parallel_loop3A_580 = arith.index_cast %parallel_loop3A_128 : i32 to index
        %parallel_loop3A_581 = arith.index_cast %parallel_loop3A_579 : i32 to index
        %parallel_loop3A_582 = arith.constant 80 : index
        %parallel_loop3A_583 = tpu.vector_load %arg11[%parallel_loop3A_580, %parallel_loop3A_581, %parallel_loop3A_582] {strides = array<i32>} : memref<16x2x128xf32, #tpu.memory_space<vmem>>, vector<16xf32>,
        %parallel_loop3A_584 = arith.constant 1 : i32
        %parallel_loop3A_585 = arith.index_cast %parallel_loop3A_128 : i32 to index
        %parallel_loop3A_586 = arith.index_cast %parallel_loop3A_584 : i32 to index
        %parallel_loop3A_587 = arith.constant 80 : index
        %parallel_loop3A_588 = tpu.vector_load %arg11[%parallel_loop3A_585, %parallel_loop3A_586, %parallel_loop3A_587] {strides = array<i32>} : memref<16x2x128xf32, #tpu.memory_space<vmem>>, vector<16xf32>,
        %parallel_loop3A_589 = arith.constant 128 : i32
        %parallel_loop3A_590 = arith.muli %parallel_loop3A_128, %parallel_loop3A_589 : i32
        %parallel_loop3A_591 = arith.constant 80 : i32
        %parallel_loop3A_592 = arith.addi %parallel_loop3A_590, %parallel_loop3A_591 : i32
        %parallel_loop3A_593 = arith.index_cast %parallel_loop3A_592 : i32 to index
        %parallel_loop3A_594 = tpu.vector_load %arg9[%parallel_loop3A_593] {strides = array<i32>} : memref<2048xi32, #tpu.memory_space<vmem>>, vector<16xi32>,
        %parallel_loop3A_595 = arith.constant 0 : i32
        %parallel_loop3A_596 = tpu.memref_slice %arg7[%parallel_loop3A_595] : memref<90000xf32, #tpu.memory_space<vmem>> -> memref<10000xf32, #tpu.memory_space<vmem>>
        %parallel_loop3A_597 = tpu.vector_load_idx %parallel_loop3A_596[%parallel_loop3A_594] : memref<10000xf32, #tpu.memory_space<vmem>>[vector<16xi32>], vector<16xf32>,
        %parallel_loop3A_598 = arith.constant 10000 : i32
        %parallel_loop3A_599 = tpu.memref_slice %arg7[%parallel_loop3A_598] : memref<90000xf32, #tpu.memory_space<vmem>> -> memref<10000xf32, #tpu.memory_space<vmem>>
        %parallel_loop3A_600 = tpu.vector_load_idx %parallel_loop3A_599[%parallel_loop3A_594] : memref<10000xf32, #tpu.memory_space<vmem>>[vector<16xi32>], vector<16xf32>,
        %parallel_loop3A_601 = arith.constant 20000 : i32
        %parallel_loop3A_602 = tpu.memref_slice %arg7[%parallel_loop3A_601] : memref<90000xf32, #tpu.memory_space<vmem>> -> memref<10000xf32, #tpu.memory_space<vmem>>
        %parallel_loop3A_603 = tpu.vector_load_idx %parallel_loop3A_602[%parallel_loop3A_594] : memref<10000xf32, #tpu.memory_space<vmem>>[vector<16xi32>], vector<16xf32>,
        %parallel_loop3A_604 = arith.constant 30000 : i32
        %parallel_loop3A_605 = tpu.memref_slice %arg7[%parallel_loop3A_604] : memref<90000xf32, #tpu.memory_space<vmem>> -> memref<10000xf32, #tpu.memory_space<vmem>>
        %parallel_loop3A_606 = tpu.vector_load_idx %parallel_loop3A_605[%parallel_loop3A_594] : memref<10000xf32, #tpu.memory_space<vmem>>[vector<16xi32>], vector<16xf32>,
        %parallel_loop3A_607 = arith.constant 40000 : i32
        %parallel_loop3A_608 = tpu.memref_slice %arg7[%parallel_loop3A_607] : memref<90000xf32, #tpu.memory_space<vmem>> -> memref<10000xf32, #tpu.memory_space<vmem>>
        %parallel_loop3A_609 = tpu.vector_load_idx %parallel_loop3A_608[%parallel_loop3A_594] : memref<10000xf32, #tpu.memory_space<vmem>>[vector<16xi32>], vector<16xf32>,
        %parallel_loop3A_610 = arith.constant 50000 : i32
        %parallel_loop3A_611 = tpu.memref_slice %arg7[%parallel_loop3A_610] : memref<90000xf32, #tpu.memory_space<vmem>> -> memref<10000xf32, #tpu.memory_space<vmem>>
        %parallel_loop3A_612 = tpu.vector_load_idx %parallel_loop3A_611[%parallel_loop3A_594] : memref<10000xf32, #tpu.memory_space<vmem>>[vector<16xi32>], vector<16xf32>,
        %parallel_loop3A_613 = arith.constant 60000 : i32
        %parallel_loop3A_614 = tpu.memref_slice %arg7[%parallel_loop3A_613] : memref<90000xf32, #tpu.memory_space<vmem>> -> memref<10000xf32, #tpu.memory_space<vmem>>
        %parallel_loop3A_615 = tpu.vector_load_idx %parallel_loop3A_614[%parallel_loop3A_594] : memref<10000xf32, #tpu.memory_space<vmem>>[vector<16xi32>], vector<16xf32>,
        %parallel_loop3A_616 = arith.constant 70000 : i32
        %parallel_loop3A_617 = tpu.memref_slice %arg7[%parallel_loop3A_616] : memref<90000xf32, #tpu.memory_space<vmem>> -> memref<10000xf32, #tpu.memory_space<vmem>>
        %parallel_loop3A_618 = tpu.vector_load_idx %parallel_loop3A_617[%parallel_loop3A_594] : memref<10000xf32, #tpu.memory_space<vmem>>[vector<16xi32>], vector<16xf32>,
        %parallel_loop3A_619 = arith.constant 80000 : i32
        %parallel_loop3A_620 = tpu.memref_slice %arg7[%parallel_loop3A_619] : memref<90000xf32, #tpu.memory_space<vmem>> -> memref<10000xf32, #tpu.memory_space<vmem>>
        %parallel_loop3A_621 = tpu.vector_load_idx %parallel_loop3A_620[%parallel_loop3A_594] : memref<10000xf32, #tpu.memory_space<vmem>>[vector<16xi32>], vector<16xf32>,
        %parallel_loop3A_622 = arith.mulf %parallel_loop3A_583, %parallel_loop3A_597 : vector<16xf32>
        %parallel_loop3A_623 = arith.mulf %parallel_loop3A_588, %parallel_loop3A_600 : vector<16xf32>
        %parallel_loop3A_624 = arith.addf %parallel_loop3A_622, %parallel_loop3A_623 : vector<16xf32>
        %parallel_loop3A_625 = arith.addf %parallel_loop3A_624, %parallel_loop3A_603 : vector<16xf32>
        %parallel_loop3A_626 = arith.mulf %parallel_loop3A_583, %parallel_loop3A_606 : vector<16xf32>
        %parallel_loop3A_627 = arith.mulf %parallel_loop3A_588, %parallel_loop3A_609 : vector<16xf32>
        %parallel_loop3A_628 = arith.addf %parallel_loop3A_626, %parallel_loop3A_627 : vector<16xf32>
        %parallel_loop3A_629 = arith.addf %parallel_loop3A_628, %parallel_loop3A_612 : vector<16xf32>
        %parallel_loop3A_630 = arith.mulf %parallel_loop3A_583, %parallel_loop3A_615 : vector<16xf32>
        %parallel_loop3A_631 = arith.mulf %parallel_loop3A_588, %parallel_loop3A_618 : vector<16xf32>
        %parallel_loop3A_632 = arith.addf %parallel_loop3A_630, %parallel_loop3A_631 : vector<16xf32>
        %parallel_loop3A_633 = arith.addf %parallel_loop3A_632, %parallel_loop3A_621 : vector<16xf32>
        %parallel_loop3A_634 = vector.bitcast %parallel_loop3A_633 : vector<16xf32> to vector<16xi32>
        %parallel_loop3A_635 = math.absf %parallel_loop3A_633 : vector<16xf32>
        %parallel_loop3A_636 = arith.constant 9.99999997E-7 : f32
        %parallel_loop3A_637 = vector.broadcast %parallel_loop3A_636 : f32 to vector<16xf32>
        %parallel_loop3A_638 = arith.maximumf %parallel_loop3A_635, %parallel_loop3A_637 : vector<16xf32>
        %parallel_loop3A_639 = vector.bitcast %parallel_loop3A_638 : vector<16xf32> to vector<16xi32>
        %parallel_loop3A_640 = arith.constant -2147483648 : i32
        %parallel_loop3A_641 = vector.broadcast %parallel_loop3A_640 : i32 to vector<16xi32>
        %parallel_loop3A_642 = arith.andi %parallel_loop3A_634, %parallel_loop3A_641 : vector<16xi32>
        %parallel_loop3A_643 = arith.ori %parallel_loop3A_642, %parallel_loop3A_639 : vector<16xi32>
        %parallel_loop3A_644 = arith.constant 0.000000e+00 : f32
        %parallel_loop3A_645 = vector.broadcast %parallel_loop3A_644 : f32 to vector<16xf32>
        %parallel_loop3A_646 = arith.cmpf oeq, %parallel_loop3A_633, %parallel_loop3A_645 : vector<16xf32>
        %parallel_loop3A_647 = vector.bitcast %parallel_loop3A_643 : vector<16xi32> to vector<16xf32>
        %parallel_loop3A_648 = arith.constant 0.000000e+00 : f32
        %parallel_loop3A_649 = vector.broadcast %parallel_loop3A_648 : f32 to vector<16xf32>
        %parallel_loop3A_650 = arith.select %parallel_loop3A_646, %parallel_loop3A_649, %parallel_loop3A_647 : vector<16xi1>, vector<16xf32>
        %parallel_loop3A_651 = arith.divf %parallel_loop3A_625, %parallel_loop3A_650 : vector<16xf32>
        %parallel_loop3A_652 = arith.constant 0 : i32
        %parallel_loop3A_653 = arith.index_cast %parallel_loop3A_128 : i32 to index
        %parallel_loop3A_654 = arith.index_cast %parallel_loop3A_652 : i32 to index
        %parallel_loop3A_655 = arith.constant 80 : index
        %parallel_loop3A_656 = tpu.vector_load %arg13[%parallel_loop3A_653, %parallel_loop3A_654, %parallel_loop3A_655] {strides = array<i32>} : memref<16x2x128xf32, #tpu.memory_space<vmem>>, vector<16xf32>,
        tpu.vector_store %arg13[%parallel_loop3A_653, %parallel_loop3A_654, %parallel_loop3A_655], %parallel_loop3A_651 {strides = array<i32>} : memref<16x2x128xf32, #tpu.memory_space<vmem>>, vector<16xf32>,
        %parallel_loop3A_657 = arith.divf %parallel_loop3A_629, %parallel_loop3A_650 : vector<16xf32>
        %parallel_loop3A_658 = arith.constant 1 : i32
        %parallel_loop3A_659 = arith.index_cast %parallel_loop3A_128 : i32 to index
        %parallel_loop3A_660 = arith.index_cast %parallel_loop3A_658 : i32 to index
        %parallel_loop3A_661 = arith.constant 80 : index
        %parallel_loop3A_662 = tpu.vector_load %arg13[%parallel_loop3A_659, %parallel_loop3A_660, %parallel_loop3A_661] {strides = array<i32>} : memref<16x2x128xf32, #tpu.memory_space<vmem>>, vector<16xf32>,
        tpu.vector_store %arg13[%parallel_loop3A_659, %parallel_loop3A_660, %parallel_loop3A_661], %parallel_loop3A_657 {strides = array<i32>} : memref<16x2x128xf32, #tpu.memory_space<vmem>>, vector<16xf32>,
        %parallel_loop3A_663 = arith.constant 128 : i32
        %parallel_loop3A_664 = arith.muli %parallel_loop3A_128, %parallel_loop3A_663 : i32
        %parallel_loop3A_665 = arith.constant 80 : i32
        %parallel_loop3A_666 = arith.addi %parallel_loop3A_664, %parallel_loop3A_665 : i32
        %parallel_loop3A_667 = arith.index_cast %parallel_loop3A_666 : i32 to index
        %parallel_loop3A_668 = tpu.vector_load %arg15[%parallel_loop3A_667] {strides = array<i32>} : memref<2048xf32, #tpu.memory_space<vmem>>, vector<16xf32>,
        tpu.vector_store %arg15[%parallel_loop3A_667], %parallel_loop3A_633 {strides = array<i32>} : memref<2048xf32, #tpu.memory_space<vmem>>, vector<16xf32>,
        %parallel_loop3A_669 = arith.constant 0 : i32
        %parallel_loop3A_670 = arith.index_cast %parallel_loop3A_128 : i32 to index
        %parallel_loop3A_671 = arith.index_cast %parallel_loop3A_669 : i32 to index
        %parallel_loop3A_672 = arith.constant 96 : index
        %parallel_loop3A_673 = tpu.vector_load %arg11[%parallel_loop3A_670, %parallel_loop3A_671, %parallel_loop3A_672] {strides = array<i32>} : memref<16x2x128xf32, #tpu.memory_space<vmem>>, vector<16xf32>,
        %parallel_loop3A_674 = arith.constant 1 : i32
        %parallel_loop3A_675 = arith.index_cast %parallel_loop3A_128 : i32 to index
        %parallel_loop3A_676 = arith.index_cast %parallel_loop3A_674 : i32 to index
        %parallel_loop3A_677 = arith.constant 96 : index
        %parallel_loop3A_678 = tpu.vector_load %arg11[%parallel_loop3A_675, %parallel_loop3A_676, %parallel_loop3A_677] {strides = array<i32>} : memref<16x2x128xf32, #tpu.memory_space<vmem>>, vector<16xf32>,
        %parallel_loop3A_679 = arith.constant 128 : i32
        %parallel_loop3A_680 = arith.muli %parallel_loop3A_128, %parallel_loop3A_679 : i32
        %parallel_loop3A_681 = arith.constant 96 : i32
        %parallel_loop3A_682 = arith.addi %parallel_loop3A_680, %parallel_loop3A_681 : i32
        %parallel_loop3A_683 = arith.index_cast %parallel_loop3A_682 : i32 to index
        %parallel_loop3A_684 = tpu.vector_load %arg9[%parallel_loop3A_683] {strides = array<i32>} : memref<2048xi32, #tpu.memory_space<vmem>>, vector<16xi32>,
        %parallel_loop3A_685 = arith.constant 0 : i32
        %parallel_loop3A_686 = tpu.memref_slice %arg7[%parallel_loop3A_685] : memref<90000xf32, #tpu.memory_space<vmem>> -> memref<10000xf32, #tpu.memory_space<vmem>>
        %parallel_loop3A_687 = tpu.vector_load_idx %parallel_loop3A_686[%parallel_loop3A_684] : memref<10000xf32, #tpu.memory_space<vmem>>[vector<16xi32>], vector<16xf32>,
        %parallel_loop3A_688 = arith.constant 10000 : i32
        %parallel_loop3A_689 = tpu.memref_slice %arg7[%parallel_loop3A_688] : memref<90000xf32, #tpu.memory_space<vmem>> -> memref<10000xf32, #tpu.memory_space<vmem>>
        %parallel_loop3A_690 = tpu.vector_load_idx %parallel_loop3A_689[%parallel_loop3A_684] : memref<10000xf32, #tpu.memory_space<vmem>>[vector<16xi32>], vector<16xf32>,
        %parallel_loop3A_691 = arith.constant 20000 : i32
        %parallel_loop3A_692 = tpu.memref_slice %arg7[%parallel_loop3A_691] : memref<90000xf32, #tpu.memory_space<vmem>> -> memref<10000xf32, #tpu.memory_space<vmem>>
        %parallel_loop3A_693 = tpu.vector_load_idx %parallel_loop3A_692[%parallel_loop3A_684] : memref<10000xf32, #tpu.memory_space<vmem>>[vector<16xi32>], vector<16xf32>,
        %parallel_loop3A_694 = arith.constant 30000 : i32
        %parallel_loop3A_695 = tpu.memref_slice %arg7[%parallel_loop3A_694] : memref<90000xf32, #tpu.memory_space<vmem>> -> memref<10000xf32, #tpu.memory_space<vmem>>
        %parallel_loop3A_696 = tpu.vector_load_idx %parallel_loop3A_695[%parallel_loop3A_684] : memref<10000xf32, #tpu.memory_space<vmem>>[vector<16xi32>], vector<16xf32>,
        %parallel_loop3A_697 = arith.constant 40000 : i32
        %parallel_loop3A_698 = tpu.memref_slice %arg7[%parallel_loop3A_697] : memref<90000xf32, #tpu.memory_space<vmem>> -> memref<10000xf32, #tpu.memory_space<vmem>>
        %parallel_loop3A_699 = tpu.vector_load_idx %parallel_loop3A_698[%parallel_loop3A_684] : memref<10000xf32, #tpu.memory_space<vmem>>[vector<16xi32>], vector<16xf32>,
        %parallel_loop3A_700 = arith.constant 50000 : i32
        %parallel_loop3A_701 = tpu.memref_slice %arg7[%parallel_loop3A_700] : memref<90000xf32, #tpu.memory_space<vmem>> -> memref<10000xf32, #tpu.memory_space<vmem>>
        %parallel_loop3A_702 = tpu.vector_load_idx %parallel_loop3A_701[%parallel_loop3A_684] : memref<10000xf32, #tpu.memory_space<vmem>>[vector<16xi32>], vector<16xf32>,
        %parallel_loop3A_703 = arith.constant 60000 : i32
        %parallel_loop3A_704 = tpu.memref_slice %arg7[%parallel_loop3A_703] : memref<90000xf32, #tpu.memory_space<vmem>> -> memref<10000xf32, #tpu.memory_space<vmem>>
        %parallel_loop3A_705 = tpu.vector_load_idx %parallel_loop3A_704[%parallel_loop3A_684] : memref<10000xf32, #tpu.memory_space<vmem>>[vector<16xi32>], vector<16xf32>,
        %parallel_loop3A_706 = arith.constant 70000 : i32
        %parallel_loop3A_707 = tpu.memref_slice %arg7[%parallel_loop3A_706] : memref<90000xf32, #tpu.memory_space<vmem>> -> memref<10000xf32, #tpu.memory_space<vmem>>
        %parallel_loop3A_708 = tpu.vector_load_idx %parallel_loop3A_707[%parallel_loop3A_684] : memref<10000xf32, #tpu.memory_space<vmem>>[vector<16xi32>], vector<16xf32>,
        %parallel_loop3A_709 = arith.constant 80000 : i32
        %parallel_loop3A_710 = tpu.memref_slice %arg7[%parallel_loop3A_709] : memref<90000xf32, #tpu.memory_space<vmem>> -> memref<10000xf32, #tpu.memory_space<vmem>>
        %parallel_loop3A_711 = tpu.vector_load_idx %parallel_loop3A_710[%parallel_loop3A_684] : memref<10000xf32, #tpu.memory_space<vmem>>[vector<16xi32>], vector<16xf32>,
        %parallel_loop3A_712 = arith.mulf %parallel_loop3A_673, %parallel_loop3A_687 : vector<16xf32>
        %parallel_loop3A_713 = arith.mulf %parallel_loop3A_678, %parallel_loop3A_690 : vector<16xf32>
        %parallel_loop3A_714 = arith.addf %parallel_loop3A_712, %parallel_loop3A_713 : vector<16xf32>
        %parallel_loop3A_715 = arith.addf %parallel_loop3A_714, %parallel_loop3A_693 : vector<16xf32>
        %parallel_loop3A_716 = arith.mulf %parallel_loop3A_673, %parallel_loop3A_696 : vector<16xf32>
        %parallel_loop3A_717 = arith.mulf %parallel_loop3A_678, %parallel_loop3A_699 : vector<16xf32>
        %parallel_loop3A_718 = arith.addf %parallel_loop3A_716, %parallel_loop3A_717 : vector<16xf32>
        %parallel_loop3A_719 = arith.addf %parallel_loop3A_718, %parallel_loop3A_702 : vector<16xf32>
        %parallel_loop3A_720 = arith.mulf %parallel_loop3A_673, %parallel_loop3A_705 : vector<16xf32>
        %parallel_loop3A_721 = arith.mulf %parallel_loop3A_678, %parallel_loop3A_708 : vector<16xf32>
        %parallel_loop3A_722 = arith.addf %parallel_loop3A_720, %parallel_loop3A_721 : vector<16xf32>
        %parallel_loop3A_723 = arith.addf %parallel_loop3A_722, %parallel_loop3A_711 : vector<16xf32>
        %parallel_loop3A_724 = vector.bitcast %parallel_loop3A_723 : vector<16xf32> to vector<16xi32>
        %parallel_loop3A_725 = math.absf %parallel_loop3A_723 : vector<16xf32>
        %parallel_loop3A_726 = arith.constant 9.99999997E-7 : f32
        %parallel_loop3A_727 = vector.broadcast %parallel_loop3A_726 : f32 to vector<16xf32>
        %parallel_loop3A_728 = arith.maximumf %parallel_loop3A_725, %parallel_loop3A_727 : vector<16xf32>
        %parallel_loop3A_729 = vector.bitcast %parallel_loop3A_728 : vector<16xf32> to vector<16xi32>
        %parallel_loop3A_730 = arith.constant -2147483648 : i32
        %parallel_loop3A_731 = vector.broadcast %parallel_loop3A_730 : i32 to vector<16xi32>
        %parallel_loop3A_732 = arith.andi %parallel_loop3A_724, %parallel_loop3A_731 : vector<16xi32>
        %parallel_loop3A_733 = arith.ori %parallel_loop3A_732, %parallel_loop3A_729 : vector<16xi32>
        %parallel_loop3A_734 = arith.constant 0.000000e+00 : f32
        %parallel_loop3A_735 = vector.broadcast %parallel_loop3A_734 : f32 to vector<16xf32>
        %parallel_loop3A_736 = arith.cmpf oeq, %parallel_loop3A_723, %parallel_loop3A_735 : vector<16xf32>
        %parallel_loop3A_737 = vector.bitcast %parallel_loop3A_733 : vector<16xi32> to vector<16xf32>
        %parallel_loop3A_738 = arith.constant 0.000000e+00 : f32
        %parallel_loop3A_739 = vector.broadcast %parallel_loop3A_738 : f32 to vector<16xf32>
        %parallel_loop3A_740 = arith.select %parallel_loop3A_736, %parallel_loop3A_739, %parallel_loop3A_737 : vector<16xi1>, vector<16xf32>
        %parallel_loop3A_741 = arith.divf %parallel_loop3A_715, %parallel_loop3A_740 : vector<16xf32>
        %parallel_loop3A_742 = arith.constant 0 : i32
        %parallel_loop3A_743 = arith.index_cast %parallel_loop3A_128 : i32 to index
        %parallel_loop3A_744 = arith.index_cast %parallel_loop3A_742 : i32 to index
        %parallel_loop3A_745 = arith.constant 96 : index
        %parallel_loop3A_746 = tpu.vector_load %arg13[%parallel_loop3A_743, %parallel_loop3A_744, %parallel_loop3A_745] {strides = array<i32>} : memref<16x2x128xf32, #tpu.memory_space<vmem>>, vector<16xf32>,
        tpu.vector_store %arg13[%parallel_loop3A_743, %parallel_loop3A_744, %parallel_loop3A_745], %parallel_loop3A_741 {strides = array<i32>} : memref<16x2x128xf32, #tpu.memory_space<vmem>>, vector<16xf32>,
        %parallel_loop3A_747 = arith.divf %parallel_loop3A_719, %parallel_loop3A_740 : vector<16xf32>
        %parallel_loop3A_748 = arith.constant 1 : i32
        %parallel_loop3A_749 = arith.index_cast %parallel_loop3A_128 : i32 to index
        %parallel_loop3A_750 = arith.index_cast %parallel_loop3A_748 : i32 to index
        %parallel_loop3A_751 = arith.constant 96 : index
        %parallel_loop3A_752 = tpu.vector_load %arg13[%parallel_loop3A_749, %parallel_loop3A_750, %parallel_loop3A_751] {strides = array<i32>} : memref<16x2x128xf32, #tpu.memory_space<vmem>>, vector<16xf32>,
        tpu.vector_store %arg13[%parallel_loop3A_749, %parallel_loop3A_750, %parallel_loop3A_751], %parallel_loop3A_747 {strides = array<i32>} : memref<16x2x128xf32, #tpu.memory_space<vmem>>, vector<16xf32>,
        %parallel_loop3A_753 = arith.constant 128 : i32
        %parallel_loop3A_754 = arith.muli %parallel_loop3A_128, %parallel_loop3A_753 : i32
        %parallel_loop3A_755 = arith.constant 96 : i32
        %parallel_loop3A_756 = arith.addi %parallel_loop3A_754, %parallel_loop3A_755 : i32
        %parallel_loop3A_757 = arith.index_cast %parallel_loop3A_756 : i32 to index
        %parallel_loop3A_758 = tpu.vector_load %arg15[%parallel_loop3A_757] {strides = array<i32>} : memref<2048xf32, #tpu.memory_space<vmem>>, vector<16xf32>,
        tpu.vector_store %arg15[%parallel_loop3A_757], %parallel_loop3A_723 {strides = array<i32>} : memref<2048xf32, #tpu.memory_space<vmem>>, vector<16xf32>,
        %parallel_loop3A_759 = arith.constant 0 : i32
        %parallel_loop3A_760 = arith.index_cast %parallel_loop3A_128 : i32 to index
        %parallel_loop3A_761 = arith.index_cast %parallel_loop3A_759 : i32 to index
        %parallel_loop3A_762 = arith.constant 112 : index
        %parallel_loop3A_763 = tpu.vector_load %arg11[%parallel_loop3A_760, %parallel_loop3A_761, %parallel_loop3A_762] {strides = array<i32>} : memref<16x2x128xf32, #tpu.memory_space<vmem>>, vector<16xf32>,
        %parallel_loop3A_764 = arith.constant 1 : i32
        %parallel_loop3A_765 = arith.index_cast %parallel_loop3A_128 : i32 to index
        %parallel_loop3A_766 = arith.index_cast %parallel_loop3A_764 : i32 to index
        %parallel_loop3A_767 = arith.constant 112 : index
        %parallel_loop3A_768 = tpu.vector_load %arg11[%parallel_loop3A_765, %parallel_loop3A_766, %parallel_loop3A_767] {strides = array<i32>} : memref<16x2x128xf32, #tpu.memory_space<vmem>>, vector<16xf32>,
        %parallel_loop3A_769 = arith.constant 128 : i32
        %parallel_loop3A_770 = arith.muli %parallel_loop3A_128, %parallel_loop3A_769 : i32
        %parallel_loop3A_771 = arith.constant 112 : i32
        %parallel_loop3A_772 = arith.addi %parallel_loop3A_770, %parallel_loop3A_771 : i32
        %parallel_loop3A_773 = arith.index_cast %parallel_loop3A_772 : i32 to index
        %parallel_loop3A_774 = tpu.vector_load %arg9[%parallel_loop3A_773] {strides = array<i32>} : memref<2048xi32, #tpu.memory_space<vmem>>, vector<16xi32>,
        %parallel_loop3A_775 = arith.constant 0 : i32
        %parallel_loop3A_776 = tpu.memref_slice %arg7[%parallel_loop3A_775] : memref<90000xf32, #tpu.memory_space<vmem>> -> memref<10000xf32, #tpu.memory_space<vmem>>
        %parallel_loop3A_777 = tpu.vector_load_idx %parallel_loop3A_776[%parallel_loop3A_774] : memref<10000xf32, #tpu.memory_space<vmem>>[vector<16xi32>], vector<16xf32>,
        %parallel_loop3A_778 = arith.constant 10000 : i32
        %parallel_loop3A_779 = tpu.memref_slice %arg7[%parallel_loop3A_778] : memref<90000xf32, #tpu.memory_space<vmem>> -> memref<10000xf32, #tpu.memory_space<vmem>>
        %parallel_loop3A_780 = tpu.vector_load_idx %parallel_loop3A_779[%parallel_loop3A_774] : memref<10000xf32, #tpu.memory_space<vmem>>[vector<16xi32>], vector<16xf32>,
        %parallel_loop3A_781 = arith.constant 20000 : i32
        %parallel_loop3A_782 = tpu.memref_slice %arg7[%parallel_loop3A_781] : memref<90000xf32, #tpu.memory_space<vmem>> -> memref<10000xf32, #tpu.memory_space<vmem>>
        %parallel_loop3A_783 = tpu.vector_load_idx %parallel_loop3A_782[%parallel_loop3A_774] : memref<10000xf32, #tpu.memory_space<vmem>>[vector<16xi32>], vector<16xf32>,
        %parallel_loop3A_784 = arith.constant 30000 : i32
        %parallel_loop3A_785 = tpu.memref_slice %arg7[%parallel_loop3A_784] : memref<90000xf32, #tpu.memory_space<vmem>> -> memref<10000xf32, #tpu.memory_space<vmem>>
        %parallel_loop3A_786 = tpu.vector_load_idx %parallel_loop3A_785[%parallel_loop3A_774] : memref<10000xf32, #tpu.memory_space<vmem>>[vector<16xi32>], vector<16xf32>,
        %parallel_loop3A_787 = arith.constant 40000 : i32
        %parallel_loop3A_788 = tpu.memref_slice %arg7[%parallel_loop3A_787] : memref<90000xf32, #tpu.memory_space<vmem>> -> memref<10000xf32, #tpu.memory_space<vmem>>
        %parallel_loop3A_789 = tpu.vector_load_idx %parallel_loop3A_788[%parallel_loop3A_774] : memref<10000xf32, #tpu.memory_space<vmem>>[vector<16xi32>], vector<16xf32>,
        %parallel_loop3A_790 = arith.constant 50000 : i32
        %parallel_loop3A_791 = tpu.memref_slice %arg7[%parallel_loop3A_790] : memref<90000xf32, #tpu.memory_space<vmem>> -> memref<10000xf32, #tpu.memory_space<vmem>>
        %parallel_loop3A_792 = tpu.vector_load_idx %parallel_loop3A_791[%parallel_loop3A_774] : memref<10000xf32, #tpu.memory_space<vmem>>[vector<16xi32>], vector<16xf32>,
        %parallel_loop3A_793 = arith.constant 60000 : i32
        %parallel_loop3A_794 = tpu.memref_slice %arg7[%parallel_loop3A_793] : memref<90000xf32, #tpu.memory_space<vmem>> -> memref<10000xf32, #tpu.memory_space<vmem>>
        %parallel_loop3A_795 = tpu.vector_load_idx %parallel_loop3A_794[%parallel_loop3A_774] : memref<10000xf32, #tpu.memory_space<vmem>>[vector<16xi32>], vector<16xf32>,
        %parallel_loop3A_796 = arith.constant 70000 : i32
        %parallel_loop3A_797 = tpu.memref_slice %arg7[%parallel_loop3A_796] : memref<90000xf32, #tpu.memory_space<vmem>> -> memref<10000xf32, #tpu.memory_space<vmem>>
        %parallel_loop3A_798 = tpu.vector_load_idx %parallel_loop3A_797[%parallel_loop3A_774] : memref<10000xf32, #tpu.memory_space<vmem>>[vector<16xi32>], vector<16xf32>,
        %parallel_loop3A_799 = arith.constant 80000 : i32
        %parallel_loop3A_800 = tpu.memref_slice %arg7[%parallel_loop3A_799] : memref<90000xf32, #tpu.memory_space<vmem>> -> memref<10000xf32, #tpu.memory_space<vmem>>
        %parallel_loop3A_801 = tpu.vector_load_idx %parallel_loop3A_800[%parallel_loop3A_774] : memref<10000xf32, #tpu.memory_space<vmem>>[vector<16xi32>], vector<16xf32>,
        %parallel_loop3A_802 = arith.mulf %parallel_loop3A_763, %parallel_loop3A_777 : vector<16xf32>
        %parallel_loop3A_803 = arith.mulf %parallel_loop3A_768, %parallel_loop3A_780 : vector<16xf32>
        %parallel_loop3A_804 = arith.addf %parallel_loop3A_802, %parallel_loop3A_803 : vector<16xf32>
        %parallel_loop3A_805 = arith.addf %parallel_loop3A_804, %parallel_loop3A_783 : vector<16xf32>
        %parallel_loop3A_806 = arith.mulf %parallel_loop3A_763, %parallel_loop3A_786 : vector<16xf32>
        %parallel_loop3A_807 = arith.mulf %parallel_loop3A_768, %parallel_loop3A_789 : vector<16xf32>
        %parallel_loop3A_808 = arith.addf %parallel_loop3A_806, %parallel_loop3A_807 : vector<16xf32>
        %parallel_loop3A_809 = arith.addf %parallel_loop3A_808, %parallel_loop3A_792 : vector<16xf32>
        %parallel_loop3A_810 = arith.mulf %parallel_loop3A_763, %parallel_loop3A_795 : vector<16xf32>
        %parallel_loop3A_811 = arith.mulf %parallel_loop3A_768, %parallel_loop3A_798 : vector<16xf32>
        %parallel_loop3A_812 = arith.addf %parallel_loop3A_810, %parallel_loop3A_811 : vector<16xf32>
        %parallel_loop3A_813 = arith.addf %parallel_loop3A_812, %parallel_loop3A_801 : vector<16xf32>
        %parallel_loop3A_814 = vector.bitcast %parallel_loop3A_813 : vector<16xf32> to vector<16xi32>
        %parallel_loop3A_815 = math.absf %parallel_loop3A_813 : vector<16xf32>
        %parallel_loop3A_816 = arith.constant 9.99999997E-7 : f32
        %parallel_loop3A_817 = vector.broadcast %parallel_loop3A_816 : f32 to vector<16xf32>
        %parallel_loop3A_818 = arith.maximumf %parallel_loop3A_815, %parallel_loop3A_817 : vector<16xf32>
        %parallel_loop3A_819 = vector.bitcast %parallel_loop3A_818 : vector<16xf32> to vector<16xi32>
        %parallel_loop3A_820 = arith.constant -2147483648 : i32
        %parallel_loop3A_821 = vector.broadcast %parallel_loop3A_820 : i32 to vector<16xi32>
        %parallel_loop3A_822 = arith.andi %parallel_loop3A_814, %parallel_loop3A_821 : vector<16xi32>
        %parallel_loop3A_823 = arith.ori %parallel_loop3A_822, %parallel_loop3A_819 : vector<16xi32>
        %parallel_loop3A_824 = arith.constant 0.000000e+00 : f32
        %parallel_loop3A_825 = vector.broadcast %parallel_loop3A_824 : f32 to vector<16xf32>
        %parallel_loop3A_826 = arith.cmpf oeq, %parallel_loop3A_813, %parallel_loop3A_825 : vector<16xf32>
        %parallel_loop3A_827 = vector.bitcast %parallel_loop3A_823 : vector<16xi32> to vector<16xf32>
        %parallel_loop3A_828 = arith.constant 0.000000e+00 : f32
        %parallel_loop3A_829 = vector.broadcast %parallel_loop3A_828 : f32 to vector<16xf32>
        %parallel_loop3A_830 = arith.select %parallel_loop3A_826, %parallel_loop3A_829, %parallel_loop3A_827 : vector<16xi1>, vector<16xf32>
        %parallel_loop3A_831 = arith.divf %parallel_loop3A_805, %parallel_loop3A_830 : vector<16xf32>
        %parallel_loop3A_832 = arith.constant 0 : i32
        %parallel_loop3A_833 = arith.index_cast %parallel_loop3A_128 : i32 to index
        %parallel_loop3A_834 = arith.index_cast %parallel_loop3A_832 : i32 to index
        %parallel_loop3A_835 = arith.constant 112 : index
        %parallel_loop3A_836 = tpu.vector_load %arg13[%parallel_loop3A_833, %parallel_loop3A_834, %parallel_loop3A_835] {strides = array<i32>} : memref<16x2x128xf32, #tpu.memory_space<vmem>>, vector<16xf32>,
        tpu.vector_store %arg13[%parallel_loop3A_833, %parallel_loop3A_834, %parallel_loop3A_835], %parallel_loop3A_831 {strides = array<i32>} : memref<16x2x128xf32, #tpu.memory_space<vmem>>, vector<16xf32>,
        %parallel_loop3A_837 = arith.divf %parallel_loop3A_809, %parallel_loop3A_830 : vector<16xf32>
        %parallel_loop3A_838 = arith.constant 1 : i32
        %parallel_loop3A_839 = arith.index_cast %parallel_loop3A_128 : i32 to index
        %parallel_loop3A_840 = arith.index_cast %parallel_loop3A_838 : i32 to index
        %parallel_loop3A_841 = arith.constant 112 : index
        %parallel_loop3A_842 = tpu.vector_load %arg13[%parallel_loop3A_839, %parallel_loop3A_840, %parallel_loop3A_841] {strides = array<i32>} : memref<16x2x128xf32, #tpu.memory_space<vmem>>, vector<16xf32>,
        tpu.vector_store %arg13[%parallel_loop3A_839, %parallel_loop3A_840, %parallel_loop3A_841], %parallel_loop3A_837 {strides = array<i32>} : memref<16x2x128xf32, #tpu.memory_space<vmem>>, vector<16xf32>,
        %parallel_loop3A_843 = arith.constant 128 : i32
        %parallel_loop3A_844 = arith.muli %parallel_loop3A_128, %parallel_loop3A_843 : i32
        %parallel_loop3A_845 = arith.constant 112 : i32
        %parallel_loop3A_846 = arith.addi %parallel_loop3A_844, %parallel_loop3A_845 : i32
        %parallel_loop3A_847 = arith.index_cast %parallel_loop3A_846 : i32 to index
        %parallel_loop3A_848 = tpu.vector_load %arg15[%parallel_loop3A_847] {strides = array<i32>} : memref<2048xf32, #tpu.memory_space<vmem>>, vector<16xf32>,
        tpu.vector_store %arg15[%parallel_loop3A_847], %parallel_loop3A_813 {strides = array<i32>} : memref<2048xf32, #tpu.memory_space<vmem>>, vector<16xf32>,
      } {sc.loop_unroll_factor = 1 : i64, sc.parallel_access}
      %mul3A_115 = arith.constant 16 : i32
      %mul3A_116 = arith.muli %add3A_86, %mul3A_115 : i32
      %add3A_117 = arith.addi %mul3A_2, %mul3A_116 : i32
      %dma_start3A_118 = arith.constant 0 : i32
      %dma_start3A_119 = arith.constant 0 : i32
      %dma_start3A_120 = tpu.memref_slice %arg5[%add3A_117, %dma_start3A_118, %dma_start3A_119] : memref<8192x2x128xf32, #tpu.memory_space<hbm>> -> memref<16x2x128xf32, #tpu.memory_space<hbm>>
      %dma_start3A_121 = arith.constant 0 : i32
      %dma_start3A_122 = arith.constant 0 : i32
      %dma_start3A_123 = tpu.memref_slice %arg5[%add3A_117, %dma_start3A_121, %dma_start3A_122] : memref<8192x2x128xf32, #tpu.memory_space<hbm>> -> memref<16x2x128xf32, #tpu.memory_space<hbm>>
      tpu.enqueue_dma source(%arg13 : memref<16x2x128xf32, #tpu.memory_space<vmem>>) target(%dma_start3A_123 : memref<16x2x128xf32, #tpu.memory_space<hbm>>) target_semaphore(%arg19 : memref<!tpu.dma_semaphore, #tpu.memory_space<semaphore_mem>>)
      %mul3A_124 = arith.constant 128 : i32
      %mul3A_125 = arith.muli %add3A_117, %mul3A_124 : i32
      %dma_start3A_126 = tpu.memref_slice %arg6[%mul3A_125] : memref<1048576xf32, #tpu.memory_space<hbm>> -> memref<2048xf32, #tpu.memory_space<hbm>>
      %dma_start3A_127 = tpu.memref_slice %arg6[%mul3A_125] : memref<1048576xf32, #tpu.memory_space<hbm>> -> memref<2048xf32, #tpu.memory_space<hbm>>
      tpu.enqueue_dma source(%arg15 : memref<2048xf32, #tpu.memory_space<vmem>>) target(%dma_start3A_127 : memref<2048xf32, #tpu.memory_space<hbm>>) target_semaphore(%arg19 : memref<!tpu.dma_semaphore, #tpu.memory_space<semaphore_mem>>)
    }
    %scan3A_18 = arith.constant 8 : i32
    %add3A_19 = arith.constant 224 : i32
    %add3A_20 = arith.addi %mul3A_2, %add3A_19 : i32
    %dma_wait3A = arith.constant 0 : i32
    %dma_wait3A_21 = arith.constant 0 : i32
    %dma_wait3A_22 = tpu.memref_slice %arg5[%add3A_20, %dma_wait3A, %dma_wait3A_21] : memref<8192x2x128xf32, #tpu.memory_space<hbm>> -> memref<16x2x128xf32, #tpu.memory_space<hbm>>
    %dma_wait3A_23 = arith.constant 0 : i32
    %dma_wait3A_24 = arith.constant 0 : i32
    %dma_wait3A_25 = tpu.memref_slice %arg5[%add3A_20, %dma_wait3A_23, %dma_wait3A_24] : memref<8192x2x128xf32, #tpu.memory_space<hbm>> -> memref<16x2x128xf32, #tpu.memory_space<hbm>>
    tpu.wait_dma2 semaphore(%arg18 : memref<!tpu.dma_semaphore, #tpu.memory_space<semaphore_mem>>) src(%arg12 : memref<16x2x128xf32, #tpu.memory_space<vmem>>) dst(%dma_wait3A_25 : memref<16x2x128xf32, #tpu.memory_space<hbm>>)
    %mul3A_26 = arith.constant 128 : i32
    %mul3A_27 = arith.muli %add3A_20, %mul3A_26 : i32
    %dma_wait3A_28 = tpu.memref_slice %arg6[%mul3A_27] : memref<1048576xf32, #tpu.memory_space<hbm>> -> memref<2048xf32, #tpu.memory_space<hbm>>
    %dma_wait3A_29 = tpu.memref_slice %arg6[%mul3A_27] : memref<1048576xf32, #tpu.memory_space<hbm>> -> memref<2048xf32, #tpu.memory_space<hbm>>
    tpu.wait_dma2 semaphore(%arg18 : memref<!tpu.dma_semaphore, #tpu.memory_space<semaphore_mem>>) src(%arg14 : memref<2048xf32, #tpu.memory_space<vmem>>) dst(%dma_wait3A_29 : memref<2048xf32, #tpu.memory_space<hbm>>)
    %add3A_30 = arith.constant 240 : i32
    %add3A_31 = arith.addi %mul3A_2, %add3A_30 : i32
    %dma_wait3A_32 = arith.constant 0 : i32
    %dma_wait3A_33 = arith.constant 0 : i32
    %dma_wait3A_34 = tpu.memref_slice %arg5[%add3A_31, %dma_wait3A_32, %dma_wait3A_33] : memref<8192x2x128xf32, #tpu.memory_space<hbm>> -> memref<16x2x128xf32, #tpu.memory_space<hbm>>
    %dma_wait3A_35 = arith.constant 0 : i32
    %dma_wait3A_36 = arith.constant 0 : i32
    %dma_wait3A_37 = tpu.memref_slice %arg5[%add3A_31, %dma_wait3A_35, %dma_wait3A_36] : memref<8192x2x128xf32, #tpu.memory_space<hbm>> -> memref<16x2x128xf32, #tpu.memory_space<hbm>>
    tpu.wait_dma2 semaphore(%arg19 : memref<!tpu.dma_semaphore, #tpu.memory_space<semaphore_mem>>) src(%arg13 : memref<16x2x128xf32, #tpu.memory_space<vmem>>) dst(%dma_wait3A_37 : memref<16x2x128xf32, #tpu.memory_space<hbm>>)
    %mul3A_38 = arith.constant 128 : i32
    %mul3A_39 = arith.muli %add3A_31, %mul3A_38 : i32
    %dma_wait3A_40 = tpu.memref_slice %arg6[%mul3A_39] : memref<1048576xf32, #tpu.memory_space<hbm>> -> memref<2048xf32, #tpu.memory_space<hbm>>
    %dma_wait3A_41 = tpu.memref_slice %arg6[%mul3A_39] : memref<1048576xf32, #tpu.memory_space<hbm>> -> memref<2048xf32, #tpu.memory_space<hbm>>
    tpu.wait_dma2 semaphore(%arg19 : memref<!tpu.dma_semaphore, #tpu.memory_space<semaphore_mem>>) src(%arg15 : memref<2048xf32, #tpu.memory_space<vmem>>) dst(%dma_wait3A_41 : memref<2048xf32, #tpu.memory_space<hbm>>)
    return
  }
}

</mosaic_0001>

<sc_bundles>
// kernel: kernel.3.cloned.1.call-start
scs
__scs_entry_jumppad:
0x0: {  	(pc) =	sbr.rel $0x88, $3  }
0x1: {  	(tag) =	ssettag $0x0;
	lr =	simm.s32 $0x1  }
0x2: {  	[smem:$0x3F9E] =	sst lr;
	_ =	strace $0xD0000000  }
0x3: {  	_ = 	snop  }
0x4: {  	_ = 	snop  }
0x5: {  	_ = 	snop  }
0x6: {  	_ = 	snop  }
0x7: {  	_ = 	snop  }
__scs_overlays_trampoline_lowered:
0x8: {  	[smem:$0x3FAD] =	sst s0  }
0x9: {  	[smem:$0x3FAE] =	sst s1  }
0xa: {  	[smem:$0x3FAF] =	sst s2  }
0xb: {  	[smem:$0x3FB0] =	sst s3  }
0xc: {  	[smem:$0x3FB1] =	sst s4  }
0xd: {  	[smem:$0x3FB2] =	sst s5  }
0xe: {  	[smem:$0x3FB3] =	sst s6  }
0xf: {  	[smem:$0x3FB4] =	sst s7  }
0x10: {  	[smem:$0x3FB5] =	sst s8  }
0x11: {  	[smem:$0x3FB6] =	sst s9;
	s0 =	simm.s32 @!p0 $0x0  }
0x12: {  	s1 =	sld [smem:$0x3F9C];
	s0 =	simm.s32 @p0 $0x1  }
0x13: {  	[smem:$0x3FB7] =	sst s0;
	s0 =	simm.s32 @!p1 $0x0  }
0x14: {  	s2 =	sld [smem:$0x3F9B];
	s0 =	simm.s32 @p1 $0x1  }
0x15: {  	[smem:$0x3FB8] =	sst s0;
	s0 =	simm.s32 @!p2 $0x0  }
0x16: {  	s3 =	sld [smem:$0x3FDB];
	s0 =	simm.s32 @p2 $0x1  }
0x17: {  	s4 =	simm.s32 $0x1BF5;
	[smem:$0x3FBA] =	sst s0  }
0x18: {  	s0 =	sld [smem:$0x3F9D];
	_ =	swait.ge [sflag:s4], $0x0  }
0x19: {  	s7 =	sld [smem:$0x3F9E]  }
0x1a: {  	s8 =	sadd.s32 $0xFFFFE003, lr  }
0x1b: {  	s9 =	sadd.s32 $0xFFFFFEF7, lr;
	s5 =	simm.s32 $0xFFFFFFFF;
	p2 =	slt.u32 s8, $0xFFFFF086  }
0x1c: {  	p1 =	slt.u32 s9, $0xF7A;
	s5 =	simm.s32 @!p2 $0x0  }
0x1d: {  	s5 =	simm.s32 @p1 $0x1;
	p0 =	seq.s32 s7, s2  }
0x1e: {  	s7 =	smul.u32 @!p0 $0xF7A, s2;
	p2 =	seq.s32 @!p0 s5, $0x0  }
0x1f: {  	s9 =	smul.u32 $0xF7A, s1;
	s8 =	simm.s32 @!p0 $0x1BF5;
	p2 =	por !p2, p0  }
0x20: {  	[sflag:s8] =	ssyncset.s32 @!p0 $0xFFFFF086;
	s6 =	sadd.s32 @!p0 s3, s7;
	s7 =	simm.s32 @!p0 $0x108  }
0x21: {  	s3 =	sadd.s32 s3, s9;
	s6 =	sadd.s32 @!p0 $0x88, s6;
	s7 =	simm.s32 @p2 $0x1082  }
0x22: {  	[simem:s7], [sflag:s8] =	dma.local @!p0 [hbm:s6], $0xF7A  }
0x23: {  	s9 =	sor.u32 $0xD0000000, s2;
	s6 =	simm.s32 $0x108;
	_ =	swait.ge @!p0 [sflag:s8], $0x0  }
0x24: {  	s3 =	sadd.s32 $0x88, s3;
	s6 =	simm.s32 @!p1 $0x1082;
	[sflag:s4] =	ssyncset.s32 $0xFFFFF086  }
0x25: {  	[simem:s6], [sflag:s4] =	dma.local [hbm:s3], $0xF7A  }
0x26: {  	[smem:$0x3F9E] =	sst s1;
	(tag) =	ssettag s2;
	_ =	strace s9  }
0x27: {  	s1 =	sld [smem:$0x3FAE]  }
0x28: {  	s2 =	sld [smem:$0x3FAF]  }
0x29: {  	s4 =	sld [smem:$0x3FB1]  }
0x2a: {  	p0 =	seq.s32 s5, $0x0;
	s5 =	sld [smem:$0x3FB2]  }
0x2b: {  	s6 =	sld [smem:$0x3FB3]  }
0x2c: {  	s7 =	sld [smem:$0x3FB4]  }
0x2d: {  	s3 =	simm.s32 $0x108;
	s8 =	sld [smem:$0x3FB5]  }
0x2e: {  	s3 =	simm.s32 @!p0 $0x1082;
	s9 =	sld [smem:$0x3FB6]  }
0x2f: {  	lr =	sadd.s32 s0, s3;
	s0 =	sld [smem:$0x3FAD]  }
0x30: {  	s3 =	sld [smem:$0x3FB0]  }
0x31: {  	[smem:$0x3FB9] =	sst s10  }
0x32: {  	s10 =	sld [smem:$0x3FB7];
	_ =	sdelay $0x3  }
0x33: {  	p0 =	seq.s32 s10, $0x1;
	s10 =	sld [smem:$0x3FB9];
	_ =	sdelay $0x3  }
0x34: {  	[smem:$0x3FB9] =	sst s10  }
0x35: {  	s10 =	sld [smem:$0x3FB8];
	_ =	sdelay $0x3  }
0x36: {  	p1 =	seq.s32 s10, $0x1;
	s10 =	sld [smem:$0x3FB9];
	_ =	sdelay $0x3  }
0x37: {  	[smem:$0x3FB9] =	sst s10  }
0x38: {  	s10 =	sld [smem:$0x3FBA]  }
0x39: {  	_ = 	snop;
	(pc) =	sbr.ind lr, $3  }
0x3a: {  	_ = 	snop  }
0x3b: {  	_ = 	snop  }
0x3c: {  	p2 =	seq.s32 s10, $0x1;
	s10 =	sld [smem:$0x3FB9]  }
0x3d: {  	_ =	shalt  }
0x3e: {  	_ =	shalt  }
0x3f: {  	_ =	shalt  }
0x40: {  	_ =	shalt  }
0x41: {  	_ =	shalt  }
0x42: {  	_ =	shalt  }
0x43: {  	_ =	shalt  }
0x44: {  	_ =	shalt  }
0x45: {  	_ =	shalt  }
0x46: {  	_ =	shalt  }
0x47: {  	_ =	shalt  }
0x48: {  	_ =	shalt  }
0x49: {  	_ =	shalt  }
0x4a: {  	_ =	shalt  }
0x4b: {  	_ =	shalt  }
0x4c: {  	_ =	shalt  }
0x4d: {  	_ =	shalt  }
0x4e: {  	_ =	shalt  }
0x4f: {  	_ =	shalt  }
0x50: {  	_ =	shalt  }
0x51: {  	_ =	shalt  }
0x52: {  	_ =	shalt  }
0x53: {  	_ =	shalt  }
0x54: {  	_ =	shalt  }
0x55: {  	_ =	shalt  }
0x56: {  	_ =	shalt  }
0x57: {  	_ =	shalt  }
0x58: {  	_ =	shalt  }
0x59: {  	_ =	shalt  }
0x5a: {  	_ =	shalt  }
0x5b: {  	_ =	shalt  }
0x5c: {  	_ =	shalt  }
0x5d: {  	_ =	shalt  }
0x5e: {  	_ =	shalt  }
0x5f: {  	_ =	shalt  }
0x60: {  	_ =	shalt  }
0x61: {  	_ =	shalt  }
0x62: {  	_ =	shalt  }
0x63: {  	_ =	shalt  }
0x64: {  	_ =	shalt  }
0x65: {  	_ =	shalt  }
0x66: {  	_ =	shalt  }
0x67: {  	_ =	shalt  }
0x68: {  	_ =	shalt  }
0x69: {  	_ =	shalt  }
0x6a: {  	_ =	shalt  }
0x6b: {  	_ =	shalt  }
0x6c: {  	_ =	shalt  }
0x6d: {  	_ =	shalt  }
0x6e: {  	_ =	shalt  }
0x6f: {  	_ =	shalt  }
0x70: {  	_ =	shalt  }
0x71: {  	_ =	shalt  }
0x72: {  	_ =	shalt  }
0x73: {  	_ =	shalt  }
0x74: {  	_ =	shalt  }
0x75: {  	_ =	shalt  }
0x76: {  	_ =	shalt  }
0x77: {  	_ =	shalt  }
0x78: {  	_ =	shalt  }
0x79: {  	_ =	shalt  }
0x7a: {  	_ =	shalt  }
0x7b: {  	_ =	shalt  }
0x7c: {  	_ =	shalt  }
0x7d: {  	_ =	shalt  }
0x7e: {  	_ =	shalt  }
0x7f: {  	_ =	shalt  }
0x80: {  	_ =	shalt  }
0x81: {  	_ =	shalt  }
0x82: {  	_ =	shalt  }
0x83: {  	_ =	shalt  }
0x84: {  	_ =	shalt  }
0x85: {  	_ =	shalt  }
0x86: {  	_ =	shalt  }
0x87: {  	_ =	shalt  }
.Lfunc_end0:
.L_simem_size_0:
called_computation_lowered:
.L_overlay_start_0:
0x88: {  	s2 =	sld [smem:$0x3FD9]  }
0x89: {  	s3 =	sld [smem:$0x3FFE];
	_ =	sdelay $0x1  }
0x8a: {  	s1 =	srdreg.scid  }
0x8b: {  	s0 =	sand.u32 $0x1, s1  }
0x8c: {  	s14 =	sshll.u32 s0, $0xA;
	s2 =	sadd.s32 s3, s2  }
0x8d: {  	s2 =	sadd.s32 s2, s14  }
0x8e: {  	[smem:$0x3FC5] =	sst s2  }
0x8f: {  	_ = 	snop  }
0x90: {  	s2 =	sld [smem:$0x3FD0];
	_ =	sdelay $0x1  }
0x91: {  	s15 =	sld [smem:$0x3FC9]  }
0x92: {  	s5 =	simm.s32 $0xA;
	s6 =	simm.s32 $0x10;
	s4 =	sld [smem:$0x3FC8]  }
0x93: {  	[smem:s6], [sflag:s5] =	dma.local [hbm:s2], $0x1  }
0x94: {  	_ =	swait.eq [sflag:s5], $0x1  }
0x95: {  	[sflag:s5] =	ssyncset.done $0x0  }
0x96: {  	s16 =	sld [smem:$0x10];
	[sflag:s5] =	ssyncadd.s32 $0xFFFFFFFF  }
0x97: {  	s17 =	sld [smem:$0x11];
	(tm) =	ssettm $0x1  }
0x98: {  	s18 =	sld [smem:$0x3FFB];
	_ =	sdelay $0x3  }
0x99: {  	_ =	strace s18  }
0x9a: {  	s6 =	sld [smem:$0x3FFC];
	_ =	sdelay $0x3  }
0x9b: {  	_ =	strace s6  }
0x9c: {  	s6 =	sld [smem:$0x3FFD];
	_ =	sdelay $0x3  }
0x9d: {  	_ =	strace s6  }
0x9e: {  	_ =	strace $0x8FFFFFFF  }
0x9f: {  	s19 =	sld [smem:$0x3FDB];
	_ =	sdelay $0x1  }
0xa0: {  	s7 =	simm.s32 $_scs_section_size  }
0xa1: {  	s8 =	simm.s32 $_size__tile_overlayer_lowered;
	s9 =	simm.s32 $_tile_overlayer_lowered  }
0xa2: {  	s22 =	simm.s32 $0x1BFF;
	s21 =	sshll.u32 s9, $0x1;
	s6 =	sadd.s32 s7, s19  }
0xa3: {  	s10 =	simm.s32 $0x0;
	s20 =	sshll.u32 s8, $0x1;
	s8 =	sadd.s32 s21, s6  }
0xa4: {  	[timem:s10], [sflag:s22] =	dma.local [hbm:s8], s20  }
0xa5: {  	_ =	swait.ge [sflag:s22], s20  }
0xa6: {  	s7 =	ssub.s32 $0x0, s20;
	[sflag:s22] =	ssyncset.done $0x0  }
0xa7: {  	[sflag:s22] =	ssyncadd.s32 s7;
	_ =	sdelay $0x1  }
0xa8: {  	s23 =	simm.s32 $0x1B8B  }
0xa9: {  	_ =	swait.ge [sflag:s23], $0x1  }
0xaa: {  	[sflag:s23] =	ssyncset.done $0x0  }
0xab: {  	s25 =	simm.s32 $0x1B8E;
	s24 =	sld [smem:$0x3FFE];
	[sflag:s23] =	ssyncadd.s32 $0xFFFFFFFF  }
0xac: {  	s26 =	simm.s32 $execute0_lowered;
	[smem:$0x3FD2] =	sst s25  }
0xad: {  	s8 =	sshll.u32 s26, $0x1;
	_ =	strace $0x80000046;
	[dreg:$0x1] =	wrdreg $0xFFFFFFFF  }
0xae: {  	s28 =	simm.s32 $_size_execute0_lowered;
	s6 =	sadd.s32 s6, s8;
	[dreg:$0x0] =	wrdreg $0x0  }
0xaf: {  	s8 =	sshll.u32 s28, $0x1;
	[dreg:$0x2] =	wrdreg s6  }
0xb0: {  	[dreg:$0x3] =	wrdreg s8  }
0xb1: {  	[dreg:$0x4] =	wrdreg $0xC0  }
0xb2: {  	_ =	task [dreg:s10], $0x5FFFF  }
0xb3: {  	[dreg:$0x1] =	wrdreg $0xFFFFFFFF  }
0xb4: {  	[dreg:$0x0] =	wrdreg $0x60  }
0xb5: {  	[dreg:$0x2] =	wrdreg s24  }
0xb6: {  	[dreg:$0x3] =	wrdreg s15  }
0xb7: {  	[dreg:$0x4] =	wrdreg s4  }
0xb8: {  	[dreg:$0x5] =	wrdreg s16  }
0xb9: {  	[dreg:$0x6] =	wrdreg s17  }
0xba: {  	[dreg:$0x7] =	wrdreg $0x9  }
0xbb: {  	_ =	task.clear_ibuf [dreg:s10], $0x8FFFF;
	_ =	strace $0x90000046  }
0xbc: {  	s29 =	simm.s32 $0x9;
	_ =	strace $0x80000048  }
0xbd: {  	_ =	swait.ge [sflag:s29], $0x1  }
0xbe: {  	[sflag:s29] =	ssyncadd.s32 $0xFFFFFFFF  }
0xbf: {  	_ =	strace $0x90000048  }
0xc0: {  	_ =	sfence  }
0xc1: {  	s30 =	sld [smem:$0x0];
	_ =	sdelay $0x2  }
0xc2: {  	s31 =	sshll.u32 s1, $0xD;
	s1 =	sshrl.u32 s1, $0x2  }
0xc3: {  	s3 =	sand.u32 $0x4000, s31;
	s1 =	sadd.s32 s1, s30  }
0xc4: {  	s0 =	sor.u32 s3, s0;
	s1 =	sshll.u32 s1, $0x11  }
0xc5: {  	s0 =	sor.u32 s1, s0  }
0xc6: {  	s0 =	sadd.s32 $0x8F2B, s0  }
0xc7: {  	[sflag:s0] =	ssyncadd.remote.s32 $0x1  }
0xc8: {  	_ =	sfence.sel $0xFFFF  }
0xc9: {  	[dreg:$0x0] =	wrdreg $0xFFFFFFFF;
	(pc) =	sbr.abs _section_cstart, $3  }
0xca: {  	[dreg:$0x1] =	wrdreg $0xFFFFFFFF  }
0xcb: {  	_ =	task.clear_ibuf [dreg:s10], $0x2FFFF;
	_ =	strace $0x9FFFFFFF  }
0xcc: {  	(tm) =	ssettm $0x7FFFFFFF  }
0xcd: {  	_ =	shalt  }
tec
execute0_lowered:
.L_overlay_start_1:
0x0: {  	(tag) =	ssettag $0x1  }
0x1: {  	s0 =	rddreg [dreg:$0x0]  }
0x2: {  	s5 =	rddreg [dreg:$0x1]  }
0x3: {  	s11 =	rddreg [dreg:$0x2];
	s1 =	srdreg.scid;
	s6 =	simm.s32 $0x0  }
0x4: {  	s4 =	stileid.u32;
	s19 =	simm.s32 $0x1;
	s20 =	simm.s32 $0x2710  }
0x5: {  	s21 =	simm.s32 $0x4E20;
	s22 =	simm.s32 $0x7530;
	s23 =	simm.s32 $0x9C40  }
0x6: {  	s1 =	sand.u32 $0x1, s1;
	[smem:$0x7FF] =	sst s6;
	s4 =	sshll.u32 s4, $0x1  }
0x7: {  	s0 =	sadd.s32 $0x800, s0;
	s2 =	ssub.s32 $0x2, s1;
	_ =	strace $0x80000047  }
0x8: {  	[dreg:$0x6] =	wrdreg s0;
	s1 =	sor.u32 s1, s4;
	s3 =	sshrl.u32 s2, $0x1  }
0x9: {  	s25 =	sshll.u32 s1, $0x8;
	s26 =	sshll.u32 s1, $0xC;
	s1 =	sshll.u32 s1, $0xD  }
0xa: {  	s24 =	ssub.s32 s2, s3;
	s2 =	sadd.s32 s11, s26;
	[dreg:$0x7] =	wrdreg s25  }
0xb: {  	s28 =	simm.s32 $0x13880;
	s1 =	sadd.s32 s5, s1;
	[dreg:$0x8] =	wrdreg s2  }
0xc: {  	s31 =	simm.s32 $0x2;
	s29 =	sor.u32 $0x10, s25;
	[dreg:$0x9] =	wrdreg s1  }
0xd: {  	s30 =	sor.u32 $0x20, s25;
	s25 =	simm.s32 $0xEA60;
	[dreg:$0xa] =	wrdreg s29  }
0xe: {  	s26 =	simm.s32 $0x11170;
	[dreg:$0xb] =	wrdreg s30;
	s0 =	smax.u32 s24, $0x1  }
0xf: {  	s24 =	simm.s32 $0xC350;
	s2 =	simm.s32 $0x0;
	[dreg:$0xc] =	wrdreg s0  }
.LBB2_1:
0x10: {  	[dreg:$0xd] =	wrdreg s2  }
0x11: {  	s0 =	rddreg [dreg:$0x8];
	s1 =	simm.s32 $0x16000  }
0x12: {  	[tilespmem:s1], [sflag:$0x1] =	stream.linear.gather [hbm4b:s0+s6], $0x800, $0x38;
	[tilespmem:$0x1C000] =	vst v63  }
0x13: {  	s17 =	rddreg [dreg:$0x9];
	s18 =	simm.s32 $0x17000  }
0x14: {  	[tilespmem:s18], [sflag:$0x1] =	stream.linear.gather [hbm4b:s17+s6], $0x1000, $0x38;
	[tilespmem:$0x1C000] =	vst v63  }
0x15: {  	s29 =	rddreg [dreg:$0x6];
	s30 =	simm.s32 $0x5  }
0x16: {  	[tilespmem:s6], [sflag:$0x5] =	stream.linear.gather [hbm4b:s29+s6], $0x16000, $0x38;
	[tilespmem:$0x1C000] =	vst v63  }
0x17: {  	_ =	swait.ge [sflag:s30], $0x16000  }
0x18: {  	[sflag:s30] =	ssyncset.done $0x0  }
0x19: {  	s9 =	simm.s32 $0x0;
	[sflag:s30] =	ssyncadd.s32 $0xFFFEA000  }
.LBB2_2:
0x1a: {  	s16 =	sshll.u32 s9, $0x5;
	s0 =	rddreg [dreg:$0xa]  }
0x1b: {  	s0 =	sadd.s32 s0, s16  }
0x1c: {  	s1 =	sshll.u32 s0, $0x4  }
0x1d: {  	s0 =	sshll.u32 s0, $0x5;
	s10 =	sand.u32 $0x1FFFFF00, s1  }
0x1e: {  	s2 =	simm.s32 $0x16800;
	s13 =	sand.u32 $0x1FFFFE00, s0;
	s1 =	sadd.s32 s11, s10  }
0x1f: {  	[tilespmem:s2], [sflag:$0x2] =	stream.linear.gather [hbm4b:s1+s6], $0x800, $0x38;
	[tilespmem:$0x1C000] =	vst v63  }
0x20: {  	s0 =	sadd.s32 s5, s13;
	s2 =	simm.s32 $0x18000  }
0x21: {  	[tilespmem:s2], [sflag:$0x2] =	stream.linear.gather [hbm4b:s0+s6], $0x1000, $0x38;
	[tilespmem:$0x1C000] =	vst v63  }
0x22: {  	_ =	swait.ge [sflag:s19], $0x800  }
0x23: {  	[sflag:s19] =	ssyncset.done $0x0  }
0x24: {  	[sflag:s19] =	ssyncadd.s32 $0xFFFFF800  }
0x25: {  	_ =	swait.ge [sflag:s19], $0x1000  }
0x26: {  	p0 =	seq.s32 s9, $0x0;
	[sflag:s19] =	ssyncset.done $0x0  }
0x27: {  	s0 =	simm.s32 @!p0 $0x3;
	[sflag:s19] =	ssyncadd.s32 $0xFFFFF000  }
0x28: {  	_ =	swait.ge @!p0 [sflag:s0], $0x1000  }
0x29: {  	[sflag:s0] =	ssyncset.done @!p0 $0x0  }
0x2a: {  	[sflag:s0] =	ssyncadd.s32 @!p0 $0xFFFFF000  }
0x2b: {  	_ =	swait.ge @!p0 [sflag:s0], $0x800  }
0x2c: {  	[sflag:s0] =	ssyncset.done @!p0 $0x0  }
0x2d: {  	[sflag:s0] =	ssyncadd.s32 @!p0 $0xFFFFF800;
	s0 =	simm.s32 $0x0  }
0x2e: {  	v0 =	vld [tilespmem:s0+$0x16000];
	_ =	sdelay $0x4  }
0x2f: {  	s3 =	simm.s32 $0x17080  }
0x30: {  	v1 =	vld [tilespmem:s3+$0xFFFFFF80]  }
0x31: {  	v2 =	vld [tilespmem:s3+$0x0]  }
0x32: {  	v3 =	vld.idx.msk [tilespmem:v0+s25+$0x0], $0xffff  }
0x33: {  	v4 =	vld.idx.msk [tilespmem:v0+s26+$0x0], $0xffff;
	_ =	sdelay $0x3  }
0x34: {  	v5 =	vld.idx.msk [tilespmem:v0+s28+$0x0], $0xffff  }
0x35: {  	v3 =	vmul.f32 v3, v1;
	v4 =	vmul.f32 v4, v2;
	_ =	sdelay $0x1  }
0x36: {  	v3 =	vadd.f32 v4, v3;
	_ =	sdelay $0x1  }
0x37: {  	v3 =	vadd.f32 v3, v5;
	_ =	sdelay $0x1  }
0x38: {  	v7 =	vld.idx.msk [tilespmem:v0+s20+$0x0], $0xffff;
	v4 =	vand.u32 $0x7FFFFFFF, v3  }
0x39: {  	v8 =	vld.idx.msk [tilespmem:v0+s23+$0x0], $0xffff;
	v4 =	vmax.f32 v4, $9.999999970e-07  }
0x3a: {  	v5 =	vld.idx.msk [tilespmem:v0+s6+$0x0], $0xffff;
	v6 =	vand.u32 $0x80000000, v3;
	v4 =	vand.u32 $0x7FFFFFFF, v4  }
0x3b: {  	vm0 =	veq.f32 v3, $0.0e+00;
	v4 =	vor.u32 v6, v4;
	v6 =	vld.idx.msk [tilespmem:v0+s22+$0x0], $0xffff  }
0x3c: {  	v4 =	vsel vm0, $0x0, v4  }
0x3d: {  	(erf) = vrcp.f32 v4;
	_ =	sdelay $0x1  }
0x3e: {  	v7 =	vmul.f32 v7, v2;
	v2 =	vmul.f32 v8, v2  }
0x3f: {  	v5 =	vmul.f32 v5, v1;
	v4 =	vld.idx.msk [tilespmem:v0+s21+$0x0], $0xffff;
	v1 =	vmul.f32 v6, v1  }
0x40: {  	v0 =	vld.idx.msk [tilespmem:v0+s24+$0x0], $0xffff  }
0x41: {  	v1 =	vadd.f32 v2, v1  }
0x42: {  	v5 =	vadd.f32 v7, v5;
	_ =	sdelay $0x1  }
0x43: {  	v2 =	vadd.f32 v5, v4  }
0x44: {  	v0 =	vadd.f32 v1, v0;
	v1 =	vpop (erf)  }
0x45: {  	v2 =	vmul.f32 v1, v2  }
0x46: {  	s12 =	smov.u32 s5;
	s5 =	simm.s32 $0x19080;
	v0 =	vmul.f32 v1, v0  }
0x47: {  	[tilespmem:s5+$0xFFFFFF80] =	vst v2  }
0x48: {  	[tilespmem:s5+$0x0] =	vst v0  }
0x49: {  	v0 =	vld [tilespmem:s0+$0x16010];
	_ =	sdelay $0x4  }
0x4a: {  	[tilespmem:s0+$0x1B000] =	vst v3  }
0x4b: {  	v1 =	vld [tilespmem:s3+$0xFFFFFF90]  }
0x4c: {  	v2 =	vld [tilespmem:s3+$0x10]  }
0x4d: {  	v3 =	vld.idx.msk [tilespmem:v0+s25+$0x0], $0xffff  }
0x4e: {  	v4 =	vld.idx.msk [tilespmem:v0+s26+$0x0], $0xffff;
	_ =	sdelay $0x3  }
0x4f: {  	v5 =	vld.idx.msk [tilespmem:v0+s28+$0x0], $0xffff  }
0x50: {  	v3 =	vmul.f32 v3, v1;
	v4 =	vmul.f32 v4, v2;
	_ =	sdelay $0x1  }
0x51: {  	v3 =	vadd.f32 v4, v3;
	_ =	sdelay $0x1  }
0x52: {  	v3 =	vadd.f32 v3, v5;
	_ =	sdelay $0x1  }
0x53: {  	v4 =	vand.u32 $0x7FFFFFFF, v3  }
0x54: {  	v4 =	vmax.f32 v4, $9.999999970e-07  }
0x55: {  	v7 =	vld.idx.msk [tilespmem:v0+s20+$0x0], $0xffff;
	v6 =	vand.u32 $0x80000000, v3;
	v4 =	vand.u32 $0x7FFFFFFF, v4  }
0x56: {  	v5 =	vld.idx.msk [tilespmem:v0+s6+$0x0], $0xffff;
	vm12 =	veq.f32 v3, $0.0e+00;
	v4 =	vor.u32 v6, v4  }
0x57: {  	v8 =	vld.idx.msk [tilespmem:v0+s23+$0x0], $0xffff;
	v4 =	vsel vm12, $0x0, v4  }
0x58: {  	v6 =	vld.idx.msk [tilespmem:v0+s22+$0x0], $0xffff;
	(erf) = vrcp.f32 v4;
	_ =	sdelay $0x1  }
0x59: {  	v4 =	vld.idx.msk [tilespmem:v0+s21+$0x0], $0xffff  }
0x5a: {  	v7 =	vmul.f32 v7, v2;
	v5 =	vmul.f32 v5, v1  }
0x5b: {  	v0 =	vld.idx.msk [tilespmem:v0+s24+$0x0], $0xffff  }
0x5c: {  	v2 =	vmul.f32 v8, v2;
	v5 =	vadd.f32 v7, v5;
	v1 =	vmul.f32 v6, v1  }
0x5d: {  	s14 =	simm.s32 $0x80  }
0x5e: {  	v1 =	vadd.f32 v2, v1;
	v2 =	vadd.f32 v5, v4;
	v4 =	vld [tilespmem:s14+$0x16000];
	_ =	sdelay $0x1  }
0x5f: {  	v0 =	vadd.f32 v1, v0;
	v5 =	vpop (erf)  }
0x60: {  	v1 =	vmul.f32 v5, v2  }
0x61: {  	s30 =	simm.s32 $0x17180;
	v0 =	vmul.f32 v5, v0  }
0x62: {  	v2 =	vld [tilespmem:s30+$0x0];
	[tilespmem:s5+$0xFFFFFF90] =	vst v1  }
0x63: {  	[tilespmem:s5+$0x10] =	vst v0;
	v1 =	vld [tilespmem:s30+$0xFFFFFF80]  }
0x64: {  	v0 =	vld [tilespmem:s0+$0x16020]  }
0x65: {  	v6 =	vld.idx.msk [tilespmem:v4+s25+$0x0], $0xffff  }
0x66: {  	v7 =	vld.idx.msk [tilespmem:v4+s26+$0x0], $0xffff;
	_ =	sdelay $0x2  }
0x67: {  	v5 =	vld.idx.msk [tilespmem:v4+s28+$0x0], $0xffff;
	[tilespmem:s0+$0x1B010] =	vst v3  }
0x68: {  	v3 =	vld [tilespmem:s3+$0xFFFFFFA0]  }
0x69: {  	v8 =	vld [tilespmem:s3+$0x20];
	v6 =	vmul.f32 v6, v1;
	v7 =	vmul.f32 v7, v2  }
0x6a: {  	v9 =	vld.idx.msk [tilespmem:v0+s25+$0x0], $0xffff  }
0x6b: {  	v6 =	vadd.f32 v7, v6;
	v10 =	vld.idx.msk [tilespmem:v0+s26+$0x0], $0xffff;
	_ =	sdelay $0x1  }
0x6c: {  	v5 =	vadd.f32 v6, v5;
	_ =	sdelay $0x1  }
0x6d: {  	v7 =	vld.idx.msk [tilespmem:v0+s28+$0x0], $0xffff;
	v11 =	vand.u32 $0x7FFFFFFF, v5  }
0x6e: {  	v12 =	vld.idx.msk [tilespmem:v4+s6+$0x0], $0xffff;
	v11 =	vmax.f32 v11, $9.999999970e-07;
	v6 =	vmul.f32 v9, v3;
	v9 =	vmul.f32 v10, v8  }
0x6f: {  	v13 =	vand.u32 $0x80000000, v5;
	v10 =	vld.idx.msk [tilespmem:v4+s21+$0x0], $0xffff;
	v11 =	vand.u32 $0x7FFFFFFF, v11  }
0x70: {  	v11 =	vor.u32 v13, v11;
	v13 =	vld.idx.msk [tilespmem:v4+s22+$0x0], $0xffff;
	v6 =	vadd.f32 v9, v6  }
0x71: {  	v9 =	vld.idx.msk [tilespmem:v4+s24+$0x0], $0xffff  }
0x72: {  	vm13 =	veq.f32 v5, $0.0e+00;
	v6 =	vadd.f32 v6, v7;
	v7 =	vld.idx.msk [tilespmem:v4+s20+$0x0], $0xffff  }
0x73: {  	v11 =	vsel vm13, $0x0, v11;
	v4 =	vld.idx.msk [tilespmem:v4+s23+$0x0], $0xffff  }
0x74: {  	(erf) = vrcp.f32 v11;
	v14 =	vand.u32 $0x7FFFFFFF, v6  }
0x75: {  	v11 =	vmax.f32 v14, $9.999999970e-07  }
0x76: {  	v12 =	vmul.f32 v12, v1;
	v16 =	vld.idx.msk [tilespmem:v0+s20+$0x0], $0xffff;
	v15 =	vand.u32 $0x80000000, v6;
	v11 =	vand.u32 $0x7FFFFFFF, v11  }
0x77: {  	vm14 =	veq.f32 v6, $0.0e+00;
	v1 =	vmul.f32 v13, v1;
	v14 =	vld.idx.msk [tilespmem:v0+s6+$0x0], $0xffff;
	v11 =	vor.u32 v15, v11  }
0x78: {  	v17 =	vld.idx.msk [tilespmem:v0+s23+$0x0], $0xffff;
	v7 =	vmul.f32 v7, v2;
	v2 =	vmul.f32 v4, v2;
	v11 =	vsel vm14, $0x0, v11  }
0x79: {  	v15 =	vld.idx.msk [tilespmem:v0+s22+$0x0], $0xffff;
	(erf) = vrcp.f32 v11  }
0x7a: {  	v1 =	vadd.f32 v2, v1  }
0x7b: {  	v4 =	vadd.f32 v7, v12  }
0x7c: {  	v2 =	vld.idx.msk [tilespmem:v0+s21+$0x0], $0xffff;
	v7 =	vmul.f32 v14, v3;
	v1 =	vadd.f32 v1, v9  }
0x7d: {  	v0 =	vld.idx.msk [tilespmem:v0+s24+$0x0], $0xffff;
	v4 =	vadd.f32 v4, v10;
	v10 =	vmul.f32 v16, v8;
	v9 =	vpop (erf);
	v8 =	vmul.f32 v17, v8  }
0x7e: {  	v3 =	vmul.f32 v15, v3;
	v1 =	vmul.f32 v9, v1  }
0x7f: {  	v7 =	vadd.f32 v10, v7  }
0x80: {  	v3 =	vadd.f32 v8, v3  }
0x81: {  	s15 =	simm.s32 $0x19180;
	v2 =	vadd.f32 v7, v2  }
0x82: {  	v4 =	vmul.f32 v9, v4;
	[tilespmem:s15+$0x0] =	vst v1;
	v0 =	vadd.f32 v3, v0;
	v1 =	vpop (erf)  }
0x83: {  	v2 =	vmul.f32 v1, v2  }
0x84: {  	[tilespmem:s15+$0xFFFFFF80] =	vst v4;
	v0 =	vmul.f32 v1, v0  }
0x85: {  	v3 =	vld [tilespmem:s14+$0x16010];
	[tilespmem:s5+$0xFFFFFFA0] =	vst v2  }
0x86: {  	[tilespmem:s5+$0x20] =	vst v0  }
0x87: {  	v0 =	vld [tilespmem:s0+$0x16030]  }
0x88: {  	[tilespmem:s14+$0x1B000] =	vst v5  }
0x89: {  	v1 =	vld [tilespmem:s30+$0xFFFFFF90]  }
0x8a: {  	v2 =	vld [tilespmem:s30+$0x10];
	[tilespmem:s0+$0x1B020] =	vst v6  }
0x8b: {  	v6 =	vld [tilespmem:s3+$0xFFFFFFB0]  }
0x8c: {  	v7 =	vld [tilespmem:s3+$0x30]  }
0x8d: {  	v4 =	vld.idx.msk [tilespmem:v3+s25+$0x0], $0xffff  }
0x8e: {  	v5 =	vld.idx.msk [tilespmem:v3+s26+$0x0], $0xffff  }
0x8f: {  	v8 =	vld.idx.msk [tilespmem:v0+s25+$0x0], $0xffff  }
0x90: {  	v9 =	vld.idx.msk [tilespmem:v0+s26+$0x0], $0xffff;
	_ =	sdelay $0x2  }
0x91: {  	v10 =	vld.idx.msk [tilespmem:v3+s28+$0x0], $0xffff  }
0x92: {  	v4 =	vmul.f32 v4, v1;
	v5 =	vmul.f32 v5, v2;
	v11 =	vld.idx.msk [tilespmem:v0+s28+$0x0], $0xffff  }
0x93: {  	v8 =	vmul.f32 v8, v6;
	v9 =	vmul.f32 v9, v7  }
0x94: {  	v4 =	vadd.f32 v5, v4  }
0x95: {  	v5 =	vadd.f32 v9, v8  }
0x96: {  	v4 =	vadd.f32 v4, v10  }
0x97: {  	v5 =	vadd.f32 v5, v11  }
0x98: {  	v8 =	vand.u32 $0x7FFFFFFF, v4  }
0x99: {  	vm15 =	veq.f32 v4, $0.0e+00;
	v8 =	vmax.f32 v8, $9.999999970e-07;
	v9 =	vand.u32 $0x7FFFFFFF, v5  }
0x9a: {  	v12 =	vld.idx.msk [tilespmem:v0+s20+$0x0], $0xffff;
	v10 =	vand.u32 $0x80000000, v4;
	v8 =	vand.u32 $0x7FFFFFFF, v8;
	v9 =	vmax.f32 v9, $9.999999970e-07  }
0x9b: {  	v11 =	vld.idx.msk [tilespmem:v0+s6+$0x0], $0xffff;
	v8 =	vor.u32 v10, v8;
	v10 =	vand.u32 $0x80000000, v5;
	v9 =	vand.u32 $0x7FFFFFFF, v9  }
0x9c: {  	v8 =	vsel vm15, $0x0, v8;
	vm4 =	veq.f32 v5, $0.0e+00;
	v9 =	vor.u32 v10, v9;
	v10 =	vld.idx.msk [tilespmem:v0+s22+$0x0], $0xffff  }
0x9d: {  	(erf) = vrcp.f32 v8;
	v8 =	vsel vm4, $0x0, v9;
	v9 =	vld.idx.msk [tilespmem:v0+s23+$0x0], $0xffff;
	_ =	sdelay $0x1  }
0x9e: {  	(erf) = vrcp.f32 v8;
	_ =	sdelay $0x1  }
0x9f: {  	v12 =	vmul.f32 v12, v7;
	v11 =	vmul.f32 v11, v6  }
0xa0: {  	v8 =	vld.idx.msk [tilespmem:v0+s21+$0x0], $0xffff;
	v6 =	vmul.f32 v10, v6;
	v7 =	vmul.f32 v9, v7  }
0xa1: {  	v0 =	vld.idx.msk [tilespmem:v0+s24+$0x0], $0xffff  }
0xa2: {  	v6 =	vadd.f32 v7, v6  }
0xa3: {  	v9 =	vadd.f32 v12, v11  }
0xa4: {  	s18 =	simm.s32 $0x17280  }
0xa5: {  	v14 =	vld [tilespmem:s18+$0x0];
	v10 =	vpop (erf);
	v8 =	vadd.f32 v9, v8  }
0xa6: {  	s7 =	simm.s32 $0x100;
	v13 =	vld.idx.msk [tilespmem:v3+s23+$0x0], $0xffff;
	v0 =	vadd.f32 v6, v0;
	v6 =	vpop (erf)  }
0xa7: {  	v9 =	vld [tilespmem:s7+$0x16000];
	v8 =	vmul.f32 v6, v8  }
0xa8: {  	v12 =	vld.idx.msk [tilespmem:v3+s6+$0x0], $0xffff;
	v0 =	vmul.f32 v6, v0  }
0xa9: {  	v6 =	vld.idx.msk [tilespmem:v3+s20+$0x0], $0xffff;
	[tilespmem:s5+$0xFFFFFFB0] =	vst v8  }
0xaa: {  	v8 =	vld.idx.msk [tilespmem:v3+s22+$0x0], $0xffff;
	[tilespmem:s5+$0x30] =	vst v0  }
0xab: {  	v0 =	vld [tilespmem:s0+$0x16040]  }
0xac: {  	v11 =	vld.idx.msk [tilespmem:v3+s21+$0x0], $0xffff  }
0xad: {  	v7 =	vld [tilespmem:s18+$0xFFFFFF80]  }
0xae: {  	v3 =	vld.idx.msk [tilespmem:v3+s24+$0x0], $0xffff  }
0xaf: {  	v12 =	vmul.f32 v12, v1;
	v15 =	vld.idx.msk [tilespmem:v9+s25+$0x0], $0xffff;
	v6 =	vmul.f32 v6, v2  }
0xb0: {  	v16 =	vld.idx.msk [tilespmem:v9+s26+$0x0], $0xffff;
	[tilespmem:s0+$0x1B030] =	vst v5;
	v2 =	vmul.f32 v13, v2;
	v1 =	vmul.f32 v8, v1  }
0xb1: {  	v5 =	vld [tilespmem:s3+$0xFFFFFFC0];
	v6 =	vadd.f32 v6, v12  }
0xb2: {  	v8 =	vld [tilespmem:s3+$0x40];
	v1 =	vadd.f32 v2, v1  }
0xb3: {  	v6 =	vadd.f32 v6, v11;
	v2 =	vld.idx.msk [tilespmem:v0+s25+$0x0], $0xffff  }
0xb4: {  	v11 =	vld.idx.msk [tilespmem:v0+s26+$0x0], $0xffff;
	v1 =	vadd.f32 v1, v3  }
0xb5: {  	v3 =	vmul.f32 v10, v6  }
0xb6: {  	v6 =	vld.idx.msk [tilespmem:v9+s28+$0x0], $0xffff;
	v1 =	vmul.f32 v10, v1  }
0xb7: {  	[tilespmem:s15+$0xFFFFFF90] =	vst v3;
	v3 =	vmul.f32 v15, v7;
	v10 =	vmul.f32 v16, v14  }
0xb8: {  	v12 =	vld.idx.msk [tilespmem:v0+s28+$0x0], $0xffff  }
0xb9: {  	[tilespmem:s15+$0x10] =	vst v1;
	v3 =	vadd.f32 v10, v3;
	v1 =	vmul.f32 v2, v5;
	v2 =	vmul.f32 v11, v8  }
0xba: {  	v20 =	vld.idx.msk [tilespmem:v9+s23+$0x0], $0xffff  }
0xbb: {  	v17 =	vld.idx.msk [tilespmem:v0+s6+$0x0], $0xffff;
	v1 =	vadd.f32 v2, v1;
	v2 =	vadd.f32 v3, v6  }
0xbc: {  	v11 =	vld [tilespmem:s14+$0x16020]  }
0xbd: {  	v19 =	vld.idx.msk [tilespmem:v0+s22+$0x0], $0xffff;
	[tilespmem:s14+$0x1B010] =	vst v4;
	v1 =	vadd.f32 v1, v12;
	v4 =	vand.u32 $0x7FFFFFFF, v2  }
0xbe: {  	v10 =	vld.idx.msk [tilespmem:v9+s6+$0x0], $0xffff;
	v4 =	vmax.f32 v4, $9.999999970e-07  }
0xbf: {  	v15 =	vld [tilespmem:s30+$0x20];
	v13 =	vand.u32 $0x80000000, v2;
	v16 =	vand.u32 $0x7FFFFFFF, v1;
	v4 =	vand.u32 $0x7FFFFFFF, v4  }
0xc0: {  	v3 =	vld.idx.msk [tilespmem:v9+s20+$0x0], $0xffff;
	vm5 =	veq.f32 v2, $0.0e+00;
	v16 =	vmax.f32 v16, $9.999999970e-07;
	v4 =	vor.u32 v13, v4  }
0xc1: {  	v12 =	vld [tilespmem:s30+$0xFFFFFFA0];
	v18 =	vand.u32 $0x80000000, v1;
	v16 =	vand.u32 $0x7FFFFFFF, v16;
	v4 =	vsel vm5, $0x0, v4  }
0xc2: {  	vm6 =	veq.f32 v1, $0.0e+00;
	v16 =	vor.u32 v18, v16;
	(erf) = vrcp.f32 v4;
	v4 =	vld.idx.msk [tilespmem:v0+s23+$0x0], $0xffff  }
0xc3: {  	v13 =	vld.idx.msk [tilespmem:v0+s20+$0x0], $0xffff;
	v16 =	vsel vm6, $0x0, v16  }
0xc4: {  	v18 =	vld.idx.msk [tilespmem:v11+s25+$0x0], $0xffff;
	(erf) = vrcp.f32 v16  }
0xc5: {  	v16 =	vld.idx.msk [tilespmem:v11+s26+$0x0], $0xffff  }
0xc6: {  	v17 =	vmul.f32 v17, v5;
	v6 =	vld.idx.msk [tilespmem:v9+s22+$0x0], $0xffff  }
0xc7: {  	v21 =	vld.idx.msk [tilespmem:v0+s21+$0x0], $0xffff;
	v5 =	vmul.f32 v19, v5;
	v4 =	vmul.f32 v4, v8  }
0xc8: {  	v0 =	vld.idx.msk [tilespmem:v0+s24+$0x0], $0xffff;
	v13 =	vmul.f32 v13, v8  }
0xc9: {  	v10 =	vmul.f32 v10, v7;
	v22 =	vld.idx.msk [tilespmem:v11+s28+$0x0], $0xffff;
	v4 =	vadd.f32 v4, v5  }
0xca: {  	v8 =	vld.idx.msk [tilespmem:v9+s21+$0x0], $0xffff;
	v13 =	vadd.f32 v13, v17;
	v17 =	vmul.f32 v18, v12;
	v16 =	vmul.f32 v16, v15  }
0xcb: {  	v3 =	vmul.f32 v3, v14;
	v6 =	vmul.f32 v6, v7;
	v9 =	vld.idx.msk [tilespmem:v9+s24+$0x0], $0xffff  }
0xcc: {  	v5 =	vmul.f32 v20, v14;
	v13 =	vadd.f32 v13, v21;
	v7 =	vpop (erf);
	v14 =	vadd.f32 v16, v17  }
0xcd: {  	v3 =	vadd.f32 v3, v10;
	v0 =	vadd.f32 v4, v0;
	v4 =	vpop (erf)  }
0xce: {  	v5 =	vadd.f32 v5, v6;
	v10 =	vadd.f32 v14, v22;
	v6 =	vmul.f32 v4, v13  }
0xcf: {  	v3 =	vadd.f32 v3, v8;
	v0 =	vmul.f32 v4, v0  }
0xd0: {  	v4 =	vadd.f32 v5, v9;
	[tilespmem:s5+$0xFFFFFFC0] =	vst v6;
	v6 =	vand.u32 $0x7FFFFFFF, v10  }
0xd1: {  	v8 =	vld.idx.msk [tilespmem:v11+s20+$0x0], $0xffff;
	v3 =	vmul.f32 v7, v3;
	[tilespmem:s5+$0x40] =	vst v0;
	v0 =	vmax.f32 v6, $9.999999970e-07  }
0xd2: {  	v4 =	vmul.f32 v7, v4;
	v7 =	vand.u32 $0x80000000, v10;
	v6 =	vld [tilespmem:s0+$0x16050];
	v0 =	vand.u32 $0x7FFFFFFF, v0  }
0xd3: {  	s17 =	simm.s32 $0x19280;
	v5 =	vld.idx.msk [tilespmem:v11+s6+$0x0], $0xffff;
	vm7 =	veq.f32 v10, $0.0e+00;
	v0 =	vor.u32 v7, v0  }
0xd4: {  	[tilespmem:s17+$0xFFFFFF80] =	vst v3;
	v3 =	vld.idx.msk [tilespmem:v11+s22+$0x0], $0xffff;
	v0 =	vsel vm7, $0x0, v0  }
0xd5: {  	[tilespmem:s17+$0x0] =	vst v4;
	v4 =	vld.idx.msk [tilespmem:v11+s23+$0x0], $0xffff;
	(erf) = vrcp.f32 v0  }
0xd6: {  	v9 =	vld.idx.msk [tilespmem:v11+s24+$0x0], $0xffff;
	[tilespmem:s0+$0x1B040] =	vst v1  }
0xd7: {  	v1 =	vld [tilespmem:s3+$0xFFFFFFD0]  }
0xd8: {  	v8 =	vmul.f32 v8, v15;
	v5 =	vmul.f32 v5, v12;
	v0 =	vld.idx.msk [tilespmem:v11+s21+$0x0], $0xffff  }
0xd9: {  	v11 =	vld [tilespmem:s3+$0x50]  }
0xda: {  	v3 =	vmul.f32 v3, v12;
	v5 =	vadd.f32 v8, v5;
	v4 =	vmul.f32 v4, v15;
	v8 =	vld.idx.msk [tilespmem:v6+s26+$0x0], $0xffff  }
0xdb: {  	v12 =	vld.idx.msk [tilespmem:v6+s25+$0x0], $0xffff  }
0xdc: {  	v3 =	vadd.f32 v4, v3  }
0xdd: {  	v0 =	vadd.f32 v5, v0  }
0xde: {  	v7 =	vld [tilespmem:s7+$0x16010];
	v3 =	vadd.f32 v3, v9;
	v4 =	vpop (erf)  }
0xdf: {  	v5 =	vld.idx.msk [tilespmem:v6+s28+$0x0], $0xffff;
	v8 =	vmul.f32 v8, v11;
	v0 =	vmul.f32 v4, v0  }
0xe0: {  	[tilespmem:s7+$0x1B000] =	vst v2;
	v2 =	vmul.f32 v4, v3;
	v4 =	vmul.f32 v12, v1  }
0xe1: {  	v13 =	vld.idx.msk [tilespmem:v6+s6+$0x0], $0xffff  }
0xe2: {  	v14 =	vld.idx.msk [tilespmem:v6+s20+$0x0], $0xffff;
	[tilespmem:s15+$0xFFFFFFA0] =	vst v0;
	v0 =	vadd.f32 v8, v4  }
0xe3: {  	v16 =	vld.idx.msk [tilespmem:v6+s22+$0x0], $0xffff;
	[tilespmem:s15+$0x20] =	vst v2  }
0xe4: {  	v2 =	vld [tilespmem:s14+$0x16030];
	v5 =	vadd.f32 v0, v5  }
0xe5: {  	v9 =	vld [tilespmem:s18+$0x10]  }
0xe6: {  	v3 =	vld [tilespmem:s18+$0xFFFFFF90];
	v0 =	vand.u32 $0x7FFFFFFF, v5  }
0xe7: {  	v12 =	vld.idx.msk [tilespmem:v7+s25+$0x0], $0xffff;
	v0 =	vmax.f32 v0, $9.999999970e-07  }
0xe8: {  	v4 =	vld.idx.msk [tilespmem:v7+s26+$0x0], $0xffff;
	[tilespmem:s14+$0x1B020] =	vst v10;
	v15 =	vand.u32 $0x80000000, v5;
	v0 =	vand.u32 $0x7FFFFFFF, v0  }
0xe9: {  	v8 =	vld [tilespmem:s30+$0xFFFFFFB0];
	vm8 =	veq.f32 v5, $0.0e+00;
	v0 =	vor.u32 v15, v0  }
0xea: {  	v10 =	vld [tilespmem:s30+$0x30];
	v0 =	vsel vm8, $0x0, v0  }
0xeb: {  	v15 =	vld.idx.msk [tilespmem:v6+s23+$0x0], $0xffff;
	(erf) = vrcp.f32 v0  }
0xec: {  	v17 =	vld.idx.msk [tilespmem:v2+s25+$0x0], $0xffff  }
0xed: {  	v18 =	vld.idx.msk [tilespmem:v2+s26+$0x0], $0xffff  }
0xee: {  	v19 =	vld.idx.msk [tilespmem:v6+s21+$0x0], $0xffff  }
0xef: {  	v13 =	vmul.f32 v13, v1;
	v14 =	vmul.f32 v14, v11;
	v6 =	vld.idx.msk [tilespmem:v6+s24+$0x0], $0xffff  }
0xf0: {  	v20 =	vld.idx.msk [tilespmem:v7+s28+$0x0], $0xffff;
	v1 =	vmul.f32 v16, v1;
	v11 =	vmul.f32 v15, v11  }
0xf1: {  	v13 =	vadd.f32 v14, v13;
	v12 =	vmul.f32 v12, v3;
	v4 =	vmul.f32 v4, v9;
	v51 =	vld.idx.msk [tilespmem:v2+s28+$0x0], $0xffff  }
0xf2: {  	s29 =	simm.s32 $0x180;
	v53 =	vld.idx.msk [tilespmem:v7+s23+$0x0], $0xffff;
	v15 =	vmul.f32 v17, v8;
	v16 =	vmul.f32 v18, v10;
	v1 =	vadd.f32 v11, v1  }
0xf3: {  	v14 =	vld [tilespmem:s29+$0x16000];
	v4 =	vadd.f32 v4, v12;
	v12 =	vadd.f32 v13, v19  }
0xf4: {  	v13 =	vld.idx.msk [tilespmem:v7+s6+$0x0], $0xffff;
	v15 =	vadd.f32 v16, v15;
	v1 =	vadd.f32 v1, v6;
	v6 =	vpop (erf)  }
0xf5: {  	v4 =	vadd.f32 v4, v20;
	v52 =	vld.idx.msk [tilespmem:v2+s23+$0x0], $0xffff;
	v12 =	vmul.f32 v6, v12  }
0xf6: {  	v11 =	vld.idx.msk [tilespmem:v7+s21+$0x0], $0xffff;
	v15 =	vadd.f32 v15, v51;
	v1 =	vmul.f32 v6, v1  }
0xf7: {  	v18 =	vld.idx.msk [tilespmem:v2+s6+$0x0], $0xffff;
	v6 =	vand.u32 $0x7FFFFFFF, v4;
	[tilespmem:s5+$0xFFFFFFD0] =	vst v12  }
0xf8: {  	vm9 =	veq.f32 v4, $0.0e+00;
	v16 =	vld.idx.msk [tilespmem:v7+s20+$0x0], $0xffff;
	v6 =	vmax.f32 v6, $9.999999970e-07;
	v19 =	vand.u32 $0x7FFFFFFF, v15;
	[tilespmem:s5+$0x50] =	vst v1  }
0xf9: {  	v1 =	vand.u32 $0x80000000, v4;
	v6 =	vand.u32 $0x7FFFFFFF, v6;
	v19 =	vmax.f32 v19, $9.999999970e-07;
	v20 =	vld [tilespmem:s0+$0x16060]  }
0xfa: {  	v21 =	vand.u32 $0x80000000, v15;
	v1 =	vor.u32 v1, v6;
	v6 =	vld.idx.msk [tilespmem:v2+s22+$0x0], $0xffff;
	v19 =	vand.u32 $0x7FFFFFFF, v19  }
0xfb: {  	v17 =	vld.idx.msk [tilespmem:v7+s22+$0x0], $0xffff;
	vm10 =	veq.f32 v15, $0.0e+00;
	v1 =	vsel vm9, $0x0, v1;
	v19 =	vor.u32 v21, v19  }
0xfc: {  	v12 =	vld.idx.msk [tilespmem:v2+s20+$0x0], $0xffff;
	(erf) = vrcp.f32 v1;
	v1 =	vsel vm10, $0x0, v19  }
0xfd: {  	v13 =	vmul.f32 v13, v3;
	v7 =	vld.idx.msk [tilespmem:v7+s24+$0x0], $0xffff;
	[tilespmem:s0+$0x1B050] =	vst v5;
	(erf) = vrcp.f32 v1  }
0xfe: {  	v16 =	vmul.f32 v16, v9;
	v5 =	vmul.f32 v18, v8;
	v18 =	vld [tilespmem:s3+$0xFFFFFFE0]  }
0xff: {  	v1 =	vld.idx.msk [tilespmem:v2+s21+$0x0], $0xffff;
	v6 =	vmul.f32 v6, v8;
	v8 =	vmul.f32 v52, v10  }
0x100: {  	v2 =	vld.idx.msk [tilespmem:v2+s24+$0x0], $0xffff  }
0x101: {  	v13 =	vadd.f32 v16, v13;
	v12 =	vmul.f32 v12, v10;
	v6 =	vadd.f32 v8, v6;
	v8 =	vld [tilespmem:s3+$0x60]  }
0x102: {  	v3 =	vmul.f32 v17, v3;
	v9 =	vmul.f32 v53, v9;
	v10 =	vld.idx.msk [tilespmem:v20+s25+$0x0], $0xffff  }
0x103: {  	v5 =	vadd.f32 v12, v5;
	v16 =	vld.idx.msk [tilespmem:v20+s26+$0x0], $0xffff  }
0x104: {  	s4 =	simm.s32 $0x17380;
	v56 =	vld.idx.msk [tilespmem:v14+s20+$0x0], $0xffff;
	v3 =	vadd.f32 v9, v3;
	v11 =	vadd.f32 v13, v11  }
0x105: {  	v0 =	vld [tilespmem:s4+$0xFFFFFF80];
	v1 =	vadd.f32 v5, v1;
	v2 =	vadd.f32 v6, v2;
	v13 =	vpop (erf)  }
0x106: {  	v17 =	vld.idx.msk [tilespmem:v14+s24+$0x0], $0xffff;
	v5 =	vmul.f32 v13, v11;
	v6 =	vpop (erf)  }
0x107: {  	v3 =	vadd.f32 v3, v7;
	v11 =	vld.idx.msk [tilespmem:v20+s28+$0x0], $0xffff;
	v1 =	vmul.f32 v6, v1;
	v2 =	vmul.f32 v6, v2  }
0x108: {  	v12 =	vld [tilespmem:s4+$0x0];
	v7 =	vmul.f32 v16, v8;
	[tilespmem:s17+$0xFFFFFF90] =	vst v5;
	v5 =	vmul.f32 v10, v18  }
0x109: {  	v54 =	vld.idx.msk [tilespmem:v20+s22+$0x0], $0xffff;
	v3 =	vmul.f32 v13, v3;
	[tilespmem:s15+$0xFFFFFFB0] =	vst v1  }
0x10a: {  	v6 =	vld.idx.msk [tilespmem:v14+s28+$0x0], $0xffff;
	[tilespmem:s15+$0x30] =	vst v2;
	v2 =	vadd.f32 v7, v5  }
0x10b: {  	[tilespmem:s17+$0x10] =	vst v3;
	v3 =	vld [tilespmem:s14+$0x16040]  }
0x10c: {  	v10 =	vld.idx.msk [tilespmem:v14+s25+$0x0], $0xffff;
	v2 =	vadd.f32 v2, v11  }
0x10d: {  	v1 =	vld.idx.msk [tilespmem:v14+s26+$0x0], $0xffff  }
0x10e: {  	v16 =	vld.idx.msk [tilespmem:v20+s20+$0x0], $0xffff;
	v13 =	vand.u32 $0x7FFFFFFF, v2  }
0x10f: {  	[tilespmem:s14+$0x1B030] =	vst v15;
	v15 =	vld.idx.msk [tilespmem:v20+s6+$0x0], $0xffff;
	v13 =	vmax.f32 v13, $9.999999970e-07  }
0x110: {  	v5 =	vld [tilespmem:s30+$0xFFFFFFC0];
	v19 =	vand.u32 $0x80000000, v2;
	v13 =	vand.u32 $0x7FFFFFFF, v13  }
0x111: {  	vm11 =	veq.f32 v2, $0.0e+00;
	v13 =	vor.u32 v19, v13;
	v19 =	vld.idx.msk [tilespmem:v20+s23+$0x0], $0xffff  }
0x112: {  	v11 =	vld [tilespmem:s30+$0x40];
	v10 =	vmul.f32 v10, v0;
	v1 =	vmul.f32 v1, v12;
	v13 =	vsel vm11, $0x0, v13  }
0x113: {  	v55 =	vld.idx.msk [tilespmem:v3+s25+$0x0], $0xffff;
	(erf) = vrcp.f32 v13  }
0x114: {  	v1 =	vadd.f32 v1, v10;
	v10 =	vld.idx.msk [tilespmem:v3+s26+$0x0], $0xffff  }
0x115: {  	v9 =	vld.idx.msk [tilespmem:v14+s21+$0x0], $0xffff;
	v16 =	vmul.f32 v16, v8;
	v15 =	vmul.f32 v15, v18  }
0x116: {  	v18 =	vmul.f32 v54, v18;
	v1 =	vadd.f32 v1, v6;
	v13 =	vld.idx.msk [tilespmem:v20+s21+$0x0], $0xffff;
	v8 =	vmul.f32 v19, v8  }
0x117: {  	v6 =	vld.idx.msk [tilespmem:v20+s24+$0x0], $0xffff  }
0x118: {  	v15 =	vadd.f32 v16, v15;
	v24 =	vld.idx.msk [tilespmem:v3+s28+$0x0], $0xffff;
	v23 =	vand.u32 $0x7FFFFFFF, v1;
	v8 =	vadd.f32 v8, v18  }
0x119: {  	v7 =	vld [tilespmem:s7+$0x16020];
	v19 =	vmax.f32 v23, $9.999999970e-07;
	v22 =	vmul.f32 v55, v5;
	v10 =	vmul.f32 v10, v11  }
0x11a: {  	[tilespmem:s7+$0x1B010] =	vst v4;
	v20 =	vld.idx.msk [tilespmem:v14+s6+$0x0], $0xffff;
	v57 =	vand.u32 $0x80000000, v1;
	vm12 =	veq.f32 v1, $0.0e+00;
	v18 =	vand.u32 $0x7FFFFFFF, v19  }
0x11b: {  	v16 =	vld.idx.msk [tilespmem:v14+s22+$0x0], $0xffff;
	v4 =	vadd.f32 v15, v13;
	v13 =	vor.u32 v57, v18;
	v10 =	vadd.f32 v10, v22  }
0x11c: {  	v14 =	vld.idx.msk [tilespmem:v14+s23+$0x0], $0xffff;
	v6 =	vadd.f32 v8, v6;
	v13 =	vsel vm12, $0x0, v13;
	v8 =	vpop (erf)  }
0x11d: {  	v59 =	vld.idx.msk [tilespmem:v3+s23+$0x0], $0xffff;
	(erf) = vrcp.f32 v13;
	v10 =	vadd.f32 v10, v24;
	v4 =	vmul.f32 v8, v4  }
0x11e: {  	v15 =	vld [tilespmem:s18+$0xFFFFFFA0]  }
0x11f: {  	v19 =	vld.idx.msk [tilespmem:v3+s20+$0x0], $0xffff;
	v6 =	vmul.f32 v8, v6;
	[tilespmem:s5+$0xFFFFFFE0] =	vst v4;
	v4 =	vmul.f32 v20, v0;
	v20 =	vand.u32 $0x7FFFFFFF, v10  }
0x120: {  	v8 =	vld.idx.msk [tilespmem:v3+s6+$0x0], $0xffff;
	v58 =	vand.u32 $0x80000000, v10;
	v0 =	vmul.f32 v16, v0;
	v16 =	vmax.f32 v20, $9.999999970e-07  }
0x121: {  	[tilespmem:s5+$0x60] =	vst v6;
	v6 =	vmul.f32 v56, v12;
	v12 =	vmul.f32 v14, v12;
	v14 =	vld.idx.msk [tilespmem:v3+s22+$0x0], $0xffff;
	v16 =	vand.u32 $0x7FFFFFFF, v16  }
0x122: {  	vm13 =	veq.f32 v10, $0.0e+00;
	v20 =	vld [tilespmem:s0+$0x16070];
	v16 =	vor.u32 v58, v16  }
0x123: {  	v18 =	vld [tilespmem:s18+$0x20];
	v4 =	vadd.f32 v6, v4;
	v0 =	vadd.f32 v12, v0;
	v12 =	vsel vm13, $0x0, v16  }
0x124: {  	v13 =	vld.idx.msk [tilespmem:v7+s28+$0x0], $0xffff  }
0x125: {  	[tilespmem:s0+$0x1B060] =	vst v2;
	v6 =	vld.idx.msk [tilespmem:v7+s25+$0x0], $0xffff;
	v4 =	vadd.f32 v4, v9;
	v0 =	vadd.f32 v0, v17;
	(erf) = vrcp.f32 v12  }
0x126: {  	v2 =	vld [tilespmem:s3+$0xFFFFFFF0];
	v8 =	vmul.f32 v8, v5;
	v5 =	vmul.f32 v14, v5;
	v12 =	vpop (erf)  }
0x127: {  	v16 =	vld.idx.msk [tilespmem:v7+s26+$0x0], $0xffff;
	v4 =	vmul.f32 v12, v4;
	v0 =	vmul.f32 v12, v0  }
0x128: {  	v9 =	vld.idx.msk [tilespmem:v3+s21+$0x0], $0xffff;
	v12 =	vmul.f32 v19, v11;
	v11 =	vmul.f32 v59, v11  }
0x129: {  	v3 =	vld.idx.msk [tilespmem:v3+s24+$0x0], $0xffff  }
0x12a: {  	v17 =	vld.idx.msk [tilespmem:v20+s25+$0x0], $0xffff;
	v5 =	vadd.f32 v11, v5  }
0x12b: {  	s1 =	simm.s32 $0x19380;
	v14 =	vld.idx.msk [tilespmem:v20+s26+$0x0], $0xffff;
	v8 =	vadd.f32 v12, v8  }
0x12c: {  	[tilespmem:s1+$0xFFFFFF80] =	vst v4;
	v4 =	vld [tilespmem:s3+$0x70]  }
0x12d: {  	v60 =	vld.idx.msk [tilespmem:v7+s24+$0x0], $0xffff;
	v6 =	vmul.f32 v6, v15;
	v8 =	vadd.f32 v8, v9;
	v9 =	vmul.f32 v16, v18  }
0x12e: {  	v19 =	vld.idx.msk [tilespmem:v7+s21+$0x0], $0xffff;
	v3 =	vadd.f32 v5, v3;
	v5 =	vpop (erf)  }
0x12f: {  	v11 =	vld.idx.msk [tilespmem:v20+s28+$0x0], $0xffff;
	v6 =	vadd.f32 v9, v6;
	v8 =	vmul.f32 v5, v8  }
0x130: {  	v16 =	vld.idx.msk [tilespmem:v7+s23+$0x0], $0xffff;
	v3 =	vmul.f32 v5, v3  }
0x131: {  	v5 =	vmul.f32 v17, v2;
	v12 =	vmul.f32 v14, v4;
	[tilespmem:s15+$0xFFFFFFC0] =	vst v8;
	v8 =	vadd.f32 v6, v13  }
0x132: {  	v9 =	vld.idx.msk [tilespmem:v7+s6+$0x0], $0xffff  }
0x133: {  	v14 =	vld.idx.msk [tilespmem:v7+s20+$0x0], $0xffff;
	[tilespmem:s15+$0x40] =	vst v3;
	v3 =	vadd.f32 v12, v5;
	v6 =	vand.u32 $0x7FFFFFFF, v8  }
0x134: {  	v13 =	vld.idx.msk [tilespmem:v7+s22+$0x0], $0xffff;
	v7 =	vmax.f32 v6, $9.999999970e-07  }
0x135: {  	v5 =	vld [tilespmem:s14+$0x16050];
	[tilespmem:s14+$0x1B040] =	vst v10;
	v3 =	vadd.f32 v3, v11;
	v10 =	vand.u32 $0x80000000, v8;
	v11 =	vand.u32 $0x7FFFFFFF, v7  }
0x136: {  	v61 =	vld.idx.msk [tilespmem:v20+s6+$0x0], $0xffff;
	vm14 =	veq.f32 v8, $0.0e+00;
	v10 =	vor.u32 v10, v11  }
0x137: {  	v62 =	vld.idx.msk [tilespmem:v20+s20+$0x0], $0xffff;
	[tilespmem:s1+$0x0] =	vst v0;
	v11 =	vand.u32 $0x7FFFFFFF, v3;
	v10 =	vsel vm14, $0x0, v10  }
0x138: {  	v0 =	vld [tilespmem:s29+$0x16010];
	v11 =	vmax.f32 v11, $9.999999970e-07;
	(erf) = vrcp.f32 v10  }
0x139: {  	v12 =	vld.idx.msk [tilespmem:v20+s23+$0x0], $0xffff;
	v17 =	vand.u32 $0x80000000, v3;
	v11 =	vand.u32 $0x7FFFFFFF, v11  }
0x13a: {  	v63 =	vmul.f32 v9, v15;
	v9 =	vld.idx.msk [tilespmem:v20+s22+$0x0], $0xffff;
	vm15 =	veq.f32 v3, $0.0e+00;
	v11 =	vor.u32 v17, v11  }
0x13b: {  	v6 =	vld [tilespmem:s30+$0xFFFFFFD0];
	v14 =	vmul.f32 v14, v18;
	v18 =	vmul.f32 v16, v18;
	v10 =	vsel vm15, $0x0, v11  }
0x13c: {  	v7 =	vld [tilespmem:s30+$0x50];
	v13 =	vmul.f32 v13, v15;
	(erf) = vrcp.f32 v10  }
0x13d: {  	v14 =	vadd.f32 v14, v63;
	v15 =	vld.idx.msk [tilespmem:v5+s25+$0x0], $0xffff  }
0x13e: {  	v13 =	vadd.f32 v18, v13;
	v16 =	vld.idx.msk [tilespmem:v5+s26+$0x0], $0xffff  }
0x13f: {  	s8 =	smov.u32 s11;
	s11 =	rddreg [dreg:$0x7];
	v17 =	vadd.f32 v14, v19;
	v11 =	vld.idx.msk [tilespmem:v20+s21+$0x0], $0xffff  }
0x140: {  	s2 =	simm.s32 $0x17380;
	s3 =	sor.u32 s11, s16;
	s11 =	simm.s32 $0x800;
	v14 =	vmul.f32 v62, v4;
	v18 =	vadd.f32 v13, v60;
	v13 =	vmul.f32 v61, v2;
	v10 =	vld.idx.msk [tilespmem:v20+s24+$0x0], $0xffff  }
.LBB2_3:
0x141: {  	p1 =	sne.s32 s11, $0x1E00;
	v19 =	vpop (erf);
	v20 =	vld.idx.msk [tilespmem:v5+s28+$0x0], $0xffff;
	v2 =	vmul.f32 v9, v2;
	v4 =	vmul.f32 v12, v4  }
0x142: {  	[tilespmem:s29+$0x1B000] =	vst v1;
	v12 =	vmul.f32 v19, v17;
	v17 =	vmul.f32 v19, v18;
	v13 =	vadd.f32 v14, v13  }
0x143: {  	v14 =	vmul.f32 v15, v6;
	v15 =	vmul.f32 v16, v7;
	v1 =	vld [tilespmem:s4+$0xFFFFFF90];
	v2 =	vadd.f32 v4, v2  }
0x144: {  	v9 =	vld [tilespmem:s4+$0x10];
	[tilespmem:s17+$0xFFFFFFA0] =	vst v12;
	v4 =	vadd.f32 v13, v11  }
0x145: {  	v12 =	vadd.f32 v15, v14;
	v11 =	vld.idx.msk [tilespmem:v0+s25+$0x0], $0xffff;
	[tilespmem:s17+$0x20] =	vst v17;
	v2 =	vadd.f32 v2, v10;
	v10 =	vpop (erf)  }
0x146: {  	v13 =	vld [tilespmem:s7+$0x16030];
	v4 =	vmul.f32 v10, v4  }
0x147: {  	v14 =	vld.idx.msk [tilespmem:v0+s26+$0x0], $0xffff;
	[tilespmem:s7+$0x1B020] =	vst v8;
	v8 =	vadd.f32 v12, v20;
	v2 =	vmul.f32 v10, v2  }
0x148: {  	v10 =	vld [tilespmem:s18+$0xFFFFFFB0];
	[tilespmem:s5+$0xFFFFFFF0] =	vst v4  }
0x149: {  	v12 =	vld [tilespmem:s18+$0x30];
	v4 =	vand.u32 $0x7FFFFFFF, v8;
	[tilespmem:s5+$0x70] =	vst v2;
	s5 =	smov.u32 s15;
	s15 =	smov.u32 s17;
	s17 =	smov.u32 s1  }
0x14a: {  	v2 =	vld.idx.msk [tilespmem:v5+s6+$0x0], $0xffff;
	v4 =	vmax.f32 v4, $9.999999970e-07;
	[tilespmem:s0+$0x1B070] =	vst v3;
	s0 =	smov.u32 s14;
	s14 =	smov.u32 s7;
	s7 =	smov.u32 s29  }
0x14b: {  	v15 =	vand.u32 $0x80000000, v8;
	v3 =	vld.idx.msk [tilespmem:v5+s20+$0x0], $0xffff;
	v4 =	vand.u32 $0x7FFFFFFF, v4  }
0x14c: {  	vm0 =	veq.f32 v8, $0.0e+00;
	v16 =	vld.idx.msk [tilespmem:v5+s22+$0x0], $0xffff;
	v4 =	vor.u32 v15, v4  }
0x14d: {  	v15 =	vld.idx.msk [tilespmem:v5+s23+$0x0], $0xffff;
	v4 =	vsel vm0, $0x0, v4  }
0x14e: {  	v17 =	vld.idx.msk [tilespmem:v13+s25+$0x0], $0xffff;
	(erf) = vrcp.f32 v4  }
0x14f: {  	v4 =	vld.idx.msk [tilespmem:v13+s26+$0x0], $0xffff  }
0x150: {  	v18 =	vld.idx.msk [tilespmem:v5+s21+$0x0], $0xffff  }
0x151: {  	v5 =	vld.idx.msk [tilespmem:v5+s24+$0x0], $0xffff  }
0x152: {  	v20 =	vmul.f32 v2, v6;
	v3 =	vmul.f32 v3, v7;
	v19 =	vld.idx.msk [tilespmem:v0+s28+$0x0], $0xffff  }
0x153: {  	s4 =	sadd.s32 $0x100, s4;
	v6 =	vmul.f32 v16, v6;
	v7 =	vmul.f32 v15, v7;
	v21 =	vld.idx.msk [tilespmem:v13+s28+$0x0], $0xffff  }
0x154: {  	s29 =	sshra.s32 s11, $0x2;
	v11 =	vmul.f32 v11, v1;
	v14 =	vmul.f32 v14, v9;
	v15 =	vadd.f32 v3, v20;
	v2 =	vld [tilespmem:s4+$0xFFFFFF80]  }
0x155: {  	v16 =	vmul.f32 v17, v10;
	v4 =	vmul.f32 v4, v12;
	v17 =	vadd.f32 v7, v6;
	v3 =	vld [tilespmem:s29+$0x16000]  }
0x156: {  	v11 =	vadd.f32 v14, v11;
	v14 =	vadd.f32 v15, v18;
	v7 =	vld.idx.msk [tilespmem:v0+s21+$0x0], $0xffff  }
0x157: {  	v16 =	vadd.f32 v4, v16;
	v5 =	vadd.f32 v17, v5;
	v15 =	vld.idx.msk [tilespmem:v0+s6+$0x0], $0xffff;
	v6 =	vpop (erf)  }
0x158: {  	v4 =	vadd.f32 v11, v19;
	v17 =	vld.idx.msk [tilespmem:v0+s20+$0x0], $0xffff;
	v11 =	vmul.f32 v6, v14  }
0x159: {  	v16 =	vadd.f32 v16, v21;
	v5 =	vmul.f32 v6, v5;
	v14 =	vld.idx.msk [tilespmem:v0+s22+$0x0], $0xffff  }
0x15a: {  	v6 =	vand.u32 $0x7FFFFFFF, v4;
	v18 =	vld.idx.msk [tilespmem:v13+s6+$0x0], $0xffff;
	[tilespmem:s5+$0xFFFFFFD0] =	vst v11  }
0x15b: {  	vm0 =	veq.f32 v4, $0.0e+00;
	v6 =	vmax.f32 v6, $9.999999970e-07;
	v19 =	vand.u32 $0x7FFFFFFF, v16;
	v11 =	vld.idx.msk [tilespmem:v13+s20+$0x0], $0xffff;
	[tilespmem:s5+$0x50] =	vst v5  }
0x15c: {  	v5 =	vand.u32 $0x80000000, v4;
	v6 =	vand.u32 $0x7FFFFFFF, v6;
	v19 =	vmax.f32 v19, $9.999999970e-07;
	v20 =	vld [tilespmem:s0+$0x16060]  }
0x15d: {  	v21 =	vand.u32 $0x80000000, v16;
	v5 =	vor.u32 v5, v6;
	v19 =	vand.u32 $0x7FFFFFFF, v19;
	v6 =	vld.idx.msk [tilespmem:v13+s22+$0x0], $0xffff  }
0x15e: {  	v5 =	vsel vm0, $0x0, v5;
	vm0 =	veq.f32 v16, $0.0e+00;
	v19 =	vor.u32 v21, v19;
	v22 =	vld.idx.msk [tilespmem:v13+s23+$0x0], $0xffff  }
0x15f: {  	v21 =	vld.idx.msk [tilespmem:v0+s23+$0x0], $0xffff;
	(erf) = vrcp.f32 v5;
	v5 =	vsel vm0, $0x0, v19  }
0x160: {  	v19 =	vld.idx.msk [tilespmem:v0+s24+$0x0], $0xffff;
	(erf) = vrcp.f32 v5  }
0x161: {  	v5 =	vld.idx.msk [tilespmem:v13+s21+$0x0], $0xffff  }
0x162: {  	v0 =	vmul.f32 v15, v1;
	v15 =	vmul.f32 v17, v9;
	v13 =	vld.idx.msk [tilespmem:v13+s24+$0x0], $0xffff;
	[tilespmem:s0+$0x1B050] =	vst v8  }
0x163: {  	v11 =	vmul.f32 v11, v12;
	v8 =	vmul.f32 v18, v10;
	v17 =	vld [tilespmem:s30+$0xFFFFFFE0]  }
0x164: {  	v6 =	vmul.f32 v6, v10;
	v10 =	vmul.f32 v22, v12;
	v12 =	vld.idx.msk [tilespmem:v20+s25+$0x0], $0xffff  }
0x165: {  	v1 =	vmul.f32 v14, v1;
	v0 =	vadd.f32 v15, v0;
	v18 =	vmul.f32 v21, v9;
	v14 =	vld.idx.msk [tilespmem:v20+s26+$0x0], $0xffff  }
0x166: {  	v11 =	vadd.f32 v11, v8;
	v6 =	vadd.f32 v10, v6;
	v10 =	vld [tilespmem:s30+$0x60]  }
0x167: {  	v7 =	vadd.f32 v0, v7;
	v1 =	vadd.f32 v18, v1;
	v15 =	vld [tilespmem:s4+$0x0]  }
0x168: {  	v5 =	vadd.f32 v11, v5;
	v6 =	vadd.f32 v6, v13;
	v0 =	vld.idx.msk [tilespmem:v3+s21+$0x0], $0xffff;
	v9 =	vpop (erf)  }
0x169: {  	v7 =	vmul.f32 v9, v7;
	v8 =	vpop (erf);
	v11 =	vld.idx.msk [tilespmem:v20+s28+$0x0], $0xffff  }
0x16a: {  	v1 =	vadd.f32 v1, v19;
	v13 =	vld.idx.msk [tilespmem:v3+s24+$0x0], $0xffff;
	v5 =	vmul.f32 v8, v5;
	v6 =	vmul.f32 v8, v6  }
0x16b: {  	v8 =	vld.idx.msk [tilespmem:v3+s28+$0x0], $0xffff;
	[tilespmem:s1+$0xFFFFFF90] =	vst v7;
	v7 =	vmul.f32 v12, v17;
	v12 =	vmul.f32 v14, v10  }
0x16c: {  	v1 =	vmul.f32 v9, v1;
	v14 =	vld.idx.msk [tilespmem:v3+s25+$0x0], $0xffff;
	[tilespmem:s15+$0xFFFFFFB0] =	vst v5  }
0x16d: {  	v5 =	vld.idx.msk [tilespmem:v3+s26+$0x0], $0xffff;
	[tilespmem:s15+$0x30] =	vst v6;
	v7 =	vadd.f32 v12, v7  }
0x16e: {  	[tilespmem:s1+$0x10] =	vst v1;
	v9 =	vld [tilespmem:s14+$0x16040]  }
0x16f: {  	v6 =	vld [tilespmem:s7+$0x16020];
	[tilespmem:s14+$0x1B030] =	vst v16;
	v7 =	vadd.f32 v7, v11  }
0x170: {  	v12 =	vld [tilespmem:s18+$0xFFFFFFC0]  }
0x171: {  	v16 =	vld [tilespmem:s18+$0x40];
	v1 =	vand.u32 $0x7FFFFFFF, v7  }
0x172: {  	v11 =	vld.idx.msk [tilespmem:v20+s6+$0x0], $0xffff;
	v1 =	vmax.f32 v1, $9.999999970e-07  }
0x173: {  	v14 =	vmul.f32 v14, v2;
	v19 =	vand.u32 $0x80000000, v7;
	v18 =	vld.idx.msk [tilespmem:v20+s20+$0x0], $0xffff;
	v1 =	vand.u32 $0x7FFFFFFF, v1  }
0x174: {  	vm0 =	veq.f32 v7, $0.0e+00;
	v5 =	vmul.f32 v5, v15;
	v21 =	vld.idx.msk [tilespmem:v20+s22+$0x0], $0xffff;
	v1 =	vor.u32 v19, v1  }
0x175: {  	v19 =	vld.idx.msk [tilespmem:v20+s23+$0x0], $0xffff;
	v1 =	vsel vm0, $0x0, v1  }
0x176: {  	v5 =	vadd.f32 v5, v14;
	v14 =	vld.idx.msk [tilespmem:v9+s25+$0x0], $0xffff;
	(erf) = vrcp.f32 v1  }
0x177: {  	v22 =	vld.idx.msk [tilespmem:v9+s26+$0x0], $0xffff  }
0x178: {  	v1 =	vadd.f32 v5, v8;
	v5 =	vld.idx.msk [tilespmem:v20+s21+$0x0], $0xffff  }
0x179: {  	v8 =	vld.idx.msk [tilespmem:v20+s24+$0x0], $0xffff  }
0x17a: {  	v11 =	vmul.f32 v11, v17;
	v23 =	vand.u32 $0x7FFFFFFF, v1;
	v18 =	vmul.f32 v18, v10;
	v20 =	vld.idx.msk [tilespmem:v3+s6+$0x0], $0xffff  }
0x17b: {  	v23 =	vmax.f32 v23, $9.999999970e-07;
	v17 =	vmul.f32 v21, v17;
	v10 =	vmul.f32 v19, v10;
	v24 =	vld.idx.msk [tilespmem:v9+s28+$0x0], $0xffff  }
0x17c: {  	v21 =	vand.u32 $0x80000000, v1;
	v23 =	vand.u32 $0x7FFFFFFF, v23;
	v11 =	vadd.f32 v18, v11;
	v19 =	vld.idx.msk [tilespmem:v3+s20+$0x0], $0xffff  }
0x17d: {  	v14 =	vmul.f32 v14, v12;
	v22 =	vmul.f32 v22, v16;
	v25 =	vadd.f32 v10, v17;
	v18 =	vld.idx.msk [tilespmem:v3+s22+$0x0], $0xffff  }
0x17e: {  	vm0 =	veq.f32 v1, $0.0e+00;
	v10 =	vor.u32 v21, v23;
	v3 =	vld.idx.msk [tilespmem:v3+s23+$0x0], $0xffff;
	[tilespmem:s7+$0x1B010] =	vst v4;
	v4 =	vadd.f32 v11, v5  }
0x17f: {  	v5 =	vsel vm0, $0x0, v10;
	v14 =	vadd.f32 v22, v14;
	v8 =	vadd.f32 v25, v8;
	v10 =	vld [tilespmem:s2+$0xFFFFFFA0];
	v17 =	vpop (erf)  }
0x180: {  	(erf) = vrcp.f32 v5;
	v11 =	vld [tilespmem:s2+$0x20];
	v4 =	vmul.f32 v17, v4  }
0x181: {  	v14 =	vadd.f32 v14, v24;
	v8 =	vmul.f32 v17, v8;
	v5 =	vld.idx.msk [tilespmem:v6+s28+$0x0], $0xffff  }
0x182: {  	v17 =	vld.idx.msk [tilespmem:v9+s6+$0x0], $0xffff;
	[tilespmem:s5+$0xFFFFFFE0] =	vst v4  }
0x183: {  	v19 =	vmul.f32 v19, v15;
	v4 =	vmul.f32 v20, v2;
	v21 =	vand.u32 $0x7FFFFFFF, v14;
	v20 =	vld.idx.msk [tilespmem:v9+s20+$0x0], $0xffff;
	[tilespmem:s5+$0x60] =	vst v8  }
0x184: {  	v2 =	vmul.f32 v18, v2;
	v3 =	vmul.f32 v3, v15;
	v8 =	vmax.f32 v21, $9.999999970e-07;
	v18 =	vld [tilespmem:s0+$0x16070]  }
0x185: {  	v4 =	vadd.f32 v19, v4;
	v19 =	vand.u32 $0x80000000, v14;
	v8 =	vand.u32 $0x7FFFFFFF, v8;
	v15 =	vld.idx.msk [tilespmem:v9+s22+$0x0], $0xffff  }
0x186: {  	vm0 =	veq.f32 v14, $0.0e+00;
	v2 =	vadd.f32 v3, v2;
	v8 =	vor.u32 v19, v8;
	v3 =	vld.idx.msk [tilespmem:v9+s23+$0x0], $0xffff  }
0x187: {  	v8 =	vsel vm0, $0x0, v8;
	v19 =	vld.idx.msk [tilespmem:v6+s25+$0x0], $0xffff  }
0x188: {  	v0 =	vadd.f32 v4, v0;
	v2 =	vadd.f32 v2, v13;
	v13 =	vld.idx.msk [tilespmem:v6+s26+$0x0], $0xffff;
	(erf) = vrcp.f32 v8  }
0x189: {  	v4 =	vpop (erf);
	v8 =	vld.idx.msk [tilespmem:v9+s21+$0x0], $0xffff  }
0x18a: {  	v0 =	vmul.f32 v4, v0;
	v4 =	vmul.f32 v4, v2;
	v9 =	vld.idx.msk [tilespmem:v9+s24+$0x0], $0xffff;
	[tilespmem:s0+$0x1B060] =	vst v7  }
0x18b: {  	v7 =	vmul.f32 v17, v12;
	v17 =	vmul.f32 v20, v16;
	v2 =	vld [tilespmem:s30+$0xFFFFFFF0]  }
0x18c: {  	s1 =	sadd.s32 $0x100, s1;
	v12 =	vmul.f32 v15, v12;
	v3 =	vmul.f32 v3, v16;
	v15 =	vld.idx.msk [tilespmem:v18+s25+$0x0], $0xffff  }
0x18d: {  	[tilespmem:s1+$0xFFFFFF80] =	vst v0;
	v16 =	vld.idx.msk [tilespmem:v18+s26+$0x0], $0xffff  }
0x18e: {  	v7 =	vadd.f32 v17, v7;
	v3 =	vadd.f32 v3, v12;
	[tilespmem:s1+$0x0] =	vst v4;
	v4 =	vld [tilespmem:s30+$0x70];
	s30 =	smov.u32 s18;
	s18 =	smov.u32 s2;
	s2 =	smov.u32 s4  }
0x18f: {  	v12 =	vmul.f32 v19, v10;
	v13 =	vmul.f32 v13, v11;
	v0 =	vld [tilespmem:s29+$0x16010]  }
0x190: {  	v7 =	vadd.f32 v7, v8;
	v3 =	vadd.f32 v3, v9;
	v17 =	vld.idx.msk [tilespmem:v6+s21+$0x0], $0xffff  }
0x191: {  	v8 =	vadd.f32 v13, v12;
	v9 =	vpop (erf);
	v12 =	vld.idx.msk [tilespmem:v18+s28+$0x0], $0xffff  }
0x192: {  	v13 =	vld.idx.msk [tilespmem:v6+s24+$0x0], $0xffff;
	v7 =	vmul.f32 v9, v7;
	v3 =	vmul.f32 v9, v3  }
0x193: {  	v8 =	vadd.f32 v8, v5;
	v5 =	vmul.f32 v15, v2;
	v9 =	vld.idx.msk [tilespmem:v6+s6+$0x0], $0xffff;
	v15 =	vmul.f32 v16, v4  }
0x194: {  	v16 =	vld.idx.msk [tilespmem:v6+s20+$0x0], $0xffff;
	[tilespmem:s15+$0xFFFFFFC0] =	vst v7  }
0x195: {  	v7 =	vand.u32 $0x7FFFFFFF, v8;
	v19 =	vld.idx.msk [tilespmem:v6+s22+$0x0], $0xffff;
	[tilespmem:s15+$0x40] =	vst v3;
	v3 =	vadd.f32 v15, v5  }
0x196: {  	v7 =	vmax.f32 v7, $9.999999970e-07;
	v5 =	vld [tilespmem:s14+$0x16050]  }
0x197: {  	v7 =	vand.u32 $0x7FFFFFFF, v7;
	v15 =	vld.idx.msk [tilespmem:v6+s23+$0x0], $0xffff;
	v6 =	vand.u32 $0x80000000, v8;
	[tilespmem:s14+$0x1B040] =	vst v14;
	v3 =	vadd.f32 v3, v12  }
0x198: {  	vm0 =	veq.f32 v8, $0.0e+00;
	v7 =	vor.u32 v6, v7;
	v6 =	vld [tilespmem:s30+$0xFFFFFFD0]  }
0x199: {  	v12 =	vsel vm0, $0x0, v7;
	v7 =	vld [tilespmem:s30+$0x50];
	v14 =	vand.u32 $0x7FFFFFFF, v3  }
0x19a: {  	(erf) = vrcp.f32 v12;
	v20 =	vld.idx.msk [tilespmem:v18+s6+$0x0], $0xffff;
	v12 =	vmax.f32 v14, $9.999999970e-07  }
0x19b: {  	v21 =	vand.u32 $0x80000000, v3;
	v14 =	vld.idx.msk [tilespmem:v18+s20+$0x0], $0xffff;
	v12 =	vand.u32 $0x7FFFFFFF, v12  }
0x19c: {  	v22 =	vmul.f32 v9, v10;
	vm0 =	veq.f32 v3, $0.0e+00;
	v9 =	vld.idx.msk [tilespmem:v18+s22+$0x0], $0xffff;
	v21 =	vor.u32 v21, v12  }
0x19d: {  	v16 =	vmul.f32 v16, v11;
	v10 =	vmul.f32 v19, v10;
	v12 =	vld.idx.msk [tilespmem:v18+s23+$0x0], $0xffff;
	v19 =	vsel vm0, $0x0, v21  }
.Ltmp0:
0x19e: {  	v11 =	vmul.f32 v15, v11;
	v15 =	vld.idx.msk [tilespmem:v5+s25+$0x0], $0xffff;
	(erf) = vrcp.f32 v19;
	(pc) =	sbr.rel @p1 .LBB2_3-.Ltmp0, $4  }
0x19f: {  	v19 =	vadd.f32 v16, v22;
	v16 =	vld.idx.msk [tilespmem:v5+s26+$0x0], $0xffff  }
0x1a0: {  	v21 =	vadd.f32 v11, v10;
	v11 =	vld.idx.msk [tilespmem:v18+s21+$0x0], $0xffff  }
0x1a1: {  	v17 =	vadd.f32 v19, v17;
	v10 =	vld.idx.msk [tilespmem:v18+s24+$0x0], $0xffff  }
0x1a2: {  	s11 =	sadd.s32 $0x200, s11;
	v14 =	vmul.f32 v14, v4;
	v18 =	vadd.f32 v21, v13;
	v13 =	vmul.f32 v20, v2  }
0x1a3: {  	_ =	sdelay $0x2  }
0x1a4: {  	v19 =	vpop (erf)  }
0x1a5: {  	v20 =	vld.idx.msk [tilespmem:v5+s28+$0x0], $0xffff;
	[tilespmem:s29+$0x1B000] =	vst v1;
	v1 =	vmul.f32 v19, v17  }
0x1a6: {  	v22 =	vld.idx.msk [tilespmem:v5+s6+$0x0], $0xffff;
	v17 =	vmul.f32 v19, v18  }
0x1a7: {  	v15 =	vmul.f32 v15, v6;
	v23 =	vld.idx.msk [tilespmem:v5+s20+$0x0], $0xffff;
	v16 =	vmul.f32 v16, v7;
	[tilespmem:s17+$0xFFFFFFA0] =	vst v1  }
0x1a8: {  	v25 =	vld.idx.msk [tilespmem:v5+s22+$0x0], $0xffff;
	[tilespmem:s17+$0x20] =	vst v17  }
0x1a9: {  	v15 =	vadd.f32 v16, v15;
	v16 =	vld [tilespmem:s7+$0x16030]  }
0x1aa: {  	v63 =	vld.idx.msk [tilespmem:v5+s23+$0x0], $0xffff  }
0x1ab: {  	v18 =	vld [tilespmem:s4+$0xFFFFFF90];
	[tilespmem:s7+$0x1B020] =	vst v8;
	v8 =	vadd.f32 v15, v20  }
0x1ac: {  	v19 =	vld [tilespmem:s4+$0x10]  }
0x1ad: {  	v1 =	vld.idx.msk [tilespmem:v0+s25+$0x0], $0xffff;
	v21 =	vand.u32 $0x7FFFFFFF, v8  }
0x1ae: {  	v17 =	vld.idx.msk [tilespmem:v0+s26+$0x0], $0xffff;
	v21 =	vmax.f32 v21, $9.999999970e-07  }
0x1af: {  	v15 =	vld [tilespmem:s18+$0xFFFFFFB0];
	v24 =	vand.u32 $0x80000000, v8;
	v21 =	vand.u32 $0x7FFFFFFF, v21  }
0x1b0: {  	v20 =	vld [tilespmem:s18+$0x30];
	vm0 =	veq.f32 v8, $0.0e+00;
	v21 =	vor.u32 v24, v21  }
0x1b1: {  	v21 =	vsel vm0, $0x0, v21;
	v26 =	vld.idx.msk [tilespmem:v16+s25+$0x0], $0xffff  }
0x1b2: {  	(erf) = vrcp.f32 v21;
	v30 =	vld.idx.msk [tilespmem:v16+s26+$0x0], $0xffff  }
0x1b3: {  	v27 =	vld.idx.msk [tilespmem:v5+s21+$0x0], $0xffff  }
0x1b4: {  	v5 =	vld.idx.msk [tilespmem:v5+s24+$0x0], $0xffff;
	v22 =	vmul.f32 v22, v6;
	v6 =	vmul.f32 v25, v6  }
0x1b5: {  	v31 =	vld.idx.msk [tilespmem:v0+s28+$0x0], $0xffff;
	v23 =	vmul.f32 v23, v7;
	v7 =	vmul.f32 v63, v7  }
0x1b6: {  	v1 =	vmul.f32 v1, v18;
	v17 =	vmul.f32 v17, v19;
	v32 =	vld.idx.msk [tilespmem:v16+s28+$0x0], $0xffff  }
0x1b7: {  	v22 =	vadd.f32 v23, v22;
	v33 =	vmul.f32 v26, v15;
	v21 =	vmul.f32 v30, v20  }
0x1b8: {  	v6 =	vadd.f32 v7, v6;
	v1 =	vadd.f32 v17, v1  }
0x1b9: {  	v7 =	vadd.f32 v22, v27;
	v17 =	vadd.f32 v21, v33  }
0x1ba: {  	v2 =	vmul.f32 v9, v2;
	v34 =	vpop (erf);
	v5 =	vadd.f32 v6, v5;
	v1 =	vadd.f32 v1, v31  }
0x1bb: {  	v4 =	vmul.f32 v12, v4;
	v6 =	vadd.f32 v14, v13;
	v13 =	vpop (erf);
	v14 =	vadd.f32 v17, v32  }
0x1bc: {  	v35 =	vld.idx.msk [tilespmem:v0+s6+$0x0], $0xffff;
	v7 =	vmul.f32 v13, v7;
	v5 =	vmul.f32 v13, v5;
	v13 =	vand.u32 $0x7FFFFFFF, v1  }
0x1bd: {  	v37 =	vld.idx.msk [tilespmem:v0+s20+$0x0], $0xffff;
	vm9 =	veq.f32 v1, $0.0e+00;
	v13 =	vmax.f32 v13, $9.999999970e-07;
	v36 =	vand.u32 $0x7FFFFFFF, v14  }
0x1be: {  	v42 =	vld.idx.msk [tilespmem:v0+s23+$0x0], $0xffff;
	v25 =	vand.u32 $0x80000000, v1;
	v13 =	vand.u32 $0x7FFFFFFF, v13;
	v23 =	vmax.f32 v36, $9.999999970e-07  }
0x1bf: {  	v38 =	vld.idx.msk [tilespmem:v16+s6+$0x0], $0xffff;
	v39 =	vand.u32 $0x80000000, v14;
	v13 =	vor.u32 v25, v13;
	v23 =	vand.u32 $0x7FFFFFFF, v23  }
0x1c0: {  	v40 =	vld.idx.msk [tilespmem:v16+s20+$0x0], $0xffff;
	vm10 =	veq.f32 v14, $0.0e+00;
	v23 =	vor.u32 v39, v23;
	v13 =	vsel vm9, $0x0, v13  }
0x1c1: {  	v9 =	vld.idx.msk [tilespmem:v16+s22+$0x0], $0xffff;
	[tilespmem:s15+$0xFFFFFFD0] =	vst v7;
	(erf) = vrcp.f32 v13;
	v7 =	vsel vm10, $0x0, v23  }
0x1c2: {  	v2 =	vadd.f32 v4, v2;
	[tilespmem:s15+$0x50] =	vst v5;
	v5 =	vld.idx.msk [tilespmem:v16+s23+$0x0], $0xffff;
	(erf) = vrcp.f32 v7  }
0x1c3: {  	v6 =	vadd.f32 v6, v11;
	v11 =	vld.idx.msk [tilespmem:v16+s21+$0x0], $0xffff  }
0x1c4: {  	v2 =	vadd.f32 v2, v10;
	v10 =	vld.idx.msk [tilespmem:v16+s24+$0x0], $0xffff  }
0x1c5: {  	v4 =	vmul.f32 v34, v6;
	v6 =	vld.idx.msk [tilespmem:v0+s22+$0x0], $0xffff;
	v41 =	vmul.f32 v40, v20  }
0x1c6: {  	v9 =	vmul.f32 v9, v15;
	v16 =	vmul.f32 v38, v15;
	v7 =	vld [tilespmem:s14+$0x16060]  }
0x1c7: {  	v2 =	vmul.f32 v34, v2;
	v5 =	vmul.f32 v5, v20  }
0x1c8: {  	[tilespmem:s5+$0xFFFFFFF0] =	vst v4;
	v4 =	vadd.f32 v41, v16  }
0x1c9: {  	v12 =	vmul.f32 v35, v18;
	[tilespmem:s5+$0x70] =	vst v2;
	v17 =	vld.idx.msk [tilespmem:v0+s21+$0x0], $0xffff;
	v5 =	vadd.f32 v5, v9  }
0x1ca: {  	[tilespmem:s0+$0x1B070] =	vst v3;
	v0 =	vld.idx.msk [tilespmem:v0+s24+$0x0], $0xffff;
	v13 =	vmul.f32 v37, v19;
	v4 =	vadd.f32 v4, v11;
	v9 =	vpop (erf)  }
0x1cb: {  	v3 =	vmul.f32 v42, v19;
	v6 =	vmul.f32 v6, v18;
	[tilespmem:s14+$0x1B050] =	vst v8;
	v5 =	vadd.f32 v5, v10;
	v10 =	vpop (erf)  }
0x1cc: {  	v2 =	vld [tilespmem:s30+$0xFFFFFFE0];
	v12 =	vadd.f32 v13, v12;
	v4 =	vmul.f32 v10, v4  }
0x1cd: {  	v3 =	vadd.f32 v3, v6;
	v13 =	vld [tilespmem:s30+$0x60];
	v5 =	vmul.f32 v10, v5  }
0x1ce: {  	v8 =	vadd.f32 v12, v17;
	v11 =	vld.idx.msk [tilespmem:v7+s25+$0x0], $0xffff;
	[tilespmem:s17+$0xFFFFFFB0] =	vst v4  }
0x1cf: {  	v0 =	vadd.f32 v3, v0;
	v12 =	vld.idx.msk [tilespmem:v7+s26+$0x0], $0xffff;
	[tilespmem:s17+$0x30] =	vst v5  }
0x1d0: {  	v8 =	vmul.f32 v9, v8;
	v3 =	vld [tilespmem:s7+$0x16040]  }
0x1d1: {  	v0 =	vmul.f32 v9, v0  }
0x1d2: {  	[tilespmem:s1+$0xFFFFFF90] =	vst v8  }
0x1d3: {  	v6 =	vld.idx.msk [tilespmem:v7+s28+$0x0], $0xffff;
	[tilespmem:s1+$0x10] =	vst v0  }
0x1d4: {  	v4 =	vld [tilespmem:s29+$0x16020]  }
0x1d5: {  	[tilespmem:s7+$0x1B030] =	vst v14;
	v0 =	vmul.f32 v11, v2;
	v5 =	vmul.f32 v12, v13;
	v11 =	vld.idx.msk [tilespmem:v7+s20+$0x0], $0xffff  }
0x1d6: {  	v8 =	vld [tilespmem:s18+$0xFFFFFFC0]  }
0x1d7: {  	v9 =	vld [tilespmem:s18+$0x40];
	v0 =	vadd.f32 v5, v0  }
0x1d8: {  	v5 =	vld.idx.msk [tilespmem:v3+s25+$0x0], $0xffff  }
0x1d9: {  	v6 =	vadd.f32 v0, v6;
	v10 =	vld.idx.msk [tilespmem:v3+s26+$0x0], $0xffff  }
0x1da: {  	v14 =	vld.idx.msk [tilespmem:v7+s22+$0x0], $0xffff  }
0x1db: {  	v17 =	vld.idx.msk [tilespmem:v7+s23+$0x0], $0xffff;
	v12 =	vand.u32 $0x7FFFFFFF, v6  }
0x1dc: {  	v0 =	vld.idx.msk [tilespmem:v7+s6+$0x0], $0xffff;
	v12 =	vmax.f32 v12, $9.999999970e-07  }
0x1dd: {  	v15 =	vand.u32 $0x80000000, v6;
	vm11 =	veq.f32 v6, $0.0e+00;
	v16 =	vld.idx.msk [tilespmem:v3+s28+$0x0], $0xffff;
	v12 =	vand.u32 $0x7FFFFFFF, v12  }
0x1de: {  	v12 =	vor.u32 v15, v12;
	v15 =	vld.idx.msk [tilespmem:v7+s21+$0x0], $0xffff;
	v5 =	vmul.f32 v5, v8;
	v10 =	vmul.f32 v10, v9  }
0x1df: {  	[tilespmem:s29+$0x1B010] =	vst v1;
	v7 =	vld.idx.msk [tilespmem:v7+s24+$0x0], $0xffff;
	v1 =	vsel vm11, $0x0, v12  }
0x1e0: {  	v12 =	vld [tilespmem:s2+$0xFFFFFFA0];
	(erf) = vrcp.f32 v1;
	v5 =	vadd.f32 v10, v5  }
0x1e1: {  	v1 =	vld [tilespmem:s2+$0x20]  }
0x1e2: {  	v11 =	vmul.f32 v11, v13;
	v0 =	vmul.f32 v0, v2;
	v10 =	vld.idx.msk [tilespmem:v4+s25+$0x0], $0xffff;
	v5 =	vadd.f32 v5, v16  }
0x1e3: {  	v13 =	vmul.f32 v17, v13;
	v2 =	vmul.f32 v14, v2;
	v16 =	vld.idx.msk [tilespmem:v4+s26+$0x0], $0xffff  }
0x1e4: {  	v0 =	vadd.f32 v11, v0;
	v18 =	vand.u32 $0x7FFFFFFF, v5  }
0x1e5: {  	v11 =	vld.idx.msk [tilespmem:v3+s6+$0x0], $0xffff;
	v2 =	vadd.f32 v13, v2;
	v17 =	vmax.f32 v18, $9.999999970e-07  }
0x1e6: {  	v13 =	vld.idx.msk [tilespmem:v3+s20+$0x0], $0xffff;
	v0 =	vadd.f32 v0, v15;
	v18 =	vand.u32 $0x80000000, v5;
	v17 =	vand.u32 $0x7FFFFFFF, v17  }
0x1e7: {  	v14 =	vld.idx.msk [tilespmem:v4+s28+$0x0], $0xffff;
	v2 =	vadd.f32 v2, v7;
	vm12 =	veq.f32 v5, $0.0e+00;
	v17 =	vor.u32 v18, v17  }
0x1e8: {  	v15 =	vld.idx.msk [tilespmem:v3+s23+$0x0], $0xffff;
	v10 =	vmul.f32 v10, v12;
	v16 =	vmul.f32 v16, v1;
	v17 =	vsel vm12, $0x0, v17  }
0x1e9: {  	v7 =	vpop (erf);
	v18 =	vld.idx.msk [tilespmem:v3+s22+$0x0], $0xffff;
	(erf) = vrcp.f32 v17  }
0x1ea: {  	v0 =	vmul.f32 v7, v0;
	v2 =	vmul.f32 v7, v2;
	v7 =	vld.idx.msk [tilespmem:v3+s21+$0x0], $0xffff;
	v10 =	vadd.f32 v16, v10  }
0x1eb: {  	v11 =	vmul.f32 v11, v8;
	v13 =	vmul.f32 v13, v9  }
0x1ec: {  	v10 =	vadd.f32 v10, v14  }
0x1ed: {  	v11 =	vadd.f32 v13, v11;
	v3 =	vld.idx.msk [tilespmem:v3+s24+$0x0], $0xffff;
	[tilespmem:s15+$0xFFFFFFE0] =	vst v0  }
0x1ee: {  	[tilespmem:s15+$0x60] =	vst v2;
	v2 =	vmul.f32 v18, v8;
	v8 =	vmul.f32 v15, v9;
	v9 =	vand.u32 $0x7FFFFFFF, v10  }
0x1ef: {  	v0 =	vld [tilespmem:s14+$0x16070];
	v7 =	vadd.f32 v11, v7;
	v9 =	vmax.f32 v9, $9.999999970e-07  }
0x1f0: {  	v11 =	vld.idx.msk [tilespmem:v4+s20+$0x0], $0xffff;
	v13 =	vand.u32 $0x80000000, v10;
	v2 =	vadd.f32 v8, v2;
	v9 =	vand.u32 $0x7FFFFFFF, v9  }
0x1f1: {  	v14 =	vld.idx.msk [tilespmem:v4+s23+$0x0], $0xffff;
	vm13 =	veq.f32 v10, $0.0e+00;
	v9 =	vor.u32 v13, v9  }
0x1f2: {  	v8 =	vld.idx.msk [tilespmem:v4+s6+$0x0], $0xffff;
	v2 =	vadd.f32 v2, v3;
	v9 =	vsel vm13, $0x0, v9;
	v3 =	vpop (erf)  }
0x1f3: {  	v13 =	vld.idx.msk [tilespmem:v4+s22+$0x0], $0xffff;
	(erf) = vrcp.f32 v9;
	v7 =	vmul.f32 v3, v7  }
0x1f4: {  	v2 =	vmul.f32 v3, v2  }
0x1f5: {  	v3 =	vld.idx.msk [tilespmem:v4+s21+$0x0], $0xffff;
	[tilespmem:s17+$0xFFFFFFC0] =	vst v7  }
0x1f6: {  	v4 =	vld.idx.msk [tilespmem:v4+s24+$0x0], $0xffff;
	[tilespmem:s17+$0x40] =	vst v2  }
0x1f7: {  	v9 =	vmul.f32 v11, v1;
	v8 =	vmul.f32 v8, v12;
	v7 =	vld [tilespmem:s7+$0x16050]  }
0x1f8: {  	[tilespmem:s14+$0x1B060] =	vst v6;
	v1 =	vmul.f32 v14, v1;
	v6 =	vmul.f32 v13, v12  }
0x1f9: {  	v2 =	vld [tilespmem:s30+$0xFFFFFFF0];
	v8 =	vadd.f32 v9, v8  }
0x1fa: {  	v9 =	vld.idx.msk [tilespmem:v0+s25+$0x0], $0xffff;
	v1 =	vadd.f32 v1, v6  }
0x1fb: {  	[tilespmem:s7+$0x1B040] =	vst v5;
	v6 =	vld.idx.msk [tilespmem:v0+s26+$0x0], $0xffff;
	v8 =	vadd.f32 v8, v3  }
0x1fc: {  	v5 =	vld [tilespmem:s18+$0xFFFFFFD0];
	v1 =	vadd.f32 v1, v4;
	v4 =	vpop (erf)  }
0x1fd: {  	v11 =	vld [tilespmem:s18+$0x50];
	v8 =	vmul.f32 v4, v8  }
0x1fe: {  	v3 =	vld [tilespmem:s30+$0x70];
	v1 =	vmul.f32 v4, v1  }
0x1ff: {  	v4 =	vld.idx.msk [tilespmem:v7+s25+$0x0], $0xffff;
	[tilespmem:s1+$0xFFFFFFA0] =	vst v8  }
0x200: {  	v8 =	vld.idx.msk [tilespmem:v7+s26+$0x0], $0xffff;
	[tilespmem:s1+$0x20] =	vst v1  }
0x201: {  	v12 =	vld [tilespmem:s29+$0x16030]  }
0x202: {  	v1 =	vld.idx.msk [tilespmem:v0+s28+$0x0], $0xffff  }
0x203: {  	v9 =	vmul.f32 v9, v2;
	v6 =	vmul.f32 v6, v3;
	_ =	sdelay $0x1  }
0x204: {  	v6 =	vadd.f32 v6, v9;
	v9 =	vld.idx.msk [tilespmem:v7+s28+$0x0], $0xffff  }
0x205: {  	[tilespmem:s29+$0x1B020] =	vst v10;
	v4 =	vmul.f32 v4, v5;
	v8 =	vmul.f32 v8, v11  }
0x206: {  	v1 =	vadd.f32 v6, v1;
	v6 =	vld [tilespmem:s2+$0xFFFFFFB0]  }
0x207: {  	v4 =	vadd.f32 v8, v4;
	v8 =	vld [tilespmem:s2+$0x30]  }
0x208: {  	v10 =	vand.u32 $0x7FFFFFFF, v1;
	v13 =	vld.idx.msk [tilespmem:v12+s25+$0x0], $0xffff  }
0x209: {  	v10 =	vmax.f32 v10, $9.999999970e-07;
	v9 =	vadd.f32 v4, v9;
	v4 =	vld.idx.msk [tilespmem:v12+s26+$0x0], $0xffff  }
0x20a: {  	v15 =	vld.idx.msk [tilespmem:v7+s6+$0x0], $0xffff;
	v14 =	vand.u32 $0x80000000, v1;
	v10 =	vand.u32 $0x7FFFFFFF, v10  }
0x20b: {  	v18 =	vld.idx.msk [tilespmem:v7+s20+$0x0], $0xffff;
	vm14 =	veq.f32 v1, $0.0e+00;
	v10 =	vor.u32 v14, v10;
	v14 =	vand.u32 $0x7FFFFFFF, v9  }
0x20c: {  	v17 =	vld.idx.msk [tilespmem:v12+s28+$0x0], $0xffff;
	v10 =	vsel vm14, $0x0, v10;
	v16 =	vand.u32 $0x80000000, v9;
	v14 =	vmax.f32 v14, $9.999999970e-07  }
0x20d: {  	vm15 =	veq.f32 v9, $0.0e+00;
	(erf) = vrcp.f32 v10;
	v10 =	vld.idx.msk [tilespmem:v7+s22+$0x0], $0xffff;
	v14 =	vand.u32 $0x7FFFFFFF, v14  }
0x20e: {  	v14 =	vor.u32 v16, v14;
	v13 =	vmul.f32 v13, v6;
	v4 =	vmul.f32 v4, v8;
	v16 =	vld.idx.msk [tilespmem:v7+s23+$0x0], $0xffff  }
0x20f: {  	v14 =	vsel vm15, $0x0, v14  }
0x210: {  	(erf) = vrcp.f32 v14;
	v4 =	vadd.f32 v4, v13;
	_ =	sdelay $0x1  }
0x211: {  	v14 =	vld.idx.msk [tilespmem:v7+s21+$0x0], $0xffff;
	v13 =	vadd.f32 v4, v17;
	v4 =	vmul.f32 v15, v5;
	v15 =	vmul.f32 v18, v11  }
0x212: {  	v7 =	vld.idx.msk [tilespmem:v7+s24+$0x0], $0xffff;
	v5 =	vmul.f32 v10, v5;
	v10 =	vmul.f32 v16, v11  }
0x213: {  	v16 =	vld.idx.msk [tilespmem:v12+s6+$0x0], $0xffff;
	v17 =	vand.u32 $0x7FFFFFFF, v13;
	v15 =	vadd.f32 v15, v4  }
0x214: {  	v4 =	vand.u32 $0x80000000, v13;
	v11 =	vmax.f32 v17, $9.999999970e-07;
	v5 =	vadd.f32 v10, v5;
	v10 =	vld.idx.msk [tilespmem:v12+s20+$0x0], $0xffff  }
0x215: {  	v17 =	vld.idx.msk [tilespmem:v12+s23+$0x0], $0xffff;
	v11 =	vand.u32 $0x7FFFFFFF, v11  }
0x216: {  	vm4 =	veq.f32 v13, $0.0e+00;
	v14 =	vadd.f32 v15, v14;
	v15 =	vld.idx.msk [tilespmem:v12+s22+$0x0], $0xffff;
	v11 =	vor.u32 v4, v11  }
0x217: {  	v4 =	vpop (erf);
	v5 =	vadd.f32 v5, v7;
	v11 =	vsel vm4, $0x0, v11  }
0x218: {  	v7 =	vpop (erf);
	(erf) = vrcp.f32 v11  }
0x219: {  	v11 =	vmul.f32 v7, v14;
	v5 =	vmul.f32 v7, v5  }
0x21a: {  	v10 =	vmul.f32 v10, v8;
	v8 =	vmul.f32 v17, v8  }
0x21b: {  	v7 =	vld.idx.msk [tilespmem:v12+s21+$0x0], $0xffff;
	[tilespmem:s17+$0xFFFFFFD0] =	vst v11;
	v11 =	vmul.f32 v16, v6;
	v6 =	vmul.f32 v15, v6  }
0x21c: {  	[tilespmem:s17+$0x50] =	vst v5;
	v5 =	vld.idx.msk [tilespmem:v12+s24+$0x0], $0xffff  }
0x21d: {  	v6 =	vadd.f32 v8, v6  }
0x21e: {  	v10 =	vadd.f32 v10, v11  }
0x21f: {  	v12 =	vld [tilespmem:s7+$0x16060]  }
0x220: {  	v7 =	vadd.f32 v10, v7  }
0x221: {  	v5 =	vadd.f32 v6, v5;
	v6 =	vpop (erf)  }
0x222: {  	v7 =	vmul.f32 v6, v7  }
0x223: {  	[tilespmem:s7+$0x1B050] =	vst v9;
	v5 =	vmul.f32 v6, v5  }
0x224: {  	v9 =	vld [tilespmem:s18+$0x60];
	[tilespmem:s1+$0xFFFFFFB0] =	vst v7  }
0x225: {  	v6 =	vld [tilespmem:s18+$0xFFFFFFE0];
	[tilespmem:s1+$0x30] =	vst v5  }
0x226: {  	v5 =	vld [tilespmem:s29+$0x16040]  }
0x227: {  	v7 =	vld.idx.msk [tilespmem:v12+s25+$0x0], $0xffff  }
0x228: {  	v8 =	vld.idx.msk [tilespmem:v12+s26+$0x0], $0xffff;
	_ =	sdelay $0x2  }
0x229: {  	v10 =	vld.idx.msk [tilespmem:v12+s28+$0x0], $0xffff;
	[tilespmem:s29+$0x1B030] =	vst v13  }
0x22a: {  	v11 =	vld [tilespmem:s2+$0xFFFFFFC0]  }
0x22b: {  	v13 =	vld [tilespmem:s2+$0x40];
	v7 =	vmul.f32 v7, v6;
	v8 =	vmul.f32 v8, v9  }
0x22c: {  	v14 =	vld.idx.msk [tilespmem:v5+s25+$0x0], $0xffff  }
0x22d: {  	v7 =	vadd.f32 v8, v7;
	v8 =	vld.idx.msk [tilespmem:v5+s26+$0x0], $0xffff;
	_ =	sdelay $0x1  }
0x22e: {  	v7 =	vadd.f32 v7, v10;
	_ =	sdelay $0x1  }
0x22f: {  	v15 =	vld.idx.msk [tilespmem:v5+s28+$0x0], $0xffff;
	v10 =	vand.u32 $0x7FFFFFFF, v7  }
0x230: {  	v10 =	vmax.f32 v10, $9.999999970e-07;
	v14 =	vmul.f32 v14, v11;
	v8 =	vmul.f32 v8, v13  }
0x231: {  	v17 =	vld.idx.msk [tilespmem:v12+s6+$0x0], $0xffff;
	v16 =	vand.u32 $0x80000000, v7;
	v10 =	vand.u32 $0x7FFFFFFF, v10  }
0x232: {  	vm5 =	veq.f32 v7, $0.0e+00;
	v10 =	vor.u32 v16, v10;
	v16 =	vld.idx.msk [tilespmem:v12+s22+$0x0], $0xffff;
	v8 =	vadd.f32 v8, v14  }
0x233: {  	v10 =	vsel vm5, $0x0, v10;
	v14 =	vld.idx.msk [tilespmem:v12+s20+$0x0], $0xffff  }
0x234: {  	(erf) = vrcp.f32 v10;
	v10 =	vadd.f32 v8, v15;
	v8 =	vld.idx.msk [tilespmem:v12+s23+$0x0], $0xffff  }
0x235: {  	v19 =	vld.idx.msk [tilespmem:v5+s6+$0x0], $0xffff  }
0x236: {  	v15 =	vld.idx.msk [tilespmem:v12+s21+$0x0], $0xffff;
	v18 =	vand.u32 $0x7FFFFFFF, v10  }
0x237: {  	v17 =	vmul.f32 v17, v6;
	v12 =	vld.idx.msk [tilespmem:v12+s24+$0x0], $0xffff;
	v6 =	vmul.f32 v16, v6;
	v18 =	vmax.f32 v18, $9.999999970e-07  }
0x238: {  	v16 =	vld.idx.msk [tilespmem:v5+s22+$0x0], $0xffff;
	v20 =	vand.u32 $0x80000000, v10;
	v14 =	vmul.f32 v14, v9;
	v18 =	vand.u32 $0x7FFFFFFF, v18  }
0x239: {  	vm6 =	veq.f32 v10, $0.0e+00;
	v18 =	vor.u32 v20, v18;
	v8 =	vmul.f32 v8, v9;
	v9 =	vld.idx.msk [tilespmem:v5+s23+$0x0], $0xffff  }
0x23a: {  	v43 =	vld.idx.msk [tilespmem:v5+s20+$0x0], $0xffff;
	v14 =	vadd.f32 v14, v17;
	v17 =	vsel vm6, $0x0, v18  }
0x23b: {  	(erf) = vrcp.f32 v17;
	v6 =	vadd.f32 v8, v6;
	_ =	sdelay $0x1  }
0x23c: {  	v6 =	vadd.f32 v6, v12;
	v12 =	vmul.f32 v19, v11  }
0x23d: {  	v14 =	vadd.f32 v14, v15;
	v15 =	vld.idx.msk [tilespmem:v5+s21+$0x0], $0xffff;
	v11 =	vmul.f32 v16, v11;
	v9 =	vmul.f32 v9, v13  }
0x23e: {  	v5 =	vld.idx.msk [tilespmem:v5+s24+$0x0], $0xffff;
	v17 =	vmul.f32 v43, v13  }
0x23f: {  	v8 =	vpop (erf);
	v9 =	vadd.f32 v9, v11  }
0x240: {  	v14 =	vmul.f32 v8, v14;
	v6 =	vmul.f32 v8, v6;
	v8 =	vadd.f32 v17, v12;
	_ =	sdelay $0x1  }
0x241: {  	v8 =	vadd.f32 v8, v15  }
0x242: {  	[tilespmem:s17+$0xFFFFFFE0] =	vst v14;
	v5 =	vadd.f32 v9, v5;
	v9 =	vpop (erf)  }
0x243: {  	[tilespmem:s17+$0x60] =	vst v6;
	v8 =	vmul.f32 v9, v8  }
0x244: {  	v6 =	vld [tilespmem:s7+$0x16070];
	v5 =	vmul.f32 v9, v5  }
0x245: {  	[tilespmem:s1+$0xFFFFFFC0] =	vst v8  }
0x246: {  	[tilespmem:s1+$0x40] =	vst v5  }
0x247: {  	v9 =	vld [tilespmem:s29+$0x16050]  }
0x248: {  	[tilespmem:s7+$0x1B060] =	vst v7  }
0x249: {  	v7 =	vld [tilespmem:s18+$0xFFFFFFF0]  }
0x24a: {  	v8 =	vld [tilespmem:s18+$0x70];
	[tilespmem:s29+$0x1B040] =	vst v10  }
0x24b: {  	v10 =	vld [tilespmem:s2+$0xFFFFFFD0]  }
0x24c: {  	v5 =	vld.idx.msk [tilespmem:v6+s25+$0x0], $0xffff  }
0x24d: {  	v11 =	vld.idx.msk [tilespmem:v6+s26+$0x0], $0xffff  }
0x24e: {  	v12 =	vld [tilespmem:s2+$0x50]  }
0x24f: {  	v13 =	vld.idx.msk [tilespmem:v9+s25+$0x0], $0xffff  }
0x250: {  	v14 =	vld.idx.msk [tilespmem:v9+s26+$0x0], $0xffff  }
0x251: {  	v15 =	vld.idx.msk [tilespmem:v6+s28+$0x0], $0xffff  }
0x252: {  	v5 =	vmul.f32 v5, v7;
	v11 =	vmul.f32 v11, v8;
	_ =	sdelay $0x1  }
0x253: {  	v16 =	vld.idx.msk [tilespmem:v9+s28+$0x0], $0xffff;
	v5 =	vadd.f32 v11, v5  }
0x254: {  	v13 =	vmul.f32 v13, v10;
	v14 =	vmul.f32 v14, v12  }
0x255: {  	v5 =	vadd.f32 v5, v15  }
0x256: {  	v11 =	vadd.f32 v14, v13  }
0x257: {  	v13 =	vand.u32 $0x7FFFFFFF, v5  }
0x258: {  	v13 =	vmax.f32 v13, $9.999999970e-07;
	v11 =	vadd.f32 v11, v16  }
0x259: {  	v14 =	vand.u32 $0x80000000, v5;
	v13 =	vand.u32 $0x7FFFFFFF, v13  }
0x25a: {  	v17 =	vld.idx.msk [tilespmem:v9+s20+$0x0], $0xffff;
	vm7 =	veq.f32 v5, $0.0e+00;
	v13 =	vor.u32 v14, v13;
	v15 =	vand.u32 $0x7FFFFFFF, v11  }
0x25b: {  	v14 =	vld.idx.msk [tilespmem:v9+s6+$0x0], $0xffff;
	v13 =	vsel vm7, $0x0, v13;
	v15 =	vmax.f32 v15, $9.999999970e-07  }
0x25c: {  	v16 =	vand.u32 $0x80000000, v11;
	(erf) = vrcp.f32 v13;
	v13 =	vld.idx.msk [tilespmem:v9+s22+$0x0], $0xffff;
	v15 =	vand.u32 $0x7FFFFFFF, v15  }
0x25d: {  	vm8 =	veq.f32 v11, $0.0e+00;
	v15 =	vor.u32 v16, v15;
	v16 =	vld.idx.msk [tilespmem:v9+s23+$0x0], $0xffff  }
0x25e: {  	v15 =	vsel vm8, $0x0, v15  }
0x25f: {  	(erf) = vrcp.f32 v15;
	_ =	sdelay $0x1  }
0x260: {  	v17 =	vmul.f32 v17, v12;
	v14 =	vmul.f32 v14, v10  }
0x261: {  	v15 =	vld.idx.msk [tilespmem:v9+s21+$0x0], $0xffff;
	v10 =	vmul.f32 v13, v10;
	v12 =	vmul.f32 v16, v12  }
0x262: {  	v9 =	vld.idx.msk [tilespmem:v9+s24+$0x0], $0xffff  }
0x263: {  	v10 =	vadd.f32 v12, v10  }
0x264: {  	v13 =	vadd.f32 v17, v14;
	_ =	sdelay $0x1  }
0x265: {  	v13 =	vadd.f32 v13, v15;
	v12 =	vpop (erf)  }
0x266: {  	v9 =	vadd.f32 v10, v9;
	v10 =	vpop (erf)  }
0x267: {  	v13 =	vmul.f32 v10, v13  }
0x268: {  	v9 =	vmul.f32 v10, v9  }
0x269: {  	[tilespmem:s1+$0xFFFFFFD0] =	vst v13  }
0x26a: {  	[tilespmem:s1+$0x50] =	vst v9  }
0x26b: {  	v9 =	vld [tilespmem:s29+$0x16060];
	_ =	sdelay $0x4  }
0x26c: {  	[tilespmem:s29+$0x1B050] =	vst v11  }
0x26d: {  	v10 =	vld [tilespmem:s2+$0xFFFFFFE0]  }
0x26e: {  	v14 =	vld [tilespmem:s2+$0x60]  }
0x26f: {  	v11 =	vld.idx.msk [tilespmem:v9+s25+$0x0], $0xffff  }
0x270: {  	v13 =	vld.idx.msk [tilespmem:v9+s26+$0x0], $0xffff;
	_ =	sdelay $0x3  }
0x271: {  	v15 =	vld.idx.msk [tilespmem:v9+s28+$0x0], $0xffff  }
0x272: {  	v11 =	vmul.f32 v11, v10;
	v13 =	vmul.f32 v13, v14;
	_ =	sdelay $0x1  }
0x273: {  	v11 =	vadd.f32 v13, v11;
	_ =	sdelay $0x1  }
0x274: {  	v11 =	vadd.f32 v11, v15;
	_ =	sdelay $0x1  }
0x275: {  	v17 =	vld.idx.msk [tilespmem:v9+s20+$0x0], $0xffff;
	v13 =	vand.u32 $0x7FFFFFFF, v11  }
0x276: {  	v18 =	vld.idx.msk [tilespmem:v9+s23+$0x0], $0xffff;
	v13 =	vmax.f32 v13, $9.999999970e-07  }
0x277: {  	v15 =	vld.idx.msk [tilespmem:v9+s6+$0x0], $0xffff;
	v16 =	vand.u32 $0x80000000, v11;
	v13 =	vand.u32 $0x7FFFFFFF, v13  }
0x278: {  	vm9 =	veq.f32 v11, $0.0e+00;
	v13 =	vor.u32 v16, v13;
	v16 =	vld.idx.msk [tilespmem:v9+s22+$0x0], $0xffff  }
0x279: {  	v13 =	vsel vm9, $0x0, v13  }
0x27a: {  	(erf) = vrcp.f32 v13;
	_ =	sdelay $0x1  }
0x27b: {  	v17 =	vmul.f32 v17, v14;
	v14 =	vmul.f32 v18, v14  }
0x27c: {  	v15 =	vmul.f32 v15, v10;
	v13 =	vld.idx.msk [tilespmem:v9+s21+$0x0], $0xffff;
	v10 =	vmul.f32 v16, v10  }
0x27d: {  	v9 =	vld.idx.msk [tilespmem:v9+s24+$0x0], $0xffff  }
0x27e: {  	v10 =	vadd.f32 v14, v10  }
0x27f: {  	v15 =	vadd.f32 v17, v15;
	_ =	sdelay $0x1  }
0x280: {  	v13 =	vadd.f32 v15, v13  }
0x281: {  	v9 =	vadd.f32 v10, v9;
	v10 =	vpop (erf)  }
0x282: {  	v13 =	vmul.f32 v10, v13  }
0x283: {  	v9 =	vmul.f32 v10, v9  }
0x284: {  	[tilespmem:s1+$0xFFFFFFE0] =	vst v13  }
0x285: {  	[tilespmem:s1+$0x60] =	vst v9  }
0x286: {  	v9 =	vld [tilespmem:s29+$0x16070];
	_ =	sdelay $0x1  }
0x287: {  	v19 =	vld.idx.msk [tilespmem:v0+s23+$0x0], $0xffff  }
0x288: {  	v17 =	vld.idx.msk [tilespmem:v0+s22+$0x0], $0xffff  }
0x289: {  	v16 =	vld.idx.msk [tilespmem:v0+s20+$0x0], $0xffff  }
0x28a: {  	v15 =	vld.idx.msk [tilespmem:v0+s6+$0x0], $0xffff;
	[tilespmem:s29+$0x1B060] =	vst v11  }
0x28b: {  	v10 =	vld [tilespmem:s2+$0xFFFFFFF0]  }
0x28c: {  	v14 =	vld [tilespmem:s2+$0x70]  }
0x28d: {  	v11 =	vld.idx.msk [tilespmem:v9+s25+$0x0], $0xffff  }
0x28e: {  	v13 =	vld.idx.msk [tilespmem:v9+s26+$0x0], $0xffff;
	_ =	sdelay $0x1  }
0x28f: {  	v20 =	vld.idx.msk [tilespmem:v0+s21+$0x0], $0xffff  }
0x290: {  	v0 =	vld.idx.msk [tilespmem:v0+s24+$0x0], $0xffff;
	v16 =	vmul.f32 v16, v3;
	v3 =	vmul.f32 v19, v3  }
0x291: {  	v15 =	vmul.f32 v15, v2;
	v2 =	vmul.f32 v17, v2;
	v18 =	vld.idx.msk [tilespmem:v9+s28+$0x0], $0xffff  }
0x292: {  	v11 =	vmul.f32 v11, v10;
	v13 =	vmul.f32 v13, v14  }
0x293: {  	v44 =	vld.idx.msk [tilespmem:v6+s20+$0x0], $0xffff  }
0x294: {  	v45 =	vld.idx.msk [tilespmem:v6+s23+$0x0], $0xffff;
	v2 =	vadd.f32 v3, v2;
	v11 =	vadd.f32 v13, v11  }
0x295: {  	v17 =	vld.idx.msk [tilespmem:v6+s21+$0x0], $0xffff  }
0x296: {  	v0 =	vadd.f32 v2, v0;
	v2 =	vld.idx.msk [tilespmem:v6+s24+$0x0], $0xffff;
	v11 =	vadd.f32 v11, v18  }
0x297: {  	v13 =	vld.idx.msk [tilespmem:v6+s6+$0x0], $0xffff  }
0x298: {  	v15 =	vadd.f32 v16, v15;
	v19 =	vld.idx.msk [tilespmem:v9+s6+$0x0], $0xffff;
	v46 =	vand.u32 $0x7FFFFFFF, v11  }
0x299: {  	v18 =	vld.idx.msk [tilespmem:v6+s22+$0x0], $0xffff;
	v23 =	vmax.f32 v46, $9.999999970e-07  }
0x29a: {  	v15 =	vadd.f32 v15, v20;
	v3 =	vld.idx.msk [tilespmem:v9+s22+$0x0], $0xffff;
	v47 =	vand.u32 $0x80000000, v11;
	v23 =	vand.u32 $0x7FFFFFFF, v23  }
0x29b: {  	v20 =	vld.idx.msk [tilespmem:v9+s23+$0x0], $0xffff;
	vm10 =	veq.f32 v11, $0.0e+00;
	v23 =	vor.u32 v47, v23  }
0x29c: {  	v15 =	vmul.f32 v4, v15;
	v16 =	vld.idx.msk [tilespmem:v9+s20+$0x0], $0xffff;
	v6 =	vmul.f32 v13, v7;
	v23 =	vsel vm10, $0x0, v23  }
0x29d: {  	v13 =	vmul.f32 v44, v8;
	(erf) = vrcp.f32 v23  }
0x29e: {  	v8 =	vmul.f32 v45, v8;
	v7 =	vmul.f32 v18, v7  }
0x29f: {  	v0 =	vmul.f32 v4, v0;
	v3 =	vmul.f32 v3, v10;
	v4 =	vadd.f32 v13, v6;
	v6 =	vld.idx.msk [tilespmem:v9+s21+$0x0], $0xffff  }
0x2a0: {  	v7 =	vadd.f32 v8, v7;
	v8 =	vld.idx.msk [tilespmem:v9+s24+$0x0], $0xffff;
	v9 =	vmul.f32 v19, v10;
	v10 =	vmul.f32 v20, v14  }
0x2a1: {  	v13 =	vmul.f32 v16, v14  }
0x2a2: {  	v4 =	vadd.f32 v4, v17;
	v3 =	vadd.f32 v10, v3  }
0x2a3: {  	[tilespmem:s15+$0xFFFFFFF0] =	vst v15;
	v2 =	vadd.f32 v7, v2;
	v7 =	vadd.f32 v13, v9  }
0x2a4: {  	[tilespmem:s15+$0x70] =	vst v0;
	v0 =	vmul.f32 v12, v4  }
0x2a5: {  	[tilespmem:s14+$0x1B070] =	vst v1;
	v1 =	vmul.f32 v12, v2;
	v2 =	vadd.f32 v7, v6  }
0x2a6: {  	[tilespmem:s17+$0xFFFFFFF0] =	vst v0;
	v0 =	vadd.f32 v3, v8;
	v3 =	vpop (erf)  }
0x2a7: {  	[tilespmem:s17+$0x70] =	vst v1;
	v1 =	vmul.f32 v3, v2  }
0x2a8: {  	[tilespmem:s7+$0x1B070] =	vst v5;
	v0 =	vmul.f32 v3, v0  }
0x2a9: {  	[tilespmem:s1+$0xFFFFFFF0] =	vst v1  }
0x2aa: {  	s4 =	simm.s32 $0x19000;
	s2 =	rddreg [dreg:$0x3];
	[tilespmem:s1+$0x70] =	vst v0;
	s1 =	sshll.u32 s3, $0x5  }
0x2ab: {  	s5 =	sshll.u32 s3, $0x4;
	s7 =	rddreg [dreg:$0x4];
	[tilespmem:s29+$0x1B070] =	vst v11;
	s0 =	sadd.s32 s2, s1  }
0x2ac: {  	[hbm4b:s0+s6] =	stream.linear.scatter [tilespmem:s4], [sflag:$0x3], $0x1000, $0x38;
	[tilespmem:$0x1C000] =	vst v63  }
0x2ad: {  	s11 =	simm.s32 $0x1B000;
	s0 =	sadd.s32 s7, s5  }
0x2ae: {  	[hbm4b:s0+s6] =	stream.linear.scatter [tilespmem:s11], [sflag:$0x3], $0x800, $0x38;
	[tilespmem:$0x1C000] =	vst v63  }
0x2af: {  	p1 =	seq.s32 s9, $0x7;
	s0 =	rddreg [dreg:$0xb]  }
0x2b0: {  	s0 =	sadd.s32 @!p1 s16, s0  }
0x2b1: {  	s1 =	sshll.u32 @!p1 s0, $0x4  }
0x2b2: {  	s3 =	simm.s32 @!p1 $0x16000;
	s0 =	sshll.u32 @!p1 s0, $0x5;
	s1 =	sand.u32 @!p1 $0x1FFFFE00, s1  }
0x2b3: {  	s2 =	simm.s32 @!p1 $0x0;
	s0 =	sand.u32 @!p1 $0x1FFFFC00, s0;
	s1 =	sadd.s32 @!p1 s8, s1  }
0x2b4: {  	[tilespmem:s3], [sflag:$0x1] =	stream.linear.gather @!p1 [hbm4b:s1+s2], $0x800, $0x38;
	[tilespmem:$0x1C000] =	vst v63  }
0x2b5: {  	s0 =	sadd.s32 @!p1 s12, s0;
	s1 =	simm.s32 @!p1 $0x17000  }
0x2b6: {  	[tilespmem:s1], [sflag:$0x1] =	stream.linear.gather @!p1 [hbm4b:s0+s2], $0x1000, $0x38;
	[tilespmem:$0x1C000] =	vst v63  }
0x2b7: {  	_ =	swait.ge [sflag:s31], $0x800  }
0x2b8: {  	[sflag:s31] =	ssyncset.done $0x0  }
0x2b9: {  	[sflag:s31] =	ssyncadd.s32 $0xFFFFF800  }
0x2ba: {  	_ =	swait.ge [sflag:s31], $0x1000  }
0x2bb: {  	[sflag:s31] =	ssyncset.done $0x0  }
0x2bc: {  	s0 =	simm.s32 @!p0 $0x4;
	[sflag:s31] =	ssyncadd.s32 $0xFFFFF000  }
0x2bd: {  	_ =	swait.ge @!p0 [sflag:s0], $0x1000  }
0x2be: {  	[sflag:s0] =	ssyncset.done @!p0 $0x0  }
0x2bf: {  	[sflag:s0] =	ssyncadd.s32 @!p0 $0xFFFFF000  }
0x2c0: {  	_ =	swait.ge @!p0 [sflag:s0], $0x800  }
0x2c1: {  	[sflag:s0] =	ssyncset.done @!p0 $0x0  }
0x2c2: {  	s16 =	simm.s32 $0x0;
	[sflag:s0] =	ssyncadd.s32 @!p0 $0xFFFFF800  }
0x2c3: {  	v0 =	vld [tilespmem:s16+$0x16800];
	_ =	sdelay $0x4  }
0x2c4: {  	s5 =	smov.u32 s12;
	s12 =	simm.s32 $0x18080  }
0x2c5: {  	v1 =	vld [tilespmem:s12+$0xFFFFFF80]  }
0x2c6: {  	v2 =	vld [tilespmem:s12+$0x0]  }
0x2c7: {  	v3 =	vld.idx.msk [tilespmem:v0+s25+$0x0], $0xffff  }
0x2c8: {  	v4 =	vld.idx.msk [tilespmem:v0+s26+$0x0], $0xffff;
	_ =	sdelay $0x3  }
0x2c9: {  	v5 =	vld.idx.msk [tilespmem:v0+s28+$0x0], $0xffff  }
0x2ca: {  	v3 =	vmul.f32 v3, v1;
	v4 =	vmul.f32 v4, v2;
	_ =	sdelay $0x1  }
0x2cb: {  	v3 =	vadd.f32 v4, v3;
	_ =	sdelay $0x1  }
0x2cc: {  	v3 =	vadd.f32 v3, v5;
	_ =	sdelay $0x1  }
0x2cd: {  	v7 =	vld.idx.msk [tilespmem:v0+s20+$0x0], $0xffff;
	v4 =	vand.u32 $0x7FFFFFFF, v3  }
0x2ce: {  	v8 =	vld.idx.msk [tilespmem:v0+s23+$0x0], $0xffff;
	v4 =	vmax.f32 v4, $9.999999970e-07  }
0x2cf: {  	v5 =	vld.idx.msk [tilespmem:v0+s6+$0x0], $0xffff;
	v6 =	vand.u32 $0x80000000, v3;
	v4 =	vand.u32 $0x7FFFFFFF, v4  }
0x2d0: {  	vm11 =	veq.f32 v3, $0.0e+00;
	v4 =	vor.u32 v6, v4;
	v6 =	vld.idx.msk [tilespmem:v0+s22+$0x0], $0xffff  }
0x2d1: {  	v4 =	vsel vm11, $0x0, v4  }
0x2d2: {  	(erf) = vrcp.f32 v4;
	_ =	sdelay $0x1  }
0x2d3: {  	v7 =	vmul.f32 v7, v2;
	v2 =	vmul.f32 v8, v2  }
0x2d4: {  	v5 =	vmul.f32 v5, v1;
	v4 =	vld.idx.msk [tilespmem:v0+s21+$0x0], $0xffff;
	v1 =	vmul.f32 v6, v1  }
0x2d5: {  	v0 =	vld.idx.msk [tilespmem:v0+s24+$0x0], $0xffff  }
0x2d6: {  	v1 =	vadd.f32 v2, v1  }
0x2d7: {  	v5 =	vadd.f32 v7, v5;
	_ =	sdelay $0x1  }
0x2d8: {  	v2 =	vadd.f32 v5, v4  }
0x2d9: {  	v0 =	vadd.f32 v1, v0;
	v1 =	vpop (erf)  }
0x2da: {  	v2 =	vmul.f32 v1, v2  }
0x2db: {  	s14 =	simm.s32 $0x1A080;
	v0 =	vmul.f32 v1, v0  }
0x2dc: {  	[tilespmem:s14+$0xFFFFFF80] =	vst v2  }
0x2dd: {  	[tilespmem:s14+$0x0] =	vst v0  }
0x2de: {  	v0 =	vld [tilespmem:s16+$0x16810];
	_ =	sdelay $0x4  }
0x2df: {  	[tilespmem:s16+$0x1B800] =	vst v3  }
0x2e0: {  	v1 =	vld [tilespmem:s12+$0xFFFFFF90]  }
0x2e1: {  	v2 =	vld [tilespmem:s12+$0x10]  }
0x2e2: {  	v3 =	vld.idx.msk [tilespmem:v0+s25+$0x0], $0xffff  }
0x2e3: {  	v4 =	vld.idx.msk [tilespmem:v0+s26+$0x0], $0xffff;
	_ =	sdelay $0x3  }
0x2e4: {  	v5 =	vld.idx.msk [tilespmem:v0+s28+$0x0], $0xffff  }
0x2e5: {  	v3 =	vmul.f32 v3, v1;
	v4 =	vmul.f32 v4, v2;
	_ =	sdelay $0x1  }
0x2e6: {  	v3 =	vadd.f32 v4, v3;
	_ =	sdelay $0x1  }
0x2e7: {  	v3 =	vadd.f32 v3, v5;
	_ =	sdelay $0x1  }
0x2e8: {  	v4 =	vand.u32 $0x7FFFFFFF, v3  }
0x2e9: {  	v4 =	vmax.f32 v4, $9.999999970e-07  }
0x2ea: {  	v7 =	vld.idx.msk [tilespmem:v0+s20+$0x0], $0xffff;
	v6 =	vand.u32 $0x80000000, v3;
	v4 =	vand.u32 $0x7FFFFFFF, v4  }
0x2eb: {  	v5 =	vld.idx.msk [tilespmem:v0+s6+$0x0], $0xffff;
	vm12 =	veq.f32 v3, $0.0e+00;
	v4 =	vor.u32 v6, v4  }
0x2ec: {  	v8 =	vld.idx.msk [tilespmem:v0+s23+$0x0], $0xffff;
	v4 =	vsel vm12, $0x0, v4  }
0x2ed: {  	v6 =	vld.idx.msk [tilespmem:v0+s22+$0x0], $0xffff;
	(erf) = vrcp.f32 v4;
	_ =	sdelay $0x1  }
0x2ee: {  	v4 =	vld.idx.msk [tilespmem:v0+s21+$0x0], $0xffff  }
0x2ef: {  	v7 =	vmul.f32 v7, v2;
	v5 =	vmul.f32 v5, v1  }
0x2f0: {  	v0 =	vld.idx.msk [tilespmem:v0+s24+$0x0], $0xffff  }
0x2f1: {  	v2 =	vmul.f32 v8, v2;
	v5 =	vadd.f32 v7, v5;
	v1 =	vmul.f32 v6, v1  }
0x2f2: {  	s15 =	simm.s32 $0x80  }
0x2f3: {  	v1 =	vadd.f32 v2, v1;
	v2 =	vadd.f32 v5, v4;
	v4 =	vld [tilespmem:s15+$0x16800];
	_ =	sdelay $0x1  }
0x2f4: {  	v0 =	vadd.f32 v1, v0;
	v5 =	vpop (erf)  }
0x2f5: {  	v1 =	vmul.f32 v5, v2  }
0x2f6: {  	s0 =	simm.s32 $0x18180;
	v0 =	vmul.f32 v5, v0  }
0x2f7: {  	v2 =	vld [tilespmem:s0+$0x0];
	[tilespmem:s14+$0xFFFFFF90] =	vst v1  }
0x2f8: {  	[tilespmem:s14+$0x10] =	vst v0;
	v1 =	vld [tilespmem:s0+$0xFFFFFF80]  }
0x2f9: {  	v0 =	vld [tilespmem:s16+$0x16820]  }
0x2fa: {  	v6 =	vld.idx.msk [tilespmem:v4+s25+$0x0], $0xffff  }
0x2fb: {  	v7 =	vld.idx.msk [tilespmem:v4+s26+$0x0], $0xffff;
	_ =	sdelay $0x2  }
0x2fc: {  	v5 =	vld.idx.msk [tilespmem:v4+s28+$0x0], $0xffff;
	[tilespmem:s16+$0x1B810] =	vst v3  }
0x2fd: {  	v3 =	vld [tilespmem:s12+$0xFFFFFFA0]  }
0x2fe: {  	v8 =	vld [tilespmem:s12+$0x20];
	v6 =	vmul.f32 v6, v1;
	v7 =	vmul.f32 v7, v2  }
0x2ff: {  	v9 =	vld.idx.msk [tilespmem:v0+s25+$0x0], $0xffff  }
0x300: {  	v6 =	vadd.f32 v7, v6;
	v10 =	vld.idx.msk [tilespmem:v0+s26+$0x0], $0xffff;
	_ =	sdelay $0x1  }
0x301: {  	v5 =	vadd.f32 v6, v5;
	_ =	sdelay $0x1  }
0x302: {  	v7 =	vld.idx.msk [tilespmem:v0+s28+$0x0], $0xffff;
	v11 =	vand.u32 $0x7FFFFFFF, v5  }
0x303: {  	v12 =	vld.idx.msk [tilespmem:v4+s6+$0x0], $0xffff;
	v11 =	vmax.f32 v11, $9.999999970e-07;
	v6 =	vmul.f32 v9, v3;
	v9 =	vmul.f32 v10, v8  }
0x304: {  	v13 =	vand.u32 $0x80000000, v5;
	v10 =	vld.idx.msk [tilespmem:v4+s21+$0x0], $0xffff;
	v11 =	vand.u32 $0x7FFFFFFF, v11  }
0x305: {  	v11 =	vor.u32 v13, v11;
	v13 =	vld.idx.msk [tilespmem:v4+s22+$0x0], $0xffff;
	v6 =	vadd.f32 v9, v6  }
0x306: {  	v9 =	vld.idx.msk [tilespmem:v4+s24+$0x0], $0xffff  }
0x307: {  	vm13 =	veq.f32 v5, $0.0e+00;
	v6 =	vadd.f32 v6, v7;
	v7 =	vld.idx.msk [tilespmem:v4+s20+$0x0], $0xffff  }
0x308: {  	v11 =	vsel vm13, $0x0, v11;
	v4 =	vld.idx.msk [tilespmem:v4+s23+$0x0], $0xffff  }
0x309: {  	(erf) = vrcp.f32 v11;
	v14 =	vand.u32 $0x7FFFFFFF, v6  }
0x30a: {  	v11 =	vmax.f32 v14, $9.999999970e-07  }
0x30b: {  	v12 =	vmul.f32 v12, v1;
	v16 =	vld.idx.msk [tilespmem:v0+s20+$0x0], $0xffff;
	v15 =	vand.u32 $0x80000000, v6;
	v11 =	vand.u32 $0x7FFFFFFF, v11  }
0x30c: {  	vm14 =	veq.f32 v6, $0.0e+00;
	v1 =	vmul.f32 v13, v1;
	v14 =	vld.idx.msk [tilespmem:v0+s6+$0x0], $0xffff;
	v11 =	vor.u32 v15, v11  }
0x30d: {  	v17 =	vld.idx.msk [tilespmem:v0+s23+$0x0], $0xffff;
	v7 =	vmul.f32 v7, v2;
	v2 =	vmul.f32 v4, v2;
	v11 =	vsel vm14, $0x0, v11  }
0x30e: {  	v15 =	vld.idx.msk [tilespmem:v0+s22+$0x0], $0xffff;
	(erf) = vrcp.f32 v11  }
0x30f: {  	v1 =	vadd.f32 v2, v1  }
0x310: {  	v4 =	vadd.f32 v7, v12  }
0x311: {  	v2 =	vld.idx.msk [tilespmem:v0+s21+$0x0], $0xffff;
	v7 =	vmul.f32 v14, v3;
	v1 =	vadd.f32 v1, v9  }
0x312: {  	v0 =	vld.idx.msk [tilespmem:v0+s24+$0x0], $0xffff;
	v4 =	vadd.f32 v4, v10;
	v10 =	vmul.f32 v16, v8;
	v9 =	vpop (erf);
	v8 =	vmul.f32 v17, v8  }
0x313: {  	v3 =	vmul.f32 v15, v3;
	v1 =	vmul.f32 v9, v1  }
0x314: {  	v7 =	vadd.f32 v10, v7  }
0x315: {  	v3 =	vadd.f32 v8, v3  }
0x316: {  	s7 =	simm.s32 $0x1A180;
	v2 =	vadd.f32 v7, v2  }
0x317: {  	v4 =	vmul.f32 v9, v4;
	[tilespmem:s7+$0x0] =	vst v1;
	v0 =	vadd.f32 v3, v0;
	v1 =	vpop (erf)  }
0x318: {  	v2 =	vmul.f32 v1, v2  }
0x319: {  	[tilespmem:s7+$0xFFFFFF80] =	vst v4;
	v0 =	vmul.f32 v1, v0  }
0x31a: {  	v3 =	vld [tilespmem:s15+$0x16810];
	[tilespmem:s14+$0xFFFFFFA0] =	vst v2  }
0x31b: {  	[tilespmem:s14+$0x20] =	vst v0  }
0x31c: {  	v0 =	vld [tilespmem:s16+$0x16830]  }
0x31d: {  	[tilespmem:s15+$0x1B800] =	vst v5  }
0x31e: {  	v1 =	vld [tilespmem:s0+$0xFFFFFF90]  }
0x31f: {  	v2 =	vld [tilespmem:s0+$0x10];
	[tilespmem:s16+$0x1B820] =	vst v6  }
0x320: {  	v6 =	vld [tilespmem:s12+$0xFFFFFFB0]  }
0x321: {  	v7 =	vld [tilespmem:s12+$0x30]  }
0x322: {  	v4 =	vld.idx.msk [tilespmem:v3+s25+$0x0], $0xffff  }
0x323: {  	v5 =	vld.idx.msk [tilespmem:v3+s26+$0x0], $0xffff  }
0x324: {  	v8 =	vld.idx.msk [tilespmem:v0+s25+$0x0], $0xffff  }
0x325: {  	v9 =	vld.idx.msk [tilespmem:v0+s26+$0x0], $0xffff;
	_ =	sdelay $0x2  }
0x326: {  	v10 =	vld.idx.msk [tilespmem:v3+s28+$0x0], $0xffff  }
0x327: {  	v4 =	vmul.f32 v4, v1;
	v5 =	vmul.f32 v5, v2;
	v11 =	vld.idx.msk [tilespmem:v0+s28+$0x0], $0xffff  }
0x328: {  	v8 =	vmul.f32 v8, v6;
	v9 =	vmul.f32 v9, v7  }
0x329: {  	v4 =	vadd.f32 v5, v4  }
0x32a: {  	v5 =	vadd.f32 v9, v8  }
0x32b: {  	v4 =	vadd.f32 v4, v10  }
0x32c: {  	v5 =	vadd.f32 v5, v11  }
0x32d: {  	v8 =	vand.u32 $0x7FFFFFFF, v4  }
0x32e: {  	vm15 =	veq.f32 v4, $0.0e+00;
	v8 =	vmax.f32 v8, $9.999999970e-07;
	v9 =	vand.u32 $0x7FFFFFFF, v5  }
0x32f: {  	v12 =	vld.idx.msk [tilespmem:v0+s20+$0x0], $0xffff;
	v10 =	vand.u32 $0x80000000, v4;
	v8 =	vand.u32 $0x7FFFFFFF, v8;
	v9 =	vmax.f32 v9, $9.999999970e-07  }
0x330: {  	v11 =	vld.idx.msk [tilespmem:v0+s6+$0x0], $0xffff;
	v8 =	vor.u32 v10, v8;
	v10 =	vand.u32 $0x80000000, v5;
	v9 =	vand.u32 $0x7FFFFFFF, v9  }
0x331: {  	v8 =	vsel vm15, $0x0, v8;
	vm4 =	veq.f32 v5, $0.0e+00;
	v9 =	vor.u32 v10, v9;
	v10 =	vld.idx.msk [tilespmem:v0+s22+$0x0], $0xffff  }
0x332: {  	(erf) = vrcp.f32 v8;
	v8 =	vsel vm4, $0x0, v9;
	v9 =	vld.idx.msk [tilespmem:v0+s23+$0x0], $0xffff;
	_ =	sdelay $0x1  }
0x333: {  	(erf) = vrcp.f32 v8;
	_ =	sdelay $0x1  }
0x334: {  	v12 =	vmul.f32 v12, v7;
	v11 =	vmul.f32 v11, v6  }
0x335: {  	v8 =	vld.idx.msk [tilespmem:v0+s21+$0x0], $0xffff;
	v6 =	vmul.f32 v10, v6;
	v7 =	vmul.f32 v9, v7  }
0x336: {  	v0 =	vld.idx.msk [tilespmem:v0+s24+$0x0], $0xffff  }
0x337: {  	v6 =	vadd.f32 v7, v6  }
0x338: {  	v9 =	vadd.f32 v12, v11  }
0x339: {  	s29 =	simm.s32 $0x18280  }
0x33a: {  	v14 =	vld [tilespmem:s29+$0x0];
	v10 =	vpop (erf);
	v8 =	vadd.f32 v9, v8  }
0x33b: {  	s17 =	simm.s32 $0x100;
	v13 =	vld.idx.msk [tilespmem:v3+s23+$0x0], $0xffff;
	v0 =	vadd.f32 v6, v0;
	v6 =	vpop (erf)  }
0x33c: {  	v9 =	vld [tilespmem:s17+$0x16800];
	v8 =	vmul.f32 v6, v8  }
0x33d: {  	v12 =	vld.idx.msk [tilespmem:v3+s6+$0x0], $0xffff;
	v0 =	vmul.f32 v6, v0  }
0x33e: {  	v6 =	vld.idx.msk [tilespmem:v3+s20+$0x0], $0xffff;
	[tilespmem:s14+$0xFFFFFFB0] =	vst v8  }
0x33f: {  	v8 =	vld.idx.msk [tilespmem:v3+s22+$0x0], $0xffff;
	[tilespmem:s14+$0x30] =	vst v0  }
0x340: {  	v0 =	vld [tilespmem:s16+$0x16840]  }
0x341: {  	v11 =	vld.idx.msk [tilespmem:v3+s21+$0x0], $0xffff  }
0x342: {  	v7 =	vld [tilespmem:s29+$0xFFFFFF80]  }
0x343: {  	v3 =	vld.idx.msk [tilespmem:v3+s24+$0x0], $0xffff  }
0x344: {  	v12 =	vmul.f32 v12, v1;
	v15 =	vld.idx.msk [tilespmem:v9+s25+$0x0], $0xffff;
	v6 =	vmul.f32 v6, v2  }
0x345: {  	v16 =	vld.idx.msk [tilespmem:v9+s26+$0x0], $0xffff;
	[tilespmem:s16+$0x1B830] =	vst v5;
	v2 =	vmul.f32 v13, v2;
	v1 =	vmul.f32 v8, v1  }
0x346: {  	v5 =	vld [tilespmem:s12+$0xFFFFFFC0];
	v6 =	vadd.f32 v6, v12  }
0x347: {  	v8 =	vld [tilespmem:s12+$0x40];
	v1 =	vadd.f32 v2, v1  }
0x348: {  	v6 =	vadd.f32 v6, v11;
	v2 =	vld.idx.msk [tilespmem:v0+s25+$0x0], $0xffff  }
0x349: {  	v11 =	vld.idx.msk [tilespmem:v0+s26+$0x0], $0xffff;
	v1 =	vadd.f32 v1, v3  }
0x34a: {  	v3 =	vmul.f32 v10, v6  }
0x34b: {  	v6 =	vld.idx.msk [tilespmem:v9+s28+$0x0], $0xffff;
	v1 =	vmul.f32 v10, v1  }
0x34c: {  	[tilespmem:s7+$0xFFFFFF90] =	vst v3;
	v3 =	vmul.f32 v15, v7;
	v10 =	vmul.f32 v16, v14  }
0x34d: {  	v12 =	vld.idx.msk [tilespmem:v0+s28+$0x0], $0xffff  }
0x34e: {  	[tilespmem:s7+$0x10] =	vst v1;
	v3 =	vadd.f32 v10, v3;
	v1 =	vmul.f32 v2, v5;
	v2 =	vmul.f32 v11, v8  }
0x34f: {  	v20 =	vld.idx.msk [tilespmem:v9+s23+$0x0], $0xffff  }
0x350: {  	v17 =	vld.idx.msk [tilespmem:v0+s6+$0x0], $0xffff;
	v1 =	vadd.f32 v2, v1;
	v2 =	vadd.f32 v3, v6  }
0x351: {  	v11 =	vld [tilespmem:s15+$0x16820]  }
0x352: {  	v19 =	vld.idx.msk [tilespmem:v0+s22+$0x0], $0xffff;
	[tilespmem:s15+$0x1B810] =	vst v4;
	v1 =	vadd.f32 v1, v12;
	v4 =	vand.u32 $0x7FFFFFFF, v2  }
0x353: {  	v10 =	vld.idx.msk [tilespmem:v9+s6+$0x0], $0xffff;
	v4 =	vmax.f32 v4, $9.999999970e-07  }
0x354: {  	v15 =	vld [tilespmem:s0+$0x20];
	v13 =	vand.u32 $0x80000000, v2;
	v16 =	vand.u32 $0x7FFFFFFF, v1;
	v4 =	vand.u32 $0x7FFFFFFF, v4  }
0x355: {  	v3 =	vld.idx.msk [tilespmem:v9+s20+$0x0], $0xffff;
	vm5 =	veq.f32 v2, $0.0e+00;
	v16 =	vmax.f32 v16, $9.999999970e-07;
	v4 =	vor.u32 v13, v4  }
0x356: {  	v12 =	vld [tilespmem:s0+$0xFFFFFFA0];
	v18 =	vand.u32 $0x80000000, v1;
	v16 =	vand.u32 $0x7FFFFFFF, v16;
	v4 =	vsel vm5, $0x0, v4  }
0x357: {  	vm6 =	veq.f32 v1, $0.0e+00;
	v16 =	vor.u32 v18, v16;
	(erf) = vrcp.f32 v4;
	v4 =	vld.idx.msk [tilespmem:v0+s23+$0x0], $0xffff  }
0x358: {  	v13 =	vld.idx.msk [tilespmem:v0+s20+$0x0], $0xffff;
	v16 =	vsel vm6, $0x0, v16  }
0x359: {  	v18 =	vld.idx.msk [tilespmem:v11+s25+$0x0], $0xffff;
	(erf) = vrcp.f32 v16  }
0x35a: {  	v16 =	vld.idx.msk [tilespmem:v11+s26+$0x0], $0xffff  }
0x35b: {  	v17 =	vmul.f32 v17, v5;
	v6 =	vld.idx.msk [tilespmem:v9+s22+$0x0], $0xffff  }
0x35c: {  	v48 =	vld.idx.msk [tilespmem:v0+s21+$0x0], $0xffff;
	v5 =	vmul.f32 v19, v5;
	v4 =	vmul.f32 v4, v8  }
0x35d: {  	v0 =	vld.idx.msk [tilespmem:v0+s24+$0x0], $0xffff;
	v13 =	vmul.f32 v13, v8  }
0x35e: {  	v10 =	vmul.f32 v10, v7;
	v49 =	vld.idx.msk [tilespmem:v11+s28+$0x0], $0xffff;
	v4 =	vadd.f32 v4, v5  }
0x35f: {  	v8 =	vld.idx.msk [tilespmem:v9+s21+$0x0], $0xffff;
	v13 =	vadd.f32 v13, v17;
	v17 =	vmul.f32 v18, v12;
	v16 =	vmul.f32 v16, v15  }
0x360: {  	v3 =	vmul.f32 v3, v14;
	v6 =	vmul.f32 v6, v7;
	v9 =	vld.idx.msk [tilespmem:v9+s24+$0x0], $0xffff  }
0x361: {  	v5 =	vmul.f32 v20, v14;
	v13 =	vadd.f32 v13, v48;
	v7 =	vpop (erf);
	v14 =	vadd.f32 v16, v17  }
0x362: {  	v3 =	vadd.f32 v3, v10;
	v0 =	vadd.f32 v4, v0;
	v4 =	vpop (erf)  }
0x363: {  	v5 =	vadd.f32 v5, v6;
	v10 =	vadd.f32 v14, v49;
	v6 =	vmul.f32 v4, v13  }
0x364: {  	v3 =	vadd.f32 v3, v8;
	v0 =	vmul.f32 v4, v0  }
0x365: {  	v4 =	vadd.f32 v5, v9;
	[tilespmem:s14+$0xFFFFFFC0] =	vst v6;
	v6 =	vand.u32 $0x7FFFFFFF, v10  }
0x366: {  	v8 =	vld.idx.msk [tilespmem:v11+s20+$0x0], $0xffff;
	v3 =	vmul.f32 v7, v3;
	[tilespmem:s14+$0x40] =	vst v0;
	v0 =	vmax.f32 v6, $9.999999970e-07  }
0x367: {  	v4 =	vmul.f32 v7, v4;
	v7 =	vand.u32 $0x80000000, v10;
	v6 =	vld [tilespmem:s16+$0x16850];
	v0 =	vand.u32 $0x7FFFFFFF, v0  }
0x368: {  	s18 =	simm.s32 $0x1A280;
	v5 =	vld.idx.msk [tilespmem:v11+s6+$0x0], $0xffff;
	vm7 =	veq.f32 v10, $0.0e+00;
	v0 =	vor.u32 v7, v0  }
0x369: {  	[tilespmem:s18+$0xFFFFFF80] =	vst v3;
	v3 =	vld.idx.msk [tilespmem:v11+s22+$0x0], $0xffff;
	v0 =	vsel vm7, $0x0, v0  }
0x36a: {  	[tilespmem:s18+$0x0] =	vst v4;
	v4 =	vld.idx.msk [tilespmem:v11+s23+$0x0], $0xffff;
	(erf) = vrcp.f32 v0  }
0x36b: {  	v9 =	vld.idx.msk [tilespmem:v11+s24+$0x0], $0xffff;
	[tilespmem:s16+$0x1B840] =	vst v1  }
0x36c: {  	v1 =	vld [tilespmem:s12+$0xFFFFFFD0]  }
0x36d: {  	v8 =	vmul.f32 v8, v15;
	v5 =	vmul.f32 v5, v12;
	v0 =	vld.idx.msk [tilespmem:v11+s21+$0x0], $0xffff  }
0x36e: {  	v11 =	vld [tilespmem:s12+$0x50]  }
0x36f: {  	v3 =	vmul.f32 v3, v12;
	v5 =	vadd.f32 v8, v5;
	v4 =	vmul.f32 v4, v15;
	v8 =	vld.idx.msk [tilespmem:v6+s26+$0x0], $0xffff  }
0x370: {  	v12 =	vld.idx.msk [tilespmem:v6+s25+$0x0], $0xffff  }
0x371: {  	v3 =	vadd.f32 v4, v3  }
0x372: {  	v0 =	vadd.f32 v5, v0  }
0x373: {  	v7 =	vld [tilespmem:s17+$0x16810];
	v3 =	vadd.f32 v3, v9;
	v4 =	vpop (erf)  }
0x374: {  	v5 =	vld.idx.msk [tilespmem:v6+s28+$0x0], $0xffff;
	v8 =	vmul.f32 v8, v11;
	v0 =	vmul.f32 v4, v0  }
0x375: {  	[tilespmem:s17+$0x1B800] =	vst v2;
	v13 =	vld.idx.msk [tilespmem:v6+s6+$0x0], $0xffff;
	v2 =	vmul.f32 v4, v3;
	v4 =	vmul.f32 v12, v1  }
0x376: {  	v14 =	vld.idx.msk [tilespmem:v6+s20+$0x0], $0xffff  }
0x377: {  	v16 =	vld.idx.msk [tilespmem:v6+s22+$0x0], $0xffff;
	[tilespmem:s7+$0xFFFFFFA0] =	vst v0;
	v0 =	vadd.f32 v8, v4  }
0x378: {  	v19 =	vld.idx.msk [tilespmem:v6+s21+$0x0], $0xffff;
	[tilespmem:s7+$0x20] =	vst v2  }
0x379: {  	v2 =	vld [tilespmem:s15+$0x16830];
	v5 =	vadd.f32 v0, v5  }
0x37a: {  	v9 =	vld [tilespmem:s29+$0x10]  }
0x37b: {  	v3 =	vld [tilespmem:s29+$0xFFFFFF90];
	v0 =	vand.u32 $0x7FFFFFFF, v5  }
0x37c: {  	v12 =	vld.idx.msk [tilespmem:v7+s25+$0x0], $0xffff;
	v0 =	vmax.f32 v0, $9.999999970e-07  }
0x37d: {  	v4 =	vld.idx.msk [tilespmem:v7+s26+$0x0], $0xffff;
	[tilespmem:s15+$0x1B820] =	vst v10;
	v15 =	vand.u32 $0x80000000, v5;
	v0 =	vand.u32 $0x7FFFFFFF, v0  }
0x37e: {  	v8 =	vld [tilespmem:s0+$0xFFFFFFB0];
	vm8 =	veq.f32 v5, $0.0e+00;
	v0 =	vor.u32 v15, v0  }
0x37f: {  	v10 =	vld [tilespmem:s0+$0x30];
	v0 =	vsel vm8, $0x0, v0  }
0x380: {  	v15 =	vld.idx.msk [tilespmem:v6+s23+$0x0], $0xffff;
	(erf) = vrcp.f32 v0  }
0x381: {  	v17 =	vld.idx.msk [tilespmem:v2+s25+$0x0], $0xffff  }
0x382: {  	v18 =	vld.idx.msk [tilespmem:v2+s26+$0x0], $0xffff  }
0x383: {  	v20 =	vld.idx.msk [tilespmem:v7+s28+$0x0], $0xffff  }
0x384: {  	v13 =	vmul.f32 v13, v1;
	v14 =	vmul.f32 v14, v11;
	v6 =	vld.idx.msk [tilespmem:v6+s24+$0x0], $0xffff  }
0x385: {  	v52 =	vld.idx.msk [tilespmem:v7+s23+$0x0], $0xffff;
	v1 =	vmul.f32 v16, v1;
	v11 =	vmul.f32 v15, v11  }
0x386: {  	s30 =	simm.s32 $0x180;
	v13 =	vadd.f32 v14, v13;
	v12 =	vmul.f32 v12, v3;
	v4 =	vmul.f32 v4, v9;
	v50 =	vld.idx.msk [tilespmem:v2+s28+$0x0], $0xffff  }
0x387: {  	v14 =	vld [tilespmem:s30+$0x16800];
	v15 =	vmul.f32 v17, v8;
	v16 =	vmul.f32 v18, v10;
	v1 =	vadd.f32 v11, v1  }
0x388: {  	s3 =	simm.s32 $0x18380;
	v4 =	vadd.f32 v4, v12;
	v12 =	vadd.f32 v13, v19;
	v13 =	vld.idx.msk [tilespmem:v7+s6+$0x0], $0xffff  }
0x389: {  	v0 =	vld [tilespmem:s3+$0xFFFFFF80];
	v15 =	vadd.f32 v16, v15;
	v1 =	vadd.f32 v1, v6;
	v6 =	vpop (erf)  }
0x38a: {  	v4 =	vadd.f32 v4, v20;
	v51 =	vld.idx.msk [tilespmem:v2+s23+$0x0], $0xffff;
	v12 =	vmul.f32 v6, v12  }
0x38b: {  	v11 =	vld.idx.msk [tilespmem:v7+s21+$0x0], $0xffff;
	v15 =	vadd.f32 v15, v50;
	v1 =	vmul.f32 v6, v1  }
0x38c: {  	v17 =	vld.idx.msk [tilespmem:v7+s22+$0x0], $0xffff;
	v6 =	vand.u32 $0x7FFFFFFF, v4;
	[tilespmem:s14+$0xFFFFFFD0] =	vst v12  }
0x38d: {  	vm9 =	veq.f32 v4, $0.0e+00;
	v18 =	vld.idx.msk [tilespmem:v2+s6+$0x0], $0xffff;
	v6 =	vmax.f32 v6, $9.999999970e-07;
	v19 =	vand.u32 $0x7FFFFFFF, v15;
	[tilespmem:s14+$0x50] =	vst v1  }
0x38e: {  	v1 =	vand.u32 $0x80000000, v4;
	v6 =	vand.u32 $0x7FFFFFFF, v6;
	v19 =	vmax.f32 v19, $9.999999970e-07;
	v20 =	vld [tilespmem:s16+$0x16860]  }
0x38f: {  	v21 =	vand.u32 $0x80000000, v15;
	v1 =	vor.u32 v1, v6;
	v6 =	vld.idx.msk [tilespmem:v2+s22+$0x0], $0xffff;
	v19 =	vand.u32 $0x7FFFFFFF, v19  }
0x390: {  	v16 =	vld.idx.msk [tilespmem:v7+s20+$0x0], $0xffff;
	vm10 =	veq.f32 v15, $0.0e+00;
	v1 =	vsel vm9, $0x0, v1;
	v19 =	vor.u32 v21, v19  }
0x391: {  	v12 =	vld.idx.msk [tilespmem:v2+s20+$0x0], $0xffff;
	(erf) = vrcp.f32 v1;
	v1 =	vsel vm10, $0x0, v19  }
0x392: {  	v7 =	vld.idx.msk [tilespmem:v7+s24+$0x0], $0xffff;
	[tilespmem:s16+$0x1B850] =	vst v5;
	(erf) = vrcp.f32 v1  }
0x393: {  	v5 =	vmul.f32 v18, v8;
	v18 =	vld [tilespmem:s12+$0xFFFFFFE0]  }
0x394: {  	v1 =	vld.idx.msk [tilespmem:v2+s21+$0x0], $0xffff;
	v6 =	vmul.f32 v6, v8;
	v8 =	vmul.f32 v51, v10  }
0x395: {  	v13 =	vmul.f32 v13, v3;
	v16 =	vmul.f32 v16, v9;
	v2 =	vld.idx.msk [tilespmem:v2+s24+$0x0], $0xffff  }
0x396: {  	v9 =	vmul.f32 v52, v9;
	v12 =	vmul.f32 v12, v10;
	v6 =	vadd.f32 v8, v6;
	v8 =	vld [tilespmem:s12+$0x60]  }
0x397: {  	v3 =	vmul.f32 v17, v3;
	v13 =	vadd.f32 v16, v13;
	v10 =	vld.idx.msk [tilespmem:v20+s25+$0x0], $0xffff  }
0x398: {  	v5 =	vadd.f32 v12, v5;
	v16 =	vld.idx.msk [tilespmem:v20+s26+$0x0], $0xffff  }
0x399: {  	v17 =	vld.idx.msk [tilespmem:v14+s24+$0x0], $0xffff;
	v3 =	vadd.f32 v9, v3;
	v11 =	vadd.f32 v13, v11  }
0x39a: {  	v13 =	vld.idx.msk [tilespmem:v14+s21+$0x0], $0xffff;
	v1 =	vadd.f32 v5, v1;
	v2 =	vadd.f32 v6, v2;
	v9 =	vpop (erf)  }
0x39b: {  	v12 =	vld [tilespmem:s3+$0x0];
	v5 =	vmul.f32 v9, v11;
	v6 =	vpop (erf)  }
0x39c: {  	v3 =	vadd.f32 v3, v7;
	v11 =	vld.idx.msk [tilespmem:v20+s28+$0x0], $0xffff;
	v1 =	vmul.f32 v6, v1;
	v2 =	vmul.f32 v6, v2  }
0x39d: {  	v53 =	vld.idx.msk [tilespmem:v20+s22+$0x0], $0xffff;
	v7 =	vmul.f32 v16, v8;
	[tilespmem:s18+$0xFFFFFF90] =	vst v5;
	v5 =	vmul.f32 v10, v18  }
0x39e: {  	v55 =	vld.idx.msk [tilespmem:v20+s21+$0x0], $0xffff;
	v3 =	vmul.f32 v9, v3;
	[tilespmem:s7+$0xFFFFFFB0] =	vst v1  }
0x39f: {  	v6 =	vld.idx.msk [tilespmem:v14+s28+$0x0], $0xffff;
	[tilespmem:s7+$0x30] =	vst v2;
	v2 =	vadd.f32 v7, v5  }
0x3a0: {  	[tilespmem:s18+$0x10] =	vst v3;
	v3 =	vld [tilespmem:s15+$0x16840]  }
0x3a1: {  	v10 =	vld.idx.msk [tilespmem:v14+s25+$0x0], $0xffff;
	v2 =	vadd.f32 v2, v11  }
0x3a2: {  	v1 =	vld.idx.msk [tilespmem:v14+s26+$0x0], $0xffff  }
0x3a3: {  	v16 =	vld.idx.msk [tilespmem:v20+s20+$0x0], $0xffff;
	v9 =	vand.u32 $0x7FFFFFFF, v2  }
0x3a4: {  	[tilespmem:s15+$0x1B830] =	vst v15;
	v15 =	vld.idx.msk [tilespmem:v20+s6+$0x0], $0xffff;
	v9 =	vmax.f32 v9, $9.999999970e-07  }
0x3a5: {  	v7 =	vld [tilespmem:s0+$0xFFFFFFC0];
	v19 =	vand.u32 $0x80000000, v2;
	v9 =	vand.u32 $0x7FFFFFFF, v9  }
0x3a6: {  	vm11 =	veq.f32 v2, $0.0e+00;
	v9 =	vor.u32 v19, v9;
	v19 =	vld.idx.msk [tilespmem:v20+s23+$0x0], $0xffff  }
0x3a7: {  	v11 =	vld [tilespmem:s0+$0x40];
	v10 =	vmul.f32 v10, v0;
	v1 =	vmul.f32 v1, v12;
	v9 =	vsel vm11, $0x0, v9  }
0x3a8: {  	v54 =	vld.idx.msk [tilespmem:v3+s25+$0x0], $0xffff;
	(erf) = vrcp.f32 v9  }
0x3a9: {  	v16 =	vmul.f32 v16, v8;
	v15 =	vmul.f32 v15, v18;
	v1 =	vadd.f32 v1, v10;
	v10 =	vld.idx.msk [tilespmem:v3+s26+$0x0], $0xffff  }
0x3aa: {  	v5 =	vld [tilespmem:s17+$0x16820];
	v18 =	vmul.f32 v53, v18  }
0x3ab: {  	v15 =	vadd.f32 v16, v15;
	v16 =	vld.idx.msk [tilespmem:v14+s22+$0x0], $0xffff;
	v9 =	vadd.f32 v1, v6;
	v8 =	vmul.f32 v19, v8  }
0x3ac: {  	v1 =	vld.idx.msk [tilespmem:v20+s24+$0x0], $0xffff  }
0x3ad: {  	v56 =	vld.idx.msk [tilespmem:v3+s28+$0x0], $0xffff;
	v20 =	vand.u32 $0x7FFFFFFF, v9;
	v8 =	vadd.f32 v8, v18  }
0x3ae: {  	v59 =	vld.idx.msk [tilespmem:v3+s23+$0x0], $0xffff;
	v19 =	vmax.f32 v20, $9.999999970e-07;
	v22 =	vmul.f32 v54, v7;
	v10 =	vmul.f32 v10, v11  }
0x3af: {  	[tilespmem:s17+$0x1B810] =	vst v4;
	v6 =	vld.idx.msk [tilespmem:v14+s6+$0x0], $0xffff;
	v4 =	vadd.f32 v15, v55;
	v57 =	vand.u32 $0x80000000, v9;
	v18 =	vand.u32 $0x7FFFFFFF, v19  }
0x3b0: {  	vm12 =	veq.f32 v9, $0.0e+00;
	v20 =	vld.idx.msk [tilespmem:v14+s20+$0x0], $0xffff;
	v15 =	vor.u32 v57, v18;
	v10 =	vadd.f32 v10, v22  }
0x3b1: {  	v14 =	vld.idx.msk [tilespmem:v14+s23+$0x0], $0xffff;
	v1 =	vadd.f32 v8, v1;
	v15 =	vsel vm12, $0x0, v15;
	v8 =	vpop (erf)  }
0x3b2: {  	v19 =	vld [tilespmem:s29+$0x20];
	(erf) = vrcp.f32 v15;
	v58 =	vadd.f32 v10, v56;
	v4 =	vmul.f32 v8, v4  }
0x3b3: {  	v18 =	vld [tilespmem:s29+$0xFFFFFFA0];
	v1 =	vmul.f32 v8, v1  }
0x3b4: {  	v8 =	vld.idx.msk [tilespmem:v3+s6+$0x0], $0xffff;
	v10 =	vand.u32 $0x7FFFFFFF, v58;
	[tilespmem:s14+$0xFFFFFFE0] =	vst v4;
	v4 =	vmul.f32 v6, v0  }
0x3b5: {  	v10 =	vmax.f32 v10, $9.999999970e-07;
	v6 =	vld.idx.msk [tilespmem:v3+s20+$0x0], $0xffff;
	[tilespmem:s14+$0x60] =	vst v1;
	v1 =	vmul.f32 v20, v12;
	v0 =	vmul.f32 v16, v0  }
0x3b6: {  	v12 =	vmul.f32 v14, v12;
	v14 =	vld.idx.msk [tilespmem:v3+s22+$0x0], $0xffff;
	v16 =	vand.u32 $0x80000000, v58;
	v10 =	vand.u32 $0x7FFFFFFF, v10  }
0x3b7: {  	vm13 =	veq.f32 v58, $0.0e+00;
	v20 =	vld [tilespmem:s16+$0x16870];
	v10 =	vor.u32 v16, v10  }
0x3b8: {  	v15 =	vld.idx.msk [tilespmem:v5+s28+$0x0], $0xffff;
	v1 =	vadd.f32 v1, v4;
	v10 =	vsel vm13, $0x0, v10  }
0x3b9: {  	v0 =	vadd.f32 v12, v0;
	v4 =	vld.idx.msk [tilespmem:v5+s25+$0x0], $0xffff  }
0x3ba: {  	v12 =	vld.idx.msk [tilespmem:v5+s26+$0x0], $0xffff;
	(erf) = vrcp.f32 v10;
	v1 =	vadd.f32 v1, v13  }
0x3bb: {  	v8 =	vmul.f32 v8, v7;
	v0 =	vadd.f32 v0, v17;
	v13 =	vld.idx.msk [tilespmem:v3+s21+$0x0], $0xffff;
	v10 =	vpop (erf);
	v6 =	vmul.f32 v6, v11  }
0x3bc: {  	[tilespmem:s16+$0x1B860] =	vst v2;
	v3 =	vld.idx.msk [tilespmem:v3+s24+$0x0], $0xffff;
	v7 =	vmul.f32 v14, v7;
	v2 =	vmul.f32 v10, v1  }
0x3bd: {  	s1 =	simm.s32 $0x1A380;
	v0 =	vmul.f32 v10, v0;
	v1 =	vld [tilespmem:s12+$0xFFFFFFF0];
	v10 =	vmul.f32 v59, v11  }
0x3be: {  	[tilespmem:s1+$0xFFFFFF80] =	vst v2;
	v2 =	vld [tilespmem:s12+$0x70]  }
0x3bf: {  	[tilespmem:s1+$0x0] =	vst v0;
	v0 =	vadd.f32 v6, v8;
	v6 =	vadd.f32 v10, v7;
	v16 =	vld.idx.msk [tilespmem:v20+s25+$0x0], $0xffff  }
0x3c0: {  	v11 =	vld.idx.msk [tilespmem:v20+s26+$0x0], $0xffff  }
0x3c1: {  	v4 =	vmul.f32 v4, v18;
	v8 =	vmul.f32 v12, v19  }
0x3c2: {  	v60 =	vld.idx.msk [tilespmem:v5+s24+$0x0], $0xffff;
	v0 =	vadd.f32 v0, v13;
	v3 =	vadd.f32 v6, v3  }
0x3c3: {  	v7 =	vld.idx.msk [tilespmem:v5+s21+$0x0], $0xffff;
	v4 =	vadd.f32 v8, v4;
	v6 =	vpop (erf)  }
0x3c4: {  	v12 =	vld.idx.msk [tilespmem:v20+s28+$0x0], $0xffff;
	v0 =	vmul.f32 v6, v0;
	v3 =	vmul.f32 v6, v3  }
0x3c5: {  	v10 =	vld [tilespmem:s30+$0x16810];
	v14 =	vadd.f32 v4, v15;
	v8 =	vmul.f32 v16, v1;
	v11 =	vmul.f32 v11, v2  }
0x3c6: {  	v61 =	vld.idx.msk [tilespmem:v20+s6+$0x0], $0xffff;
	[tilespmem:s7+$0xFFFFFFC0] =	vst v0  }
0x3c7: {  	v4 =	vld.idx.msk [tilespmem:v5+s22+$0x0], $0xffff;
	[tilespmem:s7+$0x40] =	vst v3;
	v3 =	vand.u32 $0x7FFFFFFF, v14;
	v0 =	vadd.f32 v11, v8  }
0x3c8: {  	v6 =	vld.idx.msk [tilespmem:v5+s6+$0x0], $0xffff;
	v3 =	vmax.f32 v3, $9.999999970e-07  }
0x3c9: {  	v11 =	vld [tilespmem:s15+$0x16850];
	v8 =	vand.u32 $0x80000000, v14;
	v3 =	vand.u32 $0x7FFFFFFF, v3;
	v0 =	vadd.f32 v0, v12  }
0x3ca: {  	v16 =	vld.idx.msk [tilespmem:v5+s20+$0x0], $0xffff;
	vm14 =	veq.f32 v14, $0.0e+00;
	v3 =	vor.u32 v8, v3  }
0x3cb: {  	v5 =	vld.idx.msk [tilespmem:v5+s23+$0x0], $0xffff;
	v17 =	vsel vm14, $0x0, v3;
	v8 =	vand.u32 $0x7FFFFFFF, v0  }
0x3cc: {  	v62 =	vld.idx.msk [tilespmem:v20+s20+$0x0], $0xffff;
	[tilespmem:s15+$0x1B840] =	vst v58;
	(erf) = vrcp.f32 v17;
	v8 =	vmax.f32 v8, $9.999999970e-07  }
0x3cd: {  	v13 =	vld [tilespmem:s0+$0x50];
	v15 =	vand.u32 $0x80000000, v0;
	v8 =	vand.u32 $0x7FFFFFFF, v8  }
0x3ce: {  	v4 =	vmul.f32 v4, v18;
	v12 =	vld [tilespmem:s0+$0xFFFFFFD0];
	vm15 =	veq.f32 v0, $0.0e+00;
	v8 =	vor.u32 v15, v8  }
0x3cf: {  	v63 =	vmul.f32 v6, v18;
	v6 =	vld.idx.msk [tilespmem:v20+s23+$0x0], $0xffff;
	v16 =	vmul.f32 v16, v19;
	v8 =	vsel vm15, $0x0, v8  }
0x3d0: {  	v3 =	vld.idx.msk [tilespmem:v20+s22+$0x0], $0xffff;
	v5 =	vmul.f32 v5, v19;
	(erf) = vrcp.f32 v8  }
0x3d1: {  	v18 =	vadd.f32 v16, v63;
	v15 =	vld.idx.msk [tilespmem:v11+s25+$0x0], $0xffff  }
0x3d2: {  	v19 =	vadd.f32 v5, v4;
	v16 =	vld.idx.msk [tilespmem:v11+s26+$0x0], $0xffff  }
0x3d3: {  	v5 =	vld.idx.msk [tilespmem:v20+s21+$0x0], $0xffff;
	v17 =	vadd.f32 v18, v7  }
0x3d4: {  	s4 =	simm.s32 $0x800;
	s11 =	smov.u32 s8;
	s2 =	simm.s32 $0x18380;
	v4 =	vld.idx.msk [tilespmem:v20+s24+$0x0], $0xffff;
	v18 =	vadd.f32 v19, v60;
	v7 =	vmul.f32 v61, v1;
	v8 =	vmul.f32 v62, v2  }
.LBB2_5:
0x3d5: {  	p0 =	sne.s32 s4, $0x1E00;
	v19 =	vpop (erf);
	v20 =	vld.idx.msk [tilespmem:v11+s28+$0x0], $0xffff;
	v1 =	vmul.f32 v3, v1;
	v2 =	vmul.f32 v6, v2  }
0x3d6: {  	[tilespmem:s30+$0x1B800] =	vst v9;
	v9 =	vmul.f32 v19, v17;
	v17 =	vmul.f32 v19, v18;
	v7 =	vadd.f32 v8, v7  }
0x3d7: {  	v8 =	vmul.f32 v15, v12;
	v15 =	vmul.f32 v16, v13;
	v3 =	vld [tilespmem:s3+$0xFFFFFF90];
	v1 =	vadd.f32 v2, v1  }
0x3d8: {  	v6 =	vld [tilespmem:s3+$0x10];
	[tilespmem:s18+$0xFFFFFFA0] =	vst v9;
	v2 =	vadd.f32 v7, v5  }
0x3d9: {  	v7 =	vadd.f32 v15, v8;
	v5 =	vld.idx.msk [tilespmem:v10+s25+$0x0], $0xffff;
	[tilespmem:s18+$0x20] =	vst v17;
	v1 =	vadd.f32 v1, v4;
	v4 =	vpop (erf)  }
0x3da: {  	v8 =	vld [tilespmem:s17+$0x16830];
	v2 =	vmul.f32 v4, v2  }
0x3db: {  	v7 =	vadd.f32 v7, v20;
	v9 =	vld.idx.msk [tilespmem:v10+s26+$0x0], $0xffff;
	[tilespmem:s17+$0x1B820] =	vst v14;
	v1 =	vmul.f32 v4, v1  }
0x3dc: {  	v4 =	vld [tilespmem:s29+$0xFFFFFFB0];
	[tilespmem:s14+$0xFFFFFFF0] =	vst v2  }
0x3dd: {  	v2 =	vand.u32 $0x7FFFFFFF, v7;
	v14 =	vld [tilespmem:s29+$0x30];
	[tilespmem:s14+$0x70] =	vst v1;
	s14 =	smov.u32 s7;
	s7 =	smov.u32 s18;
	s18 =	smov.u32 s1  }
0x3de: {  	v2 =	vmax.f32 v2, $9.999999970e-07;
	v1 =	vld.idx.msk [tilespmem:v11+s6+$0x0], $0xffff;
	[tilespmem:s16+$0x1B870] =	vst v0;
	s16 =	smov.u32 s15;
	s15 =	smov.u32 s17;
	s17 =	smov.u32 s30  }
0x3df: {  	v15 =	vand.u32 $0x80000000, v7;
	v2 =	vand.u32 $0x7FFFFFFF, v2;
	v0 =	vld.idx.msk [tilespmem:v11+s20+$0x0], $0xffff  }
0x3e0: {  	vm0 =	veq.f32 v7, $0.0e+00;
	v2 =	vor.u32 v15, v2;
	v16 =	vld.idx.msk [tilespmem:v11+s22+$0x0], $0xffff  }
0x3e1: {  	v2 =	vsel vm0, $0x0, v2;
	v15 =	vld.idx.msk [tilespmem:v11+s23+$0x0], $0xffff  }
0x3e2: {  	v17 =	vld.idx.msk [tilespmem:v8+s25+$0x0], $0xffff;
	(erf) = vrcp.f32 v2  }
0x3e3: {  	v2 =	vld.idx.msk [tilespmem:v8+s26+$0x0], $0xffff  }
0x3e4: {  	v18 =	vld.idx.msk [tilespmem:v11+s21+$0x0], $0xffff  }
0x3e5: {  	v11 =	vld.idx.msk [tilespmem:v11+s24+$0x0], $0xffff  }
0x3e6: {  	v1 =	vmul.f32 v1, v12;
	v20 =	vmul.f32 v0, v13;
	v19 =	vld.idx.msk [tilespmem:v10+s28+$0x0], $0xffff  }
0x3e7: {  	s3 =	sadd.s32 $0x100, s3;
	v12 =	vmul.f32 v16, v12;
	v13 =	vmul.f32 v15, v13;
	v21 =	vld.idx.msk [tilespmem:v8+s28+$0x0], $0xffff  }
0x3e8: {  	s30 =	sshra.s32 s4, $0x2;
	v5 =	vmul.f32 v5, v3;
	v9 =	vmul.f32 v9, v6;
	v15 =	vadd.f32 v20, v1;
	v0 =	vld [tilespmem:s3+$0xFFFFFF80]  }
0x3e9: {  	v16 =	vmul.f32 v17, v4;
	v2 =	vmul.f32 v2, v14;
	v17 =	vadd.f32 v13, v12;
	v1 =	vld [tilespmem:s30+$0x16800]  }
0x3ea: {  	v5 =	vadd.f32 v9, v5;
	v9 =	vadd.f32 v15, v18;
	v13 =	vld.idx.msk [tilespmem:v10+s21+$0x0], $0xffff  }
0x3eb: {  	v16 =	vadd.f32 v2, v16;
	v11 =	vadd.f32 v17, v11;
	v15 =	vld.idx.msk [tilespmem:v10+s6+$0x0], $0xffff;
	v12 =	vpop (erf)  }
0x3ec: {  	v2 =	vadd.f32 v5, v19;
	v17 =	vld.idx.msk [tilespmem:v10+s20+$0x0], $0xffff;
	v5 =	vmul.f32 v12, v9  }
0x3ed: {  	v16 =	vadd.f32 v16, v21;
	v11 =	vmul.f32 v12, v11;
	v9 =	vld.idx.msk [tilespmem:v10+s22+$0x0], $0xffff  }
0x3ee: {  	v12 =	vand.u32 $0x7FFFFFFF, v2;
	v18 =	vld.idx.msk [tilespmem:v8+s6+$0x0], $0xffff;
	[tilespmem:s14+$0xFFFFFFD0] =	vst v5  }
0x3ef: {  	vm0 =	veq.f32 v2, $0.0e+00;
	v5 =	vmax.f32 v12, $9.999999970e-07;
	v19 =	vand.u32 $0x7FFFFFFF, v16;
	v12 =	vld.idx.msk [tilespmem:v8+s20+$0x0], $0xffff;
	[tilespmem:s14+$0x50] =	vst v11  }
0x3f0: {  	v11 =	vand.u32 $0x80000000, v2;
	v5 =	vand.u32 $0x7FFFFFFF, v5;
	v19 =	vmax.f32 v19, $9.999999970e-07;
	v20 =	vld [tilespmem:s16+$0x16860]  }
0x3f1: {  	v21 =	vand.u32 $0x80000000, v16;
	v5 =	vor.u32 v11, v5;
	v19 =	vand.u32 $0x7FFFFFFF, v19;
	v11 =	vld.idx.msk [tilespmem:v8+s22+$0x0], $0xffff  }
0x3f2: {  	v5 =	vsel vm0, $0x0, v5;
	vm0 =	veq.f32 v16, $0.0e+00;
	v19 =	vor.u32 v21, v19;
	v22 =	vld.idx.msk [tilespmem:v8+s23+$0x0], $0xffff  }
0x3f3: {  	v21 =	vld.idx.msk [tilespmem:v10+s23+$0x0], $0xffff;
	(erf) = vrcp.f32 v5;
	v5 =	vsel vm0, $0x0, v19  }
0x3f4: {  	v10 =	vld.idx.msk [tilespmem:v10+s24+$0x0], $0xffff;
	(erf) = vrcp.f32 v5  }
0x3f5: {  	v5 =	vld.idx.msk [tilespmem:v8+s21+$0x0], $0xffff  }
0x3f6: {  	v15 =	vmul.f32 v15, v3;
	v17 =	vmul.f32 v17, v6;
	v8 =	vld.idx.msk [tilespmem:v8+s24+$0x0], $0xffff;
	[tilespmem:s16+$0x1B850] =	vst v7  }
0x3f7: {  	v12 =	vmul.f32 v12, v14;
	v7 =	vmul.f32 v18, v4;
	v18 =	vld [tilespmem:s0+$0xFFFFFFE0]  }
0x3f8: {  	v4 =	vmul.f32 v11, v4;
	v11 =	vmul.f32 v22, v14;
	v14 =	vld.idx.msk [tilespmem:v20+s25+$0x0], $0xffff  }
0x3f9: {  	v3 =	vmul.f32 v9, v3;
	v15 =	vadd.f32 v17, v15;
	v19 =	vmul.f32 v21, v6;
	v9 =	vld.idx.msk [tilespmem:v20+s26+$0x0], $0xffff  }
0x3fa: {  	v7 =	vadd.f32 v12, v7;
	v21 =	vadd.f32 v11, v4;
	v12 =	vld [tilespmem:s0+$0x60]  }
0x3fb: {  	v13 =	vadd.f32 v15, v13;
	v3 =	vadd.f32 v19, v3;
	v17 =	vld [tilespmem:s3+$0x0]  }
0x3fc: {  	v5 =	vadd.f32 v7, v5;
	v7 =	vadd.f32 v21, v8;
	v4 =	vld.idx.msk [tilespmem:v1+s21+$0x0], $0xffff;
	v6 =	vpop (erf)  }
0x3fd: {  	v8 =	vmul.f32 v6, v13;
	v11 =	vpop (erf);
	v13 =	vld.idx.msk [tilespmem:v20+s28+$0x0], $0xffff  }
0x3fe: {  	v3 =	vadd.f32 v3, v10;
	v15 =	vld.idx.msk [tilespmem:v1+s24+$0x0], $0xffff;
	v5 =	vmul.f32 v11, v5;
	v7 =	vmul.f32 v11, v7  }
0x3ff: {  	v10 =	vld.idx.msk [tilespmem:v1+s28+$0x0], $0xffff;
	[tilespmem:s1+$0xFFFFFF90] =	vst v8;
	v8 =	vmul.f32 v14, v18;
	v9 =	vmul.f32 v9, v12  }
0x400: {  	v3 =	vmul.f32 v6, v3;
	v11 =	vld.idx.msk [tilespmem:v1+s25+$0x0], $0xffff;
	[tilespmem:s7+$0xFFFFFFB0] =	vst v5  }
0x401: {  	v5 =	vld.idx.msk [tilespmem:v1+s26+$0x0], $0xffff;
	[tilespmem:s7+$0x30] =	vst v7;
	v6 =	vadd.f32 v9, v8  }
0x402: {  	[tilespmem:s1+$0x10] =	vst v3;
	v8 =	vld [tilespmem:s15+$0x16840]  }
0x403: {  	v3 =	vld [tilespmem:s17+$0x16820];
	[tilespmem:s15+$0x1B830] =	vst v16;
	v6 =	vadd.f32 v6, v13  }
0x404: {  	v13 =	vld [tilespmem:s29+$0xFFFFFFC0]  }
0x405: {  	v14 =	vld [tilespmem:s29+$0x40];
	v7 =	vand.u32 $0x7FFFFFFF, v6  }
0x406: {  	v16 =	vld.idx.msk [tilespmem:v20+s6+$0x0], $0xffff;
	v7 =	vmax.f32 v7, $9.999999970e-07  }
0x407: {  	v9 =	vmul.f32 v11, v0;
	v19 =	vand.u32 $0x80000000, v6;
	v11 =	vld.idx.msk [tilespmem:v20+s20+$0x0], $0xffff;
	v7 =	vand.u32 $0x7FFFFFFF, v7  }
0x408: {  	vm0 =	veq.f32 v6, $0.0e+00;
	v5 =	vmul.f32 v5, v17;
	v21 =	vld.idx.msk [tilespmem:v20+s22+$0x0], $0xffff;
	v7 =	vor.u32 v19, v7  }
0x409: {  	v19 =	vld.idx.msk [tilespmem:v20+s23+$0x0], $0xffff;
	v7 =	vsel vm0, $0x0, v7  }
0x40a: {  	v5 =	vadd.f32 v5, v9;
	v22 =	vld.idx.msk [tilespmem:v8+s25+$0x0], $0xffff;
	(erf) = vrcp.f32 v7  }
0x40b: {  	v7 =	vld.idx.msk [tilespmem:v8+s26+$0x0], $0xffff  }
0x40c: {  	v9 =	vadd.f32 v5, v10;
	v5 =	vld.idx.msk [tilespmem:v20+s21+$0x0], $0xffff  }
0x40d: {  	v10 =	vld.idx.msk [tilespmem:v20+s24+$0x0], $0xffff  }
0x40e: {  	v16 =	vmul.f32 v16, v18;
	v23 =	vand.u32 $0x7FFFFFFF, v9;
	v11 =	vmul.f32 v11, v12;
	v20 =	vld.idx.msk [tilespmem:v1+s6+$0x0], $0xffff  }
0x40f: {  	v23 =	vmax.f32 v23, $9.999999970e-07;
	v18 =	vmul.f32 v21, v18;
	v12 =	vmul.f32 v19, v12;
	v24 =	vld.idx.msk [tilespmem:v8+s28+$0x0], $0xffff  }
0x410: {  	v21 =	vand.u32 $0x80000000, v9;
	v23 =	vand.u32 $0x7FFFFFFF, v23;
	v11 =	vadd.f32 v11, v16;
	v19 =	vld.idx.msk [tilespmem:v1+s20+$0x0], $0xffff  }
0x411: {  	v22 =	vmul.f32 v22, v13;
	v7 =	vmul.f32 v7, v14;
	v25 =	vadd.f32 v12, v18;
	v16 =	vld.idx.msk [tilespmem:v1+s22+$0x0], $0xffff  }
0x412: {  	vm0 =	veq.f32 v9, $0.0e+00;
	v18 =	vor.u32 v21, v23;
	v1 =	vld.idx.msk [tilespmem:v1+s23+$0x0], $0xffff;
	[tilespmem:s17+$0x1B810] =	vst v2;
	v2 =	vadd.f32 v11, v5  }
0x413: {  	v11 =	vsel vm0, $0x0, v18;
	v18 =	vadd.f32 v7, v22;
	v10 =	vadd.f32 v25, v10;
	v5 =	vld [tilespmem:s2+$0xFFFFFFA0];
	v12 =	vpop (erf)  }
0x414: {  	(erf) = vrcp.f32 v11;
	v7 =	vld [tilespmem:s2+$0x20];
	v2 =	vmul.f32 v12, v2  }
0x415: {  	v18 =	vadd.f32 v18, v24;
	v10 =	vmul.f32 v12, v10;
	v11 =	vld.idx.msk [tilespmem:v3+s28+$0x0], $0xffff  }
0x416: {  	v12 =	vld.idx.msk [tilespmem:v8+s6+$0x0], $0xffff;
	[tilespmem:s14+$0xFFFFFFE0] =	vst v2  }
0x417: {  	v19 =	vmul.f32 v19, v17;
	v2 =	vmul.f32 v20, v0;
	v21 =	vand.u32 $0x7FFFFFFF, v18;
	v20 =	vld.idx.msk [tilespmem:v8+s20+$0x0], $0xffff;
	[tilespmem:s14+$0x60] =	vst v10  }
0x418: {  	v0 =	vmul.f32 v16, v0;
	v1 =	vmul.f32 v1, v17;
	v10 =	vmax.f32 v21, $9.999999970e-07;
	v21 =	vld [tilespmem:s16+$0x16870]  }
0x419: {  	v17 =	vand.u32 $0x80000000, v18;
	v2 =	vadd.f32 v19, v2;
	v10 =	vand.u32 $0x7FFFFFFF, v10;
	v16 =	vld.idx.msk [tilespmem:v8+s22+$0x0], $0xffff  }
0x41a: {  	vm0 =	veq.f32 v18, $0.0e+00;
	v0 =	vadd.f32 v1, v0;
	v1 =	vor.u32 v17, v10;
	v19 =	vld.idx.msk [tilespmem:v8+s23+$0x0], $0xffff  }
0x41b: {  	v10 =	vsel vm0, $0x0, v1;
	v17 =	vld.idx.msk [tilespmem:v3+s25+$0x0], $0xffff  }
0x41c: {  	v2 =	vadd.f32 v2, v4;
	v0 =	vadd.f32 v0, v15;
	v4 =	vld.idx.msk [tilespmem:v3+s26+$0x0], $0xffff;
	(erf) = vrcp.f32 v10  }
0x41d: {  	v1 =	vpop (erf);
	v15 =	vld.idx.msk [tilespmem:v8+s21+$0x0], $0xffff  }
0x41e: {  	v2 =	vmul.f32 v1, v2;
	v0 =	vmul.f32 v1, v0;
	v8 =	vld.idx.msk [tilespmem:v8+s24+$0x0], $0xffff;
	[tilespmem:s16+$0x1B860] =	vst v6  }
0x41f: {  	v10 =	vmul.f32 v20, v14;
	v6 =	vmul.f32 v12, v13;
	v1 =	vld [tilespmem:s0+$0xFFFFFFF0]  }
0x420: {  	s1 =	sadd.s32 $0x100, s1;
	v12 =	vmul.f32 v16, v13;
	v13 =	vmul.f32 v19, v14;
	v16 =	vld.idx.msk [tilespmem:v21+s25+$0x0], $0xffff  }
0x421: {  	[tilespmem:s1+$0xFFFFFF80] =	vst v2;
	v19 =	vld.idx.msk [tilespmem:v21+s26+$0x0], $0xffff  }
0x422: {  	[tilespmem:s1+$0x0] =	vst v0;
	v0 =	vadd.f32 v10, v6;
	v6 =	vadd.f32 v13, v12;
	v2 =	vld [tilespmem:s0+$0x70];
	s0 =	smov.u32 s29;
	s29 =	smov.u32 s2;
	s2 =	smov.u32 s3  }
0x423: {  	v4 =	vmul.f32 v4, v7;
	v12 =	vmul.f32 v17, v5;
	v10 =	vld [tilespmem:s30+$0x16810]  }
0x424: {  	v17 =	vld.idx.msk [tilespmem:v3+s21+$0x0], $0xffff;
	v0 =	vadd.f32 v0, v15;
	v6 =	vadd.f32 v6, v8  }
0x425: {  	v4 =	vadd.f32 v4, v12;
	v8 =	vpop (erf);
	v12 =	vld.idx.msk [tilespmem:v21+s28+$0x0], $0xffff  }
0x426: {  	v20 =	vld.idx.msk [tilespmem:v3+s24+$0x0], $0xffff;
	v0 =	vmul.f32 v8, v0;
	v6 =	vmul.f32 v8, v6  }
0x427: {  	v14 =	vadd.f32 v4, v11;
	v4 =	vmul.f32 v16, v1;
	v8 =	vld.idx.msk [tilespmem:v3+s6+$0x0], $0xffff;
	v11 =	vmul.f32 v19, v2  }
0x428: {  	v15 =	vld.idx.msk [tilespmem:v3+s20+$0x0], $0xffff;
	[tilespmem:s7+$0xFFFFFFC0] =	vst v0  }
0x429: {  	v0 =	vand.u32 $0x7FFFFFFF, v14;
	v16 =	vld.idx.msk [tilespmem:v3+s22+$0x0], $0xffff;
	[tilespmem:s7+$0x40] =	vst v6;
	v4 =	vadd.f32 v11, v4  }
0x42a: {  	v0 =	vmax.f32 v0, $9.999999970e-07;
	v11 =	vld [tilespmem:s15+$0x16850]  }
0x42b: {  	v6 =	vand.u32 $0x7FFFFFFF, v0;
	v19 =	vld.idx.msk [tilespmem:v3+s23+$0x0], $0xffff;
	v3 =	vand.u32 $0x80000000, v14;
	[tilespmem:s15+$0x1B840] =	vst v18;
	v0 =	vadd.f32 v4, v12  }
0x42c: {  	vm0 =	veq.f32 v14, $0.0e+00;
	v3 =	vor.u32 v3, v6;
	v12 =	vld [tilespmem:s0+$0xFFFFFFD0]  }
0x42d: {  	v3 =	vsel vm0, $0x0, v3;
	v13 =	vld [tilespmem:s0+$0x50];
	v4 =	vand.u32 $0x7FFFFFFF, v0  }
0x42e: {  	(erf) = vrcp.f32 v3;
	v22 =	vld.idx.msk [tilespmem:v21+s6+$0x0], $0xffff;
	v3 =	vmax.f32 v4, $9.999999970e-07  }
0x42f: {  	v4 =	vand.u32 $0x80000000, v0;
	v23 =	vld.idx.msk [tilespmem:v21+s20+$0x0], $0xffff;
	v6 =	vand.u32 $0x7FFFFFFF, v3  }
0x430: {  	v8 =	vmul.f32 v8, v5;
	vm0 =	veq.f32 v0, $0.0e+00;
	v3 =	vld.idx.msk [tilespmem:v21+s22+$0x0], $0xffff;
	v4 =	vor.u32 v4, v6  }
0x431: {  	v18 =	vmul.f32 v15, v7;
	v5 =	vmul.f32 v16, v5;
	v6 =	vld.idx.msk [tilespmem:v21+s23+$0x0], $0xffff;
	v4 =	vsel vm0, $0x0, v4  }
.Ltmp1:
0x432: {  	v7 =	vmul.f32 v19, v7;
	v15 =	vld.idx.msk [tilespmem:v11+s25+$0x0], $0xffff;
	(erf) = vrcp.f32 v4;
	(pc) =	sbr.rel @p0 .LBB2_5-.Ltmp1, $4  }
0x433: {  	v4 =	vadd.f32 v18, v8;
	v16 =	vld.idx.msk [tilespmem:v11+s26+$0x0], $0xffff  }
0x434: {  	v7 =	vadd.f32 v7, v5;
	v5 =	vld.idx.msk [tilespmem:v21+s21+$0x0], $0xffff  }
0x435: {  	v17 =	vadd.f32 v4, v17;
	v4 =	vld.idx.msk [tilespmem:v21+s24+$0x0], $0xffff  }
0x436: {  	s4 =	sadd.s32 $0x200, s4;
	v18 =	vadd.f32 v7, v20;
	v7 =	vmul.f32 v22, v1;
	v8 =	vmul.f32 v23, v2  }
0x437: {  	_ =	sdelay $0x2  }
0x438: {  	v19 =	vpop (erf)  }
0x439: {  	v20 =	vld.idx.msk [tilespmem:v11+s28+$0x0], $0xffff;
	v40 =	vmul.f32 v19, v17  }
0x43a: {  	v22 =	vld.idx.msk [tilespmem:v11+s6+$0x0], $0xffff;
	v41 =	vmul.f32 v19, v18  }
0x43b: {  	v25 =	vld.idx.msk [tilespmem:v11+s22+$0x0], $0xffff;
	[tilespmem:s18+$0xFFFFFFA0] =	vst v40  }
0x43c: {  	v48 =	vld.idx.msk [tilespmem:v11+s23+$0x0], $0xffff;
	[tilespmem:s18+$0x20] =	vst v41  }
0x43d: {  	v44 =	vld [tilespmem:s17+$0x16830]  }
0x43e: {  	[tilespmem:s30+$0x1B800] =	vst v9;
	v50 =	vld.idx.msk [tilespmem:v11+s24+$0x0], $0xffff  }
0x43f: {  	v15 =	vmul.f32 v15, v12;
	v42 =	vld [tilespmem:s3+$0xFFFFFF90];
	v16 =	vmul.f32 v16, v13  }
0x440: {  	v19 =	vld [tilespmem:s3+$0x10]  }
0x441: {  	v43 =	vld.idx.msk [tilespmem:v10+s25+$0x0], $0xffff;
	v15 =	vadd.f32 v16, v15  }
0x442: {  	v45 =	vld.idx.msk [tilespmem:v10+s26+$0x0], $0xffff;
	[tilespmem:s17+$0x1B820] =	vst v14  }
0x443: {  	v14 =	vadd.f32 v15, v20;
	v46 =	vld [tilespmem:s29+$0xFFFFFFB0]  }
0x444: {  	v47 =	vld [tilespmem:s29+$0x30]  }
0x445: {  	v21 =	vand.u32 $0x7FFFFFFF, v14;
	v26 =	vld.idx.msk [tilespmem:v44+s25+$0x0], $0xffff  }
0x446: {  	v51 =	vmul.f32 v25, v12;
	v52 =	vmul.f32 v48, v13;
	v21 =	vmax.f32 v21, $9.999999970e-07;
	v49 =	vld.idx.msk [tilespmem:v44+s26+$0x0], $0xffff  }
0x447: {  	v28 =	vld.idx.msk [tilespmem:v10+s28+$0x0], $0xffff;
	v9 =	vmul.f32 v43, v42;
	v24 =	vand.u32 $0x80000000, v14;
	v21 =	vand.u32 $0x7FFFFFFF, v21  }
0x448: {  	v17 =	vmul.f32 v45, v19;
	vm0 =	veq.f32 v14, $0.0e+00;
	v21 =	vor.u32 v24, v21  }
0x449: {  	v23 =	vld.idx.msk [tilespmem:v11+s20+$0x0], $0xffff;
	v22 =	vmul.f32 v22, v12;
	v21 =	vsel vm0, $0x0, v21  }
0x44a: {  	v12 =	vadd.f32 v52, v51;
	v55 =	vadd.f32 v17, v9;
	(erf) = vrcp.f32 v21;
	v53 =	vld.idx.msk [tilespmem:v44+s28+$0x0], $0xffff  }
0x44b: {  	v54 =	vmul.f32 v26, v46;
	v21 =	vmul.f32 v49, v47  }
0x44c: {  	v27 =	vld.idx.msk [tilespmem:v11+s21+$0x0], $0xffff;
	v11 =	vadd.f32 v12, v50;
	v12 =	vadd.f32 v55, v28  }
0x44d: {  	v21 =	vadd.f32 v21, v54  }
0x44e: {  	v58 =	vld.idx.msk [tilespmem:v10+s6+$0x0], $0xffff;
	v59 =	vand.u32 $0x7FFFFFFF, v12  }
0x44f: {  	v60 =	vld.idx.msk [tilespmem:v10+s20+$0x0], $0xffff;
	v23 =	vmul.f32 v23, v13;
	v13 =	vmax.f32 v59, $9.999999970e-07;
	v21 =	vadd.f32 v21, v53  }
0x450: {  	v37 =	vld.idx.msk [tilespmem:v10+s23+$0x0], $0xffff;
	v62 =	vand.u32 $0x80000000, v12;
	v13 =	vand.u32 $0x7FFFFFFF, v13  }
0x451: {  	v61 =	vld.idx.msk [tilespmem:v10+s22+$0x0], $0xffff;
	vm14 =	veq.f32 v12, $0.0e+00;
	v13 =	vor.u32 v62, v13;
	v24 =	vand.u32 $0x7FFFFFFF, v21  }
0x452: {  	v39 =	vld.idx.msk [tilespmem:v10+s21+$0x0], $0xffff;
	v22 =	vadd.f32 v23, v22;
	v13 =	vsel vm14, $0x0, v13;
	v24 =	vmax.f32 v24, $9.999999970e-07  }
0x453: {  	v63 =	vld.idx.msk [tilespmem:v44+s6+$0x0], $0xffff;
	(erf) = vrcp.f32 v13;
	v32 =	vand.u32 $0x80000000, v21;
	v24 =	vand.u32 $0x7FFFFFFF, v24  }
0x454: {  	v33 =	vld.idx.msk [tilespmem:v44+s20+$0x0], $0xffff;
	vm15 =	veq.f32 v21, $0.0e+00;
	v24 =	vor.u32 v32, v24  }
0x455: {  	v43 =	vmul.f32 v37, v19;
	v56 =	vadd.f32 v22, v27;
	v9 =	vpop (erf);
	v34 =	vld.idx.msk [tilespmem:v44+s22+$0x0], $0xffff;
	v35 =	vsel vm15, $0x0, v24  }
0x456: {  	v23 =	vmul.f32 v60, v19;
	v36 =	vld.idx.msk [tilespmem:v44+s23+$0x0], $0xffff;
	v57 =	vpop (erf);
	(erf) = vrcp.f32 v35  }
0x457: {  	v41 =	vld.idx.msk [tilespmem:v10+s24+$0x0], $0xffff;
	v22 =	vmul.f32 v58, v42;
	v17 =	vmul.f32 v57, v56  }
0x458: {  	v42 =	vmul.f32 v61, v42;
	v38 =	vld.idx.msk [tilespmem:v44+s21+$0x0], $0xffff;
	v11 =	vmul.f32 v57, v11  }
0x459: {  	v22 =	vadd.f32 v23, v22;
	v16 =	vld.idx.msk [tilespmem:v44+s24+$0x0], $0xffff;
	v27 =	vmul.f32 v63, v46;
	[tilespmem:s7+$0xFFFFFFD0] =	vst v17  }
0x45a: {  	v28 =	vmul.f32 v33, v47;
	v15 =	vmul.f32 v34, v46;
	v46 =	vadd.f32 v43, v42;
	[tilespmem:s7+$0x50] =	vst v11  }
0x45b: {  	v11 =	vmul.f32 v36, v47;
	v17 =	vadd.f32 v22, v39;
	v13 =	vld [tilespmem:s15+$0x16860]  }
0x45c: {  	v40 =	vadd.f32 v28, v27;
	v10 =	vadd.f32 v46, v41;
	v44 =	vpop (erf)  }
0x45d: {  	v11 =	vadd.f32 v11, v15;
	v51 =	vmul.f32 v44, v17  }
0x45e: {  	v20 =	vadd.f32 v40, v38;
	[tilespmem:s15+$0x1B850] =	vst v14;
	v10 =	vmul.f32 v44, v10  }
0x45f: {  	v48 =	vld [tilespmem:s0+$0xFFFFFFE0];
	v11 =	vadd.f32 v11, v16;
	[tilespmem:s1+$0xFFFFFF90] =	vst v51;
	v45 =	vpop (erf)  }
0x460: {  	v52 =	vld [tilespmem:s0+$0x60];
	[tilespmem:s1+$0x10] =	vst v10;
	v47 =	vmul.f32 v45, v20  }
0x461: {  	v10 =	vld [tilespmem:s30+$0x16820];
	[tilespmem:s30+$0x1B810] =	vst v12;
	v11 =	vmul.f32 v45, v11  }
0x462: {  	v33 =	vld [tilespmem:s2+$0xFFFFFFA0];
	[tilespmem:s18+$0xFFFFFFB0] =	vst v47  }
0x463: {  	v49 =	vld.idx.msk [tilespmem:v13+s25+$0x0], $0xffff;
	[tilespmem:s18+$0x30] =	vst v11  }
0x464: {  	v11 =	vld [tilespmem:s17+$0x16840]  }
0x465: {  	v50 =	vld.idx.msk [tilespmem:v13+s26+$0x0], $0xffff  }
0x466: {  	v34 =	vld [tilespmem:s2+$0x20]  }
0x467: {  	v53 =	vld.idx.msk [tilespmem:v13+s28+$0x0], $0xffff  }
0x468: {  	v56 =	vld.idx.msk [tilespmem:v13+s6+$0x0], $0xffff  }
0x469: {  	v57 =	vld.idx.msk [tilespmem:v13+s20+$0x0], $0xffff;
	[tilespmem:s17+$0x1B830] =	vst v21  }
0x46a: {  	v16 =	vmul.f32 v49, v48;
	v14 =	vmul.f32 v50, v52;
	v54 =	vld [tilespmem:s29+$0xFFFFFFC0]  }
0x46b: {  	v55 =	vld [tilespmem:s29+$0x40]  }
0x46c: {  	v14 =	vadd.f32 v14, v16;
	v58 =	vld.idx.msk [tilespmem:v11+s25+$0x0], $0xffff  }
0x46d: {  	v59 =	vld.idx.msk [tilespmem:v11+s26+$0x0], $0xffff  }
0x46e: {  	v60 =	vld.idx.msk [tilespmem:v13+s22+$0x0], $0xffff;
	v14 =	vadd.f32 v14, v53  }
0x46f: {  	v35 =	vld.idx.msk [tilespmem:v10+s25+$0x0], $0xffff  }
0x470: {  	v36 =	vld.idx.msk [tilespmem:v10+s26+$0x0], $0xffff;
	v62 =	vand.u32 $0x7FFFFFFF, v14  }
0x471: {  	v32 =	vand.u32 $0x80000000, v14;
	v31 =	vmax.f32 v62, $9.999999970e-07;
	v63 =	vld.idx.msk [tilespmem:v11+s28+$0x0], $0xffff  }
0x472: {  	v61 =	vld.idx.msk [tilespmem:v13+s23+$0x0], $0xffff;
	v12 =	vand.u32 $0x7FFFFFFF, v31;
	v16 =	vmul.f32 v58, v54;
	v23 =	vmul.f32 v59, v55  }
0x473: {  	vm4 =	veq.f32 v14, $0.0e+00;
	v12 =	vor.u32 v32, v12  }
0x474: {  	v37 =	vld.idx.msk [tilespmem:v13+s21+$0x0], $0xffff;
	v22 =	vmul.f32 v57, v52;
	v12 =	vsel vm4, $0x0, v12;
	v16 =	vadd.f32 v23, v16  }
0x475: {  	v15 =	vmul.f32 v60, v48;
	v38 =	vld.idx.msk [tilespmem:v10+s28+$0x0], $0xffff;
	(erf) = vrcp.f32 v12  }
0x476: {  	v13 =	vld.idx.msk [tilespmem:v13+s24+$0x0], $0xffff;
	v25 =	vmul.f32 v35, v33;
	v23 =	vmul.f32 v36, v34;
	v16 =	vadd.f32 v16, v63  }
0x477: {  	v17 =	vmul.f32 v61, v52;
	v21 =	vmul.f32 v56, v48  }
0x478: {  	v30 =	vld.idx.msk [tilespmem:v11+s22+$0x0], $0xffff;
	v23 =	vadd.f32 v23, v25;
	v39 =	vand.u32 $0x7FFFFFFF, v16  }
0x479: {  	v15 =	vadd.f32 v17, v15;
	v21 =	vadd.f32 v22, v21;
	v42 =	vld.idx.msk [tilespmem:v11+s23+$0x0], $0xffff;
	v24 =	vmax.f32 v39, $9.999999970e-07  }
0x47a: {  	v49 =	vld.idx.msk [tilespmem:v10+s20+$0x0], $0xffff;
	v29 =	vand.u32 $0x80000000, v16;
	v18 =	vadd.f32 v23, v38;
	v24 =	vand.u32 $0x7FFFFFFF, v24  }
0x47b: {  	v13 =	vadd.f32 v15, v13;
	v40 =	vld.idx.msk [tilespmem:v11+s6+$0x0], $0xffff;
	vm5 =	veq.f32 v16, $0.0e+00;
	v24 =	vor.u32 v29, v24  }
0x47c: {  	v41 =	vld.idx.msk [tilespmem:v11+s20+$0x0], $0xffff;
	v12 =	vadd.f32 v21, v37;
	v46 =	vand.u32 $0x7FFFFFFF, v18;
	v24 =	vsel vm5, $0x0, v24  }
0x47d: {  	v44 =	vld.idx.msk [tilespmem:v11+s21+$0x0], $0xffff;
	v19 =	vmul.f32 v30, v54;
	(erf) = vrcp.f32 v24;
	v24 =	vmax.f32 v46, $9.999999970e-07  }
0x47e: {  	v11 =	vld.idx.msk [tilespmem:v11+s24+$0x0], $0xffff;
	v17 =	vmul.f32 v42, v55;
	v43 =	vpop (erf);
	v48 =	vand.u32 $0x80000000, v18;
	v24 =	vand.u32 $0x7FFFFFFF, v24  }
0x47f: {  	v50 =	vld.idx.msk [tilespmem:v10+s22+$0x0], $0xffff;
	v12 =	vmul.f32 v43, v12;
	vm6 =	veq.f32 v18, $0.0e+00;
	v24 =	vor.u32 v48, v24  }
0x480: {  	v47 =	vld.idx.msk [tilespmem:v10+s6+$0x0], $0xffff;
	v13 =	vmul.f32 v43, v13;
	v51 =	vsel vm6, $0x0, v24  }
0x481: {  	v52 =	vld.idx.msk [tilespmem:v10+s23+$0x0], $0xffff;
	v17 =	vadd.f32 v17, v19;
	[tilespmem:s7+$0xFFFFFFE0] =	vst v12;
	(erf) = vrcp.f32 v51  }
0x482: {  	v45 =	vmul.f32 v40, v54;
	v22 =	vmul.f32 v41, v55;
	[tilespmem:s7+$0x60] =	vst v13  }
0x483: {  	v17 =	vadd.f32 v17, v11;
	v11 =	vld [tilespmem:s15+$0x16870]  }
0x484: {  	v55 =	vld.idx.msk [tilespmem:v10+s21+$0x0], $0xffff;
	v22 =	vadd.f32 v22, v45  }
0x485: {  	v15 =	vmul.f32 v49, v34;
	v20 =	vmul.f32 v47, v33;
	v10 =	vld.idx.msk [tilespmem:v10+s24+$0x0], $0xffff  }
0x486: {  	v56 =	vmul.f32 v50, v33;
	v53 =	vadd.f32 v22, v44;
	v12 =	vmul.f32 v52, v34  }
0x487: {  	v15 =	vadd.f32 v15, v20;
	v54 =	vpop (erf)  }
0x488: {  	v58 =	vadd.f32 v12, v56;
	v13 =	vmul.f32 v54, v53  }
0x489: {  	v15 =	vadd.f32 v15, v55;
	[tilespmem:s15+$0x1B860] =	vst v14;
	v17 =	vmul.f32 v54, v17  }
0x48a: {  	v12 =	vld [tilespmem:s0+$0xFFFFFFF0];
	v10 =	vadd.f32 v58, v10;
	[tilespmem:s18+$0xFFFFFFC0] =	vst v13;
	v59 =	vpop (erf)  }
0x48b: {  	v60 =	vld.idx.msk [tilespmem:v11+s25+$0x0], $0xffff;
	[tilespmem:s18+$0x40] =	vst v17;
	v15 =	vmul.f32 v59, v15  }
0x48c: {  	v57 =	vld [tilespmem:s17+$0x16850];
	v10 =	vmul.f32 v59, v10  }
0x48d: {  	v61 =	vld.idx.msk [tilespmem:v11+s26+$0x0], $0xffff;
	[tilespmem:s1+$0xFFFFFFA0] =	vst v15  }
0x48e: {  	v31 =	vld.idx.msk [tilespmem:v11+s28+$0x0], $0xffff;
	[tilespmem:s1+$0x20] =	vst v10  }
0x48f: {  	v63 =	vld [tilespmem:s30+$0x16830]  }
0x490: {  	v13 =	vld [tilespmem:s0+$0x70];
	[tilespmem:s17+$0x1B840] =	vst v16  }
0x491: {  	v16 =	vld [tilespmem:s29+$0xFFFFFFD0]  }
0x492: {  	v62 =	vld [tilespmem:s29+$0x50];
	[tilespmem:s30+$0x1B820] =	vst v18  }
0x493: {  	v34 =	vld [tilespmem:s2+$0xFFFFFFB0]  }
0x494: {  	v29 =	vld.idx.msk [tilespmem:v57+s25+$0x0], $0xffff  }
0x495: {  	v30 =	vld.idx.msk [tilespmem:v57+s26+$0x0], $0xffff  }
0x496: {  	v36 =	vld [tilespmem:s2+$0x30]  }
0x497: {  	v37 =	vld.idx.msk [tilespmem:v63+s25+$0x0], $0xffff  }
0x498: {  	v19 =	vmul.f32 v60, v12;
	v20 =	vmul.f32 v61, v13;
	v38 =	vld.idx.msk [tilespmem:v63+s26+$0x0], $0xffff  }
0x499: {  	v32 =	vld.idx.msk [tilespmem:v57+s28+$0x0], $0xffff  }
0x49a: {  	v33 =	vadd.f32 v20, v19;
	v35 =	vmul.f32 v29, v16;
	v21 =	vmul.f32 v30, v62;
	_ =	sdelay $0x1  }
0x49b: {  	v10 =	vadd.f32 v33, v31;
	v41 =	vld.idx.msk [tilespmem:v63+s28+$0x0], $0xffff;
	v20 =	vadd.f32 v21, v35  }
0x49c: {  	v18 =	vmul.f32 v37, v34;
	v21 =	vmul.f32 v38, v36  }
0x49d: {  	v22 =	vand.u32 $0x7FFFFFFF, v10;
	v20 =	vadd.f32 v20, v32  }
0x49e: {  	v42 =	vld.idx.msk [tilespmem:v57+s6+$0x0], $0xffff;
	v39 =	vand.u32 $0x80000000, v10;
	v22 =	vmax.f32 v22, $9.999999970e-07;
	v18 =	vadd.f32 v21, v18  }
0x49f: {  	v43 =	vld.idx.msk [tilespmem:v57+s20+$0x0], $0xffff;
	vm7 =	veq.f32 v10, $0.0e+00;
	v22 =	vand.u32 $0x7FFFFFFF, v22;
	v40 =	vand.u32 $0x7FFFFFFF, v20  }
0x4a0: {  	v45 =	vld.idx.msk [tilespmem:v57+s22+$0x0], $0xffff;
	v22 =	vor.u32 v39, v22;
	v23 =	vmax.f32 v40, $9.999999970e-07;
	v18 =	vadd.f32 v18, v41  }
0x4a1: {  	v46 =	vld.idx.msk [tilespmem:v57+s23+$0x0], $0xffff;
	v22 =	vsel vm7, $0x0, v22;
	v44 =	vand.u32 $0x80000000, v20;
	v23 =	vand.u32 $0x7FFFFFFF, v23  }
0x4a2: {  	v48 =	vld.idx.msk [tilespmem:v57+s21+$0x0], $0xffff;
	vm8 =	veq.f32 v20, $0.0e+00;
	v23 =	vor.u32 v44, v23;
	v25 =	vand.u32 $0x7FFFFFFF, v18  }
0x4a3: {  	v50 =	vld.idx.msk [tilespmem:v57+s24+$0x0], $0xffff;
	(erf) = vrcp.f32 v22;
	v47 =	vsel vm8, $0x0, v23;
	v25 =	vmax.f32 v25, $9.999999970e-07  }
0x4a4: {  	v52 =	vld.idx.msk [tilespmem:v63+s6+$0x0], $0xffff;
	v53 =	vand.u32 $0x80000000, v18;
	(erf) = vrcp.f32 v47;
	v25 =	vand.u32 $0x7FFFFFFF, v25  }
0x4a5: {  	v54 =	vld.idx.msk [tilespmem:v63+s20+$0x0], $0xffff;
	vm9 =	veq.f32 v18, $0.0e+00;
	v25 =	vor.u32 v53, v25  }
0x4a6: {  	v55 =	vld.idx.msk [tilespmem:v63+s22+$0x0], $0xffff;
	v56 =	vsel vm9, $0x0, v25  }
0x4a7: {  	v57 =	vld.idx.msk [tilespmem:v63+s23+$0x0], $0xffff;
	v49 =	vmul.f32 v42, v16;
	(erf) = vrcp.f32 v56  }
0x4a8: {  	v16 =	vmul.f32 v45, v16;
	v15 =	vmul.f32 v46, v62  }
0x4a9: {  	v51 =	vmul.f32 v43, v62  }
0x4aa: {  	v59 =	vld.idx.msk [tilespmem:v63+s21+$0x0], $0xffff;
	v15 =	vadd.f32 v15, v16  }
0x4ab: {  	v17 =	vld.idx.msk [tilespmem:v63+s24+$0x0], $0xffff;
	v60 =	vmul.f32 v54, v36;
	v21 =	vmul.f32 v52, v34;
	v23 =	vadd.f32 v51, v49  }
0x4ac: {  	v15 =	vadd.f32 v15, v50;
	v16 =	vmul.f32 v55, v34;
	v61 =	vmul.f32 v57, v36;
	v14 =	vpop (erf)  }
0x4ad: {  	v21 =	vadd.f32 v60, v21;
	v22 =	vadd.f32 v23, v48;
	v58 =	vpop (erf)  }
0x4ae: {  	v62 =	vadd.f32 v61, v16;
	v15 =	vmul.f32 v58, v15  }
0x4af: {  	v31 =	vadd.f32 v21, v59;
	v22 =	vmul.f32 v58, v22  }
0x4b0: {  	[tilespmem:s18+$0x50] =	vst v15;
	v15 =	vadd.f32 v62, v17;
	v32 =	vpop (erf)  }
0x4b1: {  	[tilespmem:s18+$0xFFFFFFD0] =	vst v22;
	v19 =	vmul.f32 v32, v31  }
0x4b2: {  	v63 =	vld [tilespmem:s17+$0x16860];
	v15 =	vmul.f32 v32, v15  }
0x4b3: {  	[tilespmem:s1+$0xFFFFFFB0] =	vst v19  }
0x4b4: {  	[tilespmem:s1+$0x30] =	vst v15  }
0x4b5: {  	v15 =	vld [tilespmem:s30+$0x16840]  }
0x4b6: {  	[tilespmem:s17+$0x1B850] =	vst v20  }
0x4b7: {  	v33 =	vld [tilespmem:s29+$0xFFFFFFE0]  }
0x4b8: {  	v35 =	vld [tilespmem:s29+$0x60];
	[tilespmem:s30+$0x1B830] =	vst v18  }
0x4b9: {  	v18 =	vld [tilespmem:s2+$0xFFFFFFC0]  }
0x4ba: {  	v34 =	vld.idx.msk [tilespmem:v63+s25+$0x0], $0xffff  }
0x4bb: {  	v20 =	vld.idx.msk [tilespmem:v63+s26+$0x0], $0xffff  }
0x4bc: {  	v36 =	vld [tilespmem:s2+$0x40]  }
0x4bd: {  	v37 =	vld.idx.msk [tilespmem:v15+s25+$0x0], $0xffff  }
0x4be: {  	v38 =	vld.idx.msk [tilespmem:v15+s26+$0x0], $0xffff  }
0x4bf: {  	v22 =	vld.idx.msk [tilespmem:v63+s28+$0x0], $0xffff  }
0x4c0: {  	v19 =	vmul.f32 v34, v33;
	v20 =	vmul.f32 v20, v35;
	_ =	sdelay $0x1  }
0x4c1: {  	v39 =	vld.idx.msk [tilespmem:v15+s28+$0x0], $0xffff;
	v19 =	vadd.f32 v20, v19  }
0x4c2: {  	v40 =	vmul.f32 v37, v18;
	v41 =	vmul.f32 v38, v36  }
0x4c3: {  	v19 =	vadd.f32 v19, v22  }
0x4c4: {  	v22 =	vadd.f32 v41, v40  }
0x4c5: {  	v42 =	vand.u32 $0x7FFFFFFF, v19  }
0x4c6: {  	v43 =	vld.idx.msk [tilespmem:v63+s6+$0x0], $0xffff;
	v44 =	vmax.f32 v42, $9.999999970e-07;
	v20 =	vadd.f32 v22, v39  }
0x4c7: {  	v45 =	vld.idx.msk [tilespmem:v63+s20+$0x0], $0xffff;
	v46 =	vand.u32 $0x80000000, v19;
	v24 =	vand.u32 $0x7FFFFFFF, v44  }
0x4c8: {  	v47 =	vld.idx.msk [tilespmem:v63+s22+$0x0], $0xffff;
	vm10 =	veq.f32 v19, $0.0e+00;
	v48 =	vor.u32 v46, v24;
	v51 =	vand.u32 $0x7FFFFFFF, v20  }
0x4c9: {  	v49 =	vld.idx.msk [tilespmem:v63+s23+$0x0], $0xffff;
	v22 =	vsel vm10, $0x0, v48;
	v52 =	vmax.f32 v51, $9.999999970e-07  }
0x4ca: {  	v53 =	vld.idx.msk [tilespmem:v15+s6+$0x0], $0xffff;
	v54 =	vand.u32 $0x80000000, v20;
	(erf) = vrcp.f32 v22;
	v22 =	vand.u32 $0x7FFFFFFF, v52  }
0x4cb: {  	v31 =	vld.idx.msk [tilespmem:v15+s20+$0x0], $0xffff;
	vm11 =	veq.f32 v20, $0.0e+00;
	v22 =	vor.u32 v54, v22  }
0x4cc: {  	v55 =	vld.idx.msk [tilespmem:v15+s22+$0x0], $0xffff;
	v22 =	vsel vm11, $0x0, v22  }
0x4cd: {  	v56 =	vld.idx.msk [tilespmem:v15+s23+$0x0], $0xffff;
	(erf) = vrcp.f32 v22  }
0x4ce: {  	v50 =	vld.idx.msk [tilespmem:v63+s21+$0x0], $0xffff  }
0x4cf: {  	v16 =	vld.idx.msk [tilespmem:v63+s24+$0x0], $0xffff;
	v26 =	vmul.f32 v43, v33;
	v25 =	vmul.f32 v45, v35  }
0x4d0: {  	v58 =	vld.idx.msk [tilespmem:v15+s21+$0x0], $0xffff;
	v17 =	vmul.f32 v47, v33;
	v21 =	vmul.f32 v49, v35  }
0x4d1: {  	v15 =	vld.idx.msk [tilespmem:v15+s24+$0x0], $0xffff;
	v57 =	vadd.f32 v25, v26;
	v59 =	vmul.f32 v53, v18;
	v60 =	vmul.f32 v31, v36  }
0x4d2: {  	v17 =	vadd.f32 v21, v17;
	v18 =	vmul.f32 v55, v18;
	v22 =	vmul.f32 v56, v36  }
0x4d3: {  	v63 =	vadd.f32 v60, v59;
	v24 =	vadd.f32 v57, v50  }
0x4d4: {  	v16 =	vadd.f32 v17, v16;
	v27 =	vadd.f32 v22, v18;
	v61 =	vpop (erf)  }
0x4d5: {  	v28 =	vadd.f32 v63, v58;
	v62 =	vmul.f32 v61, v24  }
0x4d6: {  	v15 =	vadd.f32 v27, v15;
	v16 =	vmul.f32 v61, v16;
	v29 =	vpop (erf)  }
0x4d7: {  	[tilespmem:s18+$0xFFFFFFE0] =	vst v62;
	v18 =	vmul.f32 v29, v28  }
0x4d8: {  	[tilespmem:s18+$0x60] =	vst v16;
	v15 =	vmul.f32 v29, v15  }
0x4d9: {  	v16 =	vld [tilespmem:s17+$0x16870];
	[tilespmem:s1+$0xFFFFFFC0] =	vst v18  }
0x4da: {  	[tilespmem:s1+$0x40] =	vst v15  }
0x4db: {  	v30 =	vld [tilespmem:s30+$0x16850]  }
0x4dc: {  	[tilespmem:s17+$0x1B860] =	vst v19  }
0x4dd: {  	v17 =	vld [tilespmem:s29+$0xFFFFFFF0]  }
0x4de: {  	v18 =	vld [tilespmem:s29+$0x70];
	[tilespmem:s30+$0x1B840] =	vst v20  }
0x4df: {  	v20 =	vld [tilespmem:s2+$0xFFFFFFD0]  }
0x4e0: {  	v32 =	vld [tilespmem:s2+$0x50]  }
0x4e1: {  	v31 =	vld.idx.msk [tilespmem:v16+s25+$0x0], $0xffff  }
0x4e2: {  	v19 =	vld.idx.msk [tilespmem:v16+s26+$0x0], $0xffff  }
0x4e3: {  	v33 =	vld.idx.msk [tilespmem:v30+s25+$0x0], $0xffff  }
0x4e4: {  	v34 =	vld.idx.msk [tilespmem:v30+s26+$0x0], $0xffff;
	_ =	sdelay $0x2  }
0x4e5: {  	v35 =	vld.idx.msk [tilespmem:v16+s28+$0x0], $0xffff  }
0x4e6: {  	v36 =	vld.idx.msk [tilespmem:v30+s28+$0x0], $0xffff;
	v15 =	vmul.f32 v31, v17;
	v19 =	vmul.f32 v19, v18  }
0x4e7: {  	v23 =	vmul.f32 v33, v20;
	v24 =	vmul.f32 v34, v32  }
0x4e8: {  	v15 =	vadd.f32 v19, v15  }
0x4e9: {  	v37 =	vadd.f32 v24, v23  }
0x4ea: {  	v15 =	vadd.f32 v15, v35  }
0x4eb: {  	v19 =	vadd.f32 v37, v36  }
0x4ec: {  	v38 =	vand.u32 $0x7FFFFFFF, v15  }
0x4ed: {  	v39 =	vand.u32 $0x80000000, v15;
	v23 =	vmax.f32 v38, $9.999999970e-07;
	v40 =	vand.u32 $0x7FFFFFFF, v19  }
0x4ee: {  	vm12 =	veq.f32 v15, $0.0e+00;
	v23 =	vand.u32 $0x7FFFFFFF, v23;
	v25 =	vmax.f32 v40, $9.999999970e-07  }
0x4ef: {  	v41 =	vld.idx.msk [tilespmem:v30+s6+$0x0], $0xffff;
	v23 =	vor.u32 v39, v23;
	v26 =	vand.u32 $0x80000000, v19;
	v25 =	vand.u32 $0x7FFFFFFF, v25  }
0x4f0: {  	v42 =	vld.idx.msk [tilespmem:v30+s20+$0x0], $0xffff;
	v23 =	vsel vm12, $0x0, v23;
	vm13 =	veq.f32 v19, $0.0e+00;
	v25 =	vor.u32 v26, v25  }
0x4f1: {  	v44 =	vld.idx.msk [tilespmem:v30+s23+$0x0], $0xffff;
	(erf) = vrcp.f32 v23;
	v25 =	vsel vm13, $0x0, v25  }
0x4f2: {  	v43 =	vld.idx.msk [tilespmem:v30+s22+$0x0], $0xffff;
	(erf) = vrcp.f32 v25;
	_ =	sdelay $0x2  }
0x4f3: {  	v45 =	vld.idx.msk [tilespmem:v30+s21+$0x0], $0xffff;
	v27 =	vmul.f32 v42, v32  }
0x4f4: {  	v21 =	vld.idx.msk [tilespmem:v30+s24+$0x0], $0xffff;
	v22 =	vmul.f32 v44, v32;
	v24 =	vmul.f32 v41, v20  }
0x4f5: {  	v20 =	vmul.f32 v43, v20  }
0x4f6: {  	v46 =	vadd.f32 v27, v24  }
0x4f7: {  	v20 =	vadd.f32 v22, v20  }
0x4f8: {  	v23 =	vadd.f32 v46, v45;
	v22 =	vpop (erf)  }
0x4f9: {  	v20 =	vadd.f32 v20, v21;
	v47 =	vpop (erf)  }
0x4fa: {  	v23 =	vmul.f32 v47, v23  }
0x4fb: {  	v20 =	vmul.f32 v47, v20  }
0x4fc: {  	[tilespmem:s1+$0xFFFFFFD0] =	vst v23  }
0x4fd: {  	[tilespmem:s1+$0x50] =	vst v20  }
0x4fe: {  	v20 =	vld [tilespmem:s30+$0x16860];
	_ =	sdelay $0x4  }
0x4ff: {  	[tilespmem:s30+$0x1B850] =	vst v19  }
0x500: {  	v19 =	vld [tilespmem:s2+$0xFFFFFFE0]  }
0x501: {  	v49 =	vld [tilespmem:s2+$0x60]  }
0x502: {  	v48 =	vld.idx.msk [tilespmem:v20+s25+$0x0], $0xffff  }
0x503: {  	v23 =	vld.idx.msk [tilespmem:v20+s26+$0x0], $0xffff;
	_ =	sdelay $0x3  }
0x504: {  	v50 =	vld.idx.msk [tilespmem:v20+s28+$0x0], $0xffff  }
0x505: {  	v21 =	vmul.f32 v48, v19;
	v23 =	vmul.f32 v23, v49;
	_ =	sdelay $0x1  }
0x506: {  	v21 =	vadd.f32 v23, v21;
	_ =	sdelay $0x1  }
0x507: {  	v21 =	vadd.f32 v21, v50;
	_ =	sdelay $0x1  }
0x508: {  	v51 =	vand.u32 $0x7FFFFFFF, v21  }
0x509: {  	v23 =	vmax.f32 v51, $9.999999970e-07  }
0x50a: {  	v52 =	vld.idx.msk [tilespmem:v20+s6+$0x0], $0xffff;
	v53 =	vand.u32 $0x80000000, v21;
	v23 =	vand.u32 $0x7FFFFFFF, v23  }
0x50b: {  	v54 =	vld.idx.msk [tilespmem:v20+s20+$0x0], $0xffff;
	vm14 =	veq.f32 v21, $0.0e+00;
	v23 =	vor.u32 v53, v23  }
0x50c: {  	v55 =	vld.idx.msk [tilespmem:v20+s22+$0x0], $0xffff;
	v23 =	vsel vm14, $0x0, v23  }
0x50d: {  	v56 =	vld.idx.msk [tilespmem:v20+s23+$0x0], $0xffff;
	(erf) = vrcp.f32 v23;
	_ =	sdelay $0x2  }
0x50e: {  	v57 =	vld.idx.msk [tilespmem:v20+s21+$0x0], $0xffff  }
0x50f: {  	v20 =	vld.idx.msk [tilespmem:v20+s24+$0x0], $0xffff;
	v25 =	vmul.f32 v52, v19;
	v27 =	vmul.f32 v54, v49  }
0x510: {  	v19 =	vmul.f32 v55, v19;
	v24 =	vmul.f32 v56, v49  }
0x511: {  	v25 =	vadd.f32 v27, v25  }
0x512: {  	v19 =	vadd.f32 v24, v19  }
0x513: {  	v23 =	vadd.f32 v25, v57  }
0x514: {  	v19 =	vadd.f32 v19, v20;
	v58 =	vpop (erf)  }
0x515: {  	v23 =	vmul.f32 v58, v23  }
0x516: {  	v19 =	vmul.f32 v58, v19  }
0x517: {  	[tilespmem:s1+$0xFFFFFFE0] =	vst v23  }
0x518: {  	[tilespmem:s1+$0x60] =	vst v19  }
0x519: {  	v19 =	vld [tilespmem:s30+$0x16870];
	_ =	sdelay $0x4  }
0x51a: {  	[tilespmem:s30+$0x1B860] =	vst v21  }
0x51b: {  	v59 =	vld [tilespmem:s2+$0xFFFFFFF0]  }
0x51c: {  	v21 =	vld [tilespmem:s2+$0x70]  }
0x51d: {  	v23 =	vld.idx.msk [tilespmem:v19+s25+$0x0], $0xffff  }
0x51e: {  	v60 =	vld.idx.msk [tilespmem:v19+s26+$0x0], $0xffff  }
0x51f: {  	v63 =	vld.idx.msk [tilespmem:v11+s22+$0x0], $0xffff  }
0x520: {  	v61 =	vld.idx.msk [tilespmem:v11+s6+$0x0], $0xffff  }
0x521: {  	v62 =	vld.idx.msk [tilespmem:v11+s20+$0x0], $0xffff  }
0x522: {  	v32 =	vld.idx.msk [tilespmem:v19+s28+$0x0], $0xffff  }
0x523: {  	v33 =	vld.idx.msk [tilespmem:v11+s23+$0x0], $0xffff;
	v23 =	vmul.f32 v23, v59;
	v24 =	vmul.f32 v60, v21  }
0x524: {  	v1 =	vmul.f32 v3, v1;
	v2 =	vmul.f32 v6, v2;
	v34 =	vld.idx.msk [tilespmem:v11+s21+$0x0], $0xffff  }
0x525: {  	v7 =	vadd.f32 v8, v7;
	v11 =	vld.idx.msk [tilespmem:v11+s24+$0x0], $0xffff;
	v35 =	vadd.f32 v24, v23  }
0x526: {  	v1 =	vadd.f32 v2, v1;
	v41 =	vld.idx.msk [tilespmem:v16+s23+$0x0], $0xffff  }
0x527: {  	v5 =	vadd.f32 v7, v5;
	v38 =	vld.idx.msk [tilespmem:v16+s22+$0x0], $0xffff;
	v6 =	vadd.f32 v35, v32  }
0x528: {  	v1 =	vadd.f32 v1, v4;
	v36 =	vld.idx.msk [tilespmem:v16+s6+$0x0], $0xffff  }
0x529: {  	v5 =	vmul.f32 v9, v5;
	v37 =	vld.idx.msk [tilespmem:v16+s20+$0x0], $0xffff;
	v39 =	vmul.f32 v61, v12;
	v42 =	vand.u32 $0x7FFFFFFF, v6  }
0x52a: {  	v12 =	vmul.f32 v63, v12;
	v40 =	vmul.f32 v62, v13;
	v51 =	vld.idx.msk [tilespmem:v16+s24+$0x0], $0xffff;
	v25 =	vmax.f32 v42, $9.999999970e-07  }
0x52b: {  	v13 =	vmul.f32 v33, v13;
	v44 =	vld.idx.msk [tilespmem:v19+s6+$0x0], $0xffff;
	v45 =	vand.u32 $0x80000000, v6;
	v25 =	vand.u32 $0x7FFFFFFF, v25  }
0x52c: {  	v7 =	vadd.f32 v40, v39;
	v46 =	vld.idx.msk [tilespmem:v19+s20+$0x0], $0xffff;
	vm15 =	veq.f32 v6, $0.0e+00;
	v25 =	vor.u32 v45, v25  }
0x52d: {  	v12 =	vadd.f32 v13, v12;
	v48 =	vld.idx.msk [tilespmem:v19+s22+$0x0], $0xffff;
	v47 =	vsel vm15, $0x0, v25  }
0x52e: {  	v1 =	vmul.f32 v9, v1;
	[tilespmem:s14+$0xFFFFFFF0] =	vst v5;
	v3 =	vadd.f32 v7, v34;
	v49 =	vld.idx.msk [tilespmem:v19+s23+$0x0], $0xffff;
	(erf) = vrcp.f32 v47  }
0x52f: {  	v43 =	vld.idx.msk [tilespmem:v16+s21+$0x0], $0xffff;
	v52 =	vmul.f32 v38, v17;
	v50 =	vadd.f32 v12, v11;
	v53 =	vmul.f32 v41, v18  }
0x530: {  	[tilespmem:s14+$0x70] =	vst v1;
	v2 =	vmul.f32 v36, v17;
	v8 =	vmul.f32 v37, v18  }
0x531: {  	v3 =	vmul.f32 v14, v3;
	v7 =	vmul.f32 v14, v50;
	v1 =	vadd.f32 v53, v52;
	v54 =	vld.idx.msk [tilespmem:v19+s21+$0x0], $0xffff  }
0x532: {  	v2 =	vadd.f32 v8, v2;
	v55 =	vld.idx.msk [tilespmem:v19+s24+$0x0], $0xffff;
	v56 =	vmul.f32 v44, v59;
	v57 =	vmul.f32 v46, v21  }
0x533: {  	[tilespmem:s16+$0x1B870] =	vst v0;
	v1 =	vadd.f32 v1, v51;
	v59 =	vmul.f32 v48, v59;
	v5 =	vmul.f32 v49, v21  }
0x534: {  	[tilespmem:s7+$0xFFFFFFF0] =	vst v3;
	v58 =	vadd.f32 v2, v43;
	v60 =	vadd.f32 v57, v56  }
0x535: {  	[tilespmem:s7+$0x70] =	vst v7;
	v1 =	vmul.f32 v22, v1;
	v2 =	vadd.f32 v5, v59  }
0x536: {  	[tilespmem:s15+$0x1B870] =	vst v10;
	v0 =	vmul.f32 v22, v58;
	v3 =	vadd.f32 v60, v54  }
0x537: {  	[tilespmem:s18+$0x70] =	vst v1;
	v61 =	vadd.f32 v2, v55;
	v62 =	vpop (erf)  }
0x538: {  	[tilespmem:s18+$0xFFFFFFF0] =	vst v0;
	v63 =	vmul.f32 v62, v3  }
0x539: {  	s9 =	sadd.s32 $0x1, s9;
	[tilespmem:s17+$0x1B870] =	vst v15;
	v0 =	vmul.f32 v62, v61  }
0x53a: {  	p0 =	sne.s32 s9, $0x8;
	[tilespmem:s1+$0xFFFFFFF0] =	vst v63  }
.Ltmp2:
0x53b: {  	s17 =	rddreg [dreg:$0x3];
	[tilespmem:s1+$0x70] =	vst v0;
	(pc) =	sbr.rel @p0 .LBB2_2-.Ltmp2, $4  }
0x53c: {  	s29 =	rddreg [dreg:$0x4];
	s18 =	simm.s32 $0x1A000;
	s0 =	sadd.s32 s17, s13;
	[tilespmem:s30+$0x1B870] =	vst v6  }
0x53d: {  	[hbm4b:s0+s6] =	stream.linear.scatter [tilespmem:s18], [sflag:$0x4], $0x1000, $0x38;
	[tilespmem:$0x1C000] =	vst v63  }
0x53e: {  	s30 =	simm.s32 $0x1B800;
	s0 =	sadd.s32 s29, s10  }
0x53f: {  	[hbm4b:s0+s6] =	stream.linear.scatter [tilespmem:s30], [sflag:$0x4], $0x800, $0x38;
	[tilespmem:$0x1C000] =	vst v63  }
0x540: {  	s0 =	simm.s32 $0x3  }
0x541: {  	_ =	swait.ge [sflag:s0], $0x1000  }
0x542: {  	[sflag:s0] =	ssyncset.done $0x0  }
0x543: {  	[sflag:s0] =	ssyncadd.s32 $0xFFFFF000  }
0x544: {  	_ =	swait.ge [sflag:s0], $0x800  }
0x545: {  	[sflag:s0] =	ssyncset.done $0x0  }
0x546: {  	s1 =	simm.s32 $0x4;
	[sflag:s0] =	ssyncadd.s32 $0xFFFFF800  }
0x547: {  	_ =	swait.ge [sflag:s1], $0x1000  }
0x548: {  	[sflag:s1] =	ssyncset.done $0x0  }
0x549: {  	[sflag:s1] =	ssyncadd.s32 $0xFFFFF000  }
0x54a: {  	_ =	swait.ge [sflag:s1], $0x800  }
0x54b: {  	s2 =	rddreg [dreg:$0xd]  }
0x54c: {  	s30 =	rddreg [dreg:$0xc];
	s2 =	sadd.s32 $0x1, s2  }
0x54d: {  	p0 =	sne.s32 s2, s30  }
.Ltmp3:
0x54e: {  	_ = 	snop;
	(pc) =	sbr.rel @p0 .LBB2_1-.Ltmp3, $3  }
0x54f: {  	_ =	sdelay $0x1  }
0x550: {  	[sflag:s1] =	ssyncset.done $0x0  }
0x551: {  	[sflag:s1] =	ssyncadd.s32 $0xFFFFF800  }
0x552: {  	_ =	sfence.sel $0x180000  }
0x553: {  	[bflag:$0x0] =	sbarrier.arrive $0xFFFF  }
0x554: {  	_ =	strace $0x90000047  }
0x555: {  	s0 =	stileid.u32;
	[bflag:$0x2] =	sbarrier.arrive $0xFFFF  }
0x556: {  	p0 =	sne.s32 s0, $0x0;
	s0 =	rddreg [dreg:$0x5]  }
0x557: {  	s0 =	sadd.s32 @!p0 $0x100000, s0  }
0x558: {  	[sflag:s0] =	ssyncadd.tile.s32 @!p0 $0x1;
	_ =	shalt  }
.Lfunc_end2:
_tile_overlayer_lowered:
.L_overlay_start_2:
0x559: {  	(tag) =	ssettag $0x2  }
0x55a: {  	s0 =	rddreg [dreg:$0x0];
	s2 =	stileid.u32  }
0x55b: {  	s1 =	rddreg [dreg:$0x1];
	p0 =	sne.s32 s2, $0x0  }
0x55c: {  	s3 =	rddreg [dreg:$0x2];
	[bflag:$0x3] =	sbarrier.arrive $0xFFFF;
	s2 =	simm.s32 @!p0 $0x1C05  }
0x55d: {  	[timem:s3], [sflag:s2] =	dma.local @!p0 [hbm:s0], s1  }
0x55e: {  	s0 =	simm.s32 @!p0 $0x5  }
0x55f: {  	_ =	swait.ge @!p0 [sflag:s0], s1  }
0x560: {  	s1 =	ssub.s32 @!p0 $0x0, s1;
	[sflag:s0] =	ssyncset.done @!p0 $0x0  }
0x561: {  	[sflag:s0] =	ssyncadd.s32 @!p0 s1  }
0x562: {  	[bflag:$0x3] =	sbarrier.arrive $0xFFFF  }
0x563: {  	_ =	shalt  }

</sc_bundles>
